<compile_context>
chip_gen: v7x
topology: tpu7x:2x2x1
jax: 0.10.2.dev20260603
libtpu: 0.0.44.dev20260713+nightly
codegen_flags: <defaults>
</compile_context>

<pallas_src>
import functools

import jax
import jax.numpy as jnp
from jax import lax
from jax.experimental import pallas as pl
from jax.experimental.pallas import tpu as pltpu
from jax.experimental.pallas import tpu_sc as plsc

N = 10000
E = 320000
F = 128
HEADS = 8

NC = 2
NS = 16
BATCH = 128
E_PAD = 327680
PER_S = E_PAD // NS
NBS = PER_S // BATCH
NBUF = 5
NROUND = NBS // NBUF

@functools.cache
def _sc_mesh():
    return plsc.VectorSubcoreMesh(core_axis_name="c", subcore_axis_name="s")


def _sc_gather(xl, xr, src2, dst2):
    HALF = NBS // 2

    @functools.partial(
        pl.kernel, mesh=_sc_mesh(),
        out_type=[jax.ShapeDtypeStruct((E_PAD, F), jnp.float32),
                  jax.ShapeDtypeStruct((E_PAD, F), jnp.float32)],
        scratch_types=[pltpu.VMEM((HALF, BATCH), jnp.int32),
                       pltpu.VMEM((2 * BATCH, F), jnp.float32),
                       pltpu.VMEM_SHARED((N, F), jnp.float32)]
                      + [pltpu.SemaphoreType.DMA] * 4,
    )
    def k(xl_hbm, xr_hbm, src_hbm, dst_hbm, xlo_hbm, xro_hbm,
          idx2, rowbuf, table, *sems):
        c = lax.axis_index("c")
        s = lax.axis_index("s")
        gsem = sems[:2]
        osem = sems[2:]
        rows = 1000

        def run(tab_hbm, eidx_hbm, out_hbm):
            @pl.when(s < 10)
            def _():
                pltpu.sync_copy(tab_hbm.at[pl.ds(s * rows, rows)],
                                table.at[pl.ds(s * rows, rows)])
            plsc.subcore_barrier()

            def slab(j):
                return rowbuf.at[pl.ds(j * BATCH, BATCH)]

            def phase(ph):
                base = ph * HALF
                pltpu.sync_copy(
                    eidx_hbm.at[pl.ds(s * NBS + base, HALF)], idx2)

                def fire(b, j):
                    pltpu.async_copy(table.at[idx2.at[b]], slab(j), gsem[j])

                for j in range(2):
                    fire(j, j)

                def round_body(t, carry):
                    for j in range(2):
                        b = t * 2 + j
                        out = pl.ds(s * PER_S + (base + b) * BATCH, BATCH)
                        pltpu.make_async_copy(table.at[idx2.at[b]], slab(j),
                                              gsem[j]).wait()
                        pltpu.async_copy(slab(j), out_hbm.at[out], osem[j])
                    for j in range(2):
                        b = t * 2 + j
                        out = pl.ds(s * PER_S + (base + b) * BATCH, BATCH)
                        pltpu.make_async_copy(slab(j), out_hbm.at[out],
                                              osem[j]).wait()

                        @pl.when(b + 2 < HALF)
                        def _():
                            fire(b + 2, j)
                    return carry

                lax.fori_loop(0, HALF // 2, round_body, 0)

            phase(0)
            phase(1)

        @pl.when(c == 0)
        def _():
            run(xl_hbm, src_hbm, xlo_hbm)

        @pl.when(c == 1)
        def _():
            run(xr_hbm, dst_hbm, xro_hbm)

    return k(xl, xr, src2, dst2)


def _sc_scatter(ext_msg, ext_wb, dst2, zinit):
    SB = 3
    NR2 = NBS // SB

    @functools.partial(
        pl.kernel, mesh=_sc_mesh(),
        out_type=jax.ShapeDtypeStruct((2 * N, F), jnp.float32),
        scratch_types=[pltpu.VMEM((SB, BATCH), jnp.int32),
                       pltpu.VMEM((SB * BATCH, F), jnp.float32),
                       pltpu.VMEM_SHARED((N, F), jnp.float32)]
                      + [pltpu.SemaphoreType.DMA] * (3 * SB),
    )
    def k(msg_hbm, wb_hbm, dst_hbm, z_hbm, acc_hbm, idx2, rowbuf, shared,
          *sems):
        c = lax.axis_index("c")
        s = lax.axis_index("s")
        isem = sems[:SB]
        rsem = sems[SB:2 * SB]
        wsem = sems[2 * SB:]
        rows = 1000

        @pl.when(s < 10)
        def _():
            pltpu.sync_copy(z_hbm.at[pl.ds(s * rows, rows)],
                            shared.at[pl.ds(s * rows, rows)])
        plsc.subcore_barrier()

        def run(src_hbm):
            def slab(j):
                return rowbuf.at[pl.ds(j * BATCH, BATCH)]

            def fire_read(b, j):
                pltpu.async_copy(dst_hbm.at[s * NBS + b], idx2.at[j], isem[j])
                pltpu.async_copy(
                    src_hbm.at[pl.ds(s * PER_S + b * BATCH, BATCH)],
                    slab(j), rsem[j])

            for j in range(SB):
                fire_read(j, j)

            def round_body(t, carry):
                for j in range(SB):
                    b = t * SB + j
                    pltpu.make_async_copy(dst_hbm.at[s * NBS + b], idx2.at[j],
                                          isem[j]).wait()
                    pltpu.make_async_copy(
                        src_hbm.at[pl.ds(s * PER_S + b * BATCH, BATCH)],
                        slab(j), rsem[j]).wait()
                    pltpu.async_copy(slab(j), shared.at[idx2.at[j]], wsem[j],
                                     add=True)
                for j in range(SB):
                    b = t * SB + j
                    pltpu.make_async_copy(slab(j), shared.at[idx2.at[j]],
                                          wsem[j]).wait()

                    @pl.when(b + SB < NBS)
                    def _():
                        fire_read(b + SB, j)
                return carry

            lax.fori_loop(0, NR2, round_body, 0)
            b = NR2 * SB
            pltpu.make_async_copy(dst_hbm.at[s * NBS + b], idx2.at[0],
                                  isem[0]).wait()
            pltpu.make_async_copy(
                src_hbm.at[pl.ds(s * PER_S + b * BATCH, BATCH)],
                slab(0), rsem[0]).wait()
            pltpu.sync_copy(slab(0), shared.at[idx2.at[0]], add=True)

        @pl.when(c == 0)
        def _():
            run(msg_hbm)

        @pl.when(c == 1)
        def _():
            run(wb_hbm)

        plsc.subcore_barrier()

        @pl.when(s < 10)
        def _():
            pltpu.sync_copy(shared.at[pl.ds(s * rows, rows)],
                            acc_hbm.at[pl.ds(c * N + s * rows, rows)])

    return k(ext_msg, ext_wb, dst2, zinit)


def _mm2(x, Wl, bl, Wr, br):
    BN = 1000

    def body(x_ref, wl_ref, bl_ref, wr_ref, br_ref, xl_ref, xr_ref):
        xb = x_ref[...]
        xl_ref[...] = jnp.dot(xb, wl_ref[...],
                              preferred_element_type=jnp.float32) + bl_ref[...]
        xr_ref[...] = jnp.dot(xb, wr_ref[...],
                              preferred_element_type=jnp.float32) + br_ref[...]

    full = pl.BlockSpec((F, F), lambda i: (0, 0))
    bias = pl.BlockSpec((1, F), lambda i: (0, 0))
    return pl.pallas_call(
        body,
        grid=(N // BN,),
        in_specs=[pl.BlockSpec((BN, F), lambda i: (i, 0)), full, bias, full, bias],
        out_specs=[pl.BlockSpec((BN, F), lambda i: (i, 0)),
                   pl.BlockSpec((BN, F), lambda i: (i, 0))],
        out_shape=[jax.ShapeDtypeStruct((N, F), jnp.float32),
                   jax.ShapeDtypeStruct((N, F), jnp.float32)],
    )(x, Wl, bl, Wr, br)


def _edge(XL, XR, attrow, S, ST):
    BE = 4096

    def body(xl_ref, xr_ref, att_ref, s_ref, st_ref, msg_ref, wb_ref):
        i = pl.program_id(0)
        a = xl_ref[...]
        s = a + xr_ref[...]
        lr = jnp.where(s > 0, s, 0.2 * s)
        p = lr * att_ref[...]
        alpha = jnp.dot(p, s_ref[...], preferred_element_type=jnp.float32)
        rows = lax.broadcasted_iota(jnp.int32, (BE, 1), 0) + i * BE
        w = jnp.where(rows < E, jnp.exp(alpha), 0.0)
        wb = jnp.dot(w, st_ref[...], preferred_element_type=jnp.float32)
        msg_ref[...] = a * wb
        wb_ref[...] = wb

    return pl.pallas_call(
        body,
        grid=(E_PAD // BE,),
        in_specs=[pl.BlockSpec((BE, F), lambda i: (i, 0)),
                  pl.BlockSpec((BE, F), lambda i: (i, 0)),
                  pl.BlockSpec((1, F), lambda i: (0, 0)),
                  pl.BlockSpec((F, HEADS), lambda i: (0, 0)),
                  pl.BlockSpec((HEADS, F), lambda i: (0, 0))],
        out_specs=[pl.BlockSpec((BE, F), lambda i: (i, 0)),
                   pl.BlockSpec((BE, F), lambda i: (i, 0))],
        out_shape=[jax.ShapeDtypeStruct((E_PAD, F), jnp.float32),
                   jax.ShapeDtypeStruct((E_PAD, F), jnp.float32)],
    )(XL, XR, attrow, S, ST)


def _comb_mm(num, den, Wl, bl, Wr, br):
    BN = 1000

    def body(n_ref, d_ref, wl_ref, bl_ref, wr_ref, br_ref, xl_ref, xr_ref):
        h = n_ref[...] / (d_ref[...] + 1e-16)
        xl_ref[...] = jnp.dot(h, wl_ref[...],
                              preferred_element_type=jnp.float32) + bl_ref[...]
        xr_ref[...] = jnp.dot(h, wr_ref[...],
                              preferred_element_type=jnp.float32) + br_ref[...]

    full = pl.BlockSpec((F, F), lambda i: (0, 0))
    bias = pl.BlockSpec((1, F), lambda i: (0, 0))
    return pl.pallas_call(
        body,
        grid=(N // BN,),
        in_specs=[pl.BlockSpec((BN, F), lambda i: (i, 0)),
                  pl.BlockSpec((BN, F), lambda i: (i, 0)),
                  full, bias, full, bias],
        out_specs=[pl.BlockSpec((BN, F), lambda i: (i, 0)),
                   pl.BlockSpec((BN, F), lambda i: (i, 0))],
        out_shape=[jax.ShapeDtypeStruct((N, F), jnp.float32),
                   jax.ShapeDtypeStruct((N, F), jnp.float32)],
    )(num, den, Wl, bl, Wr, br)


def _finalize(num, den, bias):
    BN = 1000

    def body(n_ref, d_ref, b_ref, z_ref):
        h = n_ref[...] / (d_ref[...] + 1e-16) + b_ref[...]
        nrm = jnp.sqrt(jnp.sum(h * h, axis=1, keepdims=True))
        z_ref[...] = h / jnp.maximum(nrm, 1e-12)

    return pl.pallas_call(
        body,
        grid=(N // BN,),
        in_specs=[pl.BlockSpec((BN, F), lambda i: (i, 0)),
                  pl.BlockSpec((BN, F), lambda i: (i, 0)),
                  pl.BlockSpec((1, F), lambda i: (0, 0))],
        out_specs=pl.BlockSpec((BN, F), lambda i: (i, 0)),
        out_shape=jax.ShapeDtypeStruct((N, F), jnp.float32),
    )(num, den, bias)


def _decode(z):
    BR = 200

    def body(zx_ref, zy_ref, out_ref):
        zz = lax.dot_general(zx_ref[...], zy_ref[...],
                             (((1,), (1,)), ((), ())),
                             preferred_element_type=jnp.float32)
        out_ref[...] = jax.nn.sigmoid(zz)

    return pl.pallas_call(
        body,
        grid=(N // BR,),
        in_specs=[pl.BlockSpec((BR, F), lambda i: (i, 0)),
                  pl.BlockSpec((N, F), lambda i: (0, 0))],
        out_specs=pl.BlockSpec((BR, N), lambda i: (i, 0)),
        out_shape=jax.ShapeDtypeStruct((N, N), jnp.float32),
    )(z, z)


def kernel(x, edge_index, Wl1, bl1, Wr1, br1, att1, bias1,
           Wl2, bl2, Wr2, br2, att2, bias2):
    src = edge_index[0]
    dst = edge_index[1]
    pad = jnp.zeros((E_PAD - E,), jnp.int32)
    src2 = jnp.concatenate([src, pad]).reshape(E_PAD // BATCH, BATCH)
    dst2 = jnp.concatenate([dst, pad]).reshape(E_PAD // BATCH, BATCH)

    S1 = jnp.kron(jnp.eye(HEADS, dtype=jnp.float32),
                  jnp.ones((F // HEADS, 1), jnp.float32))
    ST1 = S1.T
    S2 = jnp.ones((F, HEADS), jnp.float32)
    ST2 = jnp.ones((HEADS, F), jnp.float32) / HEADS
    zinit = jnp.zeros((N, F), jnp.float32)

    xl1, xr1 = _mm2(x, Wl1, bl1.reshape(1, F), Wr1, br1.reshape(1, F))
    XL1, XR1 = _sc_gather(xl1, xr1, src2, dst2)
    msg1, wb1 = _edge(XL1, XR1, att1.reshape(1, F), S1, ST1)
    acc1 = _sc_scatter(msg1, wb1, dst2, zinit)
    xl2, xr2 = _comb_mm(acc1[:N], acc1[N:], Wl2, bl2.reshape(1, F),
                        Wr2, br2.reshape(1, F))
    XL2, XR2 = _sc_gather(xl2, xr2, src2, dst2)
    msg2, wb2 = _edge(XL2, XR2, att2.reshape(1, F), S2, ST2)
    acc2 = _sc_scatter(msg2, wb2, dst2, zinit)
    z = _finalize(acc2[:N], acc2[N:], bias2.reshape(1, F))
    A = _decode(z)
    return (A, z)

# --- scband reference (transcript-rebuilt; emitter-appended) ---
"""Pipeline reference for scband-stgatblock-73521250173075 (READ-ONLY COPY).

The authoritative reference and input builder live on the scoring server;
editing this copy changes nothing except your own understanding.
"""

import jax, jax.numpy as jnp
import numpy as np

N = 10000
E = 320000
D_IN = 128
HID = 16
HEADS = 8
D_OUT = 128


def _glorot(key, shape):
    lim = np.sqrt(6.0 / (shape[0] + shape[1]))
    return jax.random.uniform(key, shape, minval=-lim, maxval=lim, dtype=jnp.float32)


def setup_inputs(seed: int = 0) -> dict:
    key = jax.random.key(seed)
    ks = jax.random.split(key, 16)
    x = jax.random.normal(ks[0], (N, D_IN), dtype=jnp.float32)
    edge_index = jax.random.randint(ks[1], (2, E), 0, N, dtype=jnp.int32)
    # GATv2Conv layer 1: in=128 -> heads=8, out_per_head=16 (concat -> 128)
    Wl1 = _glorot(ks[2], (D_IN, HEADS * HID))
    bl1 = jnp.zeros((HEADS * HID,), dtype=jnp.float32)
    Wr1 = _glorot(ks[3], (D_IN, HEADS * HID))
    br1 = jnp.zeros((HEADS * HID,), dtype=jnp.float32)
    att1 = _glorot(ks[4], (HEADS, HID))
    bias1 = jnp.zeros((HEADS * HID,), dtype=jnp.float32)
    # GATv2Conv layer 2: in=128 -> heads=1, out=128 (concat=False)
    Wl2 = _glorot(ks[5], (HEADS * HID, D_OUT))
    bl2 = jnp.zeros((D_OUT,), dtype=jnp.float32)
    Wr2 = _glorot(ks[6], (HEADS * HID, D_OUT))
    br2 = jnp.zeros((D_OUT,), dtype=jnp.float32)
    att2 = _glorot(ks[7], (1, D_OUT))
    bias2 = jnp.zeros((D_OUT,), dtype=jnp.float32)
    return {"x": x, "edge_index": edge_index,
            "Wl1": Wl1, "bl1": bl1, "Wr1": Wr1, "br1": br1, "att1": att1, "bias1": bias1,
            "Wl2": Wl2, "bl2": bl2, "Wr2": Wr2, "br2": br2, "att2": att2, "bias2": bias2}


def _gatv2_layer(x, src, dst, Wl, bl, Wr, br, att, bias, heads, out_ch, concat):
    n = x.shape[0]
    xl = (x @ Wl + bl).reshape(n, heads, out_ch)
    xr = (x @ Wr + br).reshape(n, heads, out_ch)
    # message for edge (j=src -> i=dst): leaky_relu(xl[j] + xr[i])
    e = xl[src] + xr[dst]
    e = jax.nn.leaky_relu(e, negative_slope=0.2)
    alpha = jnp.sum(e * att[None, :, :], axis=-1)  # [E, heads]
    # segment softmax over incoming edges of each dst node
    amax = jax.ops.segment_max(alpha, dst, num_segments=n)
    amax = jnp.where(jnp.isfinite(amax), amax, 0.0)
    ex = jnp.exp(alpha - amax[dst])
    denom = jax.ops.segment_sum(ex, dst, num_segments=n)
    alpha = ex / (denom[dst] + 1e-16)
    msg = xl[src] * alpha[:, :, None]
    out = jax.ops.segment_sum(msg, dst, num_segments=n)  # [n, heads, out_ch]
    if concat:
        out = out.reshape(n, heads * out_ch)
    else:
        out = jnp.mean(out, axis=1)
    return out + bias


def reference(x, edge_index, Wl1, bl1, Wr1, br1, att1, bias1, Wl2, bl2, Wr2, br2, att2, bias2):
    src = edge_index[0]
    dst = edge_index[1]
    h = _gatv2_layer(x, src, dst, Wl1, bl1, Wr1, br1, att1, bias1, HEADS, HID, True)
    h = _gatv2_layer(h, src, dst, Wl2, bl2, Wr2, br2, att2, bias2, 1, D_OUT, False)
    # F.normalize(x, p=2, dim=1)
    nrm = jnp.linalg.norm(h, axis=1, keepdims=True)
    z = h / jnp.maximum(nrm, 1e-12)
    A_pred = jax.nn.sigmoid(z @ z.T)
    return (A_pred, z)

if __name__ == "__main__":
    import jax
    _d = setup_inputs()
    print(jax.jit(kernel)(*tuple(_d.values())))

</pallas_src>

<mosaic_0001>
#map = affine_map<(d0, d1) -> (0, 0)>
module attributes {stable_mosaic.version = 14 : i64} {
  func.func @k(%arg0: i32, %arg1: i32, %arg2: memref<10000x128xf32, #tpu.memory_space<hbm>>, %arg3: memref<10000x128xf32, #tpu.memory_space<hbm>>, %arg4: memref<2560x128xi32, #tpu.memory_space<hbm>>, %arg5: memref<2560x128xi32, #tpu.memory_space<hbm>>, %arg6: memref<327680x128xf32, #tpu.memory_space<hbm>>, %arg7: memref<327680x128xf32, #tpu.memory_space<hbm>>, %arg8: memref<80x128xi32, #tpu.memory_space<vmem>>, %arg9: memref<256x128xf32, #tpu.memory_space<vmem>>, %arg10: memref<10000x128xf32, #tpu.memory_space<vmem_shared>>, %arg11: memref<!tpu.dma_semaphore, #tpu.memory_space<semaphore_mem>>, %arg12: memref<!tpu.dma_semaphore, #tpu.memory_space<semaphore_mem>>, %arg13: memref<!tpu.dma_semaphore, #tpu.memory_space<semaphore_mem>>, %arg14: memref<!tpu.dma_semaphore, #tpu.memory_space<semaphore_mem>>) attributes {dimension_semantics = [#tpu.dimension_semantics<core_parallel>, #tpu.dimension_semantics<subcore_parallel>], iteration_bounds = array<i64: 2, 16>, scalar_prefetch = 0 : i64, scratch_operands = 7 : i64, tpu.core_type = #tpu.core_type<sc_vector_subcore>, window_params = [{transform_indices = #map}, {transform_indices = #map}, {transform_indices = #map}, {transform_indices = #map}, {transform_indices = #map}, {transform_indices = #map}]} {
    %eq3A = arith.constant 0 : i32
    %eq3A_0 = arith.cmpi eq, %arg0, %eq3A : i32
    %convert_element_type3A = arith.extui %eq3A_0 : i1 to i32
    %cond3A = arith.constant 0 : i32
    %cond3A_1 = arith.cmpi ne, %convert_element_type3A, %cond3A : i32
    scf.if %cond3A_1 {
      %lt3A = arith.constant 10 : i32
      %lt3A_7 = arith.cmpi slt, %arg1, %lt3A : i32
      %convert_element_type3A_8 = arith.extui %lt3A_7 : i1 to i32
      %cond3A_9 = arith.constant 0 : i32
      %cond3A_10 = arith.cmpi ne, %convert_element_type3A_8, %cond3A_9 : i32
      scf.if %cond3A_10 {
        %mul3A_67 = arith.constant 1000 : i32
        %mul3A_68 = arith.muli %arg1, %mul3A_67 : i32
        %mul3A_69 = arith.constant 1000 : i32
        %mul3A_70 = arith.muli %arg1, %mul3A_69 : i32
        "tpu.region"() ({
          %run_scoped3A = tpu.sem_alloc : memref<!tpu.dma_semaphore, #tpu.memory_space<semaphore_mem>>
          %dma_start3A_71 = arith.constant 0 : i32
          %dma_start3A_72 = tpu.memref_slice %arg10[%mul3A_70, %dma_start3A_71] : memref<10000x128xf32, #tpu.memory_space<vmem_shared>> -> memref<1000x128xf32, #tpu.memory_space<vmem_shared>>
          %dma_start3A_73 = arith.constant 0 : i32
          %dma_start3A_74 = tpu.memref_slice %arg2[%mul3A_68, %dma_start3A_73] : memref<10000x128xf32, #tpu.memory_space<hbm>> -> memref<1000x128xf32, #tpu.memory_space<hbm>>
          tpu.enqueue_dma source(%dma_start3A_74 : memref<1000x128xf32, #tpu.memory_space<hbm>>) target(%dma_start3A_72 : memref<1000x128xf32, #tpu.memory_space<vmem_shared>>) target_semaphore(%run_scoped3A : memref<!tpu.dma_semaphore, #tpu.memory_space<semaphore_mem>>)
          %dma_wait3A = arith.constant 0 : i32
          %dma_wait3A_75 = tpu.memref_slice %arg10[%mul3A_70, %dma_wait3A] : memref<10000x128xf32, #tpu.memory_space<vmem_shared>> -> memref<1000x128xf32, #tpu.memory_space<vmem_shared>>
          %dma_wait3A_76 = arith.constant 0 : i32
          %dma_wait3A_77 = tpu.memref_slice %arg2[%mul3A_68, %dma_wait3A_76] : memref<10000x128xf32, #tpu.memory_space<hbm>> -> memref<1000x128xf32, #tpu.memory_space<hbm>>
          tpu.wait_dma2 semaphore(%run_scoped3A : memref<!tpu.dma_semaphore, #tpu.memory_space<semaphore_mem>>) src(%dma_wait3A_77 : memref<1000x128xf32, #tpu.memory_space<hbm>>) dst(%dma_wait3A_75 : memref<1000x128xf32, #tpu.memory_space<vmem_shared>>)
          tpu.yield
        }) : () -> ()
      } else {
      }
      %barrier3A = arith.constant 0 : index
      tpu.barrier barrier_id(%barrier3A)
      %mul3A = arith.constant 160 : i32
      %mul3A_11 = arith.muli %arg1, %mul3A : i32
      %add3A = arith.constant 0 : i32
      %add3A_12 = arith.addi %mul3A_11, %add3A : i32
      "tpu.region"() ({
        %run_scoped3A = tpu.sem_alloc : memref<!tpu.dma_semaphore, #tpu.memory_space<semaphore_mem>>
        %dma_start3A_67 = arith.constant 0 : i32
        %dma_start3A_68 = tpu.memref_slice %arg4[%add3A_12, %dma_start3A_67] : memref<2560x128xi32, #tpu.memory_space<hbm>> -> memref<80x128xi32, #tpu.memory_space<hbm>>
        %dma_start3A_69 = arith.constant 0 : i32
        %dma_start3A_70 = tpu.memref_slice %arg4[%add3A_12, %dma_start3A_69] : memref<2560x128xi32, #tpu.memory_space<hbm>> -> memref<80x128xi32, #tpu.memory_space<hbm>>
        tpu.enqueue_dma source(%dma_start3A_70 : memref<80x128xi32, #tpu.memory_space<hbm>>) target(%arg8 : memref<80x128xi32, #tpu.memory_space<vmem>>) target_semaphore(%run_scoped3A : memref<!tpu.dma_semaphore, #tpu.memory_space<semaphore_mem>>)
        %dma_wait3A = arith.constant 0 : i32
        %dma_wait3A_71 = tpu.memref_slice %arg4[%add3A_12, %dma_wait3A] : memref<2560x128xi32, #tpu.memory_space<hbm>> -> memref<80x128xi32, #tpu.memory_space<hbm>>
        %dma_wait3A_72 = arith.constant 0 : i32
        %dma_wait3A_73 = tpu.memref_slice %arg4[%add3A_12, %dma_wait3A_72] : memref<2560x128xi32, #tpu.memory_space<hbm>> -> memref<80x128xi32, #tpu.memory_space<hbm>>
        tpu.wait_dma2 semaphore(%run_scoped3A : memref<!tpu.dma_semaphore, #tpu.memory_space<semaphore_mem>>) src(%dma_wait3A_73 : memref<80x128xi32, #tpu.memory_space<hbm>>) dst(%arg8 : memref<80x128xi32, #tpu.memory_space<vmem>>)
        tpu.yield
      }) : () -> ()
      %dma_start3A = arith.constant 0 : i32
      %dma_start3A_13 = arith.constant 0 : i32
      %dma_start3A_14 = arith.constant 0 : i32
      %dma_start3A_15 = tpu.memref_slice %arg9[%dma_start3A_13, %dma_start3A_14] : memref<256x128xf32, #tpu.memory_space<vmem>> -> memref<128x128xf32, #tpu.memory_space<vmem>>
      %dma_start3A_16 = arith.constant 0 : i32
      %dma_start3A_17 = tpu.memref_slice %arg8[%dma_start3A, %dma_start3A_16] : memref<80x128xi32, #tpu.memory_space<vmem>> -> memref<1x128xi32, #tpu.memory_space<vmem>>
      %dma_start3A_18 = tpu.memref_squeeze %dma_start3A_17 : memref<1x128xi32, #tpu.memory_space<vmem>> -> memref<128xi32, #tpu.memory_space<vmem>>
      %dma_start3A_19 = arith.constant 0 : i32
      %dma_start3A_20 = arith.constant 0 : i32
      %dma_start3A_21 = tpu.memref_slice %arg10[%dma_start3A_19, %dma_start3A_20] : memref<10000x128xf32, #tpu.memory_space<vmem_shared>> -> memref<10000x128xf32, #tpu.memory_space<vmem_shared>>
      tpu.enqueue_indirect_dma source(%dma_start3A_21 : memref<10000x128xf32, #tpu.memory_space<vmem_shared>>) target(%dma_start3A_15 : memref<128x128xf32, #tpu.memory_space<vmem>>) offsets(%dma_start3A_18 : memref<128xi32, #tpu.memory_space<vmem>>) semaphore(%arg11 : memref<!tpu.dma_semaphore, #tpu.memory_space<semaphore_mem>>)
      %dma_start3A_22 = arith.constant 1 : i32
      %dma_start3A_23 = arith.constant 128 : i32
      %dma_start3A_24 = arith.constant 0 : i32
      %dma_start3A_25 = tpu.memref_slice %arg9[%dma_start3A_23, %dma_start3A_24] : memref<256x128xf32, #tpu.memory_space<vmem>> -> memref<128x128xf32, #tpu.memory_space<vmem>>
      %dma_start3A_26 = arith.constant 0 : i32
      %dma_start3A_27 = tpu.memref_slice %arg8[%dma_start3A_22, %dma_start3A_26] : memref<80x128xi32, #tpu.memory_space<vmem>> -> memref<1x128xi32, #tpu.memory_space<vmem>>
      %dma_start3A_28 = tpu.memref_squeeze %dma_start3A_27 : memref<1x128xi32, #tpu.memory_space<vmem>> -> memref<128xi32, #tpu.memory_space<vmem>>
      %dma_start3A_29 = arith.constant 0 : i32
      %dma_start3A_30 = arith.constant 0 : i32
      %dma_start3A_31 = tpu.memref_slice %arg10[%dma_start3A_29, %dma_start3A_30] : memref<10000x128xf32, #tpu.memory_space<vmem_shared>> -> memref<10000x128xf32, #tpu.memory_space<vmem_shared>>
      tpu.enqueue_indirect_dma source(%dma_start3A_31 : memref<10000x128xf32, #tpu.memory_space<vmem_shared>>) target(%dma_start3A_25 : memref<128x128xf32, #tpu.memory_space<vmem>>) offsets(%dma_start3A_28 : memref<128xi32, #tpu.memory_space<vmem>>) semaphore(%arg12 : memref<!tpu.dma_semaphore, #tpu.memory_space<semaphore_mem>>)
      %scan3A = arith.constant 0 : i32
      %scan3A_32 = arith.constant 0 : i32
      %scan3A_33 = arith.constant 40 : i32
      %scan3A_34 = arith.addi %scan3A_32, %scan3A_33 : i32
      %scan3A_35 = arith.constant 1 : i32
      scf.for %scan3A_67 = %scan3A_32 to %scan3A_34 step %scan3A_35  : i32 {
        %mul3A_68 = arith.constant 2 : i32
        %mul3A_69 = arith.muli %scan3A_67, %mul3A_68 : i32
        %add3A_70 = arith.constant 0 : i32
        %add3A_71 = arith.addi %mul3A_69, %add3A_70 : i32
        %mul3A_72 = arith.constant 20480 : i32
        %mul3A_73 = arith.muli %arg1, %mul3A_72 : i32
        %add3A_74 = arith.constant 0 : i32
        %add3A_75 = arith.addi %add3A_74, %add3A_71 : i32
        %mul3A_76 = arith.constant 128 : i32
        %mul3A_77 = arith.muli %add3A_75, %mul3A_76 : i32
        %add3A_78 = arith.addi %mul3A_73, %mul3A_77 : i32
        %dma_wait3A = arith.constant 0 : i32
        %dma_wait3A_79 = arith.constant 0 : i32
        %dma_wait3A_80 = tpu.memref_slice %arg9[%dma_wait3A, %dma_wait3A_79] : memref<256x128xf32, #tpu.memory_space<vmem>> -> memref<128x128xf32, #tpu.memory_space<vmem>>
        %dma_wait3A_81 = arith.constant 0 : i32
        %dma_wait3A_82 = tpu.memref_slice %arg8[%add3A_71, %dma_wait3A_81] : memref<80x128xi32, #tpu.memory_space<vmem>> -> memref<1x128xi32, #tpu.memory_space<vmem>>
        %dma_wait3A_83 = tpu.memref_squeeze %dma_wait3A_82 : memref<1x128xi32, #tpu.memory_space<vmem>> -> memref<128xi32, #tpu.memory_space<vmem>>
        %dma_wait3A_84 = arith.constant 0 : i32
        %dma_wait3A_85 = arith.constant 0 : i32
        %dma_wait3A_86 = tpu.memref_slice %arg10[%dma_wait3A_84, %dma_wait3A_85] : memref<10000x128xf32, #tpu.memory_space<vmem_shared>> -> memref<10000x128xf32, #tpu.memory_space<vmem_shared>>
        tpu.wait_indirect_dma semaphore(%arg11 : memref<!tpu.dma_semaphore, #tpu.memory_space<semaphore_mem>>) src(%dma_wait3A_86 : memref<10000x128xf32, #tpu.memory_space<vmem_shared>>) dst(%dma_wait3A_80 : memref<128x128xf32, #tpu.memory_space<vmem>>)
        %dma_start3A_87 = arith.constant 0 : i32
        %dma_start3A_88 = arith.constant 0 : i32
        %dma_start3A_89 = tpu.memref_slice %arg9[%dma_start3A_87, %dma_start3A_88] : memref<256x128xf32, #tpu.memory_space<vmem>> -> memref<128x128xf32, #tpu.memory_space<vmem>>
        %dma_start3A_90 = arith.constant 0 : i32
        %dma_start3A_91 = tpu.memref_slice %arg6[%add3A_78, %dma_start3A_90] : memref<327680x128xf32, #tpu.memory_space<hbm>> -> memref<128x128xf32, #tpu.memory_space<hbm>>
        %dma_start3A_92 = arith.constant 0 : i32
        %dma_start3A_93 = tpu.memref_slice %arg6[%add3A_78, %dma_start3A_92] : memref<327680x128xf32, #tpu.memory_space<hbm>> -> memref<128x128xf32, #tpu.memory_space<hbm>>
        %dma_start3A_94 = arith.constant 0 : i32
        %dma_start3A_95 = arith.constant 0 : i32
        %dma_start3A_96 = tpu.memref_slice %arg9[%dma_start3A_94, %dma_start3A_95] : memref<256x128xf32, #tpu.memory_space<vmem>> -> memref<128x128xf32, #tpu.memory_space<vmem>>
        tpu.enqueue_dma source(%dma_start3A_96 : memref<128x128xf32, #tpu.memory_space<vmem>>) target(%dma_start3A_93 : memref<128x128xf32, #tpu.memory_space<hbm>>) target_semaphore(%arg13 : memref<!tpu.dma_semaphore, #tpu.memory_space<semaphore_mem>>)
        %mul3A_97 = arith.constant 2 : i32
        %mul3A_98 = arith.muli %scan3A_67, %mul3A_97 : i32
        %add3A_99 = arith.constant 1 : i32
        %add3A_100 = arith.addi %mul3A_98, %add3A_99 : i32
        %mul3A_101 = arith.constant 20480 : i32
        %mul3A_102 = arith.muli %arg1, %mul3A_101 : i32
        %add3A_103 = arith.constant 0 : i32
        %add3A_104 = arith.addi %add3A_103, %add3A_100 : i32
        %mul3A_105 = arith.constant 128 : i32
        %mul3A_106 = arith.muli %add3A_104, %mul3A_105 : i32
        %add3A_107 = arith.addi %mul3A_102, %mul3A_106 : i32
        %dma_wait3A_108 = arith.constant 128 : i32
        %dma_wait3A_109 = arith.constant 0 : i32
        %dma_wait3A_110 = tpu.memref_slice %arg9[%dma_wait3A_108, %dma_wait3A_109] : memref<256x128xf32, #tpu.memory_space<vmem>> -> memref<128x128xf32, #tpu.memory_space<vmem>>
        %dma_wait3A_111 = arith.constant 0 : i32
        %dma_wait3A_112 = tpu.memref_slice %arg8[%add3A_100, %dma_wait3A_111] : memref<80x128xi32, #tpu.memory_space<vmem>> -> memref<1x128xi32, #tpu.memory_space<vmem>>
        %dma_wait3A_113 = tpu.memref_squeeze %dma_wait3A_112 : memref<1x128xi32, #tpu.memory_space<vmem>> -> memref<128xi32, #tpu.memory_space<vmem>>
        %dma_wait3A_114 = arith.constant 0 : i32
        %dma_wait3A_115 = arith.constant 0 : i32
        %dma_wait3A_116 = tpu.memref_slice %arg10[%dma_wait3A_114, %dma_wait3A_115] : memref<10000x128xf32, #tpu.memory_space<vmem_shared>> -> memref<10000x128xf32, #tpu.memory_space<vmem_shared>>
        tpu.wait_indirect_dma semaphore(%arg12 : memref<!tpu.dma_semaphore, #tpu.memory_space<semaphore_mem>>) src(%dma_wait3A_116 : memref<10000x128xf32, #tpu.memory_space<vmem_shared>>) dst(%dma_wait3A_110 : memref<128x128xf32, #tpu.memory_space<vmem>>)
        %dma_start3A_117 = arith.constant 128 : i32
        %dma_start3A_118 = arith.constant 0 : i32
        %dma_start3A_119 = tpu.memref_slice %arg9[%dma_start3A_117, %dma_start3A_118] : memref<256x128xf32, #tpu.memory_space<vmem>> -> memref<128x128xf32, #tpu.memory_space<vmem>>
        %dma_start3A_120 = arith.constant 0 : i32
        %dma_start3A_121 = tpu.memref_slice %arg6[%add3A_107, %dma_start3A_120] : memref<327680x128xf32, #tpu.memory_space<hbm>> -> memref<128x128xf32, #tpu.memory_space<hbm>>
        %dma_start3A_122 = arith.constant 0 : i32
        %dma_start3A_123 = tpu.memref_slice %arg6[%add3A_107, %dma_start3A_122] : memref<327680x128xf32, #tpu.memory_space<hbm>> -> memref<128x128xf32, #tpu.memory_space<hbm>>
        %dma_start3A_124 = arith.constant 128 : i32
        %dma_start3A_125 = arith.constant 0 : i32
        %dma_start3A_126 = tpu.memref_slice %arg9[%dma_start3A_124, %dma_start3A_125] : memref<256x128xf32, #tpu.memory_space<vmem>> -> memref<128x128xf32, #tpu.memory_space<vmem>>
        tpu.enqueue_dma source(%dma_start3A_126 : memref<128x128xf32, #tpu.memory_space<vmem>>) target(%dma_start3A_123 : memref<128x128xf32, #tpu.memory_space<hbm>>) target_semaphore(%arg14 : memref<!tpu.dma_semaphore, #tpu.memory_space<semaphore_mem>>)
        %mul3A_127 = arith.constant 2 : i32
        %mul3A_128 = arith.muli %scan3A_67, %mul3A_127 : i32
        %add3A_129 = arith.constant 0 : i32
        %add3A_130 = arith.addi %mul3A_128, %add3A_129 : i32
        %mul3A_131 = arith.constant 20480 : i32
        %mul3A_132 = arith.muli %arg1, %mul3A_131 : i32
        %add3A_133 = arith.constant 0 : i32
        %add3A_134 = arith.addi %add3A_133, %add3A_130 : i32
        %mul3A_135 = arith.constant 128 : i32
        %mul3A_136 = arith.muli %add3A_134, %mul3A_135 : i32
        %add3A_137 = arith.addi %mul3A_132, %mul3A_136 : i32
        %dma_wait3A_138 = arith.constant 0 : i32
        %dma_wait3A_139 = arith.constant 0 : i32
        %dma_wait3A_140 = tpu.memref_slice %arg9[%dma_wait3A_138, %dma_wait3A_139] : memref<256x128xf32, #tpu.memory_space<vmem>> -> memref<128x128xf32, #tpu.memory_space<vmem>>
        %dma_wait3A_141 = arith.constant 0 : i32
        %dma_wait3A_142 = tpu.memref_slice %arg6[%add3A_137, %dma_wait3A_141] : memref<327680x128xf32, #tpu.memory_space<hbm>> -> memref<128x128xf32, #tpu.memory_space<hbm>>
        %dma_wait3A_143 = arith.constant 0 : i32
        %dma_wait3A_144 = tpu.memref_slice %arg6[%add3A_137, %dma_wait3A_143] : memref<327680x128xf32, #tpu.memory_space<hbm>> -> memref<128x128xf32, #tpu.memory_space<hbm>>
        %dma_wait3A_145 = arith.constant 0 : i32
        %dma_wait3A_146 = arith.constant 0 : i32
        %dma_wait3A_147 = tpu.memref_slice %arg9[%dma_wait3A_145, %dma_wait3A_146] : memref<256x128xf32, #tpu.memory_space<vmem>> -> memref<128x128xf32, #tpu.memory_space<vmem>>
        tpu.wait_dma2 semaphore(%arg13 : memref<!tpu.dma_semaphore, #tpu.memory_space<semaphore_mem>>) src(%dma_wait3A_147 : memref<128x128xf32, #tpu.memory_space<vmem>>) dst(%dma_wait3A_144 : memref<128x128xf32, #tpu.memory_space<hbm>>)
        %add3A_148 = arith.constant 2 : i32
        %add3A_149 = arith.addi %add3A_130, %add3A_148 : i32
        %lt3A_150 = arith.constant 80 : i32
        %lt3A_151 = arith.cmpi slt, %add3A_149, %lt3A_150 : i32
        %convert_element_type3A_152 = arith.extui %lt3A_151 : i1 to i32
        %cond3A_153 = arith.constant 0 : i32
        %cond3A_154 = arith.cmpi ne, %convert_element_type3A_152, %cond3A_153 : i32
        scf.if %cond3A_154 {
          %add3A_183 = arith.constant 2 : i32
          %add3A_184 = arith.addi %add3A_130, %add3A_183 : i32
          %dma_start3A_185 = arith.constant 0 : i32
          %dma_start3A_186 = arith.constant 0 : i32
          %dma_start3A_187 = tpu.memref_slice %arg9[%dma_start3A_185, %dma_start3A_186] : memref<256x128xf32, #tpu.memory_space<vmem>> -> memref<128x128xf32, #tpu.memory_space<vmem>>
          %dma_start3A_188 = arith.constant 0 : i32
          %dma_start3A_189 = tpu.memref_slice %arg8[%add3A_184, %dma_start3A_188] : memref<80x128xi32, #tpu.memory_space<vmem>> -> memref<1x128xi32, #tpu.memory_space<vmem>>
          %dma_start3A_190 = tpu.memref_squeeze %dma_start3A_189 : memref<1x128xi32, #tpu.memory_space<vmem>> -> memref<128xi32, #tpu.memory_space<vmem>>
          %dma_start3A_191 = arith.constant 0 : i32
          %dma_start3A_192 = arith.constant 0 : i32
          %dma_start3A_193 = tpu.memref_slice %arg10[%dma_start3A_191, %dma_start3A_192] : memref<10000x128xf32, #tpu.memory_space<vmem_shared>> -> memref<10000x128xf32, #tpu.memory_space<vmem_shared>>
          tpu.enqueue_indirect_dma source(%dma_start3A_193 : memref<10000x128xf32, #tpu.memory_space<vmem_shared>>) target(%dma_start3A_187 : memref<128x128xf32, #tpu.memory_space<vmem>>) offsets(%dma_start3A_190 : memref<128xi32, #tpu.memory_space<vmem>>) semaphore(%arg11 : memref<!tpu.dma_semaphore, #tpu.memory_space<semaphore_mem>>)
        } else {
        }
        %mul3A_155 = arith.constant 2 : i32
        %mul3A_156 = arith.muli %scan3A_67, %mul3A_155 : i32
        %add3A_157 = arith.constant 1 : i32
        %add3A_158 = arith.addi %mul3A_156, %add3A_157 : i32
        %mul3A_159 = arith.constant 20480 : i32
        %mul3A_160 = arith.muli %arg1, %mul3A_159 : i32
        %add3A_161 = arith.constant 0 : i32
        %add3A_162 = arith.addi %add3A_161, %add3A_158 : i32
        %mul3A_163 = arith.constant 128 : i32
        %mul3A_164 = arith.muli %add3A_162, %mul3A_163 : i32
        %add3A_165 = arith.addi %mul3A_160, %mul3A_164 : i32
        %dma_wait3A_166 = arith.constant 128 : i32
        %dma_wait3A_167 = arith.constant 0 : i32
        %dma_wait3A_168 = tpu.memref_slice %arg9[%dma_wait3A_166, %dma_wait3A_167] : memref<256x128xf32, #tpu.memory_space<vmem>> -> memref<128x128xf32, #tpu.memory_space<vmem>>
        %dma_wait3A_169 = arith.constant 0 : i32
        %dma_wait3A_170 = tpu.memref_slice %arg6[%add3A_165, %dma_wait3A_169] : memref<327680x128xf32, #tpu.memory_space<hbm>> -> memref<128x128xf32, #tpu.memory_space<hbm>>
        %dma_wait3A_171 = arith.constant 0 : i32
        %dma_wait3A_172 = tpu.memref_slice %arg6[%add3A_165, %dma_wait3A_171] : memref<327680x128xf32, #tpu.memory_space<hbm>> -> memref<128x128xf32, #tpu.memory_space<hbm>>
        %dma_wait3A_173 = arith.constant 128 : i32
        %dma_wait3A_174 = arith.constant 0 : i32
        %dma_wait3A_175 = tpu.memref_slice %arg9[%dma_wait3A_173, %dma_wait3A_174] : memref<256x128xf32, #tpu.memory_space<vmem>> -> memref<128x128xf32, #tpu.memory_space<vmem>>
        tpu.wait_dma2 semaphore(%arg14 : memref<!tpu.dma_semaphore, #tpu.memory_space<semaphore_mem>>) src(%dma_wait3A_175 : memref<128x128xf32, #tpu.memory_space<vmem>>) dst(%dma_wait3A_172 : memref<128x128xf32, #tpu.memory_space<hbm>>)
        %add3A_176 = arith.constant 2 : i32
        %add3A_177 = arith.addi %add3A_158, %add3A_176 : i32
        %lt3A_178 = arith.constant 80 : i32
        %lt3A_179 = arith.cmpi slt, %add3A_177, %lt3A_178 : i32
        %convert_element_type3A_180 = arith.extui %lt3A_179 : i1 to i32
        %cond3A_181 = arith.constant 0 : i32
        %cond3A_182 = arith.cmpi ne, %convert_element_type3A_180, %cond3A_181 : i32
        scf.if %cond3A_182 {
          %add3A_183 = arith.constant 2 : i32
          %add3A_184 = arith.addi %add3A_158, %add3A_183 : i32
          %dma_start3A_185 = arith.constant 128 : i32
          %dma_start3A_186 = arith.constant 0 : i32
          %dma_start3A_187 = tpu.memref_slice %arg9[%dma_start3A_185, %dma_start3A_186] : memref<256x128xf32, #tpu.memory_space<vmem>> -> memref<128x128xf32, #tpu.memory_space<vmem>>
          %dma_start3A_188 = arith.constant 0 : i32
          %dma_start3A_189 = tpu.memref_slice %arg8[%add3A_184, %dma_start3A_188] : memref<80x128xi32, #tpu.memory_space<vmem>> -> memref<1x128xi32, #tpu.memory_space<vmem>>
          %dma_start3A_190 = tpu.memref_squeeze %dma_start3A_189 : memref<1x128xi32, #tpu.memory_space<vmem>> -> memref<128xi32, #tpu.memory_space<vmem>>
          %dma_start3A_191 = arith.constant 0 : i32
          %dma_start3A_192 = arith.constant 0 : i32
          %dma_start3A_193 = tpu.memref_slice %arg10[%dma_start3A_191, %dma_start3A_192] : memref<10000x128xf32, #tpu.memory_space<vmem_shared>> -> memref<10000x128xf32, #tpu.memory_space<vmem_shared>>
          tpu.enqueue_indirect_dma source(%dma_start3A_193 : memref<10000x128xf32, #tpu.memory_space<vmem_shared>>) target(%dma_start3A_187 : memref<128x128xf32, #tpu.memory_space<vmem>>) offsets(%dma_start3A_190 : memref<128xi32, #tpu.memory_space<vmem>>) semaphore(%arg12 : memref<!tpu.dma_semaphore, #tpu.memory_space<semaphore_mem>>)
        } else {
        }
      }
      %scan3A_36 = arith.constant 40 : i32
      %mul3A_37 = arith.constant 160 : i32
      %mul3A_38 = arith.muli %arg1, %mul3A_37 : i32
      %add3A_39 = arith.constant 80 : i32
      %add3A_40 = arith.addi %mul3A_38, %add3A_39 : i32
      "tpu.region"() ({
        %run_scoped3A = tpu.sem_alloc : memref<!tpu.dma_semaphore, #tpu.memory_space<semaphore_mem>>
        %dma_start3A_67 = arith.constant 0 : i32
        %dma_start3A_68 = tpu.memref_slice %arg4[%add3A_40, %dma_start3A_67] : memref<2560x128xi32, #tpu.memory_space<hbm>> -> memref<80x128xi32, #tpu.memory_space<hbm>>
        %dma_start3A_69 = arith.constant 0 : i32
        %dma_start3A_70 = tpu.memref_slice %arg4[%add3A_40, %dma_start3A_69] : memref<2560x128xi32, #tpu.memory_space<hbm>> -> memref<80x128xi32, #tpu.memory_space<hbm>>
        tpu.enqueue_dma source(%dma_start3A_70 : memref<80x128xi32, #tpu.memory_space<hbm>>) target(%arg8 : memref<80x128xi32, #tpu.memory_space<vmem>>) target_semaphore(%run_scoped3A : memref<!tpu.dma_semaphore, #tpu.memory_space<semaphore_mem>>)
        %dma_wait3A = arith.constant 0 : i32
        %dma_wait3A_71 = tpu.memref_slice %arg4[%add3A_40, %dma_wait3A] : memref<2560x128xi32, #tpu.memory_space<hbm>> -> memref<80x128xi32, #tpu.memory_space<hbm>>
        %dma_wait3A_72 = arith.constant 0 : i32
        %dma_wait3A_73 = tpu.memref_slice %arg4[%add3A_40, %dma_wait3A_72] : memref<2560x128xi32, #tpu.memory_space<hbm>> -> memref<80x128xi32, #tpu.memory_space<hbm>>
        tpu.wait_dma2 semaphore(%run_scoped3A : memref<!tpu.dma_semaphore, #tpu.memory_space<semaphore_mem>>) src(%dma_wait3A_73 : memref<80x128xi32, #tpu.memory_space<hbm>>) dst(%arg8 : memref<80x128xi32, #tpu.memory_space<vmem>>)
        tpu.yield
      }) : () -> ()
      %dma_start3A_41 = arith.constant 0 : i32
      %dma_start3A_42 = arith.constant 0 : i32
      %dma_start3A_43 = arith.constant 0 : i32
      %dma_start3A_44 = tpu.memref_slice %arg9[%dma_start3A_42, %dma_start3A_43] : memref<256x128xf32, #tpu.memory_space<vmem>> -> memref<128x128xf32, #tpu.memory_space<vmem>>
      %dma_start3A_45 = arith.constant 0 : i32
      %dma_start3A_46 = tpu.memref_slice %arg8[%dma_start3A_41, %dma_start3A_45] : memref<80x128xi32, #tpu.memory_space<vmem>> -> memref<1x128xi32, #tpu.memory_space<vmem>>
      %dma_start3A_47 = tpu.memref_squeeze %dma_start3A_46 : memref<1x128xi32, #tpu.memory_space<vmem>> -> memref<128xi32, #tpu.memory_space<vmem>>
      %dma_start3A_48 = arith.constant 0 : i32
      %dma_start3A_49 = arith.constant 0 : i32
      %dma_start3A_50 = tpu.memref_slice %arg10[%dma_start3A_48, %dma_start3A_49] : memref<10000x128xf32, #tpu.memory_space<vmem_shared>> -> memref<10000x128xf32, #tpu.memory_space<vmem_shared>>
      tpu.enqueue_indirect_dma source(%dma_start3A_50 : memref<10000x128xf32, #tpu.memory_space<vmem_shared>>) target(%dma_start3A_44 : memref<128x128xf32, #tpu.memory_space<vmem>>) offsets(%dma_start3A_47 : memref<128xi32, #tpu.memory_space<vmem>>) semaphore(%arg11 : memref<!tpu.dma_semaphore, #tpu.memory_space<semaphore_mem>>)
      %dma_start3A_51 = arith.constant 1 : i32
      %dma_start3A_52 = arith.constant 128 : i32
      %dma_start3A_53 = arith.constant 0 : i32
      %dma_start3A_54 = tpu.memref_slice %arg9[%dma_start3A_52, %dma_start3A_53] : memref<256x128xf32, #tpu.memory_space<vmem>> -> memref<128x128xf32, #tpu.memory_space<vmem>>
      %dma_start3A_55 = arith.constant 0 : i32
      %dma_start3A_56 = tpu.memref_slice %arg8[%dma_start3A_51, %dma_start3A_55] : memref<80x128xi32, #tpu.memory_space<vmem>> -> memref<1x128xi32, #tpu.memory_space<vmem>>
      %dma_start3A_57 = tpu.memref_squeeze %dma_start3A_56 : memref<1x128xi32, #tpu.memory_space<vmem>> -> memref<128xi32, #tpu.memory_space<vmem>>
      %dma_start3A_58 = arith.constant 0 : i32
      %dma_start3A_59 = arith.constant 0 : i32
      %dma_start3A_60 = tpu.memref_slice %arg10[%dma_start3A_58, %dma_start3A_59] : memref<10000x128xf32, #tpu.memory_space<vmem_shared>> -> memref<10000x128xf32, #tpu.memory_space<vmem_shared>>
      tpu.enqueue_indirect_dma source(%dma_start3A_60 : memref<10000x128xf32, #tpu.memory_space<vmem_shared>>) target(%dma_start3A_54 : memref<128x128xf32, #tpu.memory_space<vmem>>) offsets(%dma_start3A_57 : memref<128xi32, #tpu.memory_space<vmem>>) semaphore(%arg12 : memref<!tpu.dma_semaphore, #tpu.memory_space<semaphore_mem>>)
      %scan3A_61 = arith.constant 0 : i32
      %scan3A_62 = arith.constant 0 : i32
      %scan3A_63 = arith.constant 40 : i32
      %scan3A_64 = arith.addi %scan3A_62, %scan3A_63 : i32
      %scan3A_65 = arith.constant 1 : i32
      scf.for %scan3A_67 = %scan3A_62 to %scan3A_64 step %scan3A_65  : i32 {
        %mul3A_68 = arith.constant 2 : i32
        %mul3A_69 = arith.muli %scan3A_67, %mul3A_68 : i32
        %add3A_70 = arith.constant 0 : i32
        %add3A_71 = arith.addi %mul3A_69, %add3A_70 : i32
        %mul3A_72 = arith.constant 20480 : i32
        %mul3A_73 = arith.muli %arg1, %mul3A_72 : i32
        %add3A_74 = arith.constant 80 : i32
        %add3A_75 = arith.addi %add3A_74, %add3A_71 : i32
        %mul3A_76 = arith.constant 128 : i32
        %mul3A_77 = arith.muli %add3A_75, %mul3A_76 : i32
        %add3A_78 = arith.addi %mul3A_73, %mul3A_77 : i32
        %dma_wait3A = arith.constant 0 : i32
        %dma_wait3A_79 = arith.constant 0 : i32
        %dma_wait3A_80 = tpu.memref_slice %arg9[%dma_wait3A, %dma_wait3A_79] : memref<256x128xf32, #tpu.memory_space<vmem>> -> memref<128x128xf32, #tpu.memory_space<vmem>>
        %dma_wait3A_81 = arith.constant 0 : i32
        %dma_wait3A_82 = tpu.memref_slice %arg8[%add3A_71, %dma_wait3A_81] : memref<80x128xi32, #tpu.memory_space<vmem>> -> memref<1x128xi32, #tpu.memory_space<vmem>>
        %dma_wait3A_83 = tpu.memref_squeeze %dma_wait3A_82 : memref<1x128xi32, #tpu.memory_space<vmem>> -> memref<128xi32, #tpu.memory_space<vmem>>
        %dma_wait3A_84 = arith.constant 0 : i32
        %dma_wait3A_85 = arith.constant 0 : i32
        %dma_wait3A_86 = tpu.memref_slice %arg10[%dma_wait3A_84, %dma_wait3A_85] : memref<10000x128xf32, #tpu.memory_space<vmem_shared>> -> memref<10000x128xf32, #tpu.memory_space<vmem_shared>>
        tpu.wait_indirect_dma semaphore(%arg11 : memref<!tpu.dma_semaphore, #tpu.memory_space<semaphore_mem>>) src(%dma_wait3A_86 : memref<10000x128xf32, #tpu.memory_space<vmem_shared>>) dst(%dma_wait3A_80 : memref<128x128xf32, #tpu.memory_space<vmem>>)
        %dma_start3A_87 = arith.constant 0 : i32
        %dma_start3A_88 = arith.constant 0 : i32
        %dma_start3A_89 = tpu.memref_slice %arg9[%dma_start3A_87, %dma_start3A_88] : memref<256x128xf32, #tpu.memory_space<vmem>> -> memref<128x128xf32, #tpu.memory_space<vmem>>
        %dma_start3A_90 = arith.constant 0 : i32
        %dma_start3A_91 = tpu.memref_slice %arg6[%add3A_78, %dma_start3A_90] : memref<327680x128xf32, #tpu.memory_space<hbm>> -> memref<128x128xf32, #tpu.memory_space<hbm>>
        %dma_start3A_92 = arith.constant 0 : i32
        %dma_start3A_93 = tpu.memref_slice %arg6[%add3A_78, %dma_start3A_92] : memref<327680x128xf32, #tpu.memory_space<hbm>> -> memref<128x128xf32, #tpu.memory_space<hbm>>
        %dma_start3A_94 = arith.constant 0 : i32
        %dma_start3A_95 = arith.constant 0 : i32
        %dma_start3A_96 = tpu.memref_slice %arg9[%dma_start3A_94, %dma_start3A_95] : memref<256x128xf32, #tpu.memory_space<vmem>> -> memref<128x128xf32, #tpu.memory_space<vmem>>
        tpu.enqueue_dma source(%dma_start3A_96 : memref<128x128xf32, #tpu.memory_space<vmem>>) target(%dma_start3A_93 : memref<128x128xf32, #tpu.memory_space<hbm>>) target_semaphore(%arg13 : memref<!tpu.dma_semaphore, #tpu.memory_space<semaphore_mem>>)
        %mul3A_97 = arith.constant 2 : i32
        %mul3A_98 = arith.muli %scan3A_67, %mul3A_97 : i32
        %add3A_99 = arith.constant 1 : i32
        %add3A_100 = arith.addi %mul3A_98, %add3A_99 : i32
        %mul3A_101 = arith.constant 20480 : i32
        %mul3A_102 = arith.muli %arg1, %mul3A_101 : i32
        %add3A_103 = arith.constant 80 : i32
        %add3A_104 = arith.addi %add3A_103, %add3A_100 : i32
        %mul3A_105 = arith.constant 128 : i32
        %mul3A_106 = arith.muli %add3A_104, %mul3A_105 : i32
        %add3A_107 = arith.addi %mul3A_102, %mul3A_106 : i32
        %dma_wait3A_108 = arith.constant 128 : i32
        %dma_wait3A_109 = arith.constant 0 : i32
        %dma_wait3A_110 = tpu.memref_slice %arg9[%dma_wait3A_108, %dma_wait3A_109] : memref<256x128xf32, #tpu.memory_space<vmem>> -> memref<128x128xf32, #tpu.memory_space<vmem>>
        %dma_wait3A_111 = arith.constant 0 : i32
        %dma_wait3A_112 = tpu.memref_slice %arg8[%add3A_100, %dma_wait3A_111] : memref<80x128xi32, #tpu.memory_space<vmem>> -> memref<1x128xi32, #tpu.memory_space<vmem>>
        %dma_wait3A_113 = tpu.memref_squeeze %dma_wait3A_112 : memref<1x128xi32, #tpu.memory_space<vmem>> -> memref<128xi32, #tpu.memory_space<vmem>>
        %dma_wait3A_114 = arith.constant 0 : i32
        %dma_wait3A_115 = arith.constant 0 : i32
        %dma_wait3A_116 = tpu.memref_slice %arg10[%dma_wait3A_114, %dma_wait3A_115] : memref<10000x128xf32, #tpu.memory_space<vmem_shared>> -> memref<10000x128xf32, #tpu.memory_space<vmem_shared>>
        tpu.wait_indirect_dma semaphore(%arg12 : memref<!tpu.dma_semaphore, #tpu.memory_space<semaphore_mem>>) src(%dma_wait3A_116 : memref<10000x128xf32, #tpu.memory_space<vmem_shared>>) dst(%dma_wait3A_110 : memref<128x128xf32, #tpu.memory_space<vmem>>)
        %dma_start3A_117 = arith.constant 128 : i32
        %dma_start3A_118 = arith.constant 0 : i32
        %dma_start3A_119 = tpu.memref_slice %arg9[%dma_start3A_117, %dma_start3A_118] : memref<256x128xf32, #tpu.memory_space<vmem>> -> memref<128x128xf32, #tpu.memory_space<vmem>>
        %dma_start3A_120 = arith.constant 0 : i32
        %dma_start3A_121 = tpu.memref_slice %arg6[%add3A_107, %dma_start3A_120] : memref<327680x128xf32, #tpu.memory_space<hbm>> -> memref<128x128xf32, #tpu.memory_space<hbm>>
        %dma_start3A_122 = arith.constant 0 : i32
        %dma_start3A_123 = tpu.memref_slice %arg6[%add3A_107, %dma_start3A_122] : memref<327680x128xf32, #tpu.memory_space<hbm>> -> memref<128x128xf32, #tpu.memory_space<hbm>>
        %dma_start3A_124 = arith.constant 128 : i32
        %dma_start3A_125 = arith.constant 0 : i32
        %dma_start3A_126 = tpu.memref_slice %arg9[%dma_start3A_124, %dma_start3A_125] : memref<256x128xf32, #tpu.memory_space<vmem>> -> memref<128x128xf32, #tpu.memory_space<vmem>>
        tpu.enqueue_dma source(%dma_start3A_126 : memref<128x128xf32, #tpu.memory_space<vmem>>) target(%dma_start3A_123 : memref<128x128xf32, #tpu.memory_space<hbm>>) target_semaphore(%arg14 : memref<!tpu.dma_semaphore, #tpu.memory_space<semaphore_mem>>)
        %mul3A_127 = arith.constant 2 : i32
        %mul3A_128 = arith.muli %scan3A_67, %mul3A_127 : i32
        %add3A_129 = arith.constant 0 : i32
        %add3A_130 = arith.addi %mul3A_128, %add3A_129 : i32
        %mul3A_131 = arith.constant 20480 : i32
        %mul3A_132 = arith.muli %arg1, %mul3A_131 : i32
        %add3A_133 = arith.constant 80 : i32
        %add3A_134 = arith.addi %add3A_133, %add3A_130 : i32
        %mul3A_135 = arith.constant 128 : i32
        %mul3A_136 = arith.muli %add3A_134, %mul3A_135 : i32
        %add3A_137 = arith.addi %mul3A_132, %mul3A_136 : i32
        %dma_wait3A_138 = arith.constant 0 : i32
        %dma_wait3A_139 = arith.constant 0 : i32
        %dma_wait3A_140 = tpu.memref_slice %arg9[%dma_wait3A_138, %dma_wait3A_139] : memref<256x128xf32, #tpu.memory_space<vmem>> -> memref<128x128xf32, #tpu.memory_space<vmem>>
        %dma_wait3A_141 = arith.constant 0 : i32
        %dma_wait3A_142 = tpu.memref_slice %arg6[%add3A_137, %dma_wait3A_141] : memref<327680x128xf32, #tpu.memory_space<hbm>> -> memref<128x128xf32, #tpu.memory_space<hbm>>
        %dma_wait3A_143 = arith.constant 0 : i32
        %dma_wait3A_144 = tpu.memref_slice %arg6[%add3A_137, %dma_wait3A_143] : memref<327680x128xf32, #tpu.memory_space<hbm>> -> memref<128x128xf32, #tpu.memory_space<hbm>>
        %dma_wait3A_145 = arith.constant 0 : i32
        %dma_wait3A_146 = arith.constant 0 : i32
        %dma_wait3A_147 = tpu.memref_slice %arg9[%dma_wait3A_145, %dma_wait3A_146] : memref<256x128xf32, #tpu.memory_space<vmem>> -> memref<128x128xf32, #tpu.memory_space<vmem>>
        tpu.wait_dma2 semaphore(%arg13 : memref<!tpu.dma_semaphore, #tpu.memory_space<semaphore_mem>>) src(%dma_wait3A_147 : memref<128x128xf32, #tpu.memory_space<vmem>>) dst(%dma_wait3A_144 : memref<128x128xf32, #tpu.memory_space<hbm>>)
        %add3A_148 = arith.constant 2 : i32
        %add3A_149 = arith.addi %add3A_130, %add3A_148 : i32
        %lt3A_150 = arith.constant 80 : i32
        %lt3A_151 = arith.cmpi slt, %add3A_149, %lt3A_150 : i32
        %convert_element_type3A_152 = arith.extui %lt3A_151 : i1 to i32
        %cond3A_153 = arith.constant 0 : i32
        %cond3A_154 = arith.cmpi ne, %convert_element_type3A_152, %cond3A_153 : i32
        scf.if %cond3A_154 {
          %add3A_183 = arith.constant 2 : i32
          %add3A_184 = arith.addi %add3A_130, %add3A_183 : i32
          %dma_start3A_185 = arith.constant 0 : i32
          %dma_start3A_186 = arith.constant 0 : i32
          %dma_start3A_187 = tpu.memref_slice %arg9[%dma_start3A_185, %dma_start3A_186] : memref<256x128xf32, #tpu.memory_space<vmem>> -> memref<128x128xf32, #tpu.memory_space<vmem>>
          %dma_start3A_188 = arith.constant 0 : i32
          %dma_start3A_189 = tpu.memref_slice %arg8[%add3A_184, %dma_start3A_188] : memref<80x128xi32, #tpu.memory_space<vmem>> -> memref<1x128xi32, #tpu.memory_space<vmem>>
          %dma_start3A_190 = tpu.memref_squeeze %dma_start3A_189 : memref<1x128xi32, #tpu.memory_space<vmem>> -> memref<128xi32, #tpu.memory_space<vmem>>
          %dma_start3A_191 = arith.constant 0 : i32
          %dma_start3A_192 = arith.constant 0 : i32
          %dma_start3A_193 = tpu.memref_slice %arg10[%dma_start3A_191, %dma_start3A_192] : memref<10000x128xf32, #tpu.memory_space<vmem_shared>> -> memref<10000x128xf32, #tpu.memory_space<vmem_shared>>
          tpu.enqueue_indirect_dma source(%dma_start3A_193 : memref<10000x128xf32, #tpu.memory_space<vmem_shared>>) target(%dma_start3A_187 : memref<128x128xf32, #tpu.memory_space<vmem>>) offsets(%dma_start3A_190 : memref<128xi32, #tpu.memory_space<vmem>>) semaphore(%arg11 : memref<!tpu.dma_semaphore, #tpu.memory_space<semaphore_mem>>)
        } else {
        }
        %mul3A_155 = arith.constant 2 : i32
        %mul3A_156 = arith.muli %scan3A_67, %mul3A_155 : i32
        %add3A_157 = arith.constant 1 : i32
        %add3A_158 = arith.addi %mul3A_156, %add3A_157 : i32
        %mul3A_159 = arith.constant 20480 : i32
        %mul3A_160 = arith.muli %arg1, %mul3A_159 : i32
        %add3A_161 = arith.constant 80 : i32
        %add3A_162 = arith.addi %add3A_161, %add3A_158 : i32
        %mul3A_163 = arith.constant 128 : i32
        %mul3A_164 = arith.muli %add3A_162, %mul3A_163 : i32
        %add3A_165 = arith.addi %mul3A_160, %mul3A_164 : i32
        %dma_wait3A_166 = arith.constant 128 : i32
        %dma_wait3A_167 = arith.constant 0 : i32
        %dma_wait3A_168 = tpu.memref_slice %arg9[%dma_wait3A_166, %dma_wait3A_167] : memref<256x128xf32, #tpu.memory_space<vmem>> -> memref<128x128xf32, #tpu.memory_space<vmem>>
        %dma_wait3A_169 = arith.constant 0 : i32
        %dma_wait3A_170 = tpu.memref_slice %arg6[%add3A_165, %dma_wait3A_169] : memref<327680x128xf32, #tpu.memory_space<hbm>> -> memref<128x128xf32, #tpu.memory_space<hbm>>
        %dma_wait3A_171 = arith.constant 0 : i32
        %dma_wait3A_172 = tpu.memref_slice %arg6[%add3A_165, %dma_wait3A_171] : memref<327680x128xf32, #tpu.memory_space<hbm>> -> memref<128x128xf32, #tpu.memory_space<hbm>>
        %dma_wait3A_173 = arith.constant 128 : i32
        %dma_wait3A_174 = arith.constant 0 : i32
        %dma_wait3A_175 = tpu.memref_slice %arg9[%dma_wait3A_173, %dma_wait3A_174] : memref<256x128xf32, #tpu.memory_space<vmem>> -> memref<128x128xf32, #tpu.memory_space<vmem>>
        tpu.wait_dma2 semaphore(%arg14 : memref<!tpu.dma_semaphore, #tpu.memory_space<semaphore_mem>>) src(%dma_wait3A_175 : memref<128x128xf32, #tpu.memory_space<vmem>>) dst(%dma_wait3A_172 : memref<128x128xf32, #tpu.memory_space<hbm>>)
        %add3A_176 = arith.constant 2 : i32
        %add3A_177 = arith.addi %add3A_158, %add3A_176 : i32
        %lt3A_178 = arith.constant 80 : i32
        %lt3A_179 = arith.cmpi slt, %add3A_177, %lt3A_178 : i32
        %convert_element_type3A_180 = arith.extui %lt3A_179 : i1 to i32
        %cond3A_181 = arith.constant 0 : i32
        %cond3A_182 = arith.cmpi ne, %convert_element_type3A_180, %cond3A_181 : i32
        scf.if %cond3A_182 {
          %add3A_183 = arith.constant 2 : i32
          %add3A_184 = arith.addi %add3A_158, %add3A_183 : i32
          %dma_start3A_185 = arith.constant 128 : i32
          %dma_start3A_186 = arith.constant 0 : i32
          %dma_start3A_187 = tpu.memref_slice %arg9[%dma_start3A_185, %dma_start3A_186] : memref<256x128xf32, #tpu.memory_space<vmem>> -> memref<128x128xf32, #tpu.memory_space<vmem>>
          %dma_start3A_188 = arith.constant 0 : i32
          %dma_start3A_189 = tpu.memref_slice %arg8[%add3A_184, %dma_start3A_188] : memref<80x128xi32, #tpu.memory_space<vmem>> -> memref<1x128xi32, #tpu.memory_space<vmem>>
          %dma_start3A_190 = tpu.memref_squeeze %dma_start3A_189 : memref<1x128xi32, #tpu.memory_space<vmem>> -> memref<128xi32, #tpu.memory_space<vmem>>
          %dma_start3A_191 = arith.constant 0 : i32
          %dma_start3A_192 = arith.constant 0 : i32
          %dma_start3A_193 = tpu.memref_slice %arg10[%dma_start3A_191, %dma_start3A_192] : memref<10000x128xf32, #tpu.memory_space<vmem_shared>> -> memref<10000x128xf32, #tpu.memory_space<vmem_shared>>
          tpu.enqueue_indirect_dma source(%dma_start3A_193 : memref<10000x128xf32, #tpu.memory_space<vmem_shared>>) target(%dma_start3A_187 : memref<128x128xf32, #tpu.memory_space<vmem>>) offsets(%dma_start3A_190 : memref<128xi32, #tpu.memory_space<vmem>>) semaphore(%arg12 : memref<!tpu.dma_semaphore, #tpu.memory_space<semaphore_mem>>)
        } else {
        }
      }
      %scan3A_66 = arith.constant 40 : i32
    } else {
    }
    %eq3A_2 = arith.constant 1 : i32
    %eq3A_3 = arith.cmpi eq, %arg0, %eq3A_2 : i32
    %convert_element_type3A_4 = arith.extui %eq3A_3 : i1 to i32
    %cond3A_5 = arith.constant 0 : i32
    %cond3A_6 = arith.cmpi ne, %convert_element_type3A_4, %cond3A_5 : i32
    scf.if %cond3A_6 {
      %lt3A = arith.constant 10 : i32
      %lt3A_7 = arith.cmpi slt, %arg1, %lt3A : i32
      %convert_element_type3A_8 = arith.extui %lt3A_7 : i1 to i32
      %cond3A_9 = arith.constant 0 : i32
      %cond3A_10 = arith.cmpi ne, %convert_element_type3A_8, %cond3A_9 : i32
      scf.if %cond3A_10 {
        %mul3A_67 = arith.constant 1000 : i32
        %mul3A_68 = arith.muli %arg1, %mul3A_67 : i32
        %mul3A_69 = arith.constant 1000 : i32
        %mul3A_70 = arith.muli %arg1, %mul3A_69 : i32
        "tpu.region"() ({
          %run_scoped3A = tpu.sem_alloc : memref<!tpu.dma_semaphore, #tpu.memory_space<semaphore_mem>>
          %dma_start3A_71 = arith.constant 0 : i32
          %dma_start3A_72 = tpu.memref_slice %arg10[%mul3A_70, %dma_start3A_71] : memref<10000x128xf32, #tpu.memory_space<vmem_shared>> -> memref<1000x128xf32, #tpu.memory_space<vmem_shared>>
          %dma_start3A_73 = arith.constant 0 : i32
          %dma_start3A_74 = tpu.memref_slice %arg3[%mul3A_68, %dma_start3A_73] : memref<10000x128xf32, #tpu.memory_space<hbm>> -> memref<1000x128xf32, #tpu.memory_space<hbm>>
          tpu.enqueue_dma source(%dma_start3A_74 : memref<1000x128xf32, #tpu.memory_space<hbm>>) target(%dma_start3A_72 : memref<1000x128xf32, #tpu.memory_space<vmem_shared>>) target_semaphore(%run_scoped3A : memref<!tpu.dma_semaphore, #tpu.memory_space<semaphore_mem>>)
          %dma_wait3A = arith.constant 0 : i32
          %dma_wait3A_75 = tpu.memref_slice %arg10[%mul3A_70, %dma_wait3A] : memref<10000x128xf32, #tpu.memory_space<vmem_shared>> -> memref<1000x128xf32, #tpu.memory_space<vmem_shared>>
          %dma_wait3A_76 = arith.constant 0 : i32
          %dma_wait3A_77 = tpu.memref_slice %arg3[%mul3A_68, %dma_wait3A_76] : memref<10000x128xf32, #tpu.memory_space<hbm>> -> memref<1000x128xf32, #tpu.memory_space<hbm>>
          tpu.wait_dma2 semaphore(%run_scoped3A : memref<!tpu.dma_semaphore, #tpu.memory_space<semaphore_mem>>) src(%dma_wait3A_77 : memref<1000x128xf32, #tpu.memory_space<hbm>>) dst(%dma_wait3A_75 : memref<1000x128xf32, #tpu.memory_space<vmem_shared>>)
          tpu.yield
        }) : () -> ()
      } else {
      }
      %barrier3A = arith.constant 0 : index
      tpu.barrier barrier_id(%barrier3A)
      %mul3A = arith.constant 160 : i32
      %mul3A_11 = arith.muli %arg1, %mul3A : i32
      %add3A = arith.constant 0 : i32
      %add3A_12 = arith.addi %mul3A_11, %add3A : i32
      "tpu.region"() ({
        %run_scoped3A = tpu.sem_alloc : memref<!tpu.dma_semaphore, #tpu.memory_space<semaphore_mem>>
        %dma_start3A_67 = arith.constant 0 : i32
        %dma_start3A_68 = tpu.memref_slice %arg5[%add3A_12, %dma_start3A_67] : memref<2560x128xi32, #tpu.memory_space<hbm>> -> memref<80x128xi32, #tpu.memory_space<hbm>>
        %dma_start3A_69 = arith.constant 0 : i32
        %dma_start3A_70 = tpu.memref_slice %arg5[%add3A_12, %dma_start3A_69] : memref<2560x128xi32, #tpu.memory_space<hbm>> -> memref<80x128xi32, #tpu.memory_space<hbm>>
        tpu.enqueue_dma source(%dma_start3A_70 : memref<80x128xi32, #tpu.memory_space<hbm>>) target(%arg8 : memref<80x128xi32, #tpu.memory_space<vmem>>) target_semaphore(%run_scoped3A : memref<!tpu.dma_semaphore, #tpu.memory_space<semaphore_mem>>)
        %dma_wait3A = arith.constant 0 : i32
        %dma_wait3A_71 = tpu.memref_slice %arg5[%add3A_12, %dma_wait3A] : memref<2560x128xi32, #tpu.memory_space<hbm>> -> memref<80x128xi32, #tpu.memory_space<hbm>>
        %dma_wait3A_72 = arith.constant 0 : i32
        %dma_wait3A_73 = tpu.memref_slice %arg5[%add3A_12, %dma_wait3A_72] : memref<2560x128xi32, #tpu.memory_space<hbm>> -> memref<80x128xi32, #tpu.memory_space<hbm>>
        tpu.wait_dma2 semaphore(%run_scoped3A : memref<!tpu.dma_semaphore, #tpu.memory_space<semaphore_mem>>) src(%dma_wait3A_73 : memref<80x128xi32, #tpu.memory_space<hbm>>) dst(%arg8 : memref<80x128xi32, #tpu.memory_space<vmem>>)
        tpu.yield
      }) : () -> ()
      %dma_start3A = arith.constant 0 : i32
      %dma_start3A_13 = arith.constant 0 : i32
      %dma_start3A_14 = arith.constant 0 : i32
      %dma_start3A_15 = tpu.memref_slice %arg9[%dma_start3A_13, %dma_start3A_14] : memref<256x128xf32, #tpu.memory_space<vmem>> -> memref<128x128xf32, #tpu.memory_space<vmem>>
      %dma_start3A_16 = arith.constant 0 : i32
      %dma_start3A_17 = tpu.memref_slice %arg8[%dma_start3A, %dma_start3A_16] : memref<80x128xi32, #tpu.memory_space<vmem>> -> memref<1x128xi32, #tpu.memory_space<vmem>>
      %dma_start3A_18 = tpu.memref_squeeze %dma_start3A_17 : memref<1x128xi32, #tpu.memory_space<vmem>> -> memref<128xi32, #tpu.memory_space<vmem>>
      %dma_start3A_19 = arith.constant 0 : i32
      %dma_start3A_20 = arith.constant 0 : i32
      %dma_start3A_21 = tpu.memref_slice %arg10[%dma_start3A_19, %dma_start3A_20] : memref<10000x128xf32, #tpu.memory_space<vmem_shared>> -> memref<10000x128xf32, #tpu.memory_space<vmem_shared>>
      tpu.enqueue_indirect_dma source(%dma_start3A_21 : memref<10000x128xf32, #tpu.memory_space<vmem_shared>>) target(%dma_start3A_15 : memref<128x128xf32, #tpu.memory_space<vmem>>) offsets(%dma_start3A_18 : memref<128xi32, #tpu.memory_space<vmem>>) semaphore(%arg11 : memref<!tpu.dma_semaphore, #tpu.memory_space<semaphore_mem>>)
      %dma_start3A_22 = arith.constant 1 : i32
      %dma_start3A_23 = arith.constant 128 : i32
      %dma_start3A_24 = arith.constant 0 : i32
      %dma_start3A_25 = tpu.memref_slice %arg9[%dma_start3A_23, %dma_start3A_24] : memref<256x128xf32, #tpu.memory_space<vmem>> -> memref<128x128xf32, #tpu.memory_space<vmem>>
      %dma_start3A_26 = arith.constant 0 : i32
      %dma_start3A_27 = tpu.memref_slice %arg8[%dma_start3A_22, %dma_start3A_26] : memref<80x128xi32, #tpu.memory_space<vmem>> -> memref<1x128xi32, #tpu.memory_space<vmem>>
      %dma_start3A_28 = tpu.memref_squeeze %dma_start3A_27 : memref<1x128xi32, #tpu.memory_space<vmem>> -> memref<128xi32, #tpu.memory_space<vmem>>
      %dma_start3A_29 = arith.constant 0 : i32
      %dma_start3A_30 = arith.constant 0 : i32
      %dma_start3A_31 = tpu.memref_slice %arg10[%dma_start3A_29, %dma_start3A_30] : memref<10000x128xf32, #tpu.memory_space<vmem_shared>> -> memref<10000x128xf32, #tpu.memory_space<vmem_shared>>
      tpu.enqueue_indirect_dma source(%dma_start3A_31 : memref<10000x128xf32, #tpu.memory_space<vmem_shared>>) target(%dma_start3A_25 : memref<128x128xf32, #tpu.memory_space<vmem>>) offsets(%dma_start3A_28 : memref<128xi32, #tpu.memory_space<vmem>>) semaphore(%arg12 : memref<!tpu.dma_semaphore, #tpu.memory_space<semaphore_mem>>)
      %scan3A = arith.constant 0 : i32
      %scan3A_32 = arith.constant 0 : i32
      %scan3A_33 = arith.constant 40 : i32
      %scan3A_34 = arith.addi %scan3A_32, %scan3A_33 : i32
      %scan3A_35 = arith.constant 1 : i32
      scf.for %scan3A_67 = %scan3A_32 to %scan3A_34 step %scan3A_35  : i32 {
        %mul3A_68 = arith.constant 2 : i32
        %mul3A_69 = arith.muli %scan3A_67, %mul3A_68 : i32
        %add3A_70 = arith.constant 0 : i32
        %add3A_71 = arith.addi %mul3A_69, %add3A_70 : i32
        %mul3A_72 = arith.constant 20480 : i32
        %mul3A_73 = arith.muli %arg1, %mul3A_72 : i32
        %add3A_74 = arith.constant 0 : i32
        %add3A_75 = arith.addi %add3A_74, %add3A_71 : i32
        %mul3A_76 = arith.constant 128 : i32
        %mul3A_77 = arith.muli %add3A_75, %mul3A_76 : i32
        %add3A_78 = arith.addi %mul3A_73, %mul3A_77 : i32
        %dma_wait3A = arith.constant 0 : i32
        %dma_wait3A_79 = arith.constant 0 : i32
        %dma_wait3A_80 = tpu.memref_slice %arg9[%dma_wait3A, %dma_wait3A_79] : memref<256x128xf32, #tpu.memory_space<vmem>> -> memref<128x128xf32, #tpu.memory_space<vmem>>
        %dma_wait3A_81 = arith.constant 0 : i32
        %dma_wait3A_82 = tpu.memref_slice %arg8[%add3A_71, %dma_wait3A_81] : memref<80x128xi32, #tpu.memory_space<vmem>> -> memref<1x128xi32, #tpu.memory_space<vmem>>
        %dma_wait3A_83 = tpu.memref_squeeze %dma_wait3A_82 : memref<1x128xi32, #tpu.memory_space<vmem>> -> memref<128xi32, #tpu.memory_space<vmem>>
        %dma_wait3A_84 = arith.constant 0 : i32
        %dma_wait3A_85 = arith.constant 0 : i32
        %dma_wait3A_86 = tpu.memref_slice %arg10[%dma_wait3A_84, %dma_wait3A_85] : memref<10000x128xf32, #tpu.memory_space<vmem_shared>> -> memref<10000x128xf32, #tpu.memory_space<vmem_shared>>
        tpu.wait_indirect_dma semaphore(%arg11 : memref<!tpu.dma_semaphore, #tpu.memory_space<semaphore_mem>>) src(%dma_wait3A_86 : memref<10000x128xf32, #tpu.memory_space<vmem_shared>>) dst(%dma_wait3A_80 : memref<128x128xf32, #tpu.memory_space<vmem>>)
        %dma_start3A_87 = arith.constant 0 : i32
        %dma_start3A_88 = arith.constant 0 : i32
        %dma_start3A_89 = tpu.memref_slice %arg9[%dma_start3A_87, %dma_start3A_88] : memref<256x128xf32, #tpu.memory_space<vmem>> -> memref<128x128xf32, #tpu.memory_space<vmem>>
        %dma_start3A_90 = arith.constant 0 : i32
        %dma_start3A_91 = tpu.memref_slice %arg7[%add3A_78, %dma_start3A_90] : memref<327680x128xf32, #tpu.memory_space<hbm>> -> memref<128x128xf32, #tpu.memory_space<hbm>>
        %dma_start3A_92 = arith.constant 0 : i32
        %dma_start3A_93 = tpu.memref_slice %arg7[%add3A_78, %dma_start3A_92] : memref<327680x128xf32, #tpu.memory_space<hbm>> -> memref<128x128xf32, #tpu.memory_space<hbm>>
        %dma_start3A_94 = arith.constant 0 : i32
        %dma_start3A_95 = arith.constant 0 : i32
        %dma_start3A_96 = tpu.memref_slice %arg9[%dma_start3A_94, %dma_start3A_95] : memref<256x128xf32, #tpu.memory_space<vmem>> -> memref<128x128xf32, #tpu.memory_space<vmem>>
        tpu.enqueue_dma source(%dma_start3A_96 : memref<128x128xf32, #tpu.memory_space<vmem>>) target(%dma_start3A_93 : memref<128x128xf32, #tpu.memory_space<hbm>>) target_semaphore(%arg13 : memref<!tpu.dma_semaphore, #tpu.memory_space<semaphore_mem>>)
        %mul3A_97 = arith.constant 2 : i32
        %mul3A_98 = arith.muli %scan3A_67, %mul3A_97 : i32
        %add3A_99 = arith.constant 1 : i32
        %add3A_100 = arith.addi %mul3A_98, %add3A_99 : i32
        %mul3A_101 = arith.constant 20480 : i32
        %mul3A_102 = arith.muli %arg1, %mul3A_101 : i32
        %add3A_103 = arith.constant 0 : i32
        %add3A_104 = arith.addi %add3A_103, %add3A_100 : i32
        %mul3A_105 = arith.constant 128 : i32
        %mul3A_106 = arith.muli %add3A_104, %mul3A_105 : i32
        %add3A_107 = arith.addi %mul3A_102, %mul3A_106 : i32
        %dma_wait3A_108 = arith.constant 128 : i32
        %dma_wait3A_109 = arith.constant 0 : i32
        %dma_wait3A_110 = tpu.memref_slice %arg9[%dma_wait3A_108, %dma_wait3A_109] : memref<256x128xf32, #tpu.memory_space<vmem>> -> memref<128x128xf32, #tpu.memory_space<vmem>>
        %dma_wait3A_111 = arith.constant 0 : i32
        %dma_wait3A_112 = tpu.memref_slice %arg8[%add3A_100, %dma_wait3A_111] : memref<80x128xi32, #tpu.memory_space<vmem>> -> memref<1x128xi32, #tpu.memory_space<vmem>>
        %dma_wait3A_113 = tpu.memref_squeeze %dma_wait3A_112 : memref<1x128xi32, #tpu.memory_space<vmem>> -> memref<128xi32, #tpu.memory_space<vmem>>
        %dma_wait3A_114 = arith.constant 0 : i32
        %dma_wait3A_115 = arith.constant 0 : i32
        %dma_wait3A_116 = tpu.memref_slice %arg10[%dma_wait3A_114, %dma_wait3A_115] : memref<10000x128xf32, #tpu.memory_space<vmem_shared>> -> memref<10000x128xf32, #tpu.memory_space<vmem_shared>>
        tpu.wait_indirect_dma semaphore(%arg12 : memref<!tpu.dma_semaphore, #tpu.memory_space<semaphore_mem>>) src(%dma_wait3A_116 : memref<10000x128xf32, #tpu.memory_space<vmem_shared>>) dst(%dma_wait3A_110 : memref<128x128xf32, #tpu.memory_space<vmem>>)
        %dma_start3A_117 = arith.constant 128 : i32
        %dma_start3A_118 = arith.constant 0 : i32
        %dma_start3A_119 = tpu.memref_slice %arg9[%dma_start3A_117, %dma_start3A_118] : memref<256x128xf32, #tpu.memory_space<vmem>> -> memref<128x128xf32, #tpu.memory_space<vmem>>
        %dma_start3A_120 = arith.constant 0 : i32
        %dma_start3A_121 = tpu.memref_slice %arg7[%add3A_107, %dma_start3A_120] : memref<327680x128xf32, #tpu.memory_space<hbm>> -> memref<128x128xf32, #tpu.memory_space<hbm>>
        %dma_start3A_122 = arith.constant 0 : i32
        %dma_start3A_123 = tpu.memref_slice %arg7[%add3A_107, %dma_start3A_122] : memref<327680x128xf32, #tpu.memory_space<hbm>> -> memref<128x128xf32, #tpu.memory_space<hbm>>
        %dma_start3A_124 = arith.constant 128 : i32
        %dma_start3A_125 = arith.constant 0 : i32
        %dma_start3A_126 = tpu.memref_slice %arg9[%dma_start3A_124, %dma_start3A_125] : memref<256x128xf32, #tpu.memory_space<vmem>> -> memref<128x128xf32, #tpu.memory_space<vmem>>
        tpu.enqueue_dma source(%dma_start3A_126 : memref<128x128xf32, #tpu.memory_space<vmem>>) target(%dma_start3A_123 : memref<128x128xf32, #tpu.memory_space<hbm>>) target_semaphore(%arg14 : memref<!tpu.dma_semaphore, #tpu.memory_space<semaphore_mem>>)
        %mul3A_127 = arith.constant 2 : i32
        %mul3A_128 = arith.muli %scan3A_67, %mul3A_127 : i32
        %add3A_129 = arith.constant 0 : i32
        %add3A_130 = arith.addi %mul3A_128, %add3A_129 : i32
        %mul3A_131 = arith.constant 20480 : i32
        %mul3A_132 = arith.muli %arg1, %mul3A_131 : i32
        %add3A_133 = arith.constant 0 : i32
        %add3A_134 = arith.addi %add3A_133, %add3A_130 : i32
        %mul3A_135 = arith.constant 128 : i32
        %mul3A_136 = arith.muli %add3A_134, %mul3A_135 : i32
        %add3A_137 = arith.addi %mul3A_132, %mul3A_136 : i32
        %dma_wait3A_138 = arith.constant 0 : i32
        %dma_wait3A_139 = arith.constant 0 : i32
        %dma_wait3A_140 = tpu.memref_slice %arg9[%dma_wait3A_138, %dma_wait3A_139] : memref<256x128xf32, #tpu.memory_space<vmem>> -> memref<128x128xf32, #tpu.memory_space<vmem>>
        %dma_wait3A_141 = arith.constant 0 : i32
        %dma_wait3A_142 = tpu.memref_slice %arg7[%add3A_137, %dma_wait3A_141] : memref<327680x128xf32, #tpu.memory_space<hbm>> -> memref<128x128xf32, #tpu.memory_space<hbm>>
        %dma_wait3A_143 = arith.constant 0 : i32
        %dma_wait3A_144 = tpu.memref_slice %arg7[%add3A_137, %dma_wait3A_143] : memref<327680x128xf32, #tpu.memory_space<hbm>> -> memref<128x128xf32, #tpu.memory_space<hbm>>
        %dma_wait3A_145 = arith.constant 0 : i32
        %dma_wait3A_146 = arith.constant 0 : i32
        %dma_wait3A_147 = tpu.memref_slice %arg9[%dma_wait3A_145, %dma_wait3A_146] : memref<256x128xf32, #tpu.memory_space<vmem>> -> memref<128x128xf32, #tpu.memory_space<vmem>>
        tpu.wait_dma2 semaphore(%arg13 : memref<!tpu.dma_semaphore, #tpu.memory_space<semaphore_mem>>) src(%dma_wait3A_147 : memref<128x128xf32, #tpu.memory_space<vmem>>) dst(%dma_wait3A_144 : memref<128x128xf32, #tpu.memory_space<hbm>>)
        %add3A_148 = arith.constant 2 : i32
        %add3A_149 = arith.addi %add3A_130, %add3A_148 : i32
        %lt3A_150 = arith.constant 80 : i32
        %lt3A_151 = arith.cmpi slt, %add3A_149, %lt3A_150 : i32
        %convert_element_type3A_152 = arith.extui %lt3A_151 : i1 to i32
        %cond3A_153 = arith.constant 0 : i32
        %cond3A_154 = arith.cmpi ne, %convert_element_type3A_152, %cond3A_153 : i32
        scf.if %cond3A_154 {
          %add3A_183 = arith.constant 2 : i32
          %add3A_184 = arith.addi %add3A_130, %add3A_183 : i32
          %dma_start3A_185 = arith.constant 0 : i32
          %dma_start3A_186 = arith.constant 0 : i32
          %dma_start3A_187 = tpu.memref_slice %arg9[%dma_start3A_185, %dma_start3A_186] : memref<256x128xf32, #tpu.memory_space<vmem>> -> memref<128x128xf32, #tpu.memory_space<vmem>>
          %dma_start3A_188 = arith.constant 0 : i32
          %dma_start3A_189 = tpu.memref_slice %arg8[%add3A_184, %dma_start3A_188] : memref<80x128xi32, #tpu.memory_space<vmem>> -> memref<1x128xi32, #tpu.memory_space<vmem>>
          %dma_start3A_190 = tpu.memref_squeeze %dma_start3A_189 : memref<1x128xi32, #tpu.memory_space<vmem>> -> memref<128xi32, #tpu.memory_space<vmem>>
          %dma_start3A_191 = arith.constant 0 : i32
          %dma_start3A_192 = arith.constant 0 : i32
          %dma_start3A_193 = tpu.memref_slice %arg10[%dma_start3A_191, %dma_start3A_192] : memref<10000x128xf32, #tpu.memory_space<vmem_shared>> -> memref<10000x128xf32, #tpu.memory_space<vmem_shared>>
          tpu.enqueue_indirect_dma source(%dma_start3A_193 : memref<10000x128xf32, #tpu.memory_space<vmem_shared>>) target(%dma_start3A_187 : memref<128x128xf32, #tpu.memory_space<vmem>>) offsets(%dma_start3A_190 : memref<128xi32, #tpu.memory_space<vmem>>) semaphore(%arg11 : memref<!tpu.dma_semaphore, #tpu.memory_space<semaphore_mem>>)
        } else {
        }
        %mul3A_155 = arith.constant 2 : i32
        %mul3A_156 = arith.muli %scan3A_67, %mul3A_155 : i32
        %add3A_157 = arith.constant 1 : i32
        %add3A_158 = arith.addi %mul3A_156, %add3A_157 : i32
        %mul3A_159 = arith.constant 20480 : i32
        %mul3A_160 = arith.muli %arg1, %mul3A_159 : i32
        %add3A_161 = arith.constant 0 : i32
        %add3A_162 = arith.addi %add3A_161, %add3A_158 : i32
        %mul3A_163 = arith.constant 128 : i32
        %mul3A_164 = arith.muli %add3A_162, %mul3A_163 : i32
        %add3A_165 = arith.addi %mul3A_160, %mul3A_164 : i32
        %dma_wait3A_166 = arith.constant 128 : i32
        %dma_wait3A_167 = arith.constant 0 : i32
        %dma_wait3A_168 = tpu.memref_slice %arg9[%dma_wait3A_166, %dma_wait3A_167] : memref<256x128xf32, #tpu.memory_space<vmem>> -> memref<128x128xf32, #tpu.memory_space<vmem>>
        %dma_wait3A_169 = arith.constant 0 : i32
        %dma_wait3A_170 = tpu.memref_slice %arg7[%add3A_165, %dma_wait3A_169] : memref<327680x128xf32, #tpu.memory_space<hbm>> -> memref<128x128xf32, #tpu.memory_space<hbm>>
        %dma_wait3A_171 = arith.constant 0 : i32
        %dma_wait3A_172 = tpu.memref_slice %arg7[%add3A_165, %dma_wait3A_171] : memref<327680x128xf32, #tpu.memory_space<hbm>> -> memref<128x128xf32, #tpu.memory_space<hbm>>
        %dma_wait3A_173 = arith.constant 128 : i32
        %dma_wait3A_174 = arith.constant 0 : i32
        %dma_wait3A_175 = tpu.memref_slice %arg9[%dma_wait3A_173, %dma_wait3A_174] : memref<256x128xf32, #tpu.memory_space<vmem>> -> memref<128x128xf32, #tpu.memory_space<vmem>>
        tpu.wait_dma2 semaphore(%arg14 : memref<!tpu.dma_semaphore, #tpu.memory_space<semaphore_mem>>) src(%dma_wait3A_175 : memref<128x128xf32, #tpu.memory_space<vmem>>) dst(%dma_wait3A_172 : memref<128x128xf32, #tpu.memory_space<hbm>>)
        %add3A_176 = arith.constant 2 : i32
        %add3A_177 = arith.addi %add3A_158, %add3A_176 : i32
        %lt3A_178 = arith.constant 80 : i32
        %lt3A_179 = arith.cmpi slt, %add3A_177, %lt3A_178 : i32
        %convert_element_type3A_180 = arith.extui %lt3A_179 : i1 to i32
        %cond3A_181 = arith.constant 0 : i32
        %cond3A_182 = arith.cmpi ne, %convert_element_type3A_180, %cond3A_181 : i32
        scf.if %cond3A_182 {
          %add3A_183 = arith.constant 2 : i32
          %add3A_184 = arith.addi %add3A_158, %add3A_183 : i32
          %dma_start3A_185 = arith.constant 128 : i32
          %dma_start3A_186 = arith.constant 0 : i32
          %dma_start3A_187 = tpu.memref_slice %arg9[%dma_start3A_185, %dma_start3A_186] : memref<256x128xf32, #tpu.memory_space<vmem>> -> memref<128x128xf32, #tpu.memory_space<vmem>>
          %dma_start3A_188 = arith.constant 0 : i32
          %dma_start3A_189 = tpu.memref_slice %arg8[%add3A_184, %dma_start3A_188] : memref<80x128xi32, #tpu.memory_space<vmem>> -> memref<1x128xi32, #tpu.memory_space<vmem>>
          %dma_start3A_190 = tpu.memref_squeeze %dma_start3A_189 : memref<1x128xi32, #tpu.memory_space<vmem>> -> memref<128xi32, #tpu.memory_space<vmem>>
          %dma_start3A_191 = arith.constant 0 : i32
          %dma_start3A_192 = arith.constant 0 : i32
          %dma_start3A_193 = tpu.memref_slice %arg10[%dma_start3A_191, %dma_start3A_192] : memref<10000x128xf32, #tpu.memory_space<vmem_shared>> -> memref<10000x128xf32, #tpu.memory_space<vmem_shared>>
          tpu.enqueue_indirect_dma source(%dma_start3A_193 : memref<10000x128xf32, #tpu.memory_space<vmem_shared>>) target(%dma_start3A_187 : memref<128x128xf32, #tpu.memory_space<vmem>>) offsets(%dma_start3A_190 : memref<128xi32, #tpu.memory_space<vmem>>) semaphore(%arg12 : memref<!tpu.dma_semaphore, #tpu.memory_space<semaphore_mem>>)
        } else {
        }
      }
      %scan3A_36 = arith.constant 40 : i32
      %mul3A_37 = arith.constant 160 : i32
      %mul3A_38 = arith.muli %arg1, %mul3A_37 : i32
      %add3A_39 = arith.constant 80 : i32
      %add3A_40 = arith.addi %mul3A_38, %add3A_39 : i32
      "tpu.region"() ({
        %run_scoped3A = tpu.sem_alloc : memref<!tpu.dma_semaphore, #tpu.memory_space<semaphore_mem>>
        %dma_start3A_67 = arith.constant 0 : i32
        %dma_start3A_68 = tpu.memref_slice %arg5[%add3A_40, %dma_start3A_67] : memref<2560x128xi32, #tpu.memory_space<hbm>> -> memref<80x128xi32, #tpu.memory_space<hbm>>
        %dma_start3A_69 = arith.constant 0 : i32
        %dma_start3A_70 = tpu.memref_slice %arg5[%add3A_40, %dma_start3A_69] : memref<2560x128xi32, #tpu.memory_space<hbm>> -> memref<80x128xi32, #tpu.memory_space<hbm>>
        tpu.enqueue_dma source(%dma_start3A_70 : memref<80x128xi32, #tpu.memory_space<hbm>>) target(%arg8 : memref<80x128xi32, #tpu.memory_space<vmem>>) target_semaphore(%run_scoped3A : memref<!tpu.dma_semaphore, #tpu.memory_space<semaphore_mem>>)
        %dma_wait3A = arith.constant 0 : i32
        %dma_wait3A_71 = tpu.memref_slice %arg5[%add3A_40, %dma_wait3A] : memref<2560x128xi32, #tpu.memory_space<hbm>> -> memref<80x128xi32, #tpu.memory_space<hbm>>
        %dma_wait3A_72 = arith.constant 0 : i32
        %dma_wait3A_73 = tpu.memref_slice %arg5[%add3A_40, %dma_wait3A_72] : memref<2560x128xi32, #tpu.memory_space<hbm>> -> memref<80x128xi32, #tpu.memory_space<hbm>>
        tpu.wait_dma2 semaphore(%run_scoped3A : memref<!tpu.dma_semaphore, #tpu.memory_space<semaphore_mem>>) src(%dma_wait3A_73 : memref<80x128xi32, #tpu.memory_space<hbm>>) dst(%arg8 : memref<80x128xi32, #tpu.memory_space<vmem>>)
        tpu.yield
      }) : () -> ()
      %dma_start3A_41 = arith.constant 0 : i32
      %dma_start3A_42 = arith.constant 0 : i32
      %dma_start3A_43 = arith.constant 0 : i32
      %dma_start3A_44 = tpu.memref_slice %arg9[%dma_start3A_42, %dma_start3A_43] : memref<256x128xf32, #tpu.memory_space<vmem>> -> memref<128x128xf32, #tpu.memory_space<vmem>>
      %dma_start3A_45 = arith.constant 0 : i32
      %dma_start3A_46 = tpu.memref_slice %arg8[%dma_start3A_41, %dma_start3A_45] : memref<80x128xi32, #tpu.memory_space<vmem>> -> memref<1x128xi32, #tpu.memory_space<vmem>>
      %dma_start3A_47 = tpu.memref_squeeze %dma_start3A_46 : memref<1x128xi32, #tpu.memory_space<vmem>> -> memref<128xi32, #tpu.memory_space<vmem>>
      %dma_start3A_48 = arith.constant 0 : i32
      %dma_start3A_49 = arith.constant 0 : i32
      %dma_start3A_50 = tpu.memref_slice %arg10[%dma_start3A_48, %dma_start3A_49] : memref<10000x128xf32, #tpu.memory_space<vmem_shared>> -> memref<10000x128xf32, #tpu.memory_space<vmem_shared>>
      tpu.enqueue_indirect_dma source(%dma_start3A_50 : memref<10000x128xf32, #tpu.memory_space<vmem_shared>>) target(%dma_start3A_44 : memref<128x128xf32, #tpu.memory_space<vmem>>) offsets(%dma_start3A_47 : memref<128xi32, #tpu.memory_space<vmem>>) semaphore(%arg11 : memref<!tpu.dma_semaphore, #tpu.memory_space<semaphore_mem>>)
      %dma_start3A_51 = arith.constant 1 : i32
      %dma_start3A_52 = arith.constant 128 : i32
      %dma_start3A_53 = arith.constant 0 : i32
      %dma_start3A_54 = tpu.memref_slice %arg9[%dma_start3A_52, %dma_start3A_53] : memref<256x128xf32, #tpu.memory_space<vmem>> -> memref<128x128xf32, #tpu.memory_space<vmem>>
      %dma_start3A_55 = arith.constant 0 : i32
      %dma_start3A_56 = tpu.memref_slice %arg8[%dma_start3A_51, %dma_start3A_55] : memref<80x128xi32, #tpu.memory_space<vmem>> -> memref<1x128xi32, #tpu.memory_space<vmem>>
      %dma_start3A_57 = tpu.memref_squeeze %dma_start3A_56 : memref<1x128xi32, #tpu.memory_space<vmem>> -> memref<128xi32, #tpu.memory_space<vmem>>
      %dma_start3A_58 = arith.constant 0 : i32
      %dma_start3A_59 = arith.constant 0 : i32
      %dma_start3A_60 = tpu.memref_slice %arg10[%dma_start3A_58, %dma_start3A_59] : memref<10000x128xf32, #tpu.memory_space<vmem_shared>> -> memref<10000x128xf32, #tpu.memory_space<vmem_shared>>
      tpu.enqueue_indirect_dma source(%dma_start3A_60 : memref<10000x128xf32, #tpu.memory_space<vmem_shared>>) target(%dma_start3A_54 : memref<128x128xf32, #tpu.memory_space<vmem>>) offsets(%dma_start3A_57 : memref<128xi32, #tpu.memory_space<vmem>>) semaphore(%arg12 : memref<!tpu.dma_semaphore, #tpu.memory_space<semaphore_mem>>)
      %scan3A_61 = arith.constant 0 : i32
      %scan3A_62 = arith.constant 0 : i32
      %scan3A_63 = arith.constant 40 : i32
      %scan3A_64 = arith.addi %scan3A_62, %scan3A_63 : i32
      %scan3A_65 = arith.constant 1 : i32
      scf.for %scan3A_67 = %scan3A_62 to %scan3A_64 step %scan3A_65  : i32 {
        %mul3A_68 = arith.constant 2 : i32
        %mul3A_69 = arith.muli %scan3A_67, %mul3A_68 : i32
        %add3A_70 = arith.constant 0 : i32
        %add3A_71 = arith.addi %mul3A_69, %add3A_70 : i32
        %mul3A_72 = arith.constant 20480 : i32
        %mul3A_73 = arith.muli %arg1, %mul3A_72 : i32
        %add3A_74 = arith.constant 80 : i32
        %add3A_75 = arith.addi %add3A_74, %add3A_71 : i32
        %mul3A_76 = arith.constant 128 : i32
        %mul3A_77 = arith.muli %add3A_75, %mul3A_76 : i32
        %add3A_78 = arith.addi %mul3A_73, %mul3A_77 : i32
        %dma_wait3A = arith.constant 0 : i32
        %dma_wait3A_79 = arith.constant 0 : i32
        %dma_wait3A_80 = tpu.memref_slice %arg9[%dma_wait3A, %dma_wait3A_79] : memref<256x128xf32, #tpu.memory_space<vmem>> -> memref<128x128xf32, #tpu.memory_space<vmem>>
        %dma_wait3A_81 = arith.constant 0 : i32
        %dma_wait3A_82 = tpu.memref_slice %arg8[%add3A_71, %dma_wait3A_81] : memref<80x128xi32, #tpu.memory_space<vmem>> -> memref<1x128xi32, #tpu.memory_space<vmem>>
        %dma_wait3A_83 = tpu.memref_squeeze %dma_wait3A_82 : memref<1x128xi32, #tpu.memory_space<vmem>> -> memref<128xi32, #tpu.memory_space<vmem>>
        %dma_wait3A_84 = arith.constant 0 : i32
        %dma_wait3A_85 = arith.constant 0 : i32
        %dma_wait3A_86 = tpu.memref_slice %arg10[%dma_wait3A_84, %dma_wait3A_85] : memref<10000x128xf32, #tpu.memory_space<vmem_shared>> -> memref<10000x128xf32, #tpu.memory_space<vmem_shared>>
        tpu.wait_indirect_dma semaphore(%arg11 : memref<!tpu.dma_semaphore, #tpu.memory_space<semaphore_mem>>) src(%dma_wait3A_86 : memref<10000x128xf32, #tpu.memory_space<vmem_shared>>) dst(%dma_wait3A_80 : memref<128x128xf32, #tpu.memory_space<vmem>>)
        %dma_start3A_87 = arith.constant 0 : i32
        %dma_start3A_88 = arith.constant 0 : i32
        %dma_start3A_89 = tpu.memref_slice %arg9[%dma_start3A_87, %dma_start3A_88] : memref<256x128xf32, #tpu.memory_space<vmem>> -> memref<128x128xf32, #tpu.memory_space<vmem>>
        %dma_start3A_90 = arith.constant 0 : i32
        %dma_start3A_91 = tpu.memref_slice %arg7[%add3A_78, %dma_start3A_90] : memref<327680x128xf32, #tpu.memory_space<hbm>> -> memref<128x128xf32, #tpu.memory_space<hbm>>
        %dma_start3A_92 = arith.constant 0 : i32
        %dma_start3A_93 = tpu.memref_slice %arg7[%add3A_78, %dma_start3A_92] : memref<327680x128xf32, #tpu.memory_space<hbm>> -> memref<128x128xf32, #tpu.memory_space<hbm>>
        %dma_start3A_94 = arith.constant 0 : i32
        %dma_start3A_95 = arith.constant 0 : i32
        %dma_start3A_96 = tpu.memref_slice %arg9[%dma_start3A_94, %dma_start3A_95] : memref<256x128xf32, #tpu.memory_space<vmem>> -> memref<128x128xf32, #tpu.memory_space<vmem>>
        tpu.enqueue_dma source(%dma_start3A_96 : memref<128x128xf32, #tpu.memory_space<vmem>>) target(%dma_start3A_93 : memref<128x128xf32, #tpu.memory_space<hbm>>) target_semaphore(%arg13 : memref<!tpu.dma_semaphore, #tpu.memory_space<semaphore_mem>>)
        %mul3A_97 = arith.constant 2 : i32
        %mul3A_98 = arith.muli %scan3A_67, %mul3A_97 : i32
        %add3A_99 = arith.constant 1 : i32
        %add3A_100 = arith.addi %mul3A_98, %add3A_99 : i32
        %mul3A_101 = arith.constant 20480 : i32
        %mul3A_102 = arith.muli %arg1, %mul3A_101 : i32
        %add3A_103 = arith.constant 80 : i32
        %add3A_104 = arith.addi %add3A_103, %add3A_100 : i32
        %mul3A_105 = arith.constant 128 : i32
        %mul3A_106 = arith.muli %add3A_104, %mul3A_105 : i32
        %add3A_107 = arith.addi %mul3A_102, %mul3A_106 : i32
        %dma_wait3A_108 = arith.constant 128 : i32
        %dma_wait3A_109 = arith.constant 0 : i32
        %dma_wait3A_110 = tpu.memref_slice %arg9[%dma_wait3A_108, %dma_wait3A_109] : memref<256x128xf32, #tpu.memory_space<vmem>> -> memref<128x128xf32, #tpu.memory_space<vmem>>
        %dma_wait3A_111 = arith.constant 0 : i32
        %dma_wait3A_112 = tpu.memref_slice %arg8[%add3A_100, %dma_wait3A_111] : memref<80x128xi32, #tpu.memory_space<vmem>> -> memref<1x128xi32, #tpu.memory_space<vmem>>
        %dma_wait3A_113 = tpu.memref_squeeze %dma_wait3A_112 : memref<1x128xi32, #tpu.memory_space<vmem>> -> memref<128xi32, #tpu.memory_space<vmem>>
        %dma_wait3A_114 = arith.constant 0 : i32
        %dma_wait3A_115 = arith.constant 0 : i32
        %dma_wait3A_116 = tpu.memref_slice %arg10[%dma_wait3A_114, %dma_wait3A_115] : memref<10000x128xf32, #tpu.memory_space<vmem_shared>> -> memref<10000x128xf32, #tpu.memory_space<vmem_shared>>
        tpu.wait_indirect_dma semaphore(%arg12 : memref<!tpu.dma_semaphore, #tpu.memory_space<semaphore_mem>>) src(%dma_wait3A_116 : memref<10000x128xf32, #tpu.memory_space<vmem_shared>>) dst(%dma_wait3A_110 : memref<128x128xf32, #tpu.memory_space<vmem>>)
        %dma_start3A_117 = arith.constant 128 : i32
        %dma_start3A_118 = arith.constant 0 : i32
        %dma_start3A_119 = tpu.memref_slice %arg9[%dma_start3A_117, %dma_start3A_118] : memref<256x128xf32, #tpu.memory_space<vmem>> -> memref<128x128xf32, #tpu.memory_space<vmem>>
        %dma_start3A_120 = arith.constant 0 : i32
        %dma_start3A_121 = tpu.memref_slice %arg7[%add3A_107, %dma_start3A_120] : memref<327680x128xf32, #tpu.memory_space<hbm>> -> memref<128x128xf32, #tpu.memory_space<hbm>>
        %dma_start3A_122 = arith.constant 0 : i32
        %dma_start3A_123 = tpu.memref_slice %arg7[%add3A_107, %dma_start3A_122] : memref<327680x128xf32, #tpu.memory_space<hbm>> -> memref<128x128xf32, #tpu.memory_space<hbm>>
        %dma_start3A_124 = arith.constant 128 : i32
        %dma_start3A_125 = arith.constant 0 : i32
        %dma_start3A_126 = tpu.memref_slice %arg9[%dma_start3A_124, %dma_start3A_125] : memref<256x128xf32, #tpu.memory_space<vmem>> -> memref<128x128xf32, #tpu.memory_space<vmem>>
        tpu.enqueue_dma source(%dma_start3A_126 : memref<128x128xf32, #tpu.memory_space<vmem>>) target(%dma_start3A_123 : memref<128x128xf32, #tpu.memory_space<hbm>>) target_semaphore(%arg14 : memref<!tpu.dma_semaphore, #tpu.memory_space<semaphore_mem>>)
        %mul3A_127 = arith.constant 2 : i32
        %mul3A_128 = arith.muli %scan3A_67, %mul3A_127 : i32
        %add3A_129 = arith.constant 0 : i32
        %add3A_130 = arith.addi %mul3A_128, %add3A_129 : i32
        %mul3A_131 = arith.constant 20480 : i32
        %mul3A_132 = arith.muli %arg1, %mul3A_131 : i32
        %add3A_133 = arith.constant 80 : i32
        %add3A_134 = arith.addi %add3A_133, %add3A_130 : i32
        %mul3A_135 = arith.constant 128 : i32
        %mul3A_136 = arith.muli %add3A_134, %mul3A_135 : i32
        %add3A_137 = arith.addi %mul3A_132, %mul3A_136 : i32
        %dma_wait3A_138 = arith.constant 0 : i32
        %dma_wait3A_139 = arith.constant 0 : i32
        %dma_wait3A_140 = tpu.memref_slice %arg9[%dma_wait3A_138, %dma_wait3A_139] : memref<256x128xf32, #tpu.memory_space<vmem>> -> memref<128x128xf32, #tpu.memory_space<vmem>>
        %dma_wait3A_141 = arith.constant 0 : i32
        %dma_wait3A_142 = tpu.memref_slice %arg7[%add3A_137, %dma_wait3A_141] : memref<327680x128xf32, #tpu.memory_space<hbm>> -> memref<128x128xf32, #tpu.memory_space<hbm>>
        %dma_wait3A_143 = arith.constant 0 : i32
        %dma_wait3A_144 = tpu.memref_slice %arg7[%add3A_137, %dma_wait3A_143] : memref<327680x128xf32, #tpu.memory_space<hbm>> -> memref<128x128xf32, #tpu.memory_space<hbm>>
        %dma_wait3A_145 = arith.constant 0 : i32
        %dma_wait3A_146 = arith.constant 0 : i32
        %dma_wait3A_147 = tpu.memref_slice %arg9[%dma_wait3A_145, %dma_wait3A_146] : memref<256x128xf32, #tpu.memory_space<vmem>> -> memref<128x128xf32, #tpu.memory_space<vmem>>
        tpu.wait_dma2 semaphore(%arg13 : memref<!tpu.dma_semaphore, #tpu.memory_space<semaphore_mem>>) src(%dma_wait3A_147 : memref<128x128xf32, #tpu.memory_space<vmem>>) dst(%dma_wait3A_144 : memref<128x128xf32, #tpu.memory_space<hbm>>)
        %add3A_148 = arith.constant 2 : i32
        %add3A_149 = arith.addi %add3A_130, %add3A_148 : i32
        %lt3A_150 = arith.constant 80 : i32
        %lt3A_151 = arith.cmpi slt, %add3A_149, %lt3A_150 : i32
        %convert_element_type3A_152 = arith.extui %lt3A_151 : i1 to i32
        %cond3A_153 = arith.constant 0 : i32
        %cond3A_154 = arith.cmpi ne, %convert_element_type3A_152, %cond3A_153 : i32
        scf.if %cond3A_154 {
          %add3A_183 = arith.constant 2 : i32
          %add3A_184 = arith.addi %add3A_130, %add3A_183 : i32
          %dma_start3A_185 = arith.constant 0 : i32
          %dma_start3A_186 = arith.constant 0 : i32
          %dma_start3A_187 = tpu.memref_slice %arg9[%dma_start3A_185, %dma_start3A_186] : memref<256x128xf32, #tpu.memory_space<vmem>> -> memref<128x128xf32, #tpu.memory_space<vmem>>
          %dma_start3A_188 = arith.constant 0 : i32
          %dma_start3A_189 = tpu.memref_slice %arg8[%add3A_184, %dma_start3A_188] : memref<80x128xi32, #tpu.memory_space<vmem>> -> memref<1x128xi32, #tpu.memory_space<vmem>>
          %dma_start3A_190 = tpu.memref_squeeze %dma_start3A_189 : memref<1x128xi32, #tpu.memory_space<vmem>> -> memref<128xi32, #tpu.memory_space<vmem>>
          %dma_start3A_191 = arith.constant 0 : i32
          %dma_start3A_192 = arith.constant 0 : i32
          %dma_start3A_193 = tpu.memref_slice %arg10[%dma_start3A_191, %dma_start3A_192] : memref<10000x128xf32, #tpu.memory_space<vmem_shared>> -> memref<10000x128xf32, #tpu.memory_space<vmem_shared>>
          tpu.enqueue_indirect_dma source(%dma_start3A_193 : memref<10000x128xf32, #tpu.memory_space<vmem_shared>>) target(%dma_start3A_187 : memref<128x128xf32, #tpu.memory_space<vmem>>) offsets(%dma_start3A_190 : memref<128xi32, #tpu.memory_space<vmem>>) semaphore(%arg11 : memref<!tpu.dma_semaphore, #tpu.memory_space<semaphore_mem>>)
        } else {
        }
        %mul3A_155 = arith.constant 2 : i32
        %mul3A_156 = arith.muli %scan3A_67, %mul3A_155 : i32
        %add3A_157 = arith.constant 1 : i32
        %add3A_158 = arith.addi %mul3A_156, %add3A_157 : i32
        %mul3A_159 = arith.constant 20480 : i32
        %mul3A_160 = arith.muli %arg1, %mul3A_159 : i32
        %add3A_161 = arith.constant 80 : i32
        %add3A_162 = arith.addi %add3A_161, %add3A_158 : i32
        %mul3A_163 = arith.constant 128 : i32
        %mul3A_164 = arith.muli %add3A_162, %mul3A_163 : i32
        %add3A_165 = arith.addi %mul3A_160, %mul3A_164 : i32
        %dma_wait3A_166 = arith.constant 128 : i32
        %dma_wait3A_167 = arith.constant 0 : i32
        %dma_wait3A_168 = tpu.memref_slice %arg9[%dma_wait3A_166, %dma_wait3A_167] : memref<256x128xf32, #tpu.memory_space<vmem>> -> memref<128x128xf32, #tpu.memory_space<vmem>>
        %dma_wait3A_169 = arith.constant 0 : i32
        %dma_wait3A_170 = tpu.memref_slice %arg7[%add3A_165, %dma_wait3A_169] : memref<327680x128xf32, #tpu.memory_space<hbm>> -> memref<128x128xf32, #tpu.memory_space<hbm>>
        %dma_wait3A_171 = arith.constant 0 : i32
        %dma_wait3A_172 = tpu.memref_slice %arg7[%add3A_165, %dma_wait3A_171] : memref<327680x128xf32, #tpu.memory_space<hbm>> -> memref<128x128xf32, #tpu.memory_space<hbm>>
        %dma_wait3A_173 = arith.constant 128 : i32
        %dma_wait3A_174 = arith.constant 0 : i32
        %dma_wait3A_175 = tpu.memref_slice %arg9[%dma_wait3A_173, %dma_wait3A_174] : memref<256x128xf32, #tpu.memory_space<vmem>> -> memref<128x128xf32, #tpu.memory_space<vmem>>
        tpu.wait_dma2 semaphore(%arg14 : memref<!tpu.dma_semaphore, #tpu.memory_space<semaphore_mem>>) src(%dma_wait3A_175 : memref<128x128xf32, #tpu.memory_space<vmem>>) dst(%dma_wait3A_172 : memref<128x128xf32, #tpu.memory_space<hbm>>)
        %add3A_176 = arith.constant 2 : i32
        %add3A_177 = arith.addi %add3A_158, %add3A_176 : i32
        %lt3A_178 = arith.constant 80 : i32
        %lt3A_179 = arith.cmpi slt, %add3A_177, %lt3A_178 : i32
        %convert_element_type3A_180 = arith.extui %lt3A_179 : i1 to i32
        %cond3A_181 = arith.constant 0 : i32
        %cond3A_182 = arith.cmpi ne, %convert_element_type3A_180, %cond3A_181 : i32
        scf.if %cond3A_182 {
          %add3A_183 = arith.constant 2 : i32
          %add3A_184 = arith.addi %add3A_158, %add3A_183 : i32
          %dma_start3A_185 = arith.constant 128 : i32
          %dma_start3A_186 = arith.constant 0 : i32
          %dma_start3A_187 = tpu.memref_slice %arg9[%dma_start3A_185, %dma_start3A_186] : memref<256x128xf32, #tpu.memory_space<vmem>> -> memref<128x128xf32, #tpu.memory_space<vmem>>
          %dma_start3A_188 = arith.constant 0 : i32
          %dma_start3A_189 = tpu.memref_slice %arg8[%add3A_184, %dma_start3A_188] : memref<80x128xi32, #tpu.memory_space<vmem>> -> memref<1x128xi32, #tpu.memory_space<vmem>>
          %dma_start3A_190 = tpu.memref_squeeze %dma_start3A_189 : memref<1x128xi32, #tpu.memory_space<vmem>> -> memref<128xi32, #tpu.memory_space<vmem>>
          %dma_start3A_191 = arith.constant 0 : i32
          %dma_start3A_192 = arith.constant 0 : i32
          %dma_start3A_193 = tpu.memref_slice %arg10[%dma_start3A_191, %dma_start3A_192] : memref<10000x128xf32, #tpu.memory_space<vmem_shared>> -> memref<10000x128xf32, #tpu.memory_space<vmem_shared>>
          tpu.enqueue_indirect_dma source(%dma_start3A_193 : memref<10000x128xf32, #tpu.memory_space<vmem_shared>>) target(%dma_start3A_187 : memref<128x128xf32, #tpu.memory_space<vmem>>) offsets(%dma_start3A_190 : memref<128xi32, #tpu.memory_space<vmem>>) semaphore(%arg12 : memref<!tpu.dma_semaphore, #tpu.memory_space<semaphore_mem>>)
        } else {
        }
      }
      %scan3A_66 = arith.constant 40 : i32
    } else {
    }
    return
  }
}

#map = affine_map<(d0, d1) -> (0, 0)>
module attributes {stable_mosaic.version = 14 : i64} {
  func.func @k(%arg0: i32, %arg1: i32, %arg2: memref<10000x128xf32, #tpu.memory_space<hbm>>, %arg3: memref<10000x128xf32, #tpu.memory_space<hbm>>, %arg4: memref<2560x128xi32, #tpu.memory_space<hbm>>, %arg5: memref<2560x128xi32, #tpu.memory_space<hbm>>, %arg6: memref<327680x128xf32, #tpu.memory_space<hbm>>, %arg7: memref<327680x128xf32, #tpu.memory_space<hbm>>, %arg8: memref<80x128xi32, #tpu.memory_space<vmem>>, %arg9: memref<256x128xf32, #tpu.memory_space<vmem>>, %arg10: memref<10000x128xf32, #tpu.memory_space<vmem_shared>>, %arg11: memref<!tpu.dma_semaphore, #tpu.memory_space<semaphore_mem>>, %arg12: memref<!tpu.dma_semaphore, #tpu.memory_space<semaphore_mem>>, %arg13: memref<!tpu.dma_semaphore, #tpu.memory_space<semaphore_mem>>, %arg14: memref<!tpu.dma_semaphore, #tpu.memory_space<semaphore_mem>>) attributes {dimension_semantics = [#tpu.dimension_semantics<core_parallel>, #tpu.dimension_semantics<subcore_parallel>], iteration_bounds = array<i64: 2, 16>, scalar_prefetch = 0 : i64, scratch_operands = 7 : i64, tpu.core_type = #tpu.core_type<sc_vector_subcore>, window_params = [{transform_indices = #map}, {transform_indices = #map}, {transform_indices = #map}, {transform_indices = #map}, {transform_indices = #map}, {transform_indices = #map}]} {
    %eq3A = arith.constant 0 : i32
    %eq3A_0 = arith.cmpi eq, %arg0, %eq3A : i32
    %convert_element_type3A = arith.extui %eq3A_0 : i1 to i32
    %cond3A = arith.constant 0 : i32
    %cond3A_1 = arith.cmpi ne, %convert_element_type3A, %cond3A : i32
    scf.if %cond3A_1 {
      %lt3A = arith.constant 10 : i32
      %lt3A_7 = arith.cmpi slt, %arg1, %lt3A : i32
      %convert_element_type3A_8 = arith.extui %lt3A_7 : i1 to i32
      %cond3A_9 = arith.constant 0 : i32
      %cond3A_10 = arith.cmpi ne, %convert_element_type3A_8, %cond3A_9 : i32
      scf.if %cond3A_10 {
        %mul3A_67 = arith.constant 1000 : i32
        %mul3A_68 = arith.muli %arg1, %mul3A_67 : i32
        %mul3A_69 = arith.constant 1000 : i32
        %mul3A_70 = arith.muli %arg1, %mul3A_69 : i32
        "tpu.region"() ({
          %run_scoped3A = tpu.sem_alloc : memref<!tpu.dma_semaphore, #tpu.memory_space<semaphore_mem>>
          %dma_start3A_71 = arith.constant 0 : i32
          %dma_start3A_72 = tpu.memref_slice %arg10[%mul3A_70, %dma_start3A_71] : memref<10000x128xf32, #tpu.memory_space<vmem_shared>> -> memref<1000x128xf32, #tpu.memory_space<vmem_shared>>
          %dma_start3A_73 = arith.constant 0 : i32
          %dma_start3A_74 = tpu.memref_slice %arg2[%mul3A_68, %dma_start3A_73] : memref<10000x128xf32, #tpu.memory_space<hbm>> -> memref<1000x128xf32, #tpu.memory_space<hbm>>
          tpu.enqueue_dma source(%dma_start3A_74 : memref<1000x128xf32, #tpu.memory_space<hbm>>) target(%dma_start3A_72 : memref<1000x128xf32, #tpu.memory_space<vmem_shared>>) target_semaphore(%run_scoped3A : memref<!tpu.dma_semaphore, #tpu.memory_space<semaphore_mem>>)
          %dma_wait3A = arith.constant 0 : i32
          %dma_wait3A_75 = tpu.memref_slice %arg10[%mul3A_70, %dma_wait3A] : memref<10000x128xf32, #tpu.memory_space<vmem_shared>> -> memref<1000x128xf32, #tpu.memory_space<vmem_shared>>
          %dma_wait3A_76 = arith.constant 0 : i32
          %dma_wait3A_77 = tpu.memref_slice %arg2[%mul3A_68, %dma_wait3A_76] : memref<10000x128xf32, #tpu.memory_space<hbm>> -> memref<1000x128xf32, #tpu.memory_space<hbm>>
          tpu.wait_dma2 semaphore(%run_scoped3A : memref<!tpu.dma_semaphore, #tpu.memory_space<semaphore_mem>>) src(%dma_wait3A_77 : memref<1000x128xf32, #tpu.memory_space<hbm>>) dst(%dma_wait3A_75 : memref<1000x128xf32, #tpu.memory_space<vmem_shared>>)
          tpu.yield
        }) : () -> ()
      } else {
      }
      %barrier3A = arith.constant 0 : index
      tpu.barrier barrier_id(%barrier3A)
      %mul3A = arith.constant 160 : i32
      %mul3A_11 = arith.muli %arg1, %mul3A : i32
      %add3A = arith.constant 0 : i32
      %add3A_12 = arith.addi %mul3A_11, %add3A : i32
      "tpu.region"() ({
        %run_scoped3A = tpu.sem_alloc : memref<!tpu.dma_semaphore, #tpu.memory_space<semaphore_mem>>
        %dma_start3A_67 = arith.constant 0 : i32
        %dma_start3A_68 = tpu.memref_slice %arg4[%add3A_12, %dma_start3A_67] : memref<2560x128xi32, #tpu.memory_space<hbm>> -> memref<80x128xi32, #tpu.memory_space<hbm>>
        %dma_start3A_69 = arith.constant 0 : i32
        %dma_start3A_70 = tpu.memref_slice %arg4[%add3A_12, %dma_start3A_69] : memref<2560x128xi32, #tpu.memory_space<hbm>> -> memref<80x128xi32, #tpu.memory_space<hbm>>
        tpu.enqueue_dma source(%dma_start3A_70 : memref<80x128xi32, #tpu.memory_space<hbm>>) target(%arg8 : memref<80x128xi32, #tpu.memory_space<vmem>>) target_semaphore(%run_scoped3A : memref<!tpu.dma_semaphore, #tpu.memory_space<semaphore_mem>>)
        %dma_wait3A = arith.constant 0 : i32
        %dma_wait3A_71 = tpu.memref_slice %arg4[%add3A_12, %dma_wait3A] : memref<2560x128xi32, #tpu.memory_space<hbm>> -> memref<80x128xi32, #tpu.memory_space<hbm>>
        %dma_wait3A_72 = arith.constant 0 : i32
        %dma_wait3A_73 = tpu.memref_slice %arg4[%add3A_12, %dma_wait3A_72] : memref<2560x128xi32, #tpu.memory_space<hbm>> -> memref<80x128xi32, #tpu.memory_space<hbm>>
        tpu.wait_dma2 semaphore(%run_scoped3A : memref<!tpu.dma_semaphore, #tpu.memory_space<semaphore_mem>>) src(%dma_wait3A_73 : memref<80x128xi32, #tpu.memory_space<hbm>>) dst(%arg8 : memref<80x128xi32, #tpu.memory_space<vmem>>)
        tpu.yield
      }) : () -> ()
      %dma_start3A = arith.constant 0 : i32
      %dma_start3A_13 = arith.constant 0 : i32
      %dma_start3A_14 = arith.constant 0 : i32
      %dma_start3A_15 = tpu.memref_slice %arg9[%dma_start3A_13, %dma_start3A_14] : memref<256x128xf32, #tpu.memory_space<vmem>> -> memref<128x128xf32, #tpu.memory_space<vmem>>
      %dma_start3A_16 = arith.constant 0 : i32
      %dma_start3A_17 = tpu.memref_slice %arg8[%dma_start3A, %dma_start3A_16] : memref<80x128xi32, #tpu.memory_space<vmem>> -> memref<1x128xi32, #tpu.memory_space<vmem>>
      %dma_start3A_18 = tpu.memref_squeeze %dma_start3A_17 : memref<1x128xi32, #tpu.memory_space<vmem>> -> memref<128xi32, #tpu.memory_space<vmem>>
      %dma_start3A_19 = arith.constant 0 : i32
      %dma_start3A_20 = arith.constant 0 : i32
      %dma_start3A_21 = tpu.memref_slice %arg10[%dma_start3A_19, %dma_start3A_20] : memref<10000x128xf32, #tpu.memory_space<vmem_shared>> -> memref<10000x128xf32, #tpu.memory_space<vmem_shared>>
      tpu.enqueue_indirect_dma source(%dma_start3A_21 : memref<10000x128xf32, #tpu.memory_space<vmem_shared>>) target(%dma_start3A_15 : memref<128x128xf32, #tpu.memory_space<vmem>>) offsets(%dma_start3A_18 : memref<128xi32, #tpu.memory_space<vmem>>) semaphore(%arg11 : memref<!tpu.dma_semaphore, #tpu.memory_space<semaphore_mem>>)
      %dma_start3A_22 = arith.constant 1 : i32
      %dma_start3A_23 = arith.constant 128 : i32
      %dma_start3A_24 = arith.constant 0 : i32
      %dma_start3A_25 = tpu.memref_slice %arg9[%dma_start3A_23, %dma_start3A_24] : memref<256x128xf32, #tpu.memory_space<vmem>> -> memref<128x128xf32, #tpu.memory_space<vmem>>
      %dma_start3A_26 = arith.constant 0 : i32
      %dma_start3A_27 = tpu.memref_slice %arg8[%dma_start3A_22, %dma_start3A_26] : memref<80x128xi32, #tpu.memory_space<vmem>> -> memref<1x128xi32, #tpu.memory_space<vmem>>
      %dma_start3A_28 = tpu.memref_squeeze %dma_start3A_27 : memref<1x128xi32, #tpu.memory_space<vmem>> -> memref<128xi32, #tpu.memory_space<vmem>>
      %dma_start3A_29 = arith.constant 0 : i32
      %dma_start3A_30 = arith.constant 0 : i32
      %dma_start3A_31 = tpu.memref_slice %arg10[%dma_start3A_29, %dma_start3A_30] : memref<10000x128xf32, #tpu.memory_space<vmem_shared>> -> memref<10000x128xf32, #tpu.memory_space<vmem_shared>>
      tpu.enqueue_indirect_dma source(%dma_start3A_31 : memref<10000x128xf32, #tpu.memory_space<vmem_shared>>) target(%dma_start3A_25 : memref<128x128xf32, #tpu.memory_space<vmem>>) offsets(%dma_start3A_28 : memref<128xi32, #tpu.memory_space<vmem>>) semaphore(%arg12 : memref<!tpu.dma_semaphore, #tpu.memory_space<semaphore_mem>>)
      %scan3A = arith.constant 0 : i32
      %scan3A_32 = arith.constant 0 : i32
      %scan3A_33 = arith.constant 40 : i32
      %scan3A_34 = arith.addi %scan3A_32, %scan3A_33 : i32
      %scan3A_35 = arith.constant 1 : i32
      scf.for %scan3A_67 = %scan3A_32 to %scan3A_34 step %scan3A_35  : i32 {
        %mul3A_68 = arith.constant 2 : i32
        %mul3A_69 = arith.muli %scan3A_67, %mul3A_68 : i32
        %add3A_70 = arith.constant 0 : i32
        %add3A_71 = arith.addi %mul3A_69, %add3A_70 : i32
        %mul3A_72 = arith.constant 20480 : i32
        %mul3A_73 = arith.muli %arg1, %mul3A_72 : i32
        %add3A_74 = arith.constant 0 : i32
        %add3A_75 = arith.addi %add3A_74, %add3A_71 : i32
        %mul3A_76 = arith.constant 128 : i32
        %mul3A_77 = arith.muli %add3A_75, %mul3A_76 : i32
        %add3A_78 = arith.addi %mul3A_73, %mul3A_77 : i32
        %dma_wait3A = arith.constant 0 : i32
        %dma_wait3A_79 = arith.constant 0 : i32
        %dma_wait3A_80 = tpu.memref_slice %arg9[%dma_wait3A, %dma_wait3A_79] : memref<256x128xf32, #tpu.memory_space<vmem>> -> memref<128x128xf32, #tpu.memory_space<vmem>>
        %dma_wait3A_81 = arith.constant 0 : i32
        %dma_wait3A_82 = tpu.memref_slice %arg8[%add3A_71, %dma_wait3A_81] : memref<80x128xi32, #tpu.memory_space<vmem>> -> memref<1x128xi32, #tpu.memory_space<vmem>>
        %dma_wait3A_83 = tpu.memref_squeeze %dma_wait3A_82 : memref<1x128xi32, #tpu.memory_space<vmem>> -> memref<128xi32, #tpu.memory_space<vmem>>
        %dma_wait3A_84 = arith.constant 0 : i32
        %dma_wait3A_85 = arith.constant 0 : i32
        %dma_wait3A_86 = tpu.memref_slice %arg10[%dma_wait3A_84, %dma_wait3A_85] : memref<10000x128xf32, #tpu.memory_space<vmem_shared>> -> memref<10000x128xf32, #tpu.memory_space<vmem_shared>>
        tpu.wait_indirect_dma semaphore(%arg11 : memref<!tpu.dma_semaphore, #tpu.memory_space<semaphore_mem>>) src(%dma_wait3A_86 : memref<10000x128xf32, #tpu.memory_space<vmem_shared>>) dst(%dma_wait3A_80 : memref<128x128xf32, #tpu.memory_space<vmem>>)
        %dma_start3A_87 = arith.constant 0 : i32
        %dma_start3A_88 = arith.constant 0 : i32
        %dma_start3A_89 = tpu.memref_slice %arg9[%dma_start3A_87, %dma_start3A_88] : memref<256x128xf32, #tpu.memory_space<vmem>> -> memref<128x128xf32, #tpu.memory_space<vmem>>
        %dma_start3A_90 = arith.constant 0 : i32
        %dma_start3A_91 = tpu.memref_slice %arg6[%add3A_78, %dma_start3A_90] : memref<327680x128xf32, #tpu.memory_space<hbm>> -> memref<128x128xf32, #tpu.memory_space<hbm>>
        %dma_start3A_92 = arith.constant 0 : i32
        %dma_start3A_93 = tpu.memref_slice %arg6[%add3A_78, %dma_start3A_92] : memref<327680x128xf32, #tpu.memory_space<hbm>> -> memref<128x128xf32, #tpu.memory_space<hbm>>
        %dma_start3A_94 = arith.constant 0 : i32
        %dma_start3A_95 = arith.constant 0 : i32
        %dma_start3A_96 = tpu.memref_slice %arg9[%dma_start3A_94, %dma_start3A_95] : memref<256x128xf32, #tpu.memory_space<vmem>> -> memref<128x128xf32, #tpu.memory_space<vmem>>
        tpu.enqueue_dma source(%dma_start3A_96 : memref<128x128xf32, #tpu.memory_space<vmem>>) target(%dma_start3A_93 : memref<128x128xf32, #tpu.memory_space<hbm>>) target_semaphore(%arg13 : memref<!tpu.dma_semaphore, #tpu.memory_space<semaphore_mem>>)
        %mul3A_97 = arith.constant 2 : i32
        %mul3A_98 = arith.muli %scan3A_67, %mul3A_97 : i32
        %add3A_99 = arith.constant 1 : i32
        %add3A_100 = arith.addi %mul3A_98, %add3A_99 : i32
        %mul3A_101 = arith.constant 20480 : i32
        %mul3A_102 = arith.muli %arg1, %mul3A_101 : i32
        %add3A_103 = arith.constant 0 : i32
        %add3A_104 = arith.addi %add3A_103, %add3A_100 : i32
        %mul3A_105 = arith.constant 128 : i32
        %mul3A_106 = arith.muli %add3A_104, %mul3A_105 : i32
        %add3A_107 = arith.addi %mul3A_102, %mul3A_106 : i32
        %dma_wait3A_108 = arith.constant 128 : i32
        %dma_wait3A_109 = arith.constant 0 : i32
        %dma_wait3A_110 = tpu.memref_slice %arg9[%dma_wait3A_108, %dma_wait3A_109] : memref<256x128xf32, #tpu.memory_space<vmem>> -> memref<128x128xf32, #tpu.memory_space<vmem>>
        %dma_wait3A_111 = arith.constant 0 : i32
        %dma_wait3A_112 = tpu.memref_slice %arg8[%add3A_100, %dma_wait3A_111] : memref<80x128xi32, #tpu.memory_space<vmem>> -> memref<1x128xi32, #tpu.memory_space<vmem>>
        %dma_wait3A_113 = tpu.memref_squeeze %dma_wait3A_112 : memref<1x128xi32, #tpu.memory_space<vmem>> -> memref<128xi32, #tpu.memory_space<vmem>>
        %dma_wait3A_114 = arith.constant 0 : i32
        %dma_wait3A_115 = arith.constant 0 : i32
        %dma_wait3A_116 = tpu.memref_slice %arg10[%dma_wait3A_114, %dma_wait3A_115] : memref<10000x128xf32, #tpu.memory_space<vmem_shared>> -> memref<10000x128xf32, #tpu.memory_space<vmem_shared>>
        tpu.wait_indirect_dma semaphore(%arg12 : memref<!tpu.dma_semaphore, #tpu.memory_space<semaphore_mem>>) src(%dma_wait3A_116 : memref<10000x128xf32, #tpu.memory_space<vmem_shared>>) dst(%dma_wait3A_110 : memref<128x128xf32, #tpu.memory_space<vmem>>)
        %dma_start3A_117 = arith.constant 128 : i32
        %dma_start3A_118 = arith.constant 0 : i32
        %dma_start3A_119 = tpu.memref_slice %arg9[%dma_start3A_117, %dma_start3A_118] : memref<256x128xf32, #tpu.memory_space<vmem>> -> memref<128x128xf32, #tpu.memory_space<vmem>>
        %dma_start3A_120 = arith.constant 0 : i32
        %dma_start3A_121 = tpu.memref_slice %arg6[%add3A_107, %dma_start3A_120] : memref<327680x128xf32, #tpu.memory_space<hbm>> -> memref<128x128xf32, #tpu.memory_space<hbm>>
        %dma_start3A_122 = arith.constant 0 : i32
        %dma_start3A_123 = tpu.memref_slice %arg6[%add3A_107, %dma_start3A_122] : memref<327680x128xf32, #tpu.memory_space<hbm>> -> memref<128x128xf32, #tpu.memory_space<hbm>>
        %dma_start3A_124 = arith.constant 128 : i32
        %dma_start3A_125 = arith.constant 0 : i32
        %dma_start3A_126 = tpu.memref_slice %arg9[%dma_start3A_124, %dma_start3A_125] : memref<256x128xf32, #tpu.memory_space<vmem>> -> memref<128x128xf32, #tpu.memory_space<vmem>>
        tpu.enqueue_dma source(%dma_start3A_126 : memref<128x128xf32, #tpu.memory_space<vmem>>) target(%dma_start3A_123 : memref<128x128xf32, #tpu.memory_space<hbm>>) target_semaphore(%arg14 : memref<!tpu.dma_semaphore, #tpu.memory_space<semaphore_mem>>)
        %mul3A_127 = arith.constant 2 : i32
        %mul3A_128 = arith.muli %scan3A_67, %mul3A_127 : i32
        %add3A_129 = arith.constant 0 : i32
        %add3A_130 = arith.addi %mul3A_128, %add3A_129 : i32
        %mul3A_131 = arith.constant 20480 : i32
        %mul3A_132 = arith.muli %arg1, %mul3A_131 : i32
        %add3A_133 = arith.constant 0 : i32
        %add3A_134 = arith.addi %add3A_133, %add3A_130 : i32
        %mul3A_135 = arith.constant 128 : i32
        %mul3A_136 = arith.muli %add3A_134, %mul3A_135 : i32
        %add3A_137 = arith.addi %mul3A_132, %mul3A_136 : i32
        %dma_wait3A_138 = arith.constant 0 : i32
        %dma_wait3A_139 = arith.constant 0 : i32
        %dma_wait3A_140 = tpu.memref_slice %arg9[%dma_wait3A_138, %dma_wait3A_139] : memref<256x128xf32, #tpu.memory_space<vmem>> -> memref<128x128xf32, #tpu.memory_space<vmem>>
        %dma_wait3A_141 = arith.constant 0 : i32
        %dma_wait3A_142 = tpu.memref_slice %arg6[%add3A_137, %dma_wait3A_141] : memref<327680x128xf32, #tpu.memory_space<hbm>> -> memref<128x128xf32, #tpu.memory_space<hbm>>
        %dma_wait3A_143 = arith.constant 0 : i32
        %dma_wait3A_144 = tpu.memref_slice %arg6[%add3A_137, %dma_wait3A_143] : memref<327680x128xf32, #tpu.memory_space<hbm>> -> memref<128x128xf32, #tpu.memory_space<hbm>>
        %dma_wait3A_145 = arith.constant 0 : i32
        %dma_wait3A_146 = arith.constant 0 : i32
        %dma_wait3A_147 = tpu.memref_slice %arg9[%dma_wait3A_145, %dma_wait3A_146] : memref<256x128xf32, #tpu.memory_space<vmem>> -> memref<128x128xf32, #tpu.memory_space<vmem>>
        tpu.wait_dma2 semaphore(%arg13 : memref<!tpu.dma_semaphore, #tpu.memory_space<semaphore_mem>>) src(%dma_wait3A_147 : memref<128x128xf32, #tpu.memory_space<vmem>>) dst(%dma_wait3A_144 : memref<128x128xf32, #tpu.memory_space<hbm>>)
        %add3A_148 = arith.constant 2 : i32
        %add3A_149 = arith.addi %add3A_130, %add3A_148 : i32
        %lt3A_150 = arith.constant 80 : i32
        %lt3A_151 = arith.cmpi slt, %add3A_149, %lt3A_150 : i32
        %convert_element_type3A_152 = arith.extui %lt3A_151 : i1 to i32
        %cond3A_153 = arith.constant 0 : i32
        %cond3A_154 = arith.cmpi ne, %convert_element_type3A_152, %cond3A_153 : i32
        scf.if %cond3A_154 {
          %add3A_183 = arith.constant 2 : i32
          %add3A_184 = arith.addi %add3A_130, %add3A_183 : i32
          %dma_start3A_185 = arith.constant 0 : i32
          %dma_start3A_186 = arith.constant 0 : i32
          %dma_start3A_187 = tpu.memref_slice %arg9[%dma_start3A_185, %dma_start3A_186] : memref<256x128xf32, #tpu.memory_space<vmem>> -> memref<128x128xf32, #tpu.memory_space<vmem>>
          %dma_start3A_188 = arith.constant 0 : i32
          %dma_start3A_189 = tpu.memref_slice %arg8[%add3A_184, %dma_start3A_188] : memref<80x128xi32, #tpu.memory_space<vmem>> -> memref<1x128xi32, #tpu.memory_space<vmem>>
          %dma_start3A_190 = tpu.memref_squeeze %dma_start3A_189 : memref<1x128xi32, #tpu.memory_space<vmem>> -> memref<128xi32, #tpu.memory_space<vmem>>
          %dma_start3A_191 = arith.constant 0 : i32
          %dma_start3A_192 = arith.constant 0 : i32
          %dma_start3A_193 = tpu.memref_slice %arg10[%dma_start3A_191, %dma_start3A_192] : memref<10000x128xf32, #tpu.memory_space<vmem_shared>> -> memref<10000x128xf32, #tpu.memory_space<vmem_shared>>
          tpu.enqueue_indirect_dma source(%dma_start3A_193 : memref<10000x128xf32, #tpu.memory_space<vmem_shared>>) target(%dma_start3A_187 : memref<128x128xf32, #tpu.memory_space<vmem>>) offsets(%dma_start3A_190 : memref<128xi32, #tpu.memory_space<vmem>>) semaphore(%arg11 : memref<!tpu.dma_semaphore, #tpu.memory_space<semaphore_mem>>)
        } else {
        }
        %mul3A_155 = arith.constant 2 : i32
        %mul3A_156 = arith.muli %scan3A_67, %mul3A_155 : i32
        %add3A_157 = arith.constant 1 : i32
        %add3A_158 = arith.addi %mul3A_156, %add3A_157 : i32
        %mul3A_159 = arith.constant 20480 : i32
        %mul3A_160 = arith.muli %arg1, %mul3A_159 : i32
        %add3A_161 = arith.constant 0 : i32
        %add3A_162 = arith.addi %add3A_161, %add3A_158 : i32
        %mul3A_163 = arith.constant 128 : i32
        %mul3A_164 = arith.muli %add3A_162, %mul3A_163 : i32
        %add3A_165 = arith.addi %mul3A_160, %mul3A_164 : i32
        %dma_wait3A_166 = arith.constant 128 : i32
        %dma_wait3A_167 = arith.constant 0 : i32
        %dma_wait3A_168 = tpu.memref_slice %arg9[%dma_wait3A_166, %dma_wait3A_167] : memref<256x128xf32, #tpu.memory_space<vmem>> -> memref<128x128xf32, #tpu.memory_space<vmem>>
        %dma_wait3A_169 = arith.constant 0 : i32
        %dma_wait3A_170 = tpu.memref_slice %arg6[%add3A_165, %dma_wait3A_169] : memref<327680x128xf32, #tpu.memory_space<hbm>> -> memref<128x128xf32, #tpu.memory_space<hbm>>
        %dma_wait3A_171 = arith.constant 0 : i32
        %dma_wait3A_172 = tpu.memref_slice %arg6[%add3A_165, %dma_wait3A_171] : memref<327680x128xf32, #tpu.memory_space<hbm>> -> memref<128x128xf32, #tpu.memory_space<hbm>>
        %dma_wait3A_173 = arith.constant 128 : i32
        %dma_wait3A_174 = arith.constant 0 : i32
        %dma_wait3A_175 = tpu.memref_slice %arg9[%dma_wait3A_173, %dma_wait3A_174] : memref<256x128xf32, #tpu.memory_space<vmem>> -> memref<128x128xf32, #tpu.memory_space<vmem>>
        tpu.wait_dma2 semaphore(%arg14 : memref<!tpu.dma_semaphore, #tpu.memory_space<semaphore_mem>>) src(%dma_wait3A_175 : memref<128x128xf32, #tpu.memory_space<vmem>>) dst(%dma_wait3A_172 : memref<128x128xf32, #tpu.memory_space<hbm>>)
        %add3A_176 = arith.constant 2 : i32
        %add3A_177 = arith.addi %add3A_158, %add3A_176 : i32
        %lt3A_178 = arith.constant 80 : i32
        %lt3A_179 = arith.cmpi slt, %add3A_177, %lt3A_178 : i32
        %convert_element_type3A_180 = arith.extui %lt3A_179 : i1 to i32
        %cond3A_181 = arith.constant 0 : i32
        %cond3A_182 = arith.cmpi ne, %convert_element_type3A_180, %cond3A_181 : i32
        scf.if %cond3A_182 {
          %add3A_183 = arith.constant 2 : i32
          %add3A_184 = arith.addi %add3A_158, %add3A_183 : i32
          %dma_start3A_185 = arith.constant 128 : i32
          %dma_start3A_186 = arith.constant 0 : i32
          %dma_start3A_187 = tpu.memref_slice %arg9[%dma_start3A_185, %dma_start3A_186] : memref<256x128xf32, #tpu.memory_space<vmem>> -> memref<128x128xf32, #tpu.memory_space<vmem>>
          %dma_start3A_188 = arith.constant 0 : i32
          %dma_start3A_189 = tpu.memref_slice %arg8[%add3A_184, %dma_start3A_188] : memref<80x128xi32, #tpu.memory_space<vmem>> -> memref<1x128xi32, #tpu.memory_space<vmem>>
          %dma_start3A_190 = tpu.memref_squeeze %dma_start3A_189 : memref<1x128xi32, #tpu.memory_space<vmem>> -> memref<128xi32, #tpu.memory_space<vmem>>
          %dma_start3A_191 = arith.constant 0 : i32
          %dma_start3A_192 = arith.constant 0 : i32
          %dma_start3A_193 = tpu.memref_slice %arg10[%dma_start3A_191, %dma_start3A_192] : memref<10000x128xf32, #tpu.memory_space<vmem_shared>> -> memref<10000x128xf32, #tpu.memory_space<vmem_shared>>
          tpu.enqueue_indirect_dma source(%dma_start3A_193 : memref<10000x128xf32, #tpu.memory_space<vmem_shared>>) target(%dma_start3A_187 : memref<128x128xf32, #tpu.memory_space<vmem>>) offsets(%dma_start3A_190 : memref<128xi32, #tpu.memory_space<vmem>>) semaphore(%arg12 : memref<!tpu.dma_semaphore, #tpu.memory_space<semaphore_mem>>)
        } else {
        }
      }
      %scan3A_36 = arith.constant 40 : i32
      %mul3A_37 = arith.constant 160 : i32
      %mul3A_38 = arith.muli %arg1, %mul3A_37 : i32
      %add3A_39 = arith.constant 80 : i32
      %add3A_40 = arith.addi %mul3A_38, %add3A_39 : i32
      "tpu.region"() ({
        %run_scoped3A = tpu.sem_alloc : memref<!tpu.dma_semaphore, #tpu.memory_space<semaphore_mem>>
        %dma_start3A_67 = arith.constant 0 : i32
        %dma_start3A_68 = tpu.memref_slice %arg4[%add3A_40, %dma_start3A_67] : memref<2560x128xi32, #tpu.memory_space<hbm>> -> memref<80x128xi32, #tpu.memory_space<hbm>>
        %dma_start3A_69 = arith.constant 0 : i32
        %dma_start3A_70 = tpu.memref_slice %arg4[%add3A_40, %dma_start3A_69] : memref<2560x128xi32, #tpu.memory_space<hbm>> -> memref<80x128xi32, #tpu.memory_space<hbm>>
        tpu.enqueue_dma source(%dma_start3A_70 : memref<80x128xi32, #tpu.memory_space<hbm>>) target(%arg8 : memref<80x128xi32, #tpu.memory_space<vmem>>) target_semaphore(%run_scoped3A : memref<!tpu.dma_semaphore, #tpu.memory_space<semaphore_mem>>)
        %dma_wait3A = arith.constant 0 : i32
        %dma_wait3A_71 = tpu.memref_slice %arg4[%add3A_40, %dma_wait3A] : memref<2560x128xi32, #tpu.memory_space<hbm>> -> memref<80x128xi32, #tpu.memory_space<hbm>>
        %dma_wait3A_72 = arith.constant 0 : i32
        %dma_wait3A_73 = tpu.memref_slice %arg4[%add3A_40, %dma_wait3A_72] : memref<2560x128xi32, #tpu.memory_space<hbm>> -> memref<80x128xi32, #tpu.memory_space<hbm>>
        tpu.wait_dma2 semaphore(%run_scoped3A : memref<!tpu.dma_semaphore, #tpu.memory_space<semaphore_mem>>) src(%dma_wait3A_73 : memref<80x128xi32, #tpu.memory_space<hbm>>) dst(%arg8 : memref<80x128xi32, #tpu.memory_space<vmem>>)
        tpu.yield
      }) : () -> ()
      %dma_start3A_41 = arith.constant 0 : i32
      %dma_start3A_42 = arith.constant 0 : i32
      %dma_start3A_43 = arith.constant 0 : i32
      %dma_start3A_44 = tpu.memref_slice %arg9[%dma_start3A_42, %dma_start3A_43] : memref<256x128xf32, #tpu.memory_space<vmem>> -> memref<128x128xf32, #tpu.memory_space<vmem>>
      %dma_start3A_45 = arith.constant 0 : i32
      %dma_start3A_46 = tpu.memref_slice %arg8[%dma_start3A_41, %dma_start3A_45] : memref<80x128xi32, #tpu.memory_space<vmem>> -> memref<1x128xi32, #tpu.memory_space<vmem>>
      %dma_start3A_47 = tpu.memref_squeeze %dma_start3A_46 : memref<1x128xi32, #tpu.memory_space<vmem>> -> memref<128xi32, #tpu.memory_space<vmem>>
      %dma_start3A_48 = arith.constant 0 : i32
      %dma_start3A_49 = arith.constant 0 : i32
      %dma_start3A_50 = tpu.memref_slice %arg10[%dma_start3A_48, %dma_start3A_49] : memref<10000x128xf32, #tpu.memory_space<vmem_shared>> -> memref<10000x128xf32, #tpu.memory_space<vmem_shared>>
      tpu.enqueue_indirect_dma source(%dma_start3A_50 : memref<10000x128xf32, #tpu.memory_space<vmem_shared>>) target(%dma_start3A_44 : memref<128x128xf32, #tpu.memory_space<vmem>>) offsets(%dma_start3A_47 : memref<128xi32, #tpu.memory_space<vmem>>) semaphore(%arg11 : memref<!tpu.dma_semaphore, #tpu.memory_space<semaphore_mem>>)
      %dma_start3A_51 = arith.constant 1 : i32
      %dma_start3A_52 = arith.constant 128 : i32
      %dma_start3A_53 = arith.constant 0 : i32
      %dma_start3A_54 = tpu.memref_slice %arg9[%dma_start3A_52, %dma_start3A_53] : memref<256x128xf32, #tpu.memory_space<vmem>> -> memref<128x128xf32, #tpu.memory_space<vmem>>
      %dma_start3A_55 = arith.constant 0 : i32
      %dma_start3A_56 = tpu.memref_slice %arg8[%dma_start3A_51, %dma_start3A_55] : memref<80x128xi32, #tpu.memory_space<vmem>> -> memref<1x128xi32, #tpu.memory_space<vmem>>
      %dma_start3A_57 = tpu.memref_squeeze %dma_start3A_56 : memref<1x128xi32, #tpu.memory_space<vmem>> -> memref<128xi32, #tpu.memory_space<vmem>>
      %dma_start3A_58 = arith.constant 0 : i32
      %dma_start3A_59 = arith.constant 0 : i32
      %dma_start3A_60 = tpu.memref_slice %arg10[%dma_start3A_58, %dma_start3A_59] : memref<10000x128xf32, #tpu.memory_space<vmem_shared>> -> memref<10000x128xf32, #tpu.memory_space<vmem_shared>>
      tpu.enqueue_indirect_dma source(%dma_start3A_60 : memref<10000x128xf32, #tpu.memory_space<vmem_shared>>) target(%dma_start3A_54 : memref<128x128xf32, #tpu.memory_space<vmem>>) offsets(%dma_start3A_57 : memref<128xi32, #tpu.memory_space<vmem>>) semaphore(%arg12 : memref<!tpu.dma_semaphore, #tpu.memory_space<semaphore_mem>>)
      %scan3A_61 = arith.constant 0 : i32
      %scan3A_62 = arith.constant 0 : i32
      %scan3A_63 = arith.constant 40 : i32
      %scan3A_64 = arith.addi %scan3A_62, %scan3A_63 : i32
      %scan3A_65 = arith.constant 1 : i32
      scf.for %scan3A_67 = %scan3A_62 to %scan3A_64 step %scan3A_65  : i32 {
        %mul3A_68 = arith.constant 2 : i32
        %mul3A_69 = arith.muli %scan3A_67, %mul3A_68 : i32
        %add3A_70 = arith.constant 0 : i32
        %add3A_71 = arith.addi %mul3A_69, %add3A_70 : i32
        %mul3A_72 = arith.constant 20480 : i32
        %mul3A_73 = arith.muli %arg1, %mul3A_72 : i32
        %add3A_74 = arith.constant 80 : i32
        %add3A_75 = arith.addi %add3A_74, %add3A_71 : i32
        %mul3A_76 = arith.constant 128 : i32
        %mul3A_77 = arith.muli %add3A_75, %mul3A_76 : i32
        %add3A_78 = arith.addi %mul3A_73, %mul3A_77 : i32
        %dma_wait3A = arith.constant 0 : i32
        %dma_wait3A_79 = arith.constant 0 : i32
        %dma_wait3A_80 = tpu.memref_slice %arg9[%dma_wait3A, %dma_wait3A_79] : memref<256x128xf32, #tpu.memory_space<vmem>> -> memref<128x128xf32, #tpu.memory_space<vmem>>
        %dma_wait3A_81 = arith.constant 0 : i32
        %dma_wait3A_82 = tpu.memref_slice %arg8[%add3A_71, %dma_wait3A_81] : memref<80x128xi32, #tpu.memory_space<vmem>> -> memref<1x128xi32, #tpu.memory_space<vmem>>
        %dma_wait3A_83 = tpu.memref_squeeze %dma_wait3A_82 : memref<1x128xi32, #tpu.memory_space<vmem>> -> memref<128xi32, #tpu.memory_space<vmem>>
        %dma_wait3A_84 = arith.constant 0 : i32
        %dma_wait3A_85 = arith.constant 0 : i32
        %dma_wait3A_86 = tpu.memref_slice %arg10[%dma_wait3A_84, %dma_wait3A_85] : memref<10000x128xf32, #tpu.memory_space<vmem_shared>> -> memref<10000x128xf32, #tpu.memory_space<vmem_shared>>
        tpu.wait_indirect_dma semaphore(%arg11 : memref<!tpu.dma_semaphore, #tpu.memory_space<semaphore_mem>>) src(%dma_wait3A_86 : memref<10000x128xf32, #tpu.memory_space<vmem_shared>>) dst(%dma_wait3A_80 : memref<128x128xf32, #tpu.memory_space<vmem>>)
        %dma_start3A_87 = arith.constant 0 : i32
        %dma_start3A_88 = arith.constant 0 : i32
        %dma_start3A_89 = tpu.memref_slice %arg9[%dma_start3A_87, %dma_start3A_88] : memref<256x128xf32, #tpu.memory_space<vmem>> -> memref<128x128xf32, #tpu.memory_space<vmem>>
        %dma_start3A_90 = arith.constant 0 : i32
        %dma_start3A_91 = tpu.memref_slice %arg6[%add3A_78, %dma_start3A_90] : memref<327680x128xf32, #tpu.memory_space<hbm>> -> memref<128x128xf32, #tpu.memory_space<hbm>>
        %dma_start3A_92 = arith.constant 0 : i32
        %dma_start3A_93 = tpu.memref_slice %arg6[%add3A_78, %dma_start3A_92] : memref<327680x128xf32, #tpu.memory_space<hbm>> -> memref<128x128xf32, #tpu.memory_space<hbm>>
        %dma_start3A_94 = arith.constant 0 : i32
        %dma_start3A_95 = arith.constant 0 : i32
        %dma_start3A_96 = tpu.memref_slice %arg9[%dma_start3A_94, %dma_start3A_95] : memref<256x128xf32, #tpu.memory_space<vmem>> -> memref<128x128xf32, #tpu.memory_space<vmem>>
        tpu.enqueue_dma source(%dma_start3A_96 : memref<128x128xf32, #tpu.memory_space<vmem>>) target(%dma_start3A_93 : memref<128x128xf32, #tpu.memory_space<hbm>>) target_semaphore(%arg13 : memref<!tpu.dma_semaphore, #tpu.memory_space<semaphore_mem>>)
        %mul3A_97 = arith.constant 2 : i32
        %mul3A_98 = arith.muli %scan3A_67, %mul3A_97 : i32
        %add3A_99 = arith.constant 1 : i32
        %add3A_100 = arith.addi %mul3A_98, %add3A_99 : i32
        %mul3A_101 = arith.constant 20480 : i32
        %mul3A_102 = arith.muli %arg1, %mul3A_101 : i32
        %add3A_103 = arith.constant 80 : i32
        %add3A_104 = arith.addi %add3A_103, %add3A_100 : i32
        %mul3A_105 = arith.constant 128 : i32
        %mul3A_106 = arith.muli %add3A_104, %mul3A_105 : i32
        %add3A_107 = arith.addi %mul3A_102, %mul3A_106 : i32
        %dma_wait3A_108 = arith.constant 128 : i32
        %dma_wait3A_109 = arith.constant 0 : i32
        %dma_wait3A_110 = tpu.memref_slice %arg9[%dma_wait3A_108, %dma_wait3A_109] : memref<256x128xf32, #tpu.memory_space<vmem>> -> memref<128x128xf32, #tpu.memory_space<vmem>>
        %dma_wait3A_111 = arith.constant 0 : i32
        %dma_wait3A_112 = tpu.memref_slice %arg8[%add3A_100, %dma_wait3A_111] : memref<80x128xi32, #tpu.memory_space<vmem>> -> memref<1x128xi32, #tpu.memory_space<vmem>>
        %dma_wait3A_113 = tpu.memref_squeeze %dma_wait3A_112 : memref<1x128xi32, #tpu.memory_space<vmem>> -> memref<128xi32, #tpu.memory_space<vmem>>
        %dma_wait3A_114 = arith.constant 0 : i32
        %dma_wait3A_115 = arith.constant 0 : i32
        %dma_wait3A_116 = tpu.memref_slice %arg10[%dma_wait3A_114, %dma_wait3A_115] : memref<10000x128xf32, #tpu.memory_space<vmem_shared>> -> memref<10000x128xf32, #tpu.memory_space<vmem_shared>>
        tpu.wait_indirect_dma semaphore(%arg12 : memref<!tpu.dma_semaphore, #tpu.memory_space<semaphore_mem>>) src(%dma_wait3A_116 : memref<10000x128xf32, #tpu.memory_space<vmem_shared>>) dst(%dma_wait3A_110 : memref<128x128xf32, #tpu.memory_space<vmem>>)
        %dma_start3A_117 = arith.constant 128 : i32
        %dma_start3A_118 = arith.constant 0 : i32
        %dma_start3A_119 = tpu.memref_slice %arg9[%dma_start3A_117, %dma_start3A_118] : memref<256x128xf32, #tpu.memory_space<vmem>> -> memref<128x128xf32, #tpu.memory_space<vmem>>
        %dma_start3A_120 = arith.constant 0 : i32
        %dma_start3A_121 = tpu.memref_slice %arg6[%add3A_107, %dma_start3A_120] : memref<327680x128xf32, #tpu.memory_space<hbm>> -> memref<128x128xf32, #tpu.memory_space<hbm>>
        %dma_start3A_122 = arith.constant 0 : i32
        %dma_start3A_123 = tpu.memref_slice %arg6[%add3A_107, %dma_start3A_122] : memref<327680x128xf32, #tpu.memory_space<hbm>> -> memref<128x128xf32, #tpu.memory_space<hbm>>
        %dma_start3A_124 = arith.constant 128 : i32
        %dma_start3A_125 = arith.constant 0 : i32
        %dma_start3A_126 = tpu.memref_slice %arg9[%dma_start3A_124, %dma_start3A_125] : memref<256x128xf32, #tpu.memory_space<vmem>> -> memref<128x128xf32, #tpu.memory_space<vmem>>
        tpu.enqueue_dma source(%dma_start3A_126 : memref<128x128xf32, #tpu.memory_space<vmem>>) target(%dma_start3A_123 : memref<128x128xf32, #tpu.memory_space<hbm>>) target_semaphore(%arg14 : memref<!tpu.dma_semaphore, #tpu.memory_space<semaphore_mem>>)
        %mul3A_127 = arith.constant 2 : i32
        %mul3A_128 = arith.muli %scan3A_67, %mul3A_127 : i32
        %add3A_129 = arith.constant 0 : i32
        %add3A_130 = arith.addi %mul3A_128, %add3A_129 : i32
        %mul3A_131 = arith.constant 20480 : i32
        %mul3A_132 = arith.muli %arg1, %mul3A_131 : i32
        %add3A_133 = arith.constant 80 : i32
        %add3A_134 = arith.addi %add3A_133, %add3A_130 : i32
        %mul3A_135 = arith.constant 128 : i32
        %mul3A_136 = arith.muli %add3A_134, %mul3A_135 : i32
        %add3A_137 = arith.addi %mul3A_132, %mul3A_136 : i32
        %dma_wait3A_138 = arith.constant 0 : i32
        %dma_wait3A_139 = arith.constant 0 : i32
        %dma_wait3A_140 = tpu.memref_slice %arg9[%dma_wait3A_138, %dma_wait3A_139] : memref<256x128xf32, #tpu.memory_space<vmem>> -> memref<128x128xf32, #tpu.memory_space<vmem>>
        %dma_wait3A_141 = arith.constant 0 : i32
        %dma_wait3A_142 = tpu.memref_slice %arg6[%add3A_137, %dma_wait3A_141] : memref<327680x128xf32, #tpu.memory_space<hbm>> -> memref<128x128xf32, #tpu.memory_space<hbm>>
        %dma_wait3A_143 = arith.constant 0 : i32
        %dma_wait3A_144 = tpu.memref_slice %arg6[%add3A_137, %dma_wait3A_143] : memref<327680x128xf32, #tpu.memory_space<hbm>> -> memref<128x128xf32, #tpu.memory_space<hbm>>
        %dma_wait3A_145 = arith.constant 0 : i32
        %dma_wait3A_146 = arith.constant 0 : i32
        %dma_wait3A_147 = tpu.memref_slice %arg9[%dma_wait3A_145, %dma_wait3A_146] : memref<256x128xf32, #tpu.memory_space<vmem>> -> memref<128x128xf32, #tpu.memory_space<vmem>>
        tpu.wait_dma2 semaphore(%arg13 : memref<!tpu.dma_semaphore, #tpu.memory_space<semaphore_mem>>) src(%dma_wait3A_147 : memref<128x128xf32, #tpu.memory_space<vmem>>) dst(%dma_wait3A_144 : memref<128x128xf32, #tpu.memory_space<hbm>>)
        %add3A_148 = arith.constant 2 : i32
        %add3A_149 = arith.addi %add3A_130, %add3A_148 : i32
        %lt3A_150 = arith.constant 80 : i32
        %lt3A_151 = arith.cmpi slt, %add3A_149, %lt3A_150 : i32
        %convert_element_type3A_152 = arith.extui %lt3A_151 : i1 to i32
        %cond3A_153 = arith.constant 0 : i32
        %cond3A_154 = arith.cmpi ne, %convert_element_type3A_152, %cond3A_153 : i32
        scf.if %cond3A_154 {
          %add3A_183 = arith.constant 2 : i32
          %add3A_184 = arith.addi %add3A_130, %add3A_183 : i32
          %dma_start3A_185 = arith.constant 0 : i32
          %dma_start3A_186 = arith.constant 0 : i32
          %dma_start3A_187 = tpu.memref_slice %arg9[%dma_start3A_185, %dma_start3A_186] : memref<256x128xf32, #tpu.memory_space<vmem>> -> memref<128x128xf32, #tpu.memory_space<vmem>>
          %dma_start3A_188 = arith.constant 0 : i32
          %dma_start3A_189 = tpu.memref_slice %arg8[%add3A_184, %dma_start3A_188] : memref<80x128xi32, #tpu.memory_space<vmem>> -> memref<1x128xi32, #tpu.memory_space<vmem>>
          %dma_start3A_190 = tpu.memref_squeeze %dma_start3A_189 : memref<1x128xi32, #tpu.memory_space<vmem>> -> memref<128xi32, #tpu.memory_space<vmem>>
          %dma_start3A_191 = arith.constant 0 : i32
          %dma_start3A_192 = arith.constant 0 : i32
          %dma_start3A_193 = tpu.memref_slice %arg10[%dma_start3A_191, %dma_start3A_192] : memref<10000x128xf32, #tpu.memory_space<vmem_shared>> -> memref<10000x128xf32, #tpu.memory_space<vmem_shared>>
          tpu.enqueue_indirect_dma source(%dma_start3A_193 : memref<10000x128xf32, #tpu.memory_space<vmem_shared>>) target(%dma_start3A_187 : memref<128x128xf32, #tpu.memory_space<vmem>>) offsets(%dma_start3A_190 : memref<128xi32, #tpu.memory_space<vmem>>) semaphore(%arg11 : memref<!tpu.dma_semaphore, #tpu.memory_space<semaphore_mem>>)
        } else {
        }
        %mul3A_155 = arith.constant 2 : i32
        %mul3A_156 = arith.muli %scan3A_67, %mul3A_155 : i32
        %add3A_157 = arith.constant 1 : i32
        %add3A_158 = arith.addi %mul3A_156, %add3A_157 : i32
        %mul3A_159 = arith.constant 20480 : i32
        %mul3A_160 = arith.muli %arg1, %mul3A_159 : i32
        %add3A_161 = arith.constant 80 : i32
        %add3A_162 = arith.addi %add3A_161, %add3A_158 : i32
        %mul3A_163 = arith.constant 128 : i32
        %mul3A_164 = arith.muli %add3A_162, %mul3A_163 : i32
        %add3A_165 = arith.addi %mul3A_160, %mul3A_164 : i32
        %dma_wait3A_166 = arith.constant 128 : i32
        %dma_wait3A_167 = arith.constant 0 : i32
        %dma_wait3A_168 = tpu.memref_slice %arg9[%dma_wait3A_166, %dma_wait3A_167] : memref<256x128xf32, #tpu.memory_space<vmem>> -> memref<128x128xf32, #tpu.memory_space<vmem>>
        %dma_wait3A_169 = arith.constant 0 : i32
        %dma_wait3A_170 = tpu.memref_slice %arg6[%add3A_165, %dma_wait3A_169] : memref<327680x128xf32, #tpu.memory_space<hbm>> -> memref<128x128xf32, #tpu.memory_space<hbm>>
        %dma_wait3A_171 = arith.constant 0 : i32
        %dma_wait3A_172 = tpu.memref_slice %arg6[%add3A_165, %dma_wait3A_171] : memref<327680x128xf32, #tpu.memory_space<hbm>> -> memref<128x128xf32, #tpu.memory_space<hbm>>
        %dma_wait3A_173 = arith.constant 128 : i32
        %dma_wait3A_174 = arith.constant 0 : i32
        %dma_wait3A_175 = tpu.memref_slice %arg9[%dma_wait3A_173, %dma_wait3A_174] : memref<256x128xf32, #tpu.memory_space<vmem>> -> memref<128x128xf32, #tpu.memory_space<vmem>>
        tpu.wait_dma2 semaphore(%arg14 : memref<!tpu.dma_semaphore, #tpu.memory_space<semaphore_mem>>) src(%dma_wait3A_175 : memref<128x128xf32, #tpu.memory_space<vmem>>) dst(%dma_wait3A_172 : memref<128x128xf32, #tpu.memory_space<hbm>>)
        %add3A_176 = arith.constant 2 : i32
        %add3A_177 = arith.addi %add3A_158, %add3A_176 : i32
        %lt3A_178 = arith.constant 80 : i32
        %lt3A_179 = arith.cmpi slt, %add3A_177, %lt3A_178 : i32
        %convert_element_type3A_180 = arith.extui %lt3A_179 : i1 to i32
        %cond3A_181 = arith.constant 0 : i32
        %cond3A_182 = arith.cmpi ne, %convert_element_type3A_180, %cond3A_181 : i32
        scf.if %cond3A_182 {
          %add3A_183 = arith.constant 2 : i32
          %add3A_184 = arith.addi %add3A_158, %add3A_183 : i32
          %dma_start3A_185 = arith.constant 128 : i32
          %dma_start3A_186 = arith.constant 0 : i32
          %dma_start3A_187 = tpu.memref_slice %arg9[%dma_start3A_185, %dma_start3A_186] : memref<256x128xf32, #tpu.memory_space<vmem>> -> memref<128x128xf32, #tpu.memory_space<vmem>>
          %dma_start3A_188 = arith.constant 0 : i32
          %dma_start3A_189 = tpu.memref_slice %arg8[%add3A_184, %dma_start3A_188] : memref<80x128xi32, #tpu.memory_space<vmem>> -> memref<1x128xi32, #tpu.memory_space<vmem>>
          %dma_start3A_190 = tpu.memref_squeeze %dma_start3A_189 : memref<1x128xi32, #tpu.memory_space<vmem>> -> memref<128xi32, #tpu.memory_space<vmem>>
          %dma_start3A_191 = arith.constant 0 : i32
          %dma_start3A_192 = arith.constant 0 : i32
          %dma_start3A_193 = tpu.memref_slice %arg10[%dma_start3A_191, %dma_start3A_192] : memref<10000x128xf32, #tpu.memory_space<vmem_shared>> -> memref<10000x128xf32, #tpu.memory_space<vmem_shared>>
          tpu.enqueue_indirect_dma source(%dma_start3A_193 : memref<10000x128xf32, #tpu.memory_space<vmem_shared>>) target(%dma_start3A_187 : memref<128x128xf32, #tpu.memory_space<vmem>>) offsets(%dma_start3A_190 : memref<128xi32, #tpu.memory_space<vmem>>) semaphore(%arg12 : memref<!tpu.dma_semaphore, #tpu.memory_space<semaphore_mem>>)
        } else {
        }
      }
      %scan3A_66 = arith.constant 40 : i32
    } else {
    }
    %eq3A_2 = arith.constant 1 : i32
    %eq3A_3 = arith.cmpi eq, %arg0, %eq3A_2 : i32
    %convert_element_type3A_4 = arith.extui %eq3A_3 : i1 to i32
    %cond3A_5 = arith.constant 0 : i32
    %cond3A_6 = arith.cmpi ne, %convert_element_type3A_4, %cond3A_5 : i32
    scf.if %cond3A_6 {
      %lt3A = arith.constant 10 : i32
      %lt3A_7 = arith.cmpi slt, %arg1, %lt3A : i32
      %convert_element_type3A_8 = arith.extui %lt3A_7 : i1 to i32
      %cond3A_9 = arith.constant 0 : i32
      %cond3A_10 = arith.cmpi ne, %convert_element_type3A_8, %cond3A_9 : i32
      scf.if %cond3A_10 {
        %mul3A_67 = arith.constant 1000 : i32
        %mul3A_68 = arith.muli %arg1, %mul3A_67 : i32
        %mul3A_69 = arith.constant 1000 : i32
        %mul3A_70 = arith.muli %arg1, %mul3A_69 : i32
        "tpu.region"() ({
          %run_scoped3A = tpu.sem_alloc : memref<!tpu.dma_semaphore, #tpu.memory_space<semaphore_mem>>
          %dma_start3A_71 = arith.constant 0 : i32
          %dma_start3A_72 = tpu.memref_slice %arg10[%mul3A_70, %dma_start3A_71] : memref<10000x128xf32, #tpu.memory_space<vmem_shared>> -> memref<1000x128xf32, #tpu.memory_space<vmem_shared>>
          %dma_start3A_73 = arith.constant 0 : i32
          %dma_start3A_74 = tpu.memref_slice %arg3[%mul3A_68, %dma_start3A_73] : memref<10000x128xf32, #tpu.memory_space<hbm>> -> memref<1000x128xf32, #tpu.memory_space<hbm>>
          tpu.enqueue_dma source(%dma_start3A_74 : memref<1000x128xf32, #tpu.memory_space<hbm>>) target(%dma_start3A_72 : memref<1000x128xf32, #tpu.memory_space<vmem_shared>>) target_semaphore(%run_scoped3A : memref<!tpu.dma_semaphore, #tpu.memory_space<semaphore_mem>>)
          %dma_wait3A = arith.constant 0 : i32
          %dma_wait3A_75 = tpu.memref_slice %arg10[%mul3A_70, %dma_wait3A] : memref<10000x128xf32, #tpu.memory_space<vmem_shared>> -> memref<1000x128xf32, #tpu.memory_space<vmem_shared>>
          %dma_wait3A_76 = arith.constant 0 : i32
          %dma_wait3A_77 = tpu.memref_slice %arg3[%mul3A_68, %dma_wait3A_76] : memref<10000x128xf32, #tpu.memory_space<hbm>> -> memref<1000x128xf32, #tpu.memory_space<hbm>>
          tpu.wait_dma2 semaphore(%run_scoped3A : memref<!tpu.dma_semaphore, #tpu.memory_space<semaphore_mem>>) src(%dma_wait3A_77 : memref<1000x128xf32, #tpu.memory_space<hbm>>) dst(%dma_wait3A_75 : memref<1000x128xf32, #tpu.memory_space<vmem_shared>>)
          tpu.yield
        }) : () -> ()
      } else {
      }
      %barrier3A = arith.constant 0 : index
      tpu.barrier barrier_id(%barrier3A)
      %mul3A = arith.constant 160 : i32
      %mul3A_11 = arith.muli %arg1, %mul3A : i32
      %add3A = arith.constant 0 : i32
      %add3A_12 = arith.addi %mul3A_11, %add3A : i32
      "tpu.region"() ({
        %run_scoped3A = tpu.sem_alloc : memref<!tpu.dma_semaphore, #tpu.memory_space<semaphore_mem>>
        %dma_start3A_67 = arith.constant 0 : i32
        %dma_start3A_68 = tpu.memref_slice %arg5[%add3A_12, %dma_start3A_67] : memref<2560x128xi32, #tpu.memory_space<hbm>> -> memref<80x128xi32, #tpu.memory_space<hbm>>
        %dma_start3A_69 = arith.constant 0 : i32
        %dma_start3A_70 = tpu.memref_slice %arg5[%add3A_12, %dma_start3A_69] : memref<2560x128xi32, #tpu.memory_space<hbm>> -> memref<80x128xi32, #tpu.memory_space<hbm>>
        tpu.enqueue_dma source(%dma_start3A_70 : memref<80x128xi32, #tpu.memory_space<hbm>>) target(%arg8 : memref<80x128xi32, #tpu.memory_space<vmem>>) target_semaphore(%run_scoped3A : memref<!tpu.dma_semaphore, #tpu.memory_space<semaphore_mem>>)
        %dma_wait3A = arith.constant 0 : i32
        %dma_wait3A_71 = tpu.memref_slice %arg5[%add3A_12, %dma_wait3A] : memref<2560x128xi32, #tpu.memory_space<hbm>> -> memref<80x128xi32, #tpu.memory_space<hbm>>
        %dma_wait3A_72 = arith.constant 0 : i32
        %dma_wait3A_73 = tpu.memref_slice %arg5[%add3A_12, %dma_wait3A_72] : memref<2560x128xi32, #tpu.memory_space<hbm>> -> memref<80x128xi32, #tpu.memory_space<hbm>>
        tpu.wait_dma2 semaphore(%run_scoped3A : memref<!tpu.dma_semaphore, #tpu.memory_space<semaphore_mem>>) src(%dma_wait3A_73 : memref<80x128xi32, #tpu.memory_space<hbm>>) dst(%arg8 : memref<80x128xi32, #tpu.memory_space<vmem>>)
        tpu.yield
      }) : () -> ()
      %dma_start3A = arith.constant 0 : i32
      %dma_start3A_13 = arith.constant 0 : i32
      %dma_start3A_14 = arith.constant 0 : i32
      %dma_start3A_15 = tpu.memref_slice %arg9[%dma_start3A_13, %dma_start3A_14] : memref<256x128xf32, #tpu.memory_space<vmem>> -> memref<128x128xf32, #tpu.memory_space<vmem>>
      %dma_start3A_16 = arith.constant 0 : i32
      %dma_start3A_17 = tpu.memref_slice %arg8[%dma_start3A, %dma_start3A_16] : memref<80x128xi32, #tpu.memory_space<vmem>> -> memref<1x128xi32, #tpu.memory_space<vmem>>
      %dma_start3A_18 = tpu.memref_squeeze %dma_start3A_17 : memref<1x128xi32, #tpu.memory_space<vmem>> -> memref<128xi32, #tpu.memory_space<vmem>>
      %dma_start3A_19 = arith.constant 0 : i32
      %dma_start3A_20 = arith.constant 0 : i32
      %dma_start3A_21 = tpu.memref_slice %arg10[%dma_start3A_19, %dma_start3A_20] : memref<10000x128xf32, #tpu.memory_space<vmem_shared>> -> memref<10000x128xf32, #tpu.memory_space<vmem_shared>>
      tpu.enqueue_indirect_dma source(%dma_start3A_21 : memref<10000x128xf32, #tpu.memory_space<vmem_shared>>) target(%dma_start3A_15 : memref<128x128xf32, #tpu.memory_space<vmem>>) offsets(%dma_start3A_18 : memref<128xi32, #tpu.memory_space<vmem>>) semaphore(%arg11 : memref<!tpu.dma_semaphore, #tpu.memory_space<semaphore_mem>>)
      %dma_start3A_22 = arith.constant 1 : i32
      %dma_start3A_23 = arith.constant 128 : i32
      %dma_start3A_24 = arith.constant 0 : i32
      %dma_start3A_25 = tpu.memref_slice %arg9[%dma_start3A_23, %dma_start3A_24] : memref<256x128xf32, #tpu.memory_space<vmem>> -> memref<128x128xf32, #tpu.memory_space<vmem>>
      %dma_start3A_26 = arith.constant 0 : i32
      %dma_start3A_27 = tpu.memref_slice %arg8[%dma_start3A_22, %dma_start3A_26] : memref<80x128xi32, #tpu.memory_space<vmem>> -> memref<1x128xi32, #tpu.memory_space<vmem>>
      %dma_start3A_28 = tpu.memref_squeeze %dma_start3A_27 : memref<1x128xi32, #tpu.memory_space<vmem>> -> memref<128xi32, #tpu.memory_space<vmem>>
      %dma_start3A_29 = arith.constant 0 : i32
      %dma_start3A_30 = arith.constant 0 : i32
      %dma_start3A_31 = tpu.memref_slice %arg10[%dma_start3A_29, %dma_start3A_30] : memref<10000x128xf32, #tpu.memory_space<vmem_shared>> -> memref<10000x128xf32, #tpu.memory_space<vmem_shared>>
      tpu.enqueue_indirect_dma source(%dma_start3A_31 : memref<10000x128xf32, #tpu.memory_space<vmem_shared>>) target(%dma_start3A_25 : memref<128x128xf32, #tpu.memory_space<vmem>>) offsets(%dma_start3A_28 : memref<128xi32, #tpu.memory_space<vmem>>) semaphore(%arg12 : memref<!tpu.dma_semaphore, #tpu.memory_space<semaphore_mem>>)
      %scan3A = arith.constant 0 : i32
      %scan3A_32 = arith.constant 0 : i32
      %scan3A_33 = arith.constant 40 : i32
      %scan3A_34 = arith.addi %scan3A_32, %scan3A_33 : i32
      %scan3A_35 = arith.constant 1 : i32
      scf.for %scan3A_67 = %scan3A_32 to %scan3A_34 step %scan3A_35  : i32 {
        %mul3A_68 = arith.constant 2 : i32
        %mul3A_69 = arith.muli %scan3A_67, %mul3A_68 : i32
        %add3A_70 = arith.constant 0 : i32
        %add3A_71 = arith.addi %mul3A_69, %add3A_70 : i32
        %mul3A_72 = arith.constant 20480 : i32
        %mul3A_73 = arith.muli %arg1, %mul3A_72 : i32
        %add3A_74 = arith.constant 0 : i32
        %add3A_75 = arith.addi %add3A_74, %add3A_71 : i32
        %mul3A_76 = arith.constant 128 : i32
        %mul3A_77 = arith.muli %add3A_75, %mul3A_76 : i32
        %add3A_78 = arith.addi %mul3A_73, %mul3A_77 : i32
        %dma_wait3A = arith.constant 0 : i32
        %dma_wait3A_79 = arith.constant 0 : i32
        %dma_wait3A_80 = tpu.memref_slice %arg9[%dma_wait3A, %dma_wait3A_79] : memref<256x128xf32, #tpu.memory_space<vmem>> -> memref<128x128xf32, #tpu.memory_space<vmem>>
        %dma_wait3A_81 = arith.constant 0 : i32
        %dma_wait3A_82 = tpu.memref_slice %arg8[%add3A_71, %dma_wait3A_81] : memref<80x128xi32, #tpu.memory_space<vmem>> -> memref<1x128xi32, #tpu.memory_space<vmem>>
        %dma_wait3A_83 = tpu.memref_squeeze %dma_wait3A_82 : memref<1x128xi32, #tpu.memory_space<vmem>> -> memref<128xi32, #tpu.memory_space<vmem>>
        %dma_wait3A_84 = arith.constant 0 : i32
        %dma_wait3A_85 = arith.constant 0 : i32
        %dma_wait3A_86 = tpu.memref_slice %arg10[%dma_wait3A_84, %dma_wait3A_85] : memref<10000x128xf32, #tpu.memory_space<vmem_shared>> -> memref<10000x128xf32, #tpu.memory_space<vmem_shared>>
        tpu.wait_indirect_dma semaphore(%arg11 : memref<!tpu.dma_semaphore, #tpu.memory_space<semaphore_mem>>) src(%dma_wait3A_86 : memref<10000x128xf32, #tpu.memory_space<vmem_shared>>) dst(%dma_wait3A_80 : memref<128x128xf32, #tpu.memory_space<vmem>>)
        %dma_start3A_87 = arith.constant 0 : i32
        %dma_start3A_88 = arith.constant 0 : i32
        %dma_start3A_89 = tpu.memref_slice %arg9[%dma_start3A_87, %dma_start3A_88] : memref<256x128xf32, #tpu.memory_space<vmem>> -> memref<128x128xf32, #tpu.memory_space<vmem>>
        %dma_start3A_90 = arith.constant 0 : i32
        %dma_start3A_91 = tpu.memref_slice %arg7[%add3A_78, %dma_start3A_90] : memref<327680x128xf32, #tpu.memory_space<hbm>> -> memref<128x128xf32, #tpu.memory_space<hbm>>
        %dma_start3A_92 = arith.constant 0 : i32
        %dma_start3A_93 = tpu.memref_slice %arg7[%add3A_78, %dma_start3A_92] : memref<327680x128xf32, #tpu.memory_space<hbm>> -> memref<128x128xf32, #tpu.memory_space<hbm>>
        %dma_start3A_94 = arith.constant 0 : i32
        %dma_start3A_95 = arith.constant 0 : i32
        %dma_start3A_96 = tpu.memref_slice %arg9[%dma_start3A_94, %dma_start3A_95] : memref<256x128xf32, #tpu.memory_space<vmem>> -> memref<128x128xf32, #tpu.memory_space<vmem>>
        tpu.enqueue_dma source(%dma_start3A_96 : memref<128x128xf32, #tpu.memory_space<vmem>>) target(%dma_start3A_93 : memref<128x128xf32, #tpu.memory_space<hbm>>) target_semaphore(%arg13 : memref<!tpu.dma_semaphore, #tpu.memory_space<semaphore_mem>>)
        %mul3A_97 = arith.constant 2 : i32
        %mul3A_98 = arith.muli %scan3A_67, %mul3A_97 : i32
        %add3A_99 = arith.constant 1 : i32
        %add3A_100 = arith.addi %mul3A_98, %add3A_99 : i32
        %mul3A_101 = arith.constant 20480 : i32
        %mul3A_102 = arith.muli %arg1, %mul3A_101 : i32
        %add3A_103 = arith.constant 0 : i32
        %add3A_104 = arith.addi %add3A_103, %add3A_100 : i32
        %mul3A_105 = arith.constant 128 : i32
        %mul3A_106 = arith.muli %add3A_104, %mul3A_105 : i32
        %add3A_107 = arith.addi %mul3A_102, %mul3A_106 : i32
        %dma_wait3A_108 = arith.constant 128 : i32
        %dma_wait3A_109 = arith.constant 0 : i32
        %dma_wait3A_110 = tpu.memref_slice %arg9[%dma_wait3A_108, %dma_wait3A_109] : memref<256x128xf32, #tpu.memory_space<vmem>> -> memref<128x128xf32, #tpu.memory_space<vmem>>
        %dma_wait3A_111 = arith.constant 0 : i32
        %dma_wait3A_112 = tpu.memref_slice %arg8[%add3A_100, %dma_wait3A_111] : memref<80x128xi32, #tpu.memory_space<vmem>> -> memref<1x128xi32, #tpu.memory_space<vmem>>
        %dma_wait3A_113 = tpu.memref_squeeze %dma_wait3A_112 : memref<1x128xi32, #tpu.memory_space<vmem>> -> memref<128xi32, #tpu.memory_space<vmem>>
        %dma_wait3A_114 = arith.constant 0 : i32
        %dma_wait3A_115 = arith.constant 0 : i32
        %dma_wait3A_116 = tpu.memref_slice %arg10[%dma_wait3A_114, %dma_wait3A_115] : memref<10000x128xf32, #tpu.memory_space<vmem_shared>> -> memref<10000x128xf32, #tpu.memory_space<vmem_shared>>
        tpu.wait_indirect_dma semaphore(%arg12 : memref<!tpu.dma_semaphore, #tpu.memory_space<semaphore_mem>>) src(%dma_wait3A_116 : memref<10000x128xf32, #tpu.memory_space<vmem_shared>>) dst(%dma_wait3A_110 : memref<128x128xf32, #tpu.memory_space<vmem>>)
        %dma_start3A_117 = arith.constant 128 : i32
        %dma_start3A_118 = arith.constant 0 : i32
        %dma_start3A_119 = tpu.memref_slice %arg9[%dma_start3A_117, %dma_start3A_118] : memref<256x128xf32, #tpu.memory_space<vmem>> -> memref<128x128xf32, #tpu.memory_space<vmem>>
        %dma_start3A_120 = arith.constant 0 : i32
        %dma_start3A_121 = tpu.memref_slice %arg7[%add3A_107, %dma_start3A_120] : memref<327680x128xf32, #tpu.memory_space<hbm>> -> memref<128x128xf32, #tpu.memory_space<hbm>>
        %dma_start3A_122 = arith.constant 0 : i32
        %dma_start3A_123 = tpu.memref_slice %arg7[%add3A_107, %dma_start3A_122] : memref<327680x128xf32, #tpu.memory_space<hbm>> -> memref<128x128xf32, #tpu.memory_space<hbm>>
        %dma_start3A_124 = arith.constant 128 : i32
        %dma_start3A_125 = arith.constant 0 : i32
        %dma_start3A_126 = tpu.memref_slice %arg9[%dma_start3A_124, %dma_start3A_125] : memref<256x128xf32, #tpu.memory_space<vmem>> -> memref<128x128xf32, #tpu.memory_space<vmem>>
        tpu.enqueue_dma source(%dma_start3A_126 : memref<128x128xf32, #tpu.memory_space<vmem>>) target(%dma_start3A_123 : memref<128x128xf32, #tpu.memory_space<hbm>>) target_semaphore(%arg14 : memref<!tpu.dma_semaphore, #tpu.memory_space<semaphore_mem>>)
        %mul3A_127 = arith.constant 2 : i32
        %mul3A_128 = arith.muli %scan3A_67, %mul3A_127 : i32
        %add3A_129 = arith.constant 0 : i32
        %add3A_130 = arith.addi %mul3A_128, %add3A_129 : i32
        %mul3A_131 = arith.constant 20480 : i32
        %mul3A_132 = arith.muli %arg1, %mul3A_131 : i32
        %add3A_133 = arith.constant 0 : i32
        %add3A_134 = arith.addi %add3A_133, %add3A_130 : i32
        %mul3A_135 = arith.constant 128 : i32
        %mul3A_136 = arith.muli %add3A_134, %mul3A_135 : i32
        %add3A_137 = arith.addi %mul3A_132, %mul3A_136 : i32
        %dma_wait3A_138 = arith.constant 0 : i32
        %dma_wait3A_139 = arith.constant 0 : i32
        %dma_wait3A_140 = tpu.memref_slice %arg9[%dma_wait3A_138, %dma_wait3A_139] : memref<256x128xf32, #tpu.memory_space<vmem>> -> memref<128x128xf32, #tpu.memory_space<vmem>>
        %dma_wait3A_141 = arith.constant 0 : i32
        %dma_wait3A_142 = tpu.memref_slice %arg7[%add3A_137, %dma_wait3A_141] : memref<327680x128xf32, #tpu.memory_space<hbm>> -> memref<128x128xf32, #tpu.memory_space<hbm>>
        %dma_wait3A_143 = arith.constant 0 : i32
        %dma_wait3A_144 = tpu.memref_slice %arg7[%add3A_137, %dma_wait3A_143] : memref<327680x128xf32, #tpu.memory_space<hbm>> -> memref<128x128xf32, #tpu.memory_space<hbm>>
        %dma_wait3A_145 = arith.constant 0 : i32
        %dma_wait3A_146 = arith.constant 0 : i32
        %dma_wait3A_147 = tpu.memref_slice %arg9[%dma_wait3A_145, %dma_wait3A_146] : memref<256x128xf32, #tpu.memory_space<vmem>> -> memref<128x128xf32, #tpu.memory_space<vmem>>
        tpu.wait_dma2 semaphore(%arg13 : memref<!tpu.dma_semaphore, #tpu.memory_space<semaphore_mem>>) src(%dma_wait3A_147 : memref<128x128xf32, #tpu.memory_space<vmem>>) dst(%dma_wait3A_144 : memref<128x128xf32, #tpu.memory_space<hbm>>)
        %add3A_148 = arith.constant 2 : i32
        %add3A_149 = arith.addi %add3A_130, %add3A_148 : i32
        %lt3A_150 = arith.constant 80 : i32
        %lt3A_151 = arith.cmpi slt, %add3A_149, %lt3A_150 : i32
        %convert_element_type3A_152 = arith.extui %lt3A_151 : i1 to i32
        %cond3A_153 = arith.constant 0 : i32
        %cond3A_154 = arith.cmpi ne, %convert_element_type3A_152, %cond3A_153 : i32
        scf.if %cond3A_154 {
          %add3A_183 = arith.constant 2 : i32
          %add3A_184 = arith.addi %add3A_130, %add3A_183 : i32
          %dma_start3A_185 = arith.constant 0 : i32
          %dma_start3A_186 = arith.constant 0 : i32
          %dma_start3A_187 = tpu.memref_slice %arg9[%dma_start3A_185, %dma_start3A_186] : memref<256x128xf32, #tpu.memory_space<vmem>> -> memref<128x128xf32, #tpu.memory_space<vmem>>
          %dma_start3A_188 = arith.constant 0 : i32
          %dma_start3A_189 = tpu.memref_slice %arg8[%add3A_184, %dma_start3A_188] : memref<80x128xi32, #tpu.memory_space<vmem>> -> memref<1x128xi32, #tpu.memory_space<vmem>>
          %dma_start3A_190 = tpu.memref_squeeze %dma_start3A_189 : memref<1x128xi32, #tpu.memory_space<vmem>> -> memref<128xi32, #tpu.memory_space<vmem>>
          %dma_start3A_191 = arith.constant 0 : i32
          %dma_start3A_192 = arith.constant 0 : i32
          %dma_start3A_193 = tpu.memref_slice %arg10[%dma_start3A_191, %dma_start3A_192] : memref<10000x128xf32, #tpu.memory_space<vmem_shared>> -> memref<10000x128xf32, #tpu.memory_space<vmem_shared>>
          tpu.enqueue_indirect_dma source(%dma_start3A_193 : memref<10000x128xf32, #tpu.memory_space<vmem_shared>>) target(%dma_start3A_187 : memref<128x128xf32, #tpu.memory_space<vmem>>) offsets(%dma_start3A_190 : memref<128xi32, #tpu.memory_space<vmem>>) semaphore(%arg11 : memref<!tpu.dma_semaphore, #tpu.memory_space<semaphore_mem>>)
        } else {
        }
        %mul3A_155 = arith.constant 2 : i32
        %mul3A_156 = arith.muli %scan3A_67, %mul3A_155 : i32
        %add3A_157 = arith.constant 1 : i32
        %add3A_158 = arith.addi %mul3A_156, %add3A_157 : i32
        %mul3A_159 = arith.constant 20480 : i32
        %mul3A_160 = arith.muli %arg1, %mul3A_159 : i32
        %add3A_161 = arith.constant 0 : i32
        %add3A_162 = arith.addi %add3A_161, %add3A_158 : i32
        %mul3A_163 = arith.constant 128 : i32
        %mul3A_164 = arith.muli %add3A_162, %mul3A_163 : i32
        %add3A_165 = arith.addi %mul3A_160, %mul3A_164 : i32
        %dma_wait3A_166 = arith.constant 128 : i32
        %dma_wait3A_167 = arith.constant 0 : i32
        %dma_wait3A_168 = tpu.memref_slice %arg9[%dma_wait3A_166, %dma_wait3A_167] : memref<256x128xf32, #tpu.memory_space<vmem>> -> memref<128x128xf32, #tpu.memory_space<vmem>>
        %dma_wait3A_169 = arith.constant 0 : i32
        %dma_wait3A_170 = tpu.memref_slice %arg7[%add3A_165, %dma_wait3A_169] : memref<327680x128xf32, #tpu.memory_space<hbm>> -> memref<128x128xf32, #tpu.memory_space<hbm>>
        %dma_wait3A_171 = arith.constant 0 : i32
        %dma_wait3A_172 = tpu.memref_slice %arg7[%add3A_165, %dma_wait3A_171] : memref<327680x128xf32, #tpu.memory_space<hbm>> -> memref<128x128xf32, #tpu.memory_space<hbm>>
        %dma_wait3A_173 = arith.constant 128 : i32
        %dma_wait3A_174 = arith.constant 0 : i32
        %dma_wait3A_175 = tpu.memref_slice %arg9[%dma_wait3A_173, %dma_wait3A_174] : memref<256x128xf32, #tpu.memory_space<vmem>> -> memref<128x128xf32, #tpu.memory_space<vmem>>
        tpu.wait_dma2 semaphore(%arg14 : memref<!tpu.dma_semaphore, #tpu.memory_space<semaphore_mem>>) src(%dma_wait3A_175 : memref<128x128xf32, #tpu.memory_space<vmem>>) dst(%dma_wait3A_172 : memref<128x128xf32, #tpu.memory_space<hbm>>)
        %add3A_176 = arith.constant 2 : i32
        %add3A_177 = arith.addi %add3A_158, %add3A_176 : i32
        %lt3A_178 = arith.constant 80 : i32
        %lt3A_179 = arith.cmpi slt, %add3A_177, %lt3A_178 : i32
        %convert_element_type3A_180 = arith.extui %lt3A_179 : i1 to i32
        %cond3A_181 = arith.constant 0 : i32
        %cond3A_182 = arith.cmpi ne, %convert_element_type3A_180, %cond3A_181 : i32
        scf.if %cond3A_182 {
          %add3A_183 = arith.constant 2 : i32
          %add3A_184 = arith.addi %add3A_158, %add3A_183 : i32
          %dma_start3A_185 = arith.constant 128 : i32
          %dma_start3A_186 = arith.constant 0 : i32
          %dma_start3A_187 = tpu.memref_slice %arg9[%dma_start3A_185, %dma_start3A_186] : memref<256x128xf32, #tpu.memory_space<vmem>> -> memref<128x128xf32, #tpu.memory_space<vmem>>
          %dma_start3A_188 = arith.constant 0 : i32
          %dma_start3A_189 = tpu.memref_slice %arg8[%add3A_184, %dma_start3A_188] : memref<80x128xi32, #tpu.memory_space<vmem>> -> memref<1x128xi32, #tpu.memory_space<vmem>>
          %dma_start3A_190 = tpu.memref_squeeze %dma_start3A_189 : memref<1x128xi32, #tpu.memory_space<vmem>> -> memref<128xi32, #tpu.memory_space<vmem>>
          %dma_start3A_191 = arith.constant 0 : i32
          %dma_start3A_192 = arith.constant 0 : i32
          %dma_start3A_193 = tpu.memref_slice %arg10[%dma_start3A_191, %dma_start3A_192] : memref<10000x128xf32, #tpu.memory_space<vmem_shared>> -> memref<10000x128xf32, #tpu.memory_space<vmem_shared>>
          tpu.enqueue_indirect_dma source(%dma_start3A_193 : memref<10000x128xf32, #tpu.memory_space<vmem_shared>>) target(%dma_start3A_187 : memref<128x128xf32, #tpu.memory_space<vmem>>) offsets(%dma_start3A_190 : memref<128xi32, #tpu.memory_space<vmem>>) semaphore(%arg12 : memref<!tpu.dma_semaphore, #tpu.memory_space<semaphore_mem>>)
        } else {
        }
      }
      %scan3A_36 = arith.constant 40 : i32
      %mul3A_37 = arith.constant 160 : i32
      %mul3A_38 = arith.muli %arg1, %mul3A_37 : i32
      %add3A_39 = arith.constant 80 : i32
      %add3A_40 = arith.addi %mul3A_38, %add3A_39 : i32
      "tpu.region"() ({
        %run_scoped3A = tpu.sem_alloc : memref<!tpu.dma_semaphore, #tpu.memory_space<semaphore_mem>>
        %dma_start3A_67 = arith.constant 0 : i32
        %dma_start3A_68 = tpu.memref_slice %arg5[%add3A_40, %dma_start3A_67] : memref<2560x128xi32, #tpu.memory_space<hbm>> -> memref<80x128xi32, #tpu.memory_space<hbm>>
        %dma_start3A_69 = arith.constant 0 : i32
        %dma_start3A_70 = tpu.memref_slice %arg5[%add3A_40, %dma_start3A_69] : memref<2560x128xi32, #tpu.memory_space<hbm>> -> memref<80x128xi32, #tpu.memory_space<hbm>>
        tpu.enqueue_dma source(%dma_start3A_70 : memref<80x128xi32, #tpu.memory_space<hbm>>) target(%arg8 : memref<80x128xi32, #tpu.memory_space<vmem>>) target_semaphore(%run_scoped3A : memref<!tpu.dma_semaphore, #tpu.memory_space<semaphore_mem>>)
        %dma_wait3A = arith.constant 0 : i32
        %dma_wait3A_71 = tpu.memref_slice %arg5[%add3A_40, %dma_wait3A] : memref<2560x128xi32, #tpu.memory_space<hbm>> -> memref<80x128xi32, #tpu.memory_space<hbm>>
        %dma_wait3A_72 = arith.constant 0 : i32
        %dma_wait3A_73 = tpu.memref_slice %arg5[%add3A_40, %dma_wait3A_72] : memref<2560x128xi32, #tpu.memory_space<hbm>> -> memref<80x128xi32, #tpu.memory_space<hbm>>
        tpu.wait_dma2 semaphore(%run_scoped3A : memref<!tpu.dma_semaphore, #tpu.memory_space<semaphore_mem>>) src(%dma_wait3A_73 : memref<80x128xi32, #tpu.memory_space<hbm>>) dst(%arg8 : memref<80x128xi32, #tpu.memory_space<vmem>>)
        tpu.yield
      }) : () -> ()
      %dma_start3A_41 = arith.constant 0 : i32
      %dma_start3A_42 = arith.constant 0 : i32
      %dma_start3A_43 = arith.constant 0 : i32
      %dma_start3A_44 = tpu.memref_slice %arg9[%dma_start3A_42, %dma_start3A_43] : memref<256x128xf32, #tpu.memory_space<vmem>> -> memref<128x128xf32, #tpu.memory_space<vmem>>
      %dma_start3A_45 = arith.constant 0 : i32
      %dma_start3A_46 = tpu.memref_slice %arg8[%dma_start3A_41, %dma_start3A_45] : memref<80x128xi32, #tpu.memory_space<vmem>> -> memref<1x128xi32, #tpu.memory_space<vmem>>
      %dma_start3A_47 = tpu.memref_squeeze %dma_start3A_46 : memref<1x128xi32, #tpu.memory_space<vmem>> -> memref<128xi32, #tpu.memory_space<vmem>>
      %dma_start3A_48 = arith.constant 0 : i32
      %dma_start3A_49 = arith.constant 0 : i32
      %dma_start3A_50 = tpu.memref_slice %arg10[%dma_start3A_48, %dma_start3A_49] : memref<10000x128xf32, #tpu.memory_space<vmem_shared>> -> memref<10000x128xf32, #tpu.memory_space<vmem_shared>>
      tpu.enqueue_indirect_dma source(%dma_start3A_50 : memref<10000x128xf32, #tpu.memory_space<vmem_shared>>) target(%dma_start3A_44 : memref<128x128xf32, #tpu.memory_space<vmem>>) offsets(%dma_start3A_47 : memref<128xi32, #tpu.memory_space<vmem>>) semaphore(%arg11 : memref<!tpu.dma_semaphore, #tpu.memory_space<semaphore_mem>>)
      %dma_start3A_51 = arith.constant 1 : i32
      %dma_start3A_52 = arith.constant 128 : i32
      %dma_start3A_53 = arith.constant 0 : i32
      %dma_start3A_54 = tpu.memref_slice %arg9[%dma_start3A_52, %dma_start3A_53] : memref<256x128xf32, #tpu.memory_space<vmem>> -> memref<128x128xf32, #tpu.memory_space<vmem>>
      %dma_start3A_55 = arith.constant 0 : i32
      %dma_start3A_56 = tpu.memref_slice %arg8[%dma_start3A_51, %dma_start3A_55] : memref<80x128xi32, #tpu.memory_space<vmem>> -> memref<1x128xi32, #tpu.memory_space<vmem>>
      %dma_start3A_57 = tpu.memref_squeeze %dma_start3A_56 : memref<1x128xi32, #tpu.memory_space<vmem>> -> memref<128xi32, #tpu.memory_space<vmem>>
      %dma_start3A_58 = arith.constant 0 : i32
      %dma_start3A_59 = arith.constant 0 : i32
      %dma_start3A_60 = tpu.memref_slice %arg10[%dma_start3A_58, %dma_start3A_59] : memref<10000x128xf32, #tpu.memory_space<vmem_shared>> -> memref<10000x128xf32, #tpu.memory_space<vmem_shared>>
      tpu.enqueue_indirect_dma source(%dma_start3A_60 : memref<10000x128xf32, #tpu.memory_space<vmem_shared>>) target(%dma_start3A_54 : memref<128x128xf32, #tpu.memory_space<vmem>>) offsets(%dma_start3A_57 : memref<128xi32, #tpu.memory_space<vmem>>) semaphore(%arg12 : memref<!tpu.dma_semaphore, #tpu.memory_space<semaphore_mem>>)
      %scan3A_61 = arith.constant 0 : i32
      %scan3A_62 = arith.constant 0 : i32
      %scan3A_63 = arith.constant 40 : i32
      %scan3A_64 = arith.addi %scan3A_62, %scan3A_63 : i32
      %scan3A_65 = arith.constant 1 : i32
      scf.for %scan3A_67 = %scan3A_62 to %scan3A_64 step %scan3A_65  : i32 {
        %mul3A_68 = arith.constant 2 : i32
        %mul3A_69 = arith.muli %scan3A_67, %mul3A_68 : i32
        %add3A_70 = arith.constant 0 : i32
        %add3A_71 = arith.addi %mul3A_69, %add3A_70 : i32
        %mul3A_72 = arith.constant 20480 : i32
        %mul3A_73 = arith.muli %arg1, %mul3A_72 : i32
        %add3A_74 = arith.constant 80 : i32
        %add3A_75 = arith.addi %add3A_74, %add3A_71 : i32
        %mul3A_76 = arith.constant 128 : i32
        %mul3A_77 = arith.muli %add3A_75, %mul3A_76 : i32
        %add3A_78 = arith.addi %mul3A_73, %mul3A_77 : i32
        %dma_wait3A = arith.constant 0 : i32
        %dma_wait3A_79 = arith.constant 0 : i32
        %dma_wait3A_80 = tpu.memref_slice %arg9[%dma_wait3A, %dma_wait3A_79] : memref<256x128xf32, #tpu.memory_space<vmem>> -> memref<128x128xf32, #tpu.memory_space<vmem>>
        %dma_wait3A_81 = arith.constant 0 : i32
        %dma_wait3A_82 = tpu.memref_slice %arg8[%add3A_71, %dma_wait3A_81] : memref<80x128xi32, #tpu.memory_space<vmem>> -> memref<1x128xi32, #tpu.memory_space<vmem>>
        %dma_wait3A_83 = tpu.memref_squeeze %dma_wait3A_82 : memref<1x128xi32, #tpu.memory_space<vmem>> -> memref<128xi32, #tpu.memory_space<vmem>>
        %dma_wait3A_84 = arith.constant 0 : i32
        %dma_wait3A_85 = arith.constant 0 : i32
        %dma_wait3A_86 = tpu.memref_slice %arg10[%dma_wait3A_84, %dma_wait3A_85] : memref<10000x128xf32, #tpu.memory_space<vmem_shared>> -> memref<10000x128xf32, #tpu.memory_space<vmem_shared>>
        tpu.wait_indirect_dma semaphore(%arg11 : memref<!tpu.dma_semaphore, #tpu.memory_space<semaphore_mem>>) src(%dma_wait3A_86 : memref<10000x128xf32, #tpu.memory_space<vmem_shared>>) dst(%dma_wait3A_80 : memref<128x128xf32, #tpu.memory_space<vmem>>)
        %dma_start3A_87 = arith.constant 0 : i32
        %dma_start3A_88 = arith.constant 0 : i32
        %dma_start3A_89 = tpu.memref_slice %arg9[%dma_start3A_87, %dma_start3A_88] : memref<256x128xf32, #tpu.memory_space<vmem>> -> memref<128x128xf32, #tpu.memory_space<vmem>>
        %dma_start3A_90 = arith.constant 0 : i32
        %dma_start3A_91 = tpu.memref_slice %arg7[%add3A_78, %dma_start3A_90] : memref<327680x128xf32, #tpu.memory_space<hbm>> -> memref<128x128xf32, #tpu.memory_space<hbm>>
        %dma_start3A_92 = arith.constant 0 : i32
        %dma_start3A_93 = tpu.memref_slice %arg7[%add3A_78, %dma_start3A_92] : memref<327680x128xf32, #tpu.memory_space<hbm>> -> memref<128x128xf32, #tpu.memory_space<hbm>>
        %dma_start3A_94 = arith.constant 0 : i32
        %dma_start3A_95 = arith.constant 0 : i32
        %dma_start3A_96 = tpu.memref_slice %arg9[%dma_start3A_94, %dma_start3A_95] : memref<256x128xf32, #tpu.memory_space<vmem>> -> memref<128x128xf32, #tpu.memory_space<vmem>>
        tpu.enqueue_dma source(%dma_start3A_96 : memref<128x128xf32, #tpu.memory_space<vmem>>) target(%dma_start3A_93 : memref<128x128xf32, #tpu.memory_space<hbm>>) target_semaphore(%arg13 : memref<!tpu.dma_semaphore, #tpu.memory_space<semaphore_mem>>)
        %mul3A_97 = arith.constant 2 : i32
        %mul3A_98 = arith.muli %scan3A_67, %mul3A_97 : i32
        %add3A_99 = arith.constant 1 : i32
        %add3A_100 = arith.addi %mul3A_98, %add3A_99 : i32
        %mul3A_101 = arith.constant 20480 : i32
        %mul3A_102 = arith.muli %arg1, %mul3A_101 : i32
        %add3A_103 = arith.constant 80 : i32
        %add3A_104 = arith.addi %add3A_103, %add3A_100 : i32
        %mul3A_105 = arith.constant 128 : i32
        %mul3A_106 = arith.muli %add3A_104, %mul3A_105 : i32
        %add3A_107 = arith.addi %mul3A_102, %mul3A_106 : i32
        %dma_wait3A_108 = arith.constant 128 : i32
        %dma_wait3A_109 = arith.constant 0 : i32
        %dma_wait3A_110 = tpu.memref_slice %arg9[%dma_wait3A_108, %dma_wait3A_109] : memref<256x128xf32, #tpu.memory_space<vmem>> -> memref<128x128xf32, #tpu.memory_space<vmem>>
        %dma_wait3A_111 = arith.constant 0 : i32
        %dma_wait3A_112 = tpu.memref_slice %arg8[%add3A_100, %dma_wait3A_111] : memref<80x128xi32, #tpu.memory_space<vmem>> -> memref<1x128xi32, #tpu.memory_space<vmem>>
        %dma_wait3A_113 = tpu.memref_squeeze %dma_wait3A_112 : memref<1x128xi32, #tpu.memory_space<vmem>> -> memref<128xi32, #tpu.memory_space<vmem>>
        %dma_wait3A_114 = arith.constant 0 : i32
        %dma_wait3A_115 = arith.constant 0 : i32
        %dma_wait3A_116 = tpu.memref_slice %arg10[%dma_wait3A_114, %dma_wait3A_115] : memref<10000x128xf32, #tpu.memory_space<vmem_shared>> -> memref<10000x128xf32, #tpu.memory_space<vmem_shared>>
        tpu.wait_indirect_dma semaphore(%arg12 : memref<!tpu.dma_semaphore, #tpu.memory_space<semaphore_mem>>) src(%dma_wait3A_116 : memref<10000x128xf32, #tpu.memory_space<vmem_shared>>) dst(%dma_wait3A_110 : memref<128x128xf32, #tpu.memory_space<vmem>>)
        %dma_start3A_117 = arith.constant 128 : i32
        %dma_start3A_118 = arith.constant 0 : i32
        %dma_start3A_119 = tpu.memref_slice %arg9[%dma_start3A_117, %dma_start3A_118] : memref<256x128xf32, #tpu.memory_space<vmem>> -> memref<128x128xf32, #tpu.memory_space<vmem>>
        %dma_start3A_120 = arith.constant 0 : i32
        %dma_start3A_121 = tpu.memref_slice %arg7[%add3A_107, %dma_start3A_120] : memref<327680x128xf32, #tpu.memory_space<hbm>> -> memref<128x128xf32, #tpu.memory_space<hbm>>
        %dma_start3A_122 = arith.constant 0 : i32
        %dma_start3A_123 = tpu.memref_slice %arg7[%add3A_107, %dma_start3A_122] : memref<327680x128xf32, #tpu.memory_space<hbm>> -> memref<128x128xf32, #tpu.memory_space<hbm>>
        %dma_start3A_124 = arith.constant 128 : i32
        %dma_start3A_125 = arith.constant 0 : i32
        %dma_start3A_126 = tpu.memref_slice %arg9[%dma_start3A_124, %dma_start3A_125] : memref<256x128xf32, #tpu.memory_space<vmem>> -> memref<128x128xf32, #tpu.memory_space<vmem>>
        tpu.enqueue_dma source(%dma_start3A_126 : memref<128x128xf32, #tpu.memory_space<vmem>>) target(%dma_start3A_123 : memref<128x128xf32, #tpu.memory_space<hbm>>) target_semaphore(%arg14 : memref<!tpu.dma_semaphore, #tpu.memory_space<semaphore_mem>>)
        %mul3A_127 = arith.constant 2 : i32
        %mul3A_128 = arith.muli %scan3A_67, %mul3A_127 : i32
        %add3A_129 = arith.constant 0 : i32
        %add3A_130 = arith.addi %mul3A_128, %add3A_129 : i32
        %mul3A_131 = arith.constant 20480 : i32
        %mul3A_132 = arith.muli %arg1, %mul3A_131 : i32
        %add3A_133 = arith.constant 80 : i32
        %add3A_134 = arith.addi %add3A_133, %add3A_130 : i32
        %mul3A_135 = arith.constant 128 : i32
        %mul3A_136 = arith.muli %add3A_134, %mul3A_135 : i32
        %add3A_137 = arith.addi %mul3A_132, %mul3A_136 : i32
        %dma_wait3A_138 = arith.constant 0 : i32
        %dma_wait3A_139 = arith.constant 0 : i32
        %dma_wait3A_140 = tpu.memref_slice %arg9[%dma_wait3A_138, %dma_wait3A_139] : memref<256x128xf32, #tpu.memory_space<vmem>> -> memref<128x128xf32, #tpu.memory_space<vmem>>
        %dma_wait3A_141 = arith.constant 0 : i32
        %dma_wait3A_142 = tpu.memref_slice %arg7[%add3A_137, %dma_wait3A_141] : memref<327680x128xf32, #tpu.memory_space<hbm>> -> memref<128x128xf32, #tpu.memory_space<hbm>>
        %dma_wait3A_143 = arith.constant 0 : i32
        %dma_wait3A_144 = tpu.memref_slice %arg7[%add3A_137, %dma_wait3A_143] : memref<327680x128xf32, #tpu.memory_space<hbm>> -> memref<128x128xf32, #tpu.memory_space<hbm>>
        %dma_wait3A_145 = arith.constant 0 : i32
        %dma_wait3A_146 = arith.constant 0 : i32
        %dma_wait3A_147 = tpu.memref_slice %arg9[%dma_wait3A_145, %dma_wait3A_146] : memref<256x128xf32, #tpu.memory_space<vmem>> -> memref<128x128xf32, #tpu.memory_space<vmem>>
        tpu.wait_dma2 semaphore(%arg13 : memref<!tpu.dma_semaphore, #tpu.memory_space<semaphore_mem>>) src(%dma_wait3A_147 : memref<128x128xf32, #tpu.memory_space<vmem>>) dst(%dma_wait3A_144 : memref<128x128xf32, #tpu.memory_space<hbm>>)
        %add3A_148 = arith.constant 2 : i32
        %add3A_149 = arith.addi %add3A_130, %add3A_148 : i32
        %lt3A_150 = arith.constant 80 : i32
        %lt3A_151 = arith.cmpi slt, %add3A_149, %lt3A_150 : i32
        %convert_element_type3A_152 = arith.extui %lt3A_151 : i1 to i32
        %cond3A_153 = arith.constant 0 : i32
        %cond3A_154 = arith.cmpi ne, %convert_element_type3A_152, %cond3A_153 : i32
        scf.if %cond3A_154 {
          %add3A_183 = arith.constant 2 : i32
          %add3A_184 = arith.addi %add3A_130, %add3A_183 : i32
          %dma_start3A_185 = arith.constant 0 : i32
          %dma_start3A_186 = arith.constant 0 : i32
          %dma_start3A_187 = tpu.memref_slice %arg9[%dma_start3A_185, %dma_start3A_186] : memref<256x128xf32, #tpu.memory_space<vmem>> -> memref<128x128xf32, #tpu.memory_space<vmem>>
          %dma_start3A_188 = arith.constant 0 : i32
          %dma_start3A_189 = tpu.memref_slice %arg8[%add3A_184, %dma_start3A_188] : memref<80x128xi32, #tpu.memory_space<vmem>> -> memref<1x128xi32, #tpu.memory_space<vmem>>
          %dma_start3A_190 = tpu.memref_squeeze %dma_start3A_189 : memref<1x128xi32, #tpu.memory_space<vmem>> -> memref<128xi32, #tpu.memory_space<vmem>>
          %dma_start3A_191 = arith.constant 0 : i32
          %dma_start3A_192 = arith.constant 0 : i32
          %dma_start3A_193 = tpu.memref_slice %arg10[%dma_start3A_191, %dma_start3A_192] : memref<10000x128xf32, #tpu.memory_space<vmem_shared>> -> memref<10000x128xf32, #tpu.memory_space<vmem_shared>>
          tpu.enqueue_indirect_dma source(%dma_start3A_193 : memref<10000x128xf32, #tpu.memory_space<vmem_shared>>) target(%dma_start3A_187 : memref<128x128xf32, #tpu.memory_space<vmem>>) offsets(%dma_start3A_190 : memref<128xi32, #tpu.memory_space<vmem>>) semaphore(%arg11 : memref<!tpu.dma_semaphore, #tpu.memory_space<semaphore_mem>>)
        } else {
        }
        %mul3A_155 = arith.constant 2 : i32
        %mul3A_156 = arith.muli %scan3A_67, %mul3A_155 : i32
        %add3A_157 = arith.constant 1 : i32
        %add3A_158 = arith.addi %mul3A_156, %add3A_157 : i32
        %mul3A_159 = arith.constant 20480 : i32
        %mul3A_160 = arith.muli %arg1, %mul3A_159 : i32
        %add3A_161 = arith.constant 80 : i32
        %add3A_162 = arith.addi %add3A_161, %add3A_158 : i32
        %mul3A_163 = arith.constant 128 : i32
        %mul3A_164 = arith.muli %add3A_162, %mul3A_163 : i32
        %add3A_165 = arith.addi %mul3A_160, %mul3A_164 : i32
        %dma_wait3A_166 = arith.constant 128 : i32
        %dma_wait3A_167 = arith.constant 0 : i32
        %dma_wait3A_168 = tpu.memref_slice %arg9[%dma_wait3A_166, %dma_wait3A_167] : memref<256x128xf32, #tpu.memory_space<vmem>> -> memref<128x128xf32, #tpu.memory_space<vmem>>
        %dma_wait3A_169 = arith.constant 0 : i32
        %dma_wait3A_170 = tpu.memref_slice %arg7[%add3A_165, %dma_wait3A_169] : memref<327680x128xf32, #tpu.memory_space<hbm>> -> memref<128x128xf32, #tpu.memory_space<hbm>>
        %dma_wait3A_171 = arith.constant 0 : i32
        %dma_wait3A_172 = tpu.memref_slice %arg7[%add3A_165, %dma_wait3A_171] : memref<327680x128xf32, #tpu.memory_space<hbm>> -> memref<128x128xf32, #tpu.memory_space<hbm>>
        %dma_wait3A_173 = arith.constant 128 : i32
        %dma_wait3A_174 = arith.constant 0 : i32
        %dma_wait3A_175 = tpu.memref_slice %arg9[%dma_wait3A_173, %dma_wait3A_174] : memref<256x128xf32, #tpu.memory_space<vmem>> -> memref<128x128xf32, #tpu.memory_space<vmem>>
        tpu.wait_dma2 semaphore(%arg14 : memref<!tpu.dma_semaphore, #tpu.memory_space<semaphore_mem>>) src(%dma_wait3A_175 : memref<128x128xf32, #tpu.memory_space<vmem>>) dst(%dma_wait3A_172 : memref<128x128xf32, #tpu.memory_space<hbm>>)
        %add3A_176 = arith.constant 2 : i32
        %add3A_177 = arith.addi %add3A_158, %add3A_176 : i32
        %lt3A_178 = arith.constant 80 : i32
        %lt3A_179 = arith.cmpi slt, %add3A_177, %lt3A_178 : i32
        %convert_element_type3A_180 = arith.extui %lt3A_179 : i1 to i32
        %cond3A_181 = arith.constant 0 : i32
        %cond3A_182 = arith.cmpi ne, %convert_element_type3A_180, %cond3A_181 : i32
        scf.if %cond3A_182 {
          %add3A_183 = arith.constant 2 : i32
          %add3A_184 = arith.addi %add3A_158, %add3A_183 : i32
          %dma_start3A_185 = arith.constant 128 : i32
          %dma_start3A_186 = arith.constant 0 : i32
          %dma_start3A_187 = tpu.memref_slice %arg9[%dma_start3A_185, %dma_start3A_186] : memref<256x128xf32, #tpu.memory_space<vmem>> -> memref<128x128xf32, #tpu.memory_space<vmem>>
          %dma_start3A_188 = arith.constant 0 : i32
          %dma_start3A_189 = tpu.memref_slice %arg8[%add3A_184, %dma_start3A_188] : memref<80x128xi32, #tpu.memory_space<vmem>> -> memref<1x128xi32, #tpu.memory_space<vmem>>
          %dma_start3A_190 = tpu.memref_squeeze %dma_start3A_189 : memref<1x128xi32, #tpu.memory_space<vmem>> -> memref<128xi32, #tpu.memory_space<vmem>>
          %dma_start3A_191 = arith.constant 0 : i32
          %dma_start3A_192 = arith.constant 0 : i32
          %dma_start3A_193 = tpu.memref_slice %arg10[%dma_start3A_191, %dma_start3A_192] : memref<10000x128xf32, #tpu.memory_space<vmem_shared>> -> memref<10000x128xf32, #tpu.memory_space<vmem_shared>>
          tpu.enqueue_indirect_dma source(%dma_start3A_193 : memref<10000x128xf32, #tpu.memory_space<vmem_shared>>) target(%dma_start3A_187 : memref<128x128xf32, #tpu.memory_space<vmem>>) offsets(%dma_start3A_190 : memref<128xi32, #tpu.memory_space<vmem>>) semaphore(%arg12 : memref<!tpu.dma_semaphore, #tpu.memory_space<semaphore_mem>>)
        } else {
        }
      }
      %scan3A_66 = arith.constant 40 : i32
    } else {
    }
    return
  }
}

#map = affine_map<(d0, d1) -> (0, 0)>
module attributes {stable_mosaic.version = 14 : i64} {
  func.func @k(%arg0: i32, %arg1: i32, %arg2: memref<327680x128xf32, #tpu.memory_space<hbm>>, %arg3: memref<327680x128xf32, #tpu.memory_space<hbm>>, %arg4: memref<2560x128xi32, #tpu.memory_space<hbm>>, %arg5: memref<10000x128xf32, #tpu.memory_space<hbm>>, %arg6: memref<20000x128xf32, #tpu.memory_space<hbm>>, %arg7: memref<3x128xi32, #tpu.memory_space<vmem>>, %arg8: memref<384x128xf32, #tpu.memory_space<vmem>>, %arg9: memref<10000x128xf32, #tpu.memory_space<vmem_shared>>, %arg10: memref<!tpu.dma_semaphore, #tpu.memory_space<semaphore_mem>>, %arg11: memref<!tpu.dma_semaphore, #tpu.memory_space<semaphore_mem>>, %arg12: memref<!tpu.dma_semaphore, #tpu.memory_space<semaphore_mem>>, %arg13: memref<!tpu.dma_semaphore, #tpu.memory_space<semaphore_mem>>, %arg14: memref<!tpu.dma_semaphore, #tpu.memory_space<semaphore_mem>>, %arg15: memref<!tpu.dma_semaphore, #tpu.memory_space<semaphore_mem>>, %arg16: memref<!tpu.dma_semaphore, #tpu.memory_space<semaphore_mem>>, %arg17: memref<!tpu.dma_semaphore, #tpu.memory_space<semaphore_mem>>, %arg18: memref<!tpu.dma_semaphore, #tpu.memory_space<semaphore_mem>>) attributes {dimension_semantics = [#tpu.dimension_semantics<core_parallel>, #tpu.dimension_semantics<subcore_parallel>], iteration_bounds = array<i64: 2, 16>, scalar_prefetch = 0 : i64, scratch_operands = 12 : i64, tpu.core_type = #tpu.core_type<sc_vector_subcore>, window_params = [{transform_indices = #map}, {transform_indices = #map}, {transform_indices = #map}, {transform_indices = #map}, {transform_indices = #map}]} {
    %lt3A = arith.constant 10 : i32
    %lt3A_0 = arith.cmpi slt, %arg1, %lt3A : i32
    %convert_element_type3A = arith.extui %lt3A_0 : i1 to i32
    %cond3A = arith.constant 0 : i32
    %cond3A_1 = arith.cmpi ne, %convert_element_type3A, %cond3A : i32
    scf.if %cond3A_1 {
      %mul3A = arith.constant 1000 : i32
      %mul3A_17 = arith.muli %arg1, %mul3A : i32
      %mul3A_18 = arith.constant 1000 : i32
      %mul3A_19 = arith.muli %arg1, %mul3A_18 : i32
      "tpu.region"() ({
        %run_scoped3A = tpu.sem_alloc : memref<!tpu.dma_semaphore, #tpu.memory_space<semaphore_mem>>
        %dma_start3A = arith.constant 0 : i32
        %dma_start3A_20 = tpu.memref_slice %arg9[%mul3A_19, %dma_start3A] : memref<10000x128xf32, #tpu.memory_space<vmem_shared>> -> memref<1000x128xf32, #tpu.memory_space<vmem_shared>>
        %dma_start3A_21 = arith.constant 0 : i32
        %dma_start3A_22 = tpu.memref_slice %arg5[%mul3A_17, %dma_start3A_21] : memref<10000x128xf32, #tpu.memory_space<hbm>> -> memref<1000x128xf32, #tpu.memory_space<hbm>>
        tpu.enqueue_dma source(%dma_start3A_22 : memref<1000x128xf32, #tpu.memory_space<hbm>>) target(%dma_start3A_20 : memref<1000x128xf32, #tpu.memory_space<vmem_shared>>) target_semaphore(%run_scoped3A : memref<!tpu.dma_semaphore, #tpu.memory_space<semaphore_mem>>)
        %dma_wait3A = arith.constant 0 : i32
        %dma_wait3A_23 = tpu.memref_slice %arg9[%mul3A_19, %dma_wait3A] : memref<10000x128xf32, #tpu.memory_space<vmem_shared>> -> memref<1000x128xf32, #tpu.memory_space<vmem_shared>>
        %dma_wait3A_24 = arith.constant 0 : i32
        %dma_wait3A_25 = tpu.memref_slice %arg5[%mul3A_17, %dma_wait3A_24] : memref<10000x128xf32, #tpu.memory_space<hbm>> -> memref<1000x128xf32, #tpu.memory_space<hbm>>
        tpu.wait_dma2 semaphore(%run_scoped3A : memref<!tpu.dma_semaphore, #tpu.memory_space<semaphore_mem>>) src(%dma_wait3A_25 : memref<1000x128xf32, #tpu.memory_space<hbm>>) dst(%dma_wait3A_23 : memref<1000x128xf32, #tpu.memory_space<vmem_shared>>)
        tpu.yield
      }) : () -> ()
    } else {
    }
    %barrier3A = arith.constant 0 : index
    tpu.barrier barrier_id(%barrier3A)
    %eq3A = arith.constant 0 : i32
    %eq3A_2 = arith.cmpi eq, %arg0, %eq3A : i32
    %convert_element_type3A_3 = arith.extui %eq3A_2 : i1 to i32
    %cond3A_4 = arith.constant 0 : i32
    %cond3A_5 = arith.cmpi ne, %convert_element_type3A_3, %cond3A_4 : i32
    scf.if %cond3A_5 {
      %mul3A = arith.constant 160 : i32
      %mul3A_17 = arith.muli %arg1, %mul3A : i32
      %add3A = arith.constant 0 : i32
      %add3A_18 = arith.addi %mul3A_17, %add3A : i32
      %dma_start3A = arith.constant 0 : i32
      %dma_start3A_19 = arith.constant 0 : i32
      %dma_start3A_20 = tpu.memref_slice %arg7[%dma_start3A, %dma_start3A_19] : memref<3x128xi32, #tpu.memory_space<vmem>> -> memref<1x128xi32, #tpu.memory_space<vmem>>
      %dma_start3A_21 = tpu.memref_squeeze %dma_start3A_20 : memref<1x128xi32, #tpu.memory_space<vmem>> -> memref<128xi32, #tpu.memory_space<vmem>>
      %dma_start3A_22 = arith.constant 0 : i32
      %dma_start3A_23 = tpu.memref_slice %arg4[%add3A_18, %dma_start3A_22] : memref<2560x128xi32, #tpu.memory_space<hbm>> -> memref<1x128xi32, #tpu.memory_space<hbm>>
      %dma_start3A_24 = tpu.memref_squeeze %dma_start3A_23 : memref<1x128xi32, #tpu.memory_space<hbm>> -> memref<128xi32, #tpu.memory_space<hbm>>
      %dma_start3A_25 = arith.constant 0 : i32
      %dma_start3A_26 = tpu.memref_slice %arg7[%dma_start3A, %dma_start3A_25] : memref<3x128xi32, #tpu.memory_space<vmem>> -> memref<1x128xi32, #tpu.memory_space<vmem>>
      %dma_start3A_27 = tpu.memref_squeeze %dma_start3A_26 : memref<1x128xi32, #tpu.memory_space<vmem>> -> memref<128xi32, #tpu.memory_space<vmem>>
      %dma_start3A_28 = arith.constant 0 : i32
      %dma_start3A_29 = tpu.memref_slice %arg4[%add3A_18, %dma_start3A_28] : memref<2560x128xi32, #tpu.memory_space<hbm>> -> memref<1x128xi32, #tpu.memory_space<hbm>>
      %dma_start3A_30 = tpu.memref_squeeze %dma_start3A_29 : memref<1x128xi32, #tpu.memory_space<hbm>> -> memref<128xi32, #tpu.memory_space<hbm>>
      tpu.enqueue_dma source(%dma_start3A_30 : memref<128xi32, #tpu.memory_space<hbm>>) target(%dma_start3A_27 : memref<128xi32, #tpu.memory_space<vmem>>) target_semaphore(%arg10 : memref<!tpu.dma_semaphore, #tpu.memory_space<semaphore_mem>>)
      %mul3A_31 = arith.constant 20480 : i32
      %mul3A_32 = arith.muli %arg1, %mul3A_31 : i32
      %add3A_33 = arith.constant 0 : i32
      %add3A_34 = arith.addi %mul3A_32, %add3A_33 : i32
      %dma_start3A_35 = arith.constant 0 : i32
      %dma_start3A_36 = arith.constant 0 : i32
      %dma_start3A_37 = tpu.memref_slice %arg8[%dma_start3A_35, %dma_start3A_36] : memref<384x128xf32, #tpu.memory_space<vmem>> -> memref<128x128xf32, #tpu.memory_space<vmem>>
      %dma_start3A_38 = arith.constant 0 : i32
      %dma_start3A_39 = tpu.memref_slice %arg2[%add3A_34, %dma_start3A_38] : memref<327680x128xf32, #tpu.memory_space<hbm>> -> memref<128x128xf32, #tpu.memory_space<hbm>>
      %dma_start3A_40 = arith.constant 0 : i32
      %dma_start3A_41 = arith.constant 0 : i32
      %dma_start3A_42 = tpu.memref_slice %arg8[%dma_start3A_40, %dma_start3A_41] : memref<384x128xf32, #tpu.memory_space<vmem>> -> memref<128x128xf32, #tpu.memory_space<vmem>>
      %dma_start3A_43 = arith.constant 0 : i32
      %dma_start3A_44 = tpu.memref_slice %arg2[%add3A_34, %dma_start3A_43] : memref<327680x128xf32, #tpu.memory_space<hbm>> -> memref<128x128xf32, #tpu.memory_space<hbm>>
      tpu.enqueue_dma source(%dma_start3A_44 : memref<128x128xf32, #tpu.memory_space<hbm>>) target(%dma_start3A_42 : memref<128x128xf32, #tpu.memory_space<vmem>>) target_semaphore(%arg13 : memref<!tpu.dma_semaphore, #tpu.memory_space<semaphore_mem>>)
      %mul3A_45 = arith.constant 160 : i32
      %mul3A_46 = arith.muli %arg1, %mul3A_45 : i32
      %add3A_47 = arith.constant 1 : i32
      %add3A_48 = arith.addi %mul3A_46, %add3A_47 : i32
      %dma_start3A_49 = arith.constant 1 : i32
      %dma_start3A_50 = arith.constant 0 : i32
      %dma_start3A_51 = tpu.memref_slice %arg7[%dma_start3A_49, %dma_start3A_50] : memref<3x128xi32, #tpu.memory_space<vmem>> -> memref<1x128xi32, #tpu.memory_space<vmem>>
      %dma_start3A_52 = tpu.memref_squeeze %dma_start3A_51 : memref<1x128xi32, #tpu.memory_space<vmem>> -> memref<128xi32, #tpu.memory_space<vmem>>
      %dma_start3A_53 = arith.constant 0 : i32
      %dma_start3A_54 = tpu.memref_slice %arg4[%add3A_48, %dma_start3A_53] : memref<2560x128xi32, #tpu.memory_space<hbm>> -> memref<1x128xi32, #tpu.memory_space<hbm>>
      %dma_start3A_55 = tpu.memref_squeeze %dma_start3A_54 : memref<1x128xi32, #tpu.memory_space<hbm>> -> memref<128xi32, #tpu.memory_space<hbm>>
      %dma_start3A_56 = arith.constant 0 : i32
      %dma_start3A_57 = tpu.memref_slice %arg7[%dma_start3A_49, %dma_start3A_56] : memref<3x128xi32, #tpu.memory_space<vmem>> -> memref<1x128xi32, #tpu.memory_space<vmem>>
      %dma_start3A_58 = tpu.memref_squeeze %dma_start3A_57 : memref<1x128xi32, #tpu.memory_space<vmem>> -> memref<128xi32, #tpu.memory_space<vmem>>
      %dma_start3A_59 = arith.constant 0 : i32
      %dma_start3A_60 = tpu.memref_slice %arg4[%add3A_48, %dma_start3A_59] : memref<2560x128xi32, #tpu.memory_space<hbm>> -> memref<1x128xi32, #tpu.memory_space<hbm>>
      %dma_start3A_61 = tpu.memref_squeeze %dma_start3A_60 : memref<1x128xi32, #tpu.memory_space<hbm>> -> memref<128xi32, #tpu.memory_space<hbm>>
      tpu.enqueue_dma source(%dma_start3A_61 : memref<128xi32, #tpu.memory_space<hbm>>) target(%dma_start3A_58 : memref<128xi32, #tpu.memory_space<vmem>>) target_semaphore(%arg11 : memref<!tpu.dma_semaphore, #tpu.memory_space<semaphore_mem>>)
      %mul3A_62 = arith.constant 20480 : i32
      %mul3A_63 = arith.muli %arg1, %mul3A_62 : i32
      %add3A_64 = arith.constant 128 : i32
      %add3A_65 = arith.addi %mul3A_63, %add3A_64 : i32
      %dma_start3A_66 = arith.constant 128 : i32
      %dma_start3A_67 = arith.constant 0 : i32
      %dma_start3A_68 = tpu.memref_slice %arg8[%dma_start3A_66, %dma_start3A_67] : memref<384x128xf32, #tpu.memory_space<vmem>> -> memref<128x128xf32, #tpu.memory_space<vmem>>
      %dma_start3A_69 = arith.constant 0 : i32
      %dma_start3A_70 = tpu.memref_slice %arg2[%add3A_65, %dma_start3A_69] : memref<327680x128xf32, #tpu.memory_space<hbm>> -> memref<128x128xf32, #tpu.memory_space<hbm>>
      %dma_start3A_71 = arith.constant 128 : i32
      %dma_start3A_72 = arith.constant 0 : i32
      %dma_start3A_73 = tpu.memref_slice %arg8[%dma_start3A_71, %dma_start3A_72] : memref<384x128xf32, #tpu.memory_space<vmem>> -> memref<128x128xf32, #tpu.memory_space<vmem>>
      %dma_start3A_74 = arith.constant 0 : i32
      %dma_start3A_75 = tpu.memref_slice %arg2[%add3A_65, %dma_start3A_74] : memref<327680x128xf32, #tpu.memory_space<hbm>> -> memref<128x128xf32, #tpu.memory_space<hbm>>
      tpu.enqueue_dma source(%dma_start3A_75 : memref<128x128xf32, #tpu.memory_space<hbm>>) target(%dma_start3A_73 : memref<128x128xf32, #tpu.memory_space<vmem>>) target_semaphore(%arg14 : memref<!tpu.dma_semaphore, #tpu.memory_space<semaphore_mem>>)
      %mul3A_76 = arith.constant 160 : i32
      %mul3A_77 = arith.muli %arg1, %mul3A_76 : i32
      %add3A_78 = arith.constant 2 : i32
      %add3A_79 = arith.addi %mul3A_77, %add3A_78 : i32
      %dma_start3A_80 = arith.constant 2 : i32
      %dma_start3A_81 = arith.constant 0 : i32
      %dma_start3A_82 = tpu.memref_slice %arg7[%dma_start3A_80, %dma_start3A_81] : memref<3x128xi32, #tpu.memory_space<vmem>> -> memref<1x128xi32, #tpu.memory_space<vmem>>
      %dma_start3A_83 = tpu.memref_squeeze %dma_start3A_82 : memref<1x128xi32, #tpu.memory_space<vmem>> -> memref<128xi32, #tpu.memory_space<vmem>>
      %dma_start3A_84 = arith.constant 0 : i32
      %dma_start3A_85 = tpu.memref_slice %arg4[%add3A_79, %dma_start3A_84] : memref<2560x128xi32, #tpu.memory_space<hbm>> -> memref<1x128xi32, #tpu.memory_space<hbm>>
      %dma_start3A_86 = tpu.memref_squeeze %dma_start3A_85 : memref<1x128xi32, #tpu.memory_space<hbm>> -> memref<128xi32, #tpu.memory_space<hbm>>
      %dma_start3A_87 = arith.constant 0 : i32
      %dma_start3A_88 = tpu.memref_slice %arg7[%dma_start3A_80, %dma_start3A_87] : memref<3x128xi32, #tpu.memory_space<vmem>> -> memref<1x128xi32, #tpu.memory_space<vmem>>
      %dma_start3A_89 = tpu.memref_squeeze %dma_start3A_88 : memref<1x128xi32, #tpu.memory_space<vmem>> -> memref<128xi32, #tpu.memory_space<vmem>>
      %dma_start3A_90 = arith.constant 0 : i32
      %dma_start3A_91 = tpu.memref_slice %arg4[%add3A_79, %dma_start3A_90] : memref<2560x128xi32, #tpu.memory_space<hbm>> -> memref<1x128xi32, #tpu.memory_space<hbm>>
      %dma_start3A_92 = tpu.memref_squeeze %dma_start3A_91 : memref<1x128xi32, #tpu.memory_space<hbm>> -> memref<128xi32, #tpu.memory_space<hbm>>
      tpu.enqueue_dma source(%dma_start3A_92 : memref<128xi32, #tpu.memory_space<hbm>>) target(%dma_start3A_89 : memref<128xi32, #tpu.memory_space<vmem>>) target_semaphore(%arg12 : memref<!tpu.dma_semaphore, #tpu.memory_space<semaphore_mem>>)
      %mul3A_93 = arith.constant 20480 : i32
      %mul3A_94 = arith.muli %arg1, %mul3A_93 : i32
      %add3A_95 = arith.constant 256 : i32
      %add3A_96 = arith.addi %mul3A_94, %add3A_95 : i32
      %dma_start3A_97 = arith.constant 256 : i32
      %dma_start3A_98 = arith.constant 0 : i32
      %dma_start3A_99 = tpu.memref_slice %arg8[%dma_start3A_97, %dma_start3A_98] : memref<384x128xf32, #tpu.memory_space<vmem>> -> memref<128x128xf32, #tpu.memory_space<vmem>>
      %dma_start3A_100 = arith.constant 0 : i32
      %dma_start3A_101 = tpu.memref_slice %arg2[%add3A_96, %dma_start3A_100] : memref<327680x128xf32, #tpu.memory_space<hbm>> -> memref<128x128xf32, #tpu.memory_space<hbm>>
      %dma_start3A_102 = arith.constant 256 : i32
      %dma_start3A_103 = arith.constant 0 : i32
      %dma_start3A_104 = tpu.memref_slice %arg8[%dma_start3A_102, %dma_start3A_103] : memref<384x128xf32, #tpu.memory_space<vmem>> -> memref<128x128xf32, #tpu.memory_space<vmem>>
      %dma_start3A_105 = arith.constant 0 : i32
      %dma_start3A_106 = tpu.memref_slice %arg2[%add3A_96, %dma_start3A_105] : memref<327680x128xf32, #tpu.memory_space<hbm>> -> memref<128x128xf32, #tpu.memory_space<hbm>>
      tpu.enqueue_dma source(%dma_start3A_106 : memref<128x128xf32, #tpu.memory_space<hbm>>) target(%dma_start3A_104 : memref<128x128xf32, #tpu.memory_space<vmem>>) target_semaphore(%arg15 : memref<!tpu.dma_semaphore, #tpu.memory_space<semaphore_mem>>)
      %scan3A = arith.constant 0 : i32
      %scan3A_107 = arith.constant 0 : i32
      %scan3A_108 = arith.constant 53 : i32
      %scan3A_109 = arith.addi %scan3A_107, %scan3A_108 : i32
      %scan3A_110 = arith.constant 1 : i32
      scf.for %scan3A_142 = %scan3A_107 to %scan3A_109 step %scan3A_110  : i32 {
        %mul3A_143 = arith.constant 3 : i32
        %mul3A_144 = arith.muli %scan3A_142, %mul3A_143 : i32
        %add3A_145 = arith.constant 0 : i32
        %add3A_146 = arith.addi %mul3A_144, %add3A_145 : i32
        %mul3A_147 = arith.constant 160 : i32
        %mul3A_148 = arith.muli %arg1, %mul3A_147 : i32
        %add3A_149 = arith.addi %mul3A_148, %add3A_146 : i32
        %dma_wait3A_150 = arith.constant 0 : i32
        %dma_wait3A_151 = arith.constant 0 : i32
        %dma_wait3A_152 = tpu.memref_slice %arg7[%dma_wait3A_150, %dma_wait3A_151] : memref<3x128xi32, #tpu.memory_space<vmem>> -> memref<1x128xi32, #tpu.memory_space<vmem>>
        %dma_wait3A_153 = tpu.memref_squeeze %dma_wait3A_152 : memref<1x128xi32, #tpu.memory_space<vmem>> -> memref<128xi32, #tpu.memory_space<vmem>>
        %dma_wait3A_154 = arith.constant 0 : i32
        %dma_wait3A_155 = tpu.memref_slice %arg4[%add3A_149, %dma_wait3A_154] : memref<2560x128xi32, #tpu.memory_space<hbm>> -> memref<1x128xi32, #tpu.memory_space<hbm>>
        %dma_wait3A_156 = tpu.memref_squeeze %dma_wait3A_155 : memref<1x128xi32, #tpu.memory_space<hbm>> -> memref<128xi32, #tpu.memory_space<hbm>>
        %dma_wait3A_157 = arith.constant 0 : i32
        %dma_wait3A_158 = tpu.memref_slice %arg7[%dma_wait3A_150, %dma_wait3A_157] : memref<3x128xi32, #tpu.memory_space<vmem>> -> memref<1x128xi32, #tpu.memory_space<vmem>>
        %dma_wait3A_159 = tpu.memref_squeeze %dma_wait3A_158 : memref<1x128xi32, #tpu.memory_space<vmem>> -> memref<128xi32, #tpu.memory_space<vmem>>
        %dma_wait3A_160 = arith.constant 0 : i32
        %dma_wait3A_161 = tpu.memref_slice %arg4[%add3A_149, %dma_wait3A_160] : memref<2560x128xi32, #tpu.memory_space<hbm>> -> memref<1x128xi32, #tpu.memory_space<hbm>>
        %dma_wait3A_162 = tpu.memref_squeeze %dma_wait3A_161 : memref<1x128xi32, #tpu.memory_space<hbm>> -> memref<128xi32, #tpu.memory_space<hbm>>
        tpu.wait_dma2 semaphore(%arg10 : memref<!tpu.dma_semaphore, #tpu.memory_space<semaphore_mem>>) src(%dma_wait3A_162 : memref<128xi32, #tpu.memory_space<hbm>>) dst(%dma_wait3A_159 : memref<128xi32, #tpu.memory_space<vmem>>)
        %mul3A_163 = arith.constant 20480 : i32
        %mul3A_164 = arith.muli %arg1, %mul3A_163 : i32
        %mul3A_165 = arith.constant 128 : i32
        %mul3A_166 = arith.muli %add3A_146, %mul3A_165 : i32
        %add3A_167 = arith.addi %mul3A_164, %mul3A_166 : i32
        %dma_wait3A_168 = arith.constant 0 : i32
        %dma_wait3A_169 = arith.constant 0 : i32
        %dma_wait3A_170 = tpu.memref_slice %arg8[%dma_wait3A_168, %dma_wait3A_169] : memref<384x128xf32, #tpu.memory_space<vmem>> -> memref<128x128xf32, #tpu.memory_space<vmem>>
        %dma_wait3A_171 = arith.constant 0 : i32
        %dma_wait3A_172 = tpu.memref_slice %arg2[%add3A_167, %dma_wait3A_171] : memref<327680x128xf32, #tpu.memory_space<hbm>> -> memref<128x128xf32, #tpu.memory_space<hbm>>
        %dma_wait3A_173 = arith.constant 0 : i32
        %dma_wait3A_174 = arith.constant 0 : i32
        %dma_wait3A_175 = tpu.memref_slice %arg8[%dma_wait3A_173, %dma_wait3A_174] : memref<384x128xf32, #tpu.memory_space<vmem>> -> memref<128x128xf32, #tpu.memory_space<vmem>>
        %dma_wait3A_176 = arith.constant 0 : i32
        %dma_wait3A_177 = tpu.memref_slice %arg2[%add3A_167, %dma_wait3A_176] : memref<327680x128xf32, #tpu.memory_space<hbm>> -> memref<128x128xf32, #tpu.memory_space<hbm>>
        tpu.wait_dma2 semaphore(%arg13 : memref<!tpu.dma_semaphore, #tpu.memory_space<semaphore_mem>>) src(%dma_wait3A_177 : memref<128x128xf32, #tpu.memory_space<hbm>>) dst(%dma_wait3A_175 : memref<128x128xf32, #tpu.memory_space<vmem>>)
        %dma_start3A_178 = arith.constant 0 : i32
        %dma_start3A_179 = arith.constant 0 : i32
        %dma_start3A_180 = arith.constant 0 : i32
        %dma_start3A_181 = tpu.memref_slice %arg8[%dma_start3A_179, %dma_start3A_180] : memref<384x128xf32, #tpu.memory_space<vmem>> -> memref<128x128xf32, #tpu.memory_space<vmem>>
        %dma_start3A_182 = arith.constant 0 : i32
        %dma_start3A_183 = tpu.memref_slice %arg7[%dma_start3A_178, %dma_start3A_182] : memref<3x128xi32, #tpu.memory_space<vmem>> -> memref<1x128xi32, #tpu.memory_space<vmem>>
        %dma_start3A_184 = tpu.memref_squeeze %dma_start3A_183 : memref<1x128xi32, #tpu.memory_space<vmem>> -> memref<128xi32, #tpu.memory_space<vmem>>
        %dma_start3A_185 = arith.constant 0 : i32
        %dma_start3A_186 = arith.constant 0 : i32
        %dma_start3A_187 = tpu.memref_slice %arg9[%dma_start3A_185, %dma_start3A_186] : memref<10000x128xf32, #tpu.memory_space<vmem_shared>> -> memref<10000x128xf32, #tpu.memory_space<vmem_shared>>
        tpu.enqueue_indirect_dma source(%dma_start3A_181 : memref<128x128xf32, #tpu.memory_space<vmem>>) target(%dma_start3A_187 : memref<10000x128xf32, #tpu.memory_space<vmem_shared>>) offsets(%dma_start3A_184 : memref<128xi32, #tpu.memory_space<vmem>>) semaphore(%arg16 : memref<!tpu.dma_semaphore, #tpu.memory_space<semaphore_mem>>) {add = true}
        %mul3A_188 = arith.constant 3 : i32
        %mul3A_189 = arith.muli %scan3A_142, %mul3A_188 : i32
        %add3A_190 = arith.constant 1 : i32
        %add3A_191 = arith.addi %mul3A_189, %add3A_190 : i32
        %mul3A_192 = arith.constant 160 : i32
        %mul3A_193 = arith.muli %arg1, %mul3A_192 : i32
        %add3A_194 = arith.addi %mul3A_193, %add3A_191 : i32
        %dma_wait3A_195 = arith.constant 1 : i32
        %dma_wait3A_196 = arith.constant 0 : i32
        %dma_wait3A_197 = tpu.memref_slice %arg7[%dma_wait3A_195, %dma_wait3A_196] : memref<3x128xi32, #tpu.memory_space<vmem>> -> memref<1x128xi32, #tpu.memory_space<vmem>>
        %dma_wait3A_198 = tpu.memref_squeeze %dma_wait3A_197 : memref<1x128xi32, #tpu.memory_space<vmem>> -> memref<128xi32, #tpu.memory_space<vmem>>
        %dma_wait3A_199 = arith.constant 0 : i32
        %dma_wait3A_200 = tpu.memref_slice %arg4[%add3A_194, %dma_wait3A_199] : memref<2560x128xi32, #tpu.memory_space<hbm>> -> memref<1x128xi32, #tpu.memory_space<hbm>>
        %dma_wait3A_201 = tpu.memref_squeeze %dma_wait3A_200 : memref<1x128xi32, #tpu.memory_space<hbm>> -> memref<128xi32, #tpu.memory_space<hbm>>
        %dma_wait3A_202 = arith.constant 0 : i32
        %dma_wait3A_203 = tpu.memref_slice %arg7[%dma_wait3A_195, %dma_wait3A_202] : memref<3x128xi32, #tpu.memory_space<vmem>> -> memref<1x128xi32, #tpu.memory_space<vmem>>
        %dma_wait3A_204 = tpu.memref_squeeze %dma_wait3A_203 : memref<1x128xi32, #tpu.memory_space<vmem>> -> memref<128xi32, #tpu.memory_space<vmem>>
        %dma_wait3A_205 = arith.constant 0 : i32
        %dma_wait3A_206 = tpu.memref_slice %arg4[%add3A_194, %dma_wait3A_205] : memref<2560x128xi32, #tpu.memory_space<hbm>> -> memref<1x128xi32, #tpu.memory_space<hbm>>
        %dma_wait3A_207 = tpu.memref_squeeze %dma_wait3A_206 : memref<1x128xi32, #tpu.memory_space<hbm>> -> memref<128xi32, #tpu.memory_space<hbm>>
        tpu.wait_dma2 semaphore(%arg11 : memref<!tpu.dma_semaphore, #tpu.memory_space<semaphore_mem>>) src(%dma_wait3A_207 : memref<128xi32, #tpu.memory_space<hbm>>) dst(%dma_wait3A_204 : memref<128xi32, #tpu.memory_space<vmem>>)
        %mul3A_208 = arith.constant 20480 : i32
        %mul3A_209 = arith.muli %arg1, %mul3A_208 : i32
        %mul3A_210 = arith.constant 128 : i32
        %mul3A_211 = arith.muli %add3A_191, %mul3A_210 : i32
        %add3A_212 = arith.addi %mul3A_209, %mul3A_211 : i32
        %dma_wait3A_213 = arith.constant 128 : i32
        %dma_wait3A_214 = arith.constant 0 : i32
        %dma_wait3A_215 = tpu.memref_slice %arg8[%dma_wait3A_213, %dma_wait3A_214] : memref<384x128xf32, #tpu.memory_space<vmem>> -> memref<128x128xf32, #tpu.memory_space<vmem>>
        %dma_wait3A_216 = arith.constant 0 : i32
        %dma_wait3A_217 = tpu.memref_slice %arg2[%add3A_212, %dma_wait3A_216] : memref<327680x128xf32, #tpu.memory_space<hbm>> -> memref<128x128xf32, #tpu.memory_space<hbm>>
        %dma_wait3A_218 = arith.constant 128 : i32
        %dma_wait3A_219 = arith.constant 0 : i32
        %dma_wait3A_220 = tpu.memref_slice %arg8[%dma_wait3A_218, %dma_wait3A_219] : memref<384x128xf32, #tpu.memory_space<vmem>> -> memref<128x128xf32, #tpu.memory_space<vmem>>
        %dma_wait3A_221 = arith.constant 0 : i32
        %dma_wait3A_222 = tpu.memref_slice %arg2[%add3A_212, %dma_wait3A_221] : memref<327680x128xf32, #tpu.memory_space<hbm>> -> memref<128x128xf32, #tpu.memory_space<hbm>>
        tpu.wait_dma2 semaphore(%arg14 : memref<!tpu.dma_semaphore, #tpu.memory_space<semaphore_mem>>) src(%dma_wait3A_222 : memref<128x128xf32, #tpu.memory_space<hbm>>) dst(%dma_wait3A_220 : memref<128x128xf32, #tpu.memory_space<vmem>>)
        %dma_start3A_223 = arith.constant 1 : i32
        %dma_start3A_224 = arith.constant 128 : i32
        %dma_start3A_225 = arith.constant 0 : i32
        %dma_start3A_226 = tpu.memref_slice %arg8[%dma_start3A_224, %dma_start3A_225] : memref<384x128xf32, #tpu.memory_space<vmem>> -> memref<128x128xf32, #tpu.memory_space<vmem>>
        %dma_start3A_227 = arith.constant 0 : i32
        %dma_start3A_228 = tpu.memref_slice %arg7[%dma_start3A_223, %dma_start3A_227] : memref<3x128xi32, #tpu.memory_space<vmem>> -> memref<1x128xi32, #tpu.memory_space<vmem>>
        %dma_start3A_229 = tpu.memref_squeeze %dma_start3A_228 : memref<1x128xi32, #tpu.memory_space<vmem>> -> memref<128xi32, #tpu.memory_space<vmem>>
        %dma_start3A_230 = arith.constant 0 : i32
        %dma_start3A_231 = arith.constant 0 : i32
        %dma_start3A_232 = tpu.memref_slice %arg9[%dma_start3A_230, %dma_start3A_231] : memref<10000x128xf32, #tpu.memory_space<vmem_shared>> -> memref<10000x128xf32, #tpu.memory_space<vmem_shared>>
        tpu.enqueue_indirect_dma source(%dma_start3A_226 : memref<128x128xf32, #tpu.memory_space<vmem>>) target(%dma_start3A_232 : memref<10000x128xf32, #tpu.memory_space<vmem_shared>>) offsets(%dma_start3A_229 : memref<128xi32, #tpu.memory_space<vmem>>) semaphore(%arg17 : memref<!tpu.dma_semaphore, #tpu.memory_space<semaphore_mem>>) {add = true}
        %mul3A_233 = arith.constant 3 : i32
        %mul3A_234 = arith.muli %scan3A_142, %mul3A_233 : i32
        %add3A_235 = arith.constant 2 : i32
        %add3A_236 = arith.addi %mul3A_234, %add3A_235 : i32
        %mul3A_237 = arith.constant 160 : i32
        %mul3A_238 = arith.muli %arg1, %mul3A_237 : i32
        %add3A_239 = arith.addi %mul3A_238, %add3A_236 : i32
        %dma_wait3A_240 = arith.constant 2 : i32
        %dma_wait3A_241 = arith.constant 0 : i32
        %dma_wait3A_242 = tpu.memref_slice %arg7[%dma_wait3A_240, %dma_wait3A_241] : memref<3x128xi32, #tpu.memory_space<vmem>> -> memref<1x128xi32, #tpu.memory_space<vmem>>
        %dma_wait3A_243 = tpu.memref_squeeze %dma_wait3A_242 : memref<1x128xi32, #tpu.memory_space<vmem>> -> memref<128xi32, #tpu.memory_space<vmem>>
        %dma_wait3A_244 = arith.constant 0 : i32
        %dma_wait3A_245 = tpu.memref_slice %arg4[%add3A_239, %dma_wait3A_244] : memref<2560x128xi32, #tpu.memory_space<hbm>> -> memref<1x128xi32, #tpu.memory_space<hbm>>
        %dma_wait3A_246 = tpu.memref_squeeze %dma_wait3A_245 : memref<1x128xi32, #tpu.memory_space<hbm>> -> memref<128xi32, #tpu.memory_space<hbm>>
        %dma_wait3A_247 = arith.constant 0 : i32
        %dma_wait3A_248 = tpu.memref_slice %arg7[%dma_wait3A_240, %dma_wait3A_247] : memref<3x128xi32, #tpu.memory_space<vmem>> -> memref<1x128xi32, #tpu.memory_space<vmem>>
        %dma_wait3A_249 = tpu.memref_squeeze %dma_wait3A_248 : memref<1x128xi32, #tpu.memory_space<vmem>> -> memref<128xi32, #tpu.memory_space<vmem>>
        %dma_wait3A_250 = arith.constant 0 : i32
        %dma_wait3A_251 = tpu.memref_slice %arg4[%add3A_239, %dma_wait3A_250] : memref<2560x128xi32, #tpu.memory_space<hbm>> -> memref<1x128xi32, #tpu.memory_space<hbm>>
        %dma_wait3A_252 = tpu.memref_squeeze %dma_wait3A_251 : memref<1x128xi32, #tpu.memory_space<hbm>> -> memref<128xi32, #tpu.memory_space<hbm>>
        tpu.wait_dma2 semaphore(%arg12 : memref<!tpu.dma_semaphore, #tpu.memory_space<semaphore_mem>>) src(%dma_wait3A_252 : memref<128xi32, #tpu.memory_space<hbm>>) dst(%dma_wait3A_249 : memref<128xi32, #tpu.memory_space<vmem>>)
        %mul3A_253 = arith.constant 20480 : i32
        %mul3A_254 = arith.muli %arg1, %mul3A_253 : i32
        %mul3A_255 = arith.constant 128 : i32
        %mul3A_256 = arith.muli %add3A_236, %mul3A_255 : i32
        %add3A_257 = arith.addi %mul3A_254, %mul3A_256 : i32
        %dma_wait3A_258 = arith.constant 256 : i32
        %dma_wait3A_259 = arith.constant 0 : i32
        %dma_wait3A_260 = tpu.memref_slice %arg8[%dma_wait3A_258, %dma_wait3A_259] : memref<384x128xf32, #tpu.memory_space<vmem>> -> memref<128x128xf32, #tpu.memory_space<vmem>>
        %dma_wait3A_261 = arith.constant 0 : i32
        %dma_wait3A_262 = tpu.memref_slice %arg2[%add3A_257, %dma_wait3A_261] : memref<327680x128xf32, #tpu.memory_space<hbm>> -> memref<128x128xf32, #tpu.memory_space<hbm>>
        %dma_wait3A_263 = arith.constant 256 : i32
        %dma_wait3A_264 = arith.constant 0 : i32
        %dma_wait3A_265 = tpu.memref_slice %arg8[%dma_wait3A_263, %dma_wait3A_264] : memref<384x128xf32, #tpu.memory_space<vmem>> -> memref<128x128xf32, #tpu.memory_space<vmem>>
        %dma_wait3A_266 = arith.constant 0 : i32
        %dma_wait3A_267 = tpu.memref_slice %arg2[%add3A_257, %dma_wait3A_266] : memref<327680x128xf32, #tpu.memory_space<hbm>> -> memref<128x128xf32, #tpu.memory_space<hbm>>
        tpu.wait_dma2 semaphore(%arg15 : memref<!tpu.dma_semaphore, #tpu.memory_space<semaphore_mem>>) src(%dma_wait3A_267 : memref<128x128xf32, #tpu.memory_space<hbm>>) dst(%dma_wait3A_265 : memref<128x128xf32, #tpu.memory_space<vmem>>)
        %dma_start3A_268 = arith.constant 2 : i32
        %dma_start3A_269 = arith.constant 256 : i32
        %dma_start3A_270 = arith.constant 0 : i32
        %dma_start3A_271 = tpu.memref_slice %arg8[%dma_start3A_269, %dma_start3A_270] : memref<384x128xf32, #tpu.memory_space<vmem>> -> memref<128x128xf32, #tpu.memory_space<vmem>>
        %dma_start3A_272 = arith.constant 0 : i32
        %dma_start3A_273 = tpu.memref_slice %arg7[%dma_start3A_268, %dma_start3A_272] : memref<3x128xi32, #tpu.memory_space<vmem>> -> memref<1x128xi32, #tpu.memory_space<vmem>>
        %dma_start3A_274 = tpu.memref_squeeze %dma_start3A_273 : memref<1x128xi32, #tpu.memory_space<vmem>> -> memref<128xi32, #tpu.memory_space<vmem>>
        %dma_start3A_275 = arith.constant 0 : i32
        %dma_start3A_276 = arith.constant 0 : i32
        %dma_start3A_277 = tpu.memref_slice %arg9[%dma_start3A_275, %dma_start3A_276] : memref<10000x128xf32, #tpu.memory_space<vmem_shared>> -> memref<10000x128xf32, #tpu.memory_space<vmem_shared>>
        tpu.enqueue_indirect_dma source(%dma_start3A_271 : memref<128x128xf32, #tpu.memory_space<vmem>>) target(%dma_start3A_277 : memref<10000x128xf32, #tpu.memory_space<vmem_shared>>) offsets(%dma_start3A_274 : memref<128xi32, #tpu.memory_space<vmem>>) semaphore(%arg18 : memref<!tpu.dma_semaphore, #tpu.memory_space<semaphore_mem>>) {add = true}
        %mul3A_278 = arith.constant 3 : i32
        %mul3A_279 = arith.muli %scan3A_142, %mul3A_278 : i32
        %add3A_280 = arith.constant 0 : i32
        %add3A_281 = arith.addi %mul3A_279, %add3A_280 : i32
        %dma_wait3A_282 = arith.constant 0 : i32
        %dma_wait3A_283 = arith.constant 0 : i32
        %dma_wait3A_284 = arith.constant 0 : i32
        %dma_wait3A_285 = tpu.memref_slice %arg8[%dma_wait3A_283, %dma_wait3A_284] : memref<384x128xf32, #tpu.memory_space<vmem>> -> memref<128x128xf32, #tpu.memory_space<vmem>>
        %dma_wait3A_286 = arith.constant 0 : i32
        %dma_wait3A_287 = tpu.memref_slice %arg7[%dma_wait3A_282, %dma_wait3A_286] : memref<3x128xi32, #tpu.memory_space<vmem>> -> memref<1x128xi32, #tpu.memory_space<vmem>>
        %dma_wait3A_288 = tpu.memref_squeeze %dma_wait3A_287 : memref<1x128xi32, #tpu.memory_space<vmem>> -> memref<128xi32, #tpu.memory_space<vmem>>
        %dma_wait3A_289 = arith.constant 0 : i32
        %dma_wait3A_290 = arith.constant 0 : i32
        %dma_wait3A_291 = tpu.memref_slice %arg9[%dma_wait3A_289, %dma_wait3A_290] : memref<10000x128xf32, #tpu.memory_space<vmem_shared>> -> memref<10000x128xf32, #tpu.memory_space<vmem_shared>>
        tpu.wait_indirect_dma semaphore(%arg16 : memref<!tpu.dma_semaphore, #tpu.memory_space<semaphore_mem>>) src(%dma_wait3A_285 : memref<128x128xf32, #tpu.memory_space<vmem>>) dst(%dma_wait3A_291 : memref<10000x128xf32, #tpu.memory_space<vmem_shared>>)
        %add3A_292 = arith.constant 3 : i32
        %add3A_293 = arith.addi %add3A_281, %add3A_292 : i32
        %lt3A_294 = arith.constant 160 : i32
        %lt3A_295 = arith.cmpi slt, %add3A_293, %lt3A_294 : i32
        %convert_element_type3A_296 = arith.extui %lt3A_295 : i1 to i32
        %cond3A_297 = arith.constant 0 : i32
        %cond3A_298 = arith.cmpi ne, %convert_element_type3A_296, %cond3A_297 : i32
        scf.if %cond3A_298 {
          %add3A_341 = arith.constant 3 : i32
          %add3A_342 = arith.addi %add3A_281, %add3A_341 : i32
          %mul3A_343 = arith.constant 160 : i32
          %mul3A_344 = arith.muli %arg1, %mul3A_343 : i32
          %add3A_345 = arith.addi %mul3A_344, %add3A_342 : i32
          %dma_start3A_346 = arith.constant 0 : i32
          %dma_start3A_347 = arith.constant 0 : i32
          %dma_start3A_348 = tpu.memref_slice %arg7[%dma_start3A_346, %dma_start3A_347] : memref<3x128xi32, #tpu.memory_space<vmem>> -> memref<1x128xi32, #tpu.memory_space<vmem>>
          %dma_start3A_349 = tpu.memref_squeeze %dma_start3A_348 : memref<1x128xi32, #tpu.memory_space<vmem>> -> memref<128xi32, #tpu.memory_space<vmem>>
          %dma_start3A_350 = arith.constant 0 : i32
          %dma_start3A_351 = tpu.memref_slice %arg4[%add3A_345, %dma_start3A_350] : memref<2560x128xi32, #tpu.memory_space<hbm>> -> memref<1x128xi32, #tpu.memory_space<hbm>>
          %dma_start3A_352 = tpu.memref_squeeze %dma_start3A_351 : memref<1x128xi32, #tpu.memory_space<hbm>> -> memref<128xi32, #tpu.memory_space<hbm>>
          %dma_start3A_353 = arith.constant 0 : i32
          %dma_start3A_354 = tpu.memref_slice %arg7[%dma_start3A_346, %dma_start3A_353] : memref<3x128xi32, #tpu.memory_space<vmem>> -> memref<1x128xi32, #tpu.memory_space<vmem>>
          %dma_start3A_355 = tpu.memref_squeeze %dma_start3A_354 : memref<1x128xi32, #tpu.memory_space<vmem>> -> memref<128xi32, #tpu.memory_space<vmem>>
          %dma_start3A_356 = arith.constant 0 : i32
          %dma_start3A_357 = tpu.memref_slice %arg4[%add3A_345, %dma_start3A_356] : memref<2560x128xi32, #tpu.memory_space<hbm>> -> memref<1x128xi32, #tpu.memory_space<hbm>>
          %dma_start3A_358 = tpu.memref_squeeze %dma_start3A_357 : memref<1x128xi32, #tpu.memory_space<hbm>> -> memref<128xi32, #tpu.memory_space<hbm>>
          tpu.enqueue_dma source(%dma_start3A_358 : memref<128xi32, #tpu.memory_space<hbm>>) target(%dma_start3A_355 : memref<128xi32, #tpu.memory_space<vmem>>) target_semaphore(%arg10 : memref<!tpu.dma_semaphore, #tpu.memory_space<semaphore_mem>>)
          %mul3A_359 = arith.constant 20480 : i32
          %mul3A_360 = arith.muli %arg1, %mul3A_359 : i32
          %mul3A_361 = arith.constant 128 : i32
          %mul3A_362 = arith.muli %add3A_342, %mul3A_361 : i32
          %add3A_363 = arith.addi %mul3A_360, %mul3A_362 : i32
          %dma_start3A_364 = arith.constant 0 : i32
          %dma_start3A_365 = arith.constant 0 : i32
          %dma_start3A_366 = tpu.memref_slice %arg8[%dma_start3A_364, %dma_start3A_365] : memref<384x128xf32, #tpu.memory_space<vmem>> -> memref<128x128xf32, #tpu.memory_space<vmem>>
          %dma_start3A_367 = arith.constant 0 : i32
          %dma_start3A_368 = tpu.memref_slice %arg2[%add3A_363, %dma_start3A_367] : memref<327680x128xf32, #tpu.memory_space<hbm>> -> memref<128x128xf32, #tpu.memory_space<hbm>>
          %dma_start3A_369 = arith.constant 0 : i32
          %dma_start3A_370 = arith.constant 0 : i32
          %dma_start3A_371 = tpu.memref_slice %arg8[%dma_start3A_369, %dma_start3A_370] : memref<384x128xf32, #tpu.memory_space<vmem>> -> memref<128x128xf32, #tpu.memory_space<vmem>>
          %dma_start3A_372 = arith.constant 0 : i32
          %dma_start3A_373 = tpu.memref_slice %arg2[%add3A_363, %dma_start3A_372] : memref<327680x128xf32, #tpu.memory_space<hbm>> -> memref<128x128xf32, #tpu.memory_space<hbm>>
          tpu.enqueue_dma source(%dma_start3A_373 : memref<128x128xf32, #tpu.memory_space<hbm>>) target(%dma_start3A_371 : memref<128x128xf32, #tpu.memory_space<vmem>>) target_semaphore(%arg13 : memref<!tpu.dma_semaphore, #tpu.memory_space<semaphore_mem>>)
        } else {
        }
        %mul3A_299 = arith.constant 3 : i32
        %mul3A_300 = arith.muli %scan3A_142, %mul3A_299 : i32
        %add3A_301 = arith.constant 1 : i32
        %add3A_302 = arith.addi %mul3A_300, %add3A_301 : i32
        %dma_wait3A_303 = arith.constant 1 : i32
        %dma_wait3A_304 = arith.constant 128 : i32
        %dma_wait3A_305 = arith.constant 0 : i32
        %dma_wait3A_306 = tpu.memref_slice %arg8[%dma_wait3A_304, %dma_wait3A_305] : memref<384x128xf32, #tpu.memory_space<vmem>> -> memref<128x128xf32, #tpu.memory_space<vmem>>
        %dma_wait3A_307 = arith.constant 0 : i32
        %dma_wait3A_308 = tpu.memref_slice %arg7[%dma_wait3A_303, %dma_wait3A_307] : memref<3x128xi32, #tpu.memory_space<vmem>> -> memref<1x128xi32, #tpu.memory_space<vmem>>
        %dma_wait3A_309 = tpu.memref_squeeze %dma_wait3A_308 : memref<1x128xi32, #tpu.memory_space<vmem>> -> memref<128xi32, #tpu.memory_space<vmem>>
        %dma_wait3A_310 = arith.constant 0 : i32
        %dma_wait3A_311 = arith.constant 0 : i32
        %dma_wait3A_312 = tpu.memref_slice %arg9[%dma_wait3A_310, %dma_wait3A_311] : memref<10000x128xf32, #tpu.memory_space<vmem_shared>> -> memref<10000x128xf32, #tpu.memory_space<vmem_shared>>
        tpu.wait_indirect_dma semaphore(%arg17 : memref<!tpu.dma_semaphore, #tpu.memory_space<semaphore_mem>>) src(%dma_wait3A_306 : memref<128x128xf32, #tpu.memory_space<vmem>>) dst(%dma_wait3A_312 : memref<10000x128xf32, #tpu.memory_space<vmem_shared>>)
        %add3A_313 = arith.constant 3 : i32
        %add3A_314 = arith.addi %add3A_302, %add3A_313 : i32
        %lt3A_315 = arith.constant 160 : i32
        %lt3A_316 = arith.cmpi slt, %add3A_314, %lt3A_315 : i32
        %convert_element_type3A_317 = arith.extui %lt3A_316 : i1 to i32
        %cond3A_318 = arith.constant 0 : i32
        %cond3A_319 = arith.cmpi ne, %convert_element_type3A_317, %cond3A_318 : i32
        scf.if %cond3A_319 {
          %add3A_341 = arith.constant 3 : i32
          %add3A_342 = arith.addi %add3A_302, %add3A_341 : i32
          %mul3A_343 = arith.constant 160 : i32
          %mul3A_344 = arith.muli %arg1, %mul3A_343 : i32
          %add3A_345 = arith.addi %mul3A_344, %add3A_342 : i32
          %dma_start3A_346 = arith.constant 1 : i32
          %dma_start3A_347 = arith.constant 0 : i32
          %dma_start3A_348 = tpu.memref_slice %arg7[%dma_start3A_346, %dma_start3A_347] : memref<3x128xi32, #tpu.memory_space<vmem>> -> memref<1x128xi32, #tpu.memory_space<vmem>>
          %dma_start3A_349 = tpu.memref_squeeze %dma_start3A_348 : memref<1x128xi32, #tpu.memory_space<vmem>> -> memref<128xi32, #tpu.memory_space<vmem>>
          %dma_start3A_350 = arith.constant 0 : i32
          %dma_start3A_351 = tpu.memref_slice %arg4[%add3A_345, %dma_start3A_350] : memref<2560x128xi32, #tpu.memory_space<hbm>> -> memref<1x128xi32, #tpu.memory_space<hbm>>
          %dma_start3A_352 = tpu.memref_squeeze %dma_start3A_351 : memref<1x128xi32, #tpu.memory_space<hbm>> -> memref<128xi32, #tpu.memory_space<hbm>>
          %dma_start3A_353 = arith.constant 0 : i32
          %dma_start3A_354 = tpu.memref_slice %arg7[%dma_start3A_346, %dma_start3A_353] : memref<3x128xi32, #tpu.memory_space<vmem>> -> memref<1x128xi32, #tpu.memory_space<vmem>>
          %dma_start3A_355 = tpu.memref_squeeze %dma_start3A_354 : memref<1x128xi32, #tpu.memory_space<vmem>> -> memref<128xi32, #tpu.memory_space<vmem>>
          %dma_start3A_356 = arith.constant 0 : i32
          %dma_start3A_357 = tpu.memref_slice %arg4[%add3A_345, %dma_start3A_356] : memref<2560x128xi32, #tpu.memory_space<hbm>> -> memref<1x128xi32, #tpu.memory_space<hbm>>
          %dma_start3A_358 = tpu.memref_squeeze %dma_start3A_357 : memref<1x128xi32, #tpu.memory_space<hbm>> -> memref<128xi32, #tpu.memory_space<hbm>>
          tpu.enqueue_dma source(%dma_start3A_358 : memref<128xi32, #tpu.memory_space<hbm>>) target(%dma_start3A_355 : memref<128xi32, #tpu.memory_space<vmem>>) target_semaphore(%arg11 : memref<!tpu.dma_semaphore, #tpu.memory_space<semaphore_mem>>)
          %mul3A_359 = arith.constant 20480 : i32
          %mul3A_360 = arith.muli %arg1, %mul3A_359 : i32
          %mul3A_361 = arith.constant 128 : i32
          %mul3A_362 = arith.muli %add3A_342, %mul3A_361 : i32
          %add3A_363 = arith.addi %mul3A_360, %mul3A_362 : i32
          %dma_start3A_364 = arith.constant 128 : i32
          %dma_start3A_365 = arith.constant 0 : i32
          %dma_start3A_366 = tpu.memref_slice %arg8[%dma_start3A_364, %dma_start3A_365] : memref<384x128xf32, #tpu.memory_space<vmem>> -> memref<128x128xf32, #tpu.memory_space<vmem>>
          %dma_start3A_367 = arith.constant 0 : i32
          %dma_start3A_368 = tpu.memref_slice %arg2[%add3A_363, %dma_start3A_367] : memref<327680x128xf32, #tpu.memory_space<hbm>> -> memref<128x128xf32, #tpu.memory_space<hbm>>
          %dma_start3A_369 = arith.constant 128 : i32
          %dma_start3A_370 = arith.constant 0 : i32
          %dma_start3A_371 = tpu.memref_slice %arg8[%dma_start3A_369, %dma_start3A_370] : memref<384x128xf32, #tpu.memory_space<vmem>> -> memref<128x128xf32, #tpu.memory_space<vmem>>
          %dma_start3A_372 = arith.constant 0 : i32
          %dma_start3A_373 = tpu.memref_slice %arg2[%add3A_363, %dma_start3A_372] : memref<327680x128xf32, #tpu.memory_space<hbm>> -> memref<128x128xf32, #tpu.memory_space<hbm>>
          tpu.enqueue_dma source(%dma_start3A_373 : memref<128x128xf32, #tpu.memory_space<hbm>>) target(%dma_start3A_371 : memref<128x128xf32, #tpu.memory_space<vmem>>) target_semaphore(%arg14 : memref<!tpu.dma_semaphore, #tpu.memory_space<semaphore_mem>>)
        } else {
        }
        %mul3A_320 = arith.constant 3 : i32
        %mul3A_321 = arith.muli %scan3A_142, %mul3A_320 : i32
        %add3A_322 = arith.constant 2 : i32
        %add3A_323 = arith.addi %mul3A_321, %add3A_322 : i32
        %dma_wait3A_324 = arith.constant 2 : i32
        %dma_wait3A_325 = arith.constant 256 : i32
        %dma_wait3A_326 = arith.constant 0 : i32
        %dma_wait3A_327 = tpu.memref_slice %arg8[%dma_wait3A_325, %dma_wait3A_326] : memref<384x128xf32, #tpu.memory_space<vmem>> -> memref<128x128xf32, #tpu.memory_space<vmem>>
        %dma_wait3A_328 = arith.constant 0 : i32
        %dma_wait3A_329 = tpu.memref_slice %arg7[%dma_wait3A_324, %dma_wait3A_328] : memref<3x128xi32, #tpu.memory_space<vmem>> -> memref<1x128xi32, #tpu.memory_space<vmem>>
        %dma_wait3A_330 = tpu.memref_squeeze %dma_wait3A_329 : memref<1x128xi32, #tpu.memory_space<vmem>> -> memref<128xi32, #tpu.memory_space<vmem>>
        %dma_wait3A_331 = arith.constant 0 : i32
        %dma_wait3A_332 = arith.constant 0 : i32
        %dma_wait3A_333 = tpu.memref_slice %arg9[%dma_wait3A_331, %dma_wait3A_332] : memref<10000x128xf32, #tpu.memory_space<vmem_shared>> -> memref<10000x128xf32, #tpu.memory_space<vmem_shared>>
        tpu.wait_indirect_dma semaphore(%arg18 : memref<!tpu.dma_semaphore, #tpu.memory_space<semaphore_mem>>) src(%dma_wait3A_327 : memref<128x128xf32, #tpu.memory_space<vmem>>) dst(%dma_wait3A_333 : memref<10000x128xf32, #tpu.memory_space<vmem_shared>>)
        %add3A_334 = arith.constant 3 : i32
        %add3A_335 = arith.addi %add3A_323, %add3A_334 : i32
        %lt3A_336 = arith.constant 160 : i32
        %lt3A_337 = arith.cmpi slt, %add3A_335, %lt3A_336 : i32
        %convert_element_type3A_338 = arith.extui %lt3A_337 : i1 to i32
        %cond3A_339 = arith.constant 0 : i32
        %cond3A_340 = arith.cmpi ne, %convert_element_type3A_338, %cond3A_339 : i32
        scf.if %cond3A_340 {
          %add3A_341 = arith.constant 3 : i32
          %add3A_342 = arith.addi %add3A_323, %add3A_341 : i32
          %mul3A_343 = arith.constant 160 : i32
          %mul3A_344 = arith.muli %arg1, %mul3A_343 : i32
          %add3A_345 = arith.addi %mul3A_344, %add3A_342 : i32
          %dma_start3A_346 = arith.constant 2 : i32
          %dma_start3A_347 = arith.constant 0 : i32
          %dma_start3A_348 = tpu.memref_slice %arg7[%dma_start3A_346, %dma_start3A_347] : memref<3x128xi32, #tpu.memory_space<vmem>> -> memref<1x128xi32, #tpu.memory_space<vmem>>
          %dma_start3A_349 = tpu.memref_squeeze %dma_start3A_348 : memref<1x128xi32, #tpu.memory_space<vmem>> -> memref<128xi32, #tpu.memory_space<vmem>>
          %dma_start3A_350 = arith.constant 0 : i32
          %dma_start3A_351 = tpu.memref_slice %arg4[%add3A_345, %dma_start3A_350] : memref<2560x128xi32, #tpu.memory_space<hbm>> -> memref<1x128xi32, #tpu.memory_space<hbm>>
          %dma_start3A_352 = tpu.memref_squeeze %dma_start3A_351 : memref<1x128xi32, #tpu.memory_space<hbm>> -> memref<128xi32, #tpu.memory_space<hbm>>
          %dma_start3A_353 = arith.constant 0 : i32
          %dma_start3A_354 = tpu.memref_slice %arg7[%dma_start3A_346, %dma_start3A_353] : memref<3x128xi32, #tpu.memory_space<vmem>> -> memref<1x128xi32, #tpu.memory_space<vmem>>
          %dma_start3A_355 = tpu.memref_squeeze %dma_start3A_354 : memref<1x128xi32, #tpu.memory_space<vmem>> -> memref<128xi32, #tpu.memory_space<vmem>>
          %dma_start3A_356 = arith.constant 0 : i32
          %dma_start3A_357 = tpu.memref_slice %arg4[%add3A_345, %dma_start3A_356] : memref<2560x128xi32, #tpu.memory_space<hbm>> -> memref<1x128xi32, #tpu.memory_space<hbm>>
          %dma_start3A_358 = tpu.memref_squeeze %dma_start3A_357 : memref<1x128xi32, #tpu.memory_space<hbm>> -> memref<128xi32, #tpu.memory_space<hbm>>
          tpu.enqueue_dma source(%dma_start3A_358 : memref<128xi32, #tpu.memory_space<hbm>>) target(%dma_start3A_355 : memref<128xi32, #tpu.memory_space<vmem>>) target_semaphore(%arg12 : memref<!tpu.dma_semaphore, #tpu.memory_space<semaphore_mem>>)
          %mul3A_359 = arith.constant 20480 : i32
          %mul3A_360 = arith.muli %arg1, %mul3A_359 : i32
          %mul3A_361 = arith.constant 128 : i32
          %mul3A_362 = arith.muli %add3A_342, %mul3A_361 : i32
          %add3A_363 = arith.addi %mul3A_360, %mul3A_362 : i32
          %dma_start3A_364 = arith.constant 256 : i32
          %dma_start3A_365 = arith.constant 0 : i32
          %dma_start3A_366 = tpu.memref_slice %arg8[%dma_start3A_364, %dma_start3A_365] : memref<384x128xf32, #tpu.memory_space<vmem>> -> memref<128x128xf32, #tpu.memory_space<vmem>>
          %dma_start3A_367 = arith.constant 0 : i32
          %dma_start3A_368 = tpu.memref_slice %arg2[%add3A_363, %dma_start3A_367] : memref<327680x128xf32, #tpu.memory_space<hbm>> -> memref<128x128xf32, #tpu.memory_space<hbm>>
          %dma_start3A_369 = arith.constant 256 : i32
          %dma_start3A_370 = arith.constant 0 : i32
          %dma_start3A_371 = tpu.memref_slice %arg8[%dma_start3A_369, %dma_start3A_370] : memref<384x128xf32, #tpu.memory_space<vmem>> -> memref<128x128xf32, #tpu.memory_space<vmem>>
          %dma_start3A_372 = arith.constant 0 : i32
          %dma_start3A_373 = tpu.memref_slice %arg2[%add3A_363, %dma_start3A_372] : memref<327680x128xf32, #tpu.memory_space<hbm>> -> memref<128x128xf32, #tpu.memory_space<hbm>>
          tpu.enqueue_dma source(%dma_start3A_373 : memref<128x128xf32, #tpu.memory_space<hbm>>) target(%dma_start3A_371 : memref<128x128xf32, #tpu.memory_space<vmem>>) target_semaphore(%arg15 : memref<!tpu.dma_semaphore, #tpu.memory_space<semaphore_mem>>)
        } else {
        }
      }
      %scan3A_111 = arith.constant 53 : i32
      %mul3A_112 = arith.constant 160 : i32
      %mul3A_113 = arith.muli %arg1, %mul3A_112 : i32
      %add3A_114 = arith.constant 159 : i32
      %add3A_115 = arith.addi %mul3A_113, %add3A_114 : i32
      %dma_wait3A = arith.constant 0 : i32
      %dma_wait3A_116 = arith.constant 0 : i32
      %dma_wait3A_117 = tpu.memref_slice %arg7[%dma_wait3A, %dma_wait3A_116] : memref<3x128xi32, #tpu.memory_space<vmem>> -> memref<1x128xi32, #tpu.memory_space<vmem>>
      %dma_wait3A_118 = tpu.memref_squeeze %dma_wait3A_117 : memref<1x128xi32, #tpu.memory_space<vmem>> -> memref<128xi32, #tpu.memory_space<vmem>>
      %dma_wait3A_119 = arith.constant 0 : i32
      %dma_wait3A_120 = tpu.memref_slice %arg4[%add3A_115, %dma_wait3A_119] : memref<2560x128xi32, #tpu.memory_space<hbm>> -> memref<1x128xi32, #tpu.memory_space<hbm>>
      %dma_wait3A_121 = tpu.memref_squeeze %dma_wait3A_120 : memref<1x128xi32, #tpu.memory_space<hbm>> -> memref<128xi32, #tpu.memory_space<hbm>>
      %dma_wait3A_122 = arith.constant 0 : i32
      %dma_wait3A_123 = tpu.memref_slice %arg7[%dma_wait3A, %dma_wait3A_122] : memref<3x128xi32, #tpu.memory_space<vmem>> -> memref<1x128xi32, #tpu.memory_space<vmem>>
      %dma_wait3A_124 = tpu.memref_squeeze %dma_wait3A_123 : memref<1x128xi32, #tpu.memory_space<vmem>> -> memref<128xi32, #tpu.memory_space<vmem>>
      %dma_wait3A_125 = arith.constant 0 : i32
      %dma_wait3A_126 = tpu.memref_slice %arg4[%add3A_115, %dma_wait3A_125] : memref<2560x128xi32, #tpu.memory_space<hbm>> -> memref<1x128xi32, #tpu.memory_space<hbm>>
      %dma_wait3A_127 = tpu.memref_squeeze %dma_wait3A_126 : memref<1x128xi32, #tpu.memory_space<hbm>> -> memref<128xi32, #tpu.memory_space<hbm>>
      tpu.wait_dma2 semaphore(%arg10 : memref<!tpu.dma_semaphore, #tpu.memory_space<semaphore_mem>>) src(%dma_wait3A_127 : memref<128xi32, #tpu.memory_space<hbm>>) dst(%dma_wait3A_124 : memref<128xi32, #tpu.memory_space<vmem>>)
      %mul3A_128 = arith.constant 20480 : i32
      %mul3A_129 = arith.muli %arg1, %mul3A_128 : i32
      %add3A_130 = arith.constant 20352 : i32
      %add3A_131 = arith.addi %mul3A_129, %add3A_130 : i32
      %dma_wait3A_132 = arith.constant 0 : i32
      %dma_wait3A_133 = arith.constant 0 : i32
      %dma_wait3A_134 = tpu.memref_slice %arg8[%dma_wait3A_132, %dma_wait3A_133] : memref<384x128xf32, #tpu.memory_space<vmem>> -> memref<128x128xf32, #tpu.memory_space<vmem>>
      %dma_wait3A_135 = arith.constant 0 : i32
      %dma_wait3A_136 = tpu.memref_slice %arg2[%add3A_131, %dma_wait3A_135] : memref<327680x128xf32, #tpu.memory_space<hbm>> -> memref<128x128xf32, #tpu.memory_space<hbm>>
      %dma_wait3A_137 = arith.constant 0 : i32
      %dma_wait3A_138 = arith.constant 0 : i32
      %dma_wait3A_139 = tpu.memref_slice %arg8[%dma_wait3A_137, %dma_wait3A_138] : memref<384x128xf32, #tpu.memory_space<vmem>> -> memref<128x128xf32, #tpu.memory_space<vmem>>
      %dma_wait3A_140 = arith.constant 0 : i32
      %dma_wait3A_141 = tpu.memref_slice %arg2[%add3A_131, %dma_wait3A_140] : memref<327680x128xf32, #tpu.memory_space<hbm>> -> memref<128x128xf32, #tpu.memory_space<hbm>>
      tpu.wait_dma2 semaphore(%arg13 : memref<!tpu.dma_semaphore, #tpu.memory_space<semaphore_mem>>) src(%dma_wait3A_141 : memref<128x128xf32, #tpu.memory_space<hbm>>) dst(%dma_wait3A_139 : memref<128x128xf32, #tpu.memory_space<vmem>>)
      %run_scoped3A = arith.constant 0 : i32
      "tpu.region"() ({
        %run_scoped3A_142 = tpu.sem_alloc : memref<!tpu.dma_semaphore, #tpu.memory_space<semaphore_mem>>
        %dma_start3A_143 = arith.constant 0 : i32
        %dma_start3A_144 = arith.constant 0 : i32
        %dma_start3A_145 = tpu.memref_slice %arg8[%dma_start3A_143, %dma_start3A_144] : memref<384x128xf32, #tpu.memory_space<vmem>> -> memref<128x128xf32, #tpu.memory_space<vmem>>
        %dma_start3A_146 = arith.constant 0 : i32
        %dma_start3A_147 = tpu.memref_slice %arg7[%run_scoped3A, %dma_start3A_146] : memref<3x128xi32, #tpu.memory_space<vmem>> -> memref<1x128xi32, #tpu.memory_space<vmem>>
        %dma_start3A_148 = tpu.memref_squeeze %dma_start3A_147 : memref<1x128xi32, #tpu.memory_space<vmem>> -> memref<128xi32, #tpu.memory_space<vmem>>
        %dma_start3A_149 = arith.constant 0 : i32
        %dma_start3A_150 = arith.constant 0 : i32
        %dma_start3A_151 = tpu.memref_slice %arg9[%dma_start3A_149, %dma_start3A_150] : memref<10000x128xf32, #tpu.memory_space<vmem_shared>> -> memref<10000x128xf32, #tpu.memory_space<vmem_shared>>
        tpu.enqueue_indirect_dma source(%dma_start3A_145 : memref<128x128xf32, #tpu.memory_space<vmem>>) target(%dma_start3A_151 : memref<10000x128xf32, #tpu.memory_space<vmem_shared>>) offsets(%dma_start3A_148 : memref<128xi32, #tpu.memory_space<vmem>>) semaphore(%run_scoped3A_142 : memref<!tpu.dma_semaphore, #tpu.memory_space<semaphore_mem>>) {add = true}
        %dma_wait3A_152 = arith.constant 0 : i32
        %dma_wait3A_153 = arith.constant 0 : i32
        %dma_wait3A_154 = tpu.memref_slice %arg8[%dma_wait3A_152, %dma_wait3A_153] : memref<384x128xf32, #tpu.memory_space<vmem>> -> memref<128x128xf32, #tpu.memory_space<vmem>>
        %dma_wait3A_155 = arith.constant 0 : i32
        %dma_wait3A_156 = tpu.memref_slice %arg7[%run_scoped3A, %dma_wait3A_155] : memref<3x128xi32, #tpu.memory_space<vmem>> -> memref<1x128xi32, #tpu.memory_space<vmem>>
        %dma_wait3A_157 = tpu.memref_squeeze %dma_wait3A_156 : memref<1x128xi32, #tpu.memory_space<vmem>> -> memref<128xi32, #tpu.memory_space<vmem>>
        %dma_wait3A_158 = arith.constant 0 : i32
        %dma_wait3A_159 = arith.constant 0 : i32
        %dma_wait3A_160 = tpu.memref_slice %arg9[%dma_wait3A_158, %dma_wait3A_159] : memref<10000x128xf32, #tpu.memory_space<vmem_shared>> -> memref<10000x128xf32, #tpu.memory_space<vmem_shared>>
        tpu.wait_indirect_dma semaphore(%run_scoped3A_142 : memref<!tpu.dma_semaphore, #tpu.memory_space<semaphore_mem>>) src(%dma_wait3A_154 : memref<128x128xf32, #tpu.memory_space<vmem>>) dst(%dma_wait3A_160 : memref<10000x128xf32, #tpu.memory_space<vmem_shared>>)
        tpu.yield
      }) : () -> ()
    } else {
    }
    %eq3A_6 = arith.constant 1 : i32
    %eq3A_7 = arith.cmpi eq, %arg0, %eq3A_6 : i32
    %convert_element_type3A_8 = arith.extui %eq3A_7 : i1 to i32
    %cond3A_9 = arith.constant 0 : i32
    %cond3A_10 = arith.cmpi ne, %convert_element_type3A_8, %cond3A_9 : i32
    scf.if %cond3A_10 {
      %mul3A = arith.constant 160 : i32
      %mul3A_17 = arith.muli %arg1, %mul3A : i32
      %add3A = arith.constant 0 : i32
      %add3A_18 = arith.addi %mul3A_17, %add3A : i32
      %dma_start3A = arith.constant 0 : i32
      %dma_start3A_19 = arith.constant 0 : i32
      %dma_start3A_20 = tpu.memref_slice %arg7[%dma_start3A, %dma_start3A_19] : memref<3x128xi32, #tpu.memory_space<vmem>> -> memref<1x128xi32, #tpu.memory_space<vmem>>
      %dma_start3A_21 = tpu.memref_squeeze %dma_start3A_20 : memref<1x128xi32, #tpu.memory_space<vmem>> -> memref<128xi32, #tpu.memory_space<vmem>>
      %dma_start3A_22 = arith.constant 0 : i32
      %dma_start3A_23 = tpu.memref_slice %arg4[%add3A_18, %dma_start3A_22] : memref<2560x128xi32, #tpu.memory_space<hbm>> -> memref<1x128xi32, #tpu.memory_space<hbm>>
      %dma_start3A_24 = tpu.memref_squeeze %dma_start3A_23 : memref<1x128xi32, #tpu.memory_space<hbm>> -> memref<128xi32, #tpu.memory_space<hbm>>
      %dma_start3A_25 = arith.constant 0 : i32
      %dma_start3A_26 = tpu.memref_slice %arg7[%dma_start3A, %dma_start3A_25] : memref<3x128xi32, #tpu.memory_space<vmem>> -> memref<1x128xi32, #tpu.memory_space<vmem>>
      %dma_start3A_27 = tpu.memref_squeeze %dma_start3A_26 : memref<1x128xi32, #tpu.memory_space<vmem>> -> memref<128xi32, #tpu.memory_space<vmem>>
      %dma_start3A_28 = arith.constant 0 : i32
      %dma_start3A_29 = tpu.memref_slice %arg4[%add3A_18, %dma_start3A_28] : memref<2560x128xi32, #tpu.memory_space<hbm>> -> memref<1x128xi32, #tpu.memory_space<hbm>>
      %dma_start3A_30 = tpu.memref_squeeze %dma_start3A_29 : memref<1x128xi32, #tpu.memory_space<hbm>> -> memref<128xi32, #tpu.memory_space<hbm>>
      tpu.enqueue_dma source(%dma_start3A_30 : memref<128xi32, #tpu.memory_space<hbm>>) target(%dma_start3A_27 : memref<128xi32, #tpu.memory_space<vmem>>) target_semaphore(%arg10 : memref<!tpu.dma_semaphore, #tpu.memory_space<semaphore_mem>>)
      %mul3A_31 = arith.constant 20480 : i32
      %mul3A_32 = arith.muli %arg1, %mul3A_31 : i32
      %add3A_33 = arith.constant 0 : i32
      %add3A_34 = arith.addi %mul3A_32, %add3A_33 : i32
      %dma_start3A_35 = arith.constant 0 : i32
      %dma_start3A_36 = arith.constant 0 : i32
      %dma_start3A_37 = tpu.memref_slice %arg8[%dma_start3A_35, %dma_start3A_36] : memref<384x128xf32, #tpu.memory_space<vmem>> -> memref<128x128xf32, #tpu.memory_space<vmem>>
      %dma_start3A_38 = arith.constant 0 : i32
      %dma_start3A_39 = tpu.memref_slice %arg3[%add3A_34, %dma_start3A_38] : memref<327680x128xf32, #tpu.memory_space<hbm>> -> memref<128x128xf32, #tpu.memory_space<hbm>>
      %dma_start3A_40 = arith.constant 0 : i32
      %dma_start3A_41 = arith.constant 0 : i32
      %dma_start3A_42 = tpu.memref_slice %arg8[%dma_start3A_40, %dma_start3A_41] : memref<384x128xf32, #tpu.memory_space<vmem>> -> memref<128x128xf32, #tpu.memory_space<vmem>>
      %dma_start3A_43 = arith.constant 0 : i32
      %dma_start3A_44 = tpu.memref_slice %arg3[%add3A_34, %dma_start3A_43] : memref<327680x128xf32, #tpu.memory_space<hbm>> -> memref<128x128xf32, #tpu.memory_space<hbm>>
      tpu.enqueue_dma source(%dma_start3A_44 : memref<128x128xf32, #tpu.memory_space<hbm>>) target(%dma_start3A_42 : memref<128x128xf32, #tpu.memory_space<vmem>>) target_semaphore(%arg13 : memref<!tpu.dma_semaphore, #tpu.memory_space<semaphore_mem>>)
      %mul3A_45 = arith.constant 160 : i32
      %mul3A_46 = arith.muli %arg1, %mul3A_45 : i32
      %add3A_47 = arith.constant 1 : i32
      %add3A_48 = arith.addi %mul3A_46, %add3A_47 : i32
      %dma_start3A_49 = arith.constant 1 : i32
      %dma_start3A_50 = arith.constant 0 : i32
      %dma_start3A_51 = tpu.memref_slice %arg7[%dma_start3A_49, %dma_start3A_50] : memref<3x128xi32, #tpu.memory_space<vmem>> -> memref<1x128xi32, #tpu.memory_space<vmem>>
      %dma_start3A_52 = tpu.memref_squeeze %dma_start3A_51 : memref<1x128xi32, #tpu.memory_space<vmem>> -> memref<128xi32, #tpu.memory_space<vmem>>
      %dma_start3A_53 = arith.constant 0 : i32
      %dma_start3A_54 = tpu.memref_slice %arg4[%add3A_48, %dma_start3A_53] : memref<2560x128xi32, #tpu.memory_space<hbm>> -> memref<1x128xi32, #tpu.memory_space<hbm>>
      %dma_start3A_55 = tpu.memref_squeeze %dma_start3A_54 : memref<1x128xi32, #tpu.memory_space<hbm>> -> memref<128xi32, #tpu.memory_space<hbm>>
      %dma_start3A_56 = arith.constant 0 : i32
      %dma_start3A_57 = tpu.memref_slice %arg7[%dma_start3A_49, %dma_start3A_56] : memref<3x128xi32, #tpu.memory_space<vmem>> -> memref<1x128xi32, #tpu.memory_space<vmem>>
      %dma_start3A_58 = tpu.memref_squeeze %dma_start3A_57 : memref<1x128xi32, #tpu.memory_space<vmem>> -> memref<128xi32, #tpu.memory_space<vmem>>
      %dma_start3A_59 = arith.constant 0 : i32
      %dma_start3A_60 = tpu.memref_slice %arg4[%add3A_48, %dma_start3A_59] : memref<2560x128xi32, #tpu.memory_space<hbm>> -> memref<1x128xi32, #tpu.memory_space<hbm>>
      %dma_start3A_61 = tpu.memref_squeeze %dma_start3A_60 : memref<1x128xi32, #tpu.memory_space<hbm>> -> memref<128xi32, #tpu.memory_space<hbm>>
      tpu.enqueue_dma source(%dma_start3A_61 : memref<128xi32, #tpu.memory_space<hbm>>) target(%dma_start3A_58 : memref<128xi32, #tpu.memory_space<vmem>>) target_semaphore(%arg11 : memref<!tpu.dma_semaphore, #tpu.memory_space<semaphore_mem>>)
      %mul3A_62 = arith.constant 20480 : i32
      %mul3A_63 = arith.muli %arg1, %mul3A_62 : i32
      %add3A_64 = arith.constant 128 : i32
      %add3A_65 = arith.addi %mul3A_63, %add3A_64 : i32
      %dma_start3A_66 = arith.constant 128 : i32
      %dma_start3A_67 = arith.constant 0 : i32
      %dma_start3A_68 = tpu.memref_slice %arg8[%dma_start3A_66, %dma_start3A_67] : memref<384x128xf32, #tpu.memory_space<vmem>> -> memref<128x128xf32, #tpu.memory_space<vmem>>
      %dma_start3A_69 = arith.constant 0 : i32
      %dma_start3A_70 = tpu.memref_slice %arg3[%add3A_65, %dma_start3A_69] : memref<327680x128xf32, #tpu.memory_space<hbm>> -> memref<128x128xf32, #tpu.memory_space<hbm>>
      %dma_start3A_71 = arith.constant 128 : i32
      %dma_start3A_72 = arith.constant 0 : i32
      %dma_start3A_73 = tpu.memref_slice %arg8[%dma_start3A_71, %dma_start3A_72] : memref<384x128xf32, #tpu.memory_space<vmem>> -> memref<128x128xf32, #tpu.memory_space<vmem>>
      %dma_start3A_74 = arith.constant 0 : i32
      %dma_start3A_75 = tpu.memref_slice %arg3[%add3A_65, %dma_start3A_74] : memref<327680x128xf32, #tpu.memory_space<hbm>> -> memref<128x128xf32, #tpu.memory_space<hbm>>
      tpu.enqueue_dma source(%dma_start3A_75 : memref<128x128xf32, #tpu.memory_space<hbm>>) target(%dma_start3A_73 : memref<128x128xf32, #tpu.memory_space<vmem>>) target_semaphore(%arg14 : memref<!tpu.dma_semaphore, #tpu.memory_space<semaphore_mem>>)
      %mul3A_76 = arith.constant 160 : i32
      %mul3A_77 = arith.muli %arg1, %mul3A_76 : i32
      %add3A_78 = arith.constant 2 : i32
      %add3A_79 = arith.addi %mul3A_77, %add3A_78 : i32
      %dma_start3A_80 = arith.constant 2 : i32
      %dma_start3A_81 = arith.constant 0 : i32
      %dma_start3A_82 = tpu.memref_slice %arg7[%dma_start3A_80, %dma_start3A_81] : memref<3x128xi32, #tpu.memory_space<vmem>> -> memref<1x128xi32, #tpu.memory_space<vmem>>
      %dma_start3A_83 = tpu.memref_squeeze %dma_start3A_82 : memref<1x128xi32, #tpu.memory_space<vmem>> -> memref<128xi32, #tpu.memory_space<vmem>>
      %dma_start3A_84 = arith.constant 0 : i32
      %dma_start3A_85 = tpu.memref_slice %arg4[%add3A_79, %dma_start3A_84] : memref<2560x128xi32, #tpu.memory_space<hbm>> -> memref<1x128xi32, #tpu.memory_space<hbm>>
      %dma_start3A_86 = tpu.memref_squeeze %dma_start3A_85 : memref<1x128xi32, #tpu.memory_space<hbm>> -> memref<128xi32, #tpu.memory_space<hbm>>
      %dma_start3A_87 = arith.constant 0 : i32
      %dma_start3A_88 = tpu.memref_slice %arg7[%dma_start3A_80, %dma_start3A_87] : memref<3x128xi32, #tpu.memory_space<vmem>> -> memref<1x128xi32, #tpu.memory_space<vmem>>
      %dma_start3A_89 = tpu.memref_squeeze %dma_start3A_88 : memref<1x128xi32, #tpu.memory_space<vmem>> -> memref<128xi32, #tpu.memory_space<vmem>>
      %dma_start3A_90 = arith.constant 0 : i32
      %dma_start3A_91 = tpu.memref_slice %arg4[%add3A_79, %dma_start3A_90] : memref<2560x128xi32, #tpu.memory_space<hbm>> -> memref<1x128xi32, #tpu.memory_space<hbm>>
      %dma_start3A_92 = tpu.memref_squeeze %dma_start3A_91 : memref<1x128xi32, #tpu.memory_space<hbm>> -> memref<128xi32, #tpu.memory_space<hbm>>
      tpu.enqueue_dma source(%dma_start3A_92 : memref<128xi32, #tpu.memory_space<hbm>>) target(%dma_start3A_89 : memref<128xi32, #tpu.memory_space<vmem>>) target_semaphore(%arg12 : memref<!tpu.dma_semaphore, #tpu.memory_space<semaphore_mem>>)
      %mul3A_93 = arith.constant 20480 : i32
      %mul3A_94 = arith.muli %arg1, %mul3A_93 : i32
      %add3A_95 = arith.constant 256 : i32
      %add3A_96 = arith.addi %mul3A_94, %add3A_95 : i32
      %dma_start3A_97 = arith.constant 256 : i32
      %dma_start3A_98 = arith.constant 0 : i32
      %dma_start3A_99 = tpu.memref_slice %arg8[%dma_start3A_97, %dma_start3A_98] : memref<384x128xf32, #tpu.memory_space<vmem>> -> memref<128x128xf32, #tpu.memory_space<vmem>>
      %dma_start3A_100 = arith.constant 0 : i32
      %dma_start3A_101 = tpu.memref_slice %arg3[%add3A_96, %dma_start3A_100] : memref<327680x128xf32, #tpu.memory_space<hbm>> -> memref<128x128xf32, #tpu.memory_space<hbm>>
      %dma_start3A_102 = arith.constant 256 : i32
      %dma_start3A_103 = arith.constant 0 : i32
      %dma_start3A_104 = tpu.memref_slice %arg8[%dma_start3A_102, %dma_start3A_103] : memref<384x128xf32, #tpu.memory_space<vmem>> -> memref<128x128xf32, #tpu.memory_space<vmem>>
      %dma_start3A_105 = arith.constant 0 : i32
      %dma_start3A_106 = tpu.memref_slice %arg3[%add3A_96, %dma_start3A_105] : memref<327680x128xf32, #tpu.memory_space<hbm>> -> memref<128x128xf32, #tpu.memory_space<hbm>>
      tpu.enqueue_dma source(%dma_start3A_106 : memref<128x128xf32, #tpu.memory_space<hbm>>) target(%dma_start3A_104 : memref<128x128xf32, #tpu.memory_space<vmem>>) target_semaphore(%arg15 : memref<!tpu.dma_semaphore, #tpu.memory_space<semaphore_mem>>)
      %scan3A = arith.constant 0 : i32
      %scan3A_107 = arith.constant 0 : i32
      %scan3A_108 = arith.constant 53 : i32
      %scan3A_109 = arith.addi %scan3A_107, %scan3A_108 : i32
      %scan3A_110 = arith.constant 1 : i32
      scf.for %scan3A_142 = %scan3A_107 to %scan3A_109 step %scan3A_110  : i32 {
        %mul3A_143 = arith.constant 3 : i32
        %mul3A_144 = arith.muli %scan3A_142, %mul3A_143 : i32
        %add3A_145 = arith.constant 0 : i32
        %add3A_146 = arith.addi %mul3A_144, %add3A_145 : i32
        %mul3A_147 = arith.constant 160 : i32
        %mul3A_148 = arith.muli %arg1, %mul3A_147 : i32
        %add3A_149 = arith.addi %mul3A_148, %add3A_146 : i32
        %dma_wait3A_150 = arith.constant 0 : i32
        %dma_wait3A_151 = arith.constant 0 : i32
        %dma_wait3A_152 = tpu.memref_slice %arg7[%dma_wait3A_150, %dma_wait3A_151] : memref<3x128xi32, #tpu.memory_space<vmem>> -> memref<1x128xi32, #tpu.memory_space<vmem>>
        %dma_wait3A_153 = tpu.memref_squeeze %dma_wait3A_152 : memref<1x128xi32, #tpu.memory_space<vmem>> -> memref<128xi32, #tpu.memory_space<vmem>>
        %dma_wait3A_154 = arith.constant 0 : i32
        %dma_wait3A_155 = tpu.memref_slice %arg4[%add3A_149, %dma_wait3A_154] : memref<2560x128xi32, #tpu.memory_space<hbm>> -> memref<1x128xi32, #tpu.memory_space<hbm>>
        %dma_wait3A_156 = tpu.memref_squeeze %dma_wait3A_155 : memref<1x128xi32, #tpu.memory_space<hbm>> -> memref<128xi32, #tpu.memory_space<hbm>>
        %dma_wait3A_157 = arith.constant 0 : i32
        %dma_wait3A_158 = tpu.memref_slice %arg7[%dma_wait3A_150, %dma_wait3A_157] : memref<3x128xi32, #tpu.memory_space<vmem>> -> memref<1x128xi32, #tpu.memory_space<vmem>>
        %dma_wait3A_159 = tpu.memref_squeeze %dma_wait3A_158 : memref<1x128xi32, #tpu.memory_space<vmem>> -> memref<128xi32, #tpu.memory_space<vmem>>
        %dma_wait3A_160 = arith.constant 0 : i32
        %dma_wait3A_161 = tpu.memref_slice %arg4[%add3A_149, %dma_wait3A_160] : memref<2560x128xi32, #tpu.memory_space<hbm>> -> memref<1x128xi32, #tpu.memory_space<hbm>>
        %dma_wait3A_162 = tpu.memref_squeeze %dma_wait3A_161 : memref<1x128xi32, #tpu.memory_space<hbm>> -> memref<128xi32, #tpu.memory_space<hbm>>
        tpu.wait_dma2 semaphore(%arg10 : memref<!tpu.dma_semaphore, #tpu.memory_space<semaphore_mem>>) src(%dma_wait3A_162 : memref<128xi32, #tpu.memory_space<hbm>>) dst(%dma_wait3A_159 : memref<128xi32, #tpu.memory_space<vmem>>)
        %mul3A_163 = arith.constant 20480 : i32
        %mul3A_164 = arith.muli %arg1, %mul3A_163 : i32
        %mul3A_165 = arith.constant 128 : i32
        %mul3A_166 = arith.muli %add3A_146, %mul3A_165 : i32
        %add3A_167 = arith.addi %mul3A_164, %mul3A_166 : i32
        %dma_wait3A_168 = arith.constant 0 : i32
        %dma_wait3A_169 = arith.constant 0 : i32
        %dma_wait3A_170 = tpu.memref_slice %arg8[%dma_wait3A_168, %dma_wait3A_169] : memref<384x128xf32, #tpu.memory_space<vmem>> -> memref<128x128xf32, #tpu.memory_space<vmem>>
        %dma_wait3A_171 = arith.constant 0 : i32
        %dma_wait3A_172 = tpu.memref_slice %arg3[%add3A_167, %dma_wait3A_171] : memref<327680x128xf32, #tpu.memory_space<hbm>> -> memref<128x128xf32, #tpu.memory_space<hbm>>
        %dma_wait3A_173 = arith.constant 0 : i32
        %dma_wait3A_174 = arith.constant 0 : i32
        %dma_wait3A_175 = tpu.memref_slice %arg8[%dma_wait3A_173, %dma_wait3A_174] : memref<384x128xf32, #tpu.memory_space<vmem>> -> memref<128x128xf32, #tpu.memory_space<vmem>>
        %dma_wait3A_176 = arith.constant 0 : i32
        %dma_wait3A_177 = tpu.memref_slice %arg3[%add3A_167, %dma_wait3A_176] : memref<327680x128xf32, #tpu.memory_space<hbm>> -> memref<128x128xf32, #tpu.memory_space<hbm>>
        tpu.wait_dma2 semaphore(%arg13 : memref<!tpu.dma_semaphore, #tpu.memory_space<semaphore_mem>>) src(%dma_wait3A_177 : memref<128x128xf32, #tpu.memory_space<hbm>>) dst(%dma_wait3A_175 : memref<128x128xf32, #tpu.memory_space<vmem>>)
        %dma_start3A_178 = arith.constant 0 : i32
        %dma_start3A_179 = arith.constant 0 : i32
        %dma_start3A_180 = arith.constant 0 : i32
        %dma_start3A_181 = tpu.memref_slice %arg8[%dma_start3A_179, %dma_start3A_180] : memref<384x128xf32, #tpu.memory_space<vmem>> -> memref<128x128xf32, #tpu.memory_space<vmem>>
        %dma_start3A_182 = arith.constant 0 : i32
        %dma_start3A_183 = tpu.memref_slice %arg7[%dma_start3A_178, %dma_start3A_182] : memref<3x128xi32, #tpu.memory_space<vmem>> -> memref<1x128xi32, #tpu.memory_space<vmem>>
        %dma_start3A_184 = tpu.memref_squeeze %dma_start3A_183 : memref<1x128xi32, #tpu.memory_space<vmem>> -> memref<128xi32, #tpu.memory_space<vmem>>
        %dma_start3A_185 = arith.constant 0 : i32
        %dma_start3A_186 = arith.constant 0 : i32
        %dma_start3A_187 = tpu.memref_slice %arg9[%dma_start3A_185, %dma_start3A_186] : memref<10000x128xf32, #tpu.memory_space<vmem_shared>> -> memref<10000x128xf32, #tpu.memory_space<vmem_shared>>
        tpu.enqueue_indirect_dma source(%dma_start3A_181 : memref<128x128xf32, #tpu.memory_space<vmem>>) target(%dma_start3A_187 : memref<10000x128xf32, #tpu.memory_space<vmem_shared>>) offsets(%dma_start3A_184 : memref<128xi32, #tpu.memory_space<vmem>>) semaphore(%arg16 : memref<!tpu.dma_semaphore, #tpu.memory_space<semaphore_mem>>) {add = true}
        %mul3A_188 = arith.constant 3 : i32
        %mul3A_189 = arith.muli %scan3A_142, %mul3A_188 : i32
        %add3A_190 = arith.constant 1 : i32
        %add3A_191 = arith.addi %mul3A_189, %add3A_190 : i32
        %mul3A_192 = arith.constant 160 : i32
        %mul3A_193 = arith.muli %arg1, %mul3A_192 : i32
        %add3A_194 = arith.addi %mul3A_193, %add3A_191 : i32
        %dma_wait3A_195 = arith.constant 1 : i32
        %dma_wait3A_196 = arith.constant 0 : i32
        %dma_wait3A_197 = tpu.memref_slice %arg7[%dma_wait3A_195, %dma_wait3A_196] : memref<3x128xi32, #tpu.memory_space<vmem>> -> memref<1x128xi32, #tpu.memory_space<vmem>>
        %dma_wait3A_198 = tpu.memref_squeeze %dma_wait3A_197 : memref<1x128xi32, #tpu.memory_space<vmem>> -> memref<128xi32, #tpu.memory_space<vmem>>
        %dma_wait3A_199 = arith.constant 0 : i32
        %dma_wait3A_200 = tpu.memref_slice %arg4[%add3A_194, %dma_wait3A_199] : memref<2560x128xi32, #tpu.memory_space<hbm>> -> memref<1x128xi32, #tpu.memory_space<hbm>>
        %dma_wait3A_201 = tpu.memref_squeeze %dma_wait3A_200 : memref<1x128xi32, #tpu.memory_space<hbm>> -> memref<128xi32, #tpu.memory_space<hbm>>
        %dma_wait3A_202 = arith.constant 0 : i32
        %dma_wait3A_203 = tpu.memref_slice %arg7[%dma_wait3A_195, %dma_wait3A_202] : memref<3x128xi32, #tpu.memory_space<vmem>> -> memref<1x128xi32, #tpu.memory_space<vmem>>
        %dma_wait3A_204 = tpu.memref_squeeze %dma_wait3A_203 : memref<1x128xi32, #tpu.memory_space<vmem>> -> memref<128xi32, #tpu.memory_space<vmem>>
        %dma_wait3A_205 = arith.constant 0 : i32
        %dma_wait3A_206 = tpu.memref_slice %arg4[%add3A_194, %dma_wait3A_205] : memref<2560x128xi32, #tpu.memory_space<hbm>> -> memref<1x128xi32, #tpu.memory_space<hbm>>
        %dma_wait3A_207 = tpu.memref_squeeze %dma_wait3A_206 : memref<1x128xi32, #tpu.memory_space<hbm>> -> memref<128xi32, #tpu.memory_space<hbm>>
        tpu.wait_dma2 semaphore(%arg11 : memref<!tpu.dma_semaphore, #tpu.memory_space<semaphore_mem>>) src(%dma_wait3A_207 : memref<128xi32, #tpu.memory_space<hbm>>) dst(%dma_wait3A_204 : memref<128xi32, #tpu.memory_space<vmem>>)
        %mul3A_208 = arith.constant 20480 : i32
        %mul3A_209 = arith.muli %arg1, %mul3A_208 : i32
        %mul3A_210 = arith.constant 128 : i32
        %mul3A_211 = arith.muli %add3A_191, %mul3A_210 : i32
        %add3A_212 = arith.addi %mul3A_209, %mul3A_211 : i32
        %dma_wait3A_213 = arith.constant 128 : i32
        %dma_wait3A_214 = arith.constant 0 : i32
        %dma_wait3A_215 = tpu.memref_slice %arg8[%dma_wait3A_213, %dma_wait3A_214] : memref<384x128xf32, #tpu.memory_space<vmem>> -> memref<128x128xf32, #tpu.memory_space<vmem>>
        %dma_wait3A_216 = arith.constant 0 : i32
        %dma_wait3A_217 = tpu.memref_slice %arg3[%add3A_212, %dma_wait3A_216] : memref<327680x128xf32, #tpu.memory_space<hbm>> -> memref<128x128xf32, #tpu.memory_space<hbm>>
        %dma_wait3A_218 = arith.constant 128 : i32
        %dma_wait3A_219 = arith.constant 0 : i32
        %dma_wait3A_220 = tpu.memref_slice %arg8[%dma_wait3A_218, %dma_wait3A_219] : memref<384x128xf32, #tpu.memory_space<vmem>> -> memref<128x128xf32, #tpu.memory_space<vmem>>
        %dma_wait3A_221 = arith.constant 0 : i32
        %dma_wait3A_222 = tpu.memref_slice %arg3[%add3A_212, %dma_wait3A_221] : memref<327680x128xf32, #tpu.memory_space<hbm>> -> memref<128x128xf32, #tpu.memory_space<hbm>>
        tpu.wait_dma2 semaphore(%arg14 : memref<!tpu.dma_semaphore, #tpu.memory_space<semaphore_mem>>) src(%dma_wait3A_222 : memref<128x128xf32, #tpu.memory_space<hbm>>) dst(%dma_wait3A_220 : memref<128x128xf32, #tpu.memory_space<vmem>>)
        %dma_start3A_223 = arith.constant 1 : i32
        %dma_start3A_224 = arith.constant 128 : i32
        %dma_start3A_225 = arith.constant 0 : i32
        %dma_start3A_226 = tpu.memref_slice %arg8[%dma_start3A_224, %dma_start3A_225] : memref<384x128xf32, #tpu.memory_space<vmem>> -> memref<128x128xf32, #tpu.memory_space<vmem>>
        %dma_start3A_227 = arith.constant 0 : i32
        %dma_start3A_228 = tpu.memref_slice %arg7[%dma_start3A_223, %dma_start3A_227] : memref<3x128xi32, #tpu.memory_space<vmem>> -> memref<1x128xi32, #tpu.memory_space<vmem>>
        %dma_start3A_229 = tpu.memref_squeeze %dma_start3A_228 : memref<1x128xi32, #tpu.memory_space<vmem>> -> memref<128xi32, #tpu.memory_space<vmem>>
        %dma_start3A_230 = arith.constant 0 : i32
        %dma_start3A_231 = arith.constant 0 : i32
        %dma_start3A_232 = tpu.memref_slice %arg9[%dma_start3A_230, %dma_start3A_231] : memref<10000x128xf32, #tpu.memory_space<vmem_shared>> -> memref<10000x128xf32, #tpu.memory_space<vmem_shared>>
        tpu.enqueue_indirect_dma source(%dma_start3A_226 : memref<128x128xf32, #tpu.memory_space<vmem>>) target(%dma_start3A_232 : memref<10000x128xf32, #tpu.memory_space<vmem_shared>>) offsets(%dma_start3A_229 : memref<128xi32, #tpu.memory_space<vmem>>) semaphore(%arg17 : memref<!tpu.dma_semaphore, #tpu.memory_space<semaphore_mem>>) {add = true}
        %mul3A_233 = arith.constant 3 : i32
        %mul3A_234 = arith.muli %scan3A_142, %mul3A_233 : i32
        %add3A_235 = arith.constant 2 : i32
        %add3A_236 = arith.addi %mul3A_234, %add3A_235 : i32
        %mul3A_237 = arith.constant 160 : i32
        %mul3A_238 = arith.muli %arg1, %mul3A_237 : i32
        %add3A_239 = arith.addi %mul3A_238, %add3A_236 : i32
        %dma_wait3A_240 = arith.constant 2 : i32
        %dma_wait3A_241 = arith.constant 0 : i32
        %dma_wait3A_242 = tpu.memref_slice %arg7[%dma_wait3A_240, %dma_wait3A_241] : memref<3x128xi32, #tpu.memory_space<vmem>> -> memref<1x128xi32, #tpu.memory_space<vmem>>
        %dma_wait3A_243 = tpu.memref_squeeze %dma_wait3A_242 : memref<1x128xi32, #tpu.memory_space<vmem>> -> memref<128xi32, #tpu.memory_space<vmem>>
        %dma_wait3A_244 = arith.constant 0 : i32
        %dma_wait3A_245 = tpu.memref_slice %arg4[%add3A_239, %dma_wait3A_244] : memref<2560x128xi32, #tpu.memory_space<hbm>> -> memref<1x128xi32, #tpu.memory_space<hbm>>
        %dma_wait3A_246 = tpu.memref_squeeze %dma_wait3A_245 : memref<1x128xi32, #tpu.memory_space<hbm>> -> memref<128xi32, #tpu.memory_space<hbm>>
        %dma_wait3A_247 = arith.constant 0 : i32
        %dma_wait3A_248 = tpu.memref_slice %arg7[%dma_wait3A_240, %dma_wait3A_247] : memref<3x128xi32, #tpu.memory_space<vmem>> -> memref<1x128xi32, #tpu.memory_space<vmem>>
        %dma_wait3A_249 = tpu.memref_squeeze %dma_wait3A_248 : memref<1x128xi32, #tpu.memory_space<vmem>> -> memref<128xi32, #tpu.memory_space<vmem>>
        %dma_wait3A_250 = arith.constant 0 : i32
        %dma_wait3A_251 = tpu.memref_slice %arg4[%add3A_239, %dma_wait3A_250] : memref<2560x128xi32, #tpu.memory_space<hbm>> -> memref<1x128xi32, #tpu.memory_space<hbm>>
        %dma_wait3A_252 = tpu.memref_squeeze %dma_wait3A_251 : memref<1x128xi32, #tpu.memory_space<hbm>> -> memref<128xi32, #tpu.memory_space<hbm>>
        tpu.wait_dma2 semaphore(%arg12 : memref<!tpu.dma_semaphore, #tpu.memory_space<semaphore_mem>>) src(%dma_wait3A_252 : memref<128xi32, #tpu.memory_space<hbm>>) dst(%dma_wait3A_249 : memref<128xi32, #tpu.memory_space<vmem>>)
        %mul3A_253 = arith.constant 20480 : i32
        %mul3A_254 = arith.muli %arg1, %mul3A_253 : i32
        %mul3A_255 = arith.constant 128 : i32
        %mul3A_256 = arith.muli %add3A_236, %mul3A_255 : i32
        %add3A_257 = arith.addi %mul3A_254, %mul3A_256 : i32
        %dma_wait3A_258 = arith.constant 256 : i32
        %dma_wait3A_259 = arith.constant 0 : i32
        %dma_wait3A_260 = tpu.memref_slice %arg8[%dma_wait3A_258, %dma_wait3A_259] : memref<384x128xf32, #tpu.memory_space<vmem>> -> memref<128x128xf32, #tpu.memory_space<vmem>>
        %dma_wait3A_261 = arith.constant 0 : i32
        %dma_wait3A_262 = tpu.memref_slice %arg3[%add3A_257, %dma_wait3A_261] : memref<327680x128xf32, #tpu.memory_space<hbm>> -> memref<128x128xf32, #tpu.memory_space<hbm>>
        %dma_wait3A_263 = arith.constant 256 : i32
        %dma_wait3A_264 = arith.constant 0 : i32
        %dma_wait3A_265 = tpu.memref_slice %arg8[%dma_wait3A_263, %dma_wait3A_264] : memref<384x128xf32, #tpu.memory_space<vmem>> -> memref<128x128xf32, #tpu.memory_space<vmem>>
        %dma_wait3A_266 = arith.constant 0 : i32
        %dma_wait3A_267 = tpu.memref_slice %arg3[%add3A_257, %dma_wait3A_266] : memref<327680x128xf32, #tpu.memory_space<hbm>> -> memref<128x128xf32, #tpu.memory_space<hbm>>
        tpu.wait_dma2 semaphore(%arg15 : memref<!tpu.dma_semaphore, #tpu.memory_space<semaphore_mem>>) src(%dma_wait3A_267 : memref<128x128xf32, #tpu.memory_space<hbm>>) dst(%dma_wait3A_265 : memref<128x128xf32, #tpu.memory_space<vmem>>)
        %dma_start3A_268 = arith.constant 2 : i32
        %dma_start3A_269 = arith.constant 256 : i32
        %dma_start3A_270 = arith.constant 0 : i32
        %dma_start3A_271 = tpu.memref_slice %arg8[%dma_start3A_269, %dma_start3A_270] : memref<384x128xf32, #tpu.memory_space<vmem>> -> memref<128x128xf32, #tpu.memory_space<vmem>>
        %dma_start3A_272 = arith.constant 0 : i32
        %dma_start3A_273 = tpu.memref_slice %arg7[%dma_start3A_268, %dma_start3A_272] : memref<3x128xi32, #tpu.memory_space<vmem>> -> memref<1x128xi32, #tpu.memory_space<vmem>>
        %dma_start3A_274 = tpu.memref_squeeze %dma_start3A_273 : memref<1x128xi32, #tpu.memory_space<vmem>> -> memref<128xi32, #tpu.memory_space<vmem>>
        %dma_start3A_275 = arith.constant 0 : i32
        %dma_start3A_276 = arith.constant 0 : i32
        %dma_start3A_277 = tpu.memref_slice %arg9[%dma_start3A_275, %dma_start3A_276] : memref<10000x128xf32, #tpu.memory_space<vmem_shared>> -> memref<10000x128xf32, #tpu.memory_space<vmem_shared>>
        tpu.enqueue_indirect_dma source(%dma_start3A_271 : memref<128x128xf32, #tpu.memory_space<vmem>>) target(%dma_start3A_277 : memref<10000x128xf32, #tpu.memory_space<vmem_shared>>) offsets(%dma_start3A_274 : memref<128xi32, #tpu.memory_space<vmem>>) semaphore(%arg18 : memref<!tpu.dma_semaphore, #tpu.memory_space<semaphore_mem>>) {add = true}
        %mul3A_278 = arith.constant 3 : i32
        %mul3A_279 = arith.muli %scan3A_142, %mul3A_278 : i32
        %add3A_280 = arith.constant 0 : i32
        %add3A_281 = arith.addi %mul3A_279, %add3A_280 : i32
        %dma_wait3A_282 = arith.constant 0 : i32
        %dma_wait3A_283 = arith.constant 0 : i32
        %dma_wait3A_284 = arith.constant 0 : i32
        %dma_wait3A_285 = tpu.memref_slice %arg8[%dma_wait3A_283, %dma_wait3A_284] : memref<384x128xf32, #tpu.memory_space<vmem>> -> memref<128x128xf32, #tpu.memory_space<vmem>>
        %dma_wait3A_286 = arith.constant 0 : i32
        %dma_wait3A_287 = tpu.memref_slice %arg7[%dma_wait3A_282, %dma_wait3A_286] : memref<3x128xi32, #tpu.memory_space<vmem>> -> memref<1x128xi32, #tpu.memory_space<vmem>>
        %dma_wait3A_288 = tpu.memref_squeeze %dma_wait3A_287 : memref<1x128xi32, #tpu.memory_space<vmem>> -> memref<128xi32, #tpu.memory_space<vmem>>
        %dma_wait3A_289 = arith.constant 0 : i32
        %dma_wait3A_290 = arith.constant 0 : i32
        %dma_wait3A_291 = tpu.memref_slice %arg9[%dma_wait3A_289, %dma_wait3A_290] : memref<10000x128xf32, #tpu.memory_space<vmem_shared>> -> memref<10000x128xf32, #tpu.memory_space<vmem_shared>>
        tpu.wait_indirect_dma semaphore(%arg16 : memref<!tpu.dma_semaphore, #tpu.memory_space<semaphore_mem>>) src(%dma_wait3A_285 : memref<128x128xf32, #tpu.memory_space<vmem>>) dst(%dma_wait3A_291 : memref<10000x128xf32, #tpu.memory_space<vmem_shared>>)
        %add3A_292 = arith.constant 3 : i32
        %add3A_293 = arith.addi %add3A_281, %add3A_292 : i32
        %lt3A_294 = arith.constant 160 : i32
        %lt3A_295 = arith.cmpi slt, %add3A_293, %lt3A_294 : i32
        %convert_element_type3A_296 = arith.extui %lt3A_295 : i1 to i32
        %cond3A_297 = arith.constant 0 : i32
        %cond3A_298 = arith.cmpi ne, %convert_element_type3A_296, %cond3A_297 : i32
        scf.if %cond3A_298 {
          %add3A_341 = arith.constant 3 : i32
          %add3A_342 = arith.addi %add3A_281, %add3A_341 : i32
          %mul3A_343 = arith.constant 160 : i32
          %mul3A_344 = arith.muli %arg1, %mul3A_343 : i32
          %add3A_345 = arith.addi %mul3A_344, %add3A_342 : i32
          %dma_start3A_346 = arith.constant 0 : i32
          %dma_start3A_347 = arith.constant 0 : i32
          %dma_start3A_348 = tpu.memref_slice %arg7[%dma_start3A_346, %dma_start3A_347] : memref<3x128xi32, #tpu.memory_space<vmem>> -> memref<1x128xi32, #tpu.memory_space<vmem>>
          %dma_start3A_349 = tpu.memref_squeeze %dma_start3A_348 : memref<1x128xi32, #tpu.memory_space<vmem>> -> memref<128xi32, #tpu.memory_space<vmem>>
          %dma_start3A_350 = arith.constant 0 : i32
          %dma_start3A_351 = tpu.memref_slice %arg4[%add3A_345, %dma_start3A_350] : memref<2560x128xi32, #tpu.memory_space<hbm>> -> memref<1x128xi32, #tpu.memory_space<hbm>>
          %dma_start3A_352 = tpu.memref_squeeze %dma_start3A_351 : memref<1x128xi32, #tpu.memory_space<hbm>> -> memref<128xi32, #tpu.memory_space<hbm>>
          %dma_start3A_353 = arith.constant 0 : i32
          %dma_start3A_354 = tpu.memref_slice %arg7[%dma_start3A_346, %dma_start3A_353] : memref<3x128xi32, #tpu.memory_space<vmem>> -> memref<1x128xi32, #tpu.memory_space<vmem>>
          %dma_start3A_355 = tpu.memref_squeeze %dma_start3A_354 : memref<1x128xi32, #tpu.memory_space<vmem>> -> memref<128xi32, #tpu.memory_space<vmem>>
          %dma_start3A_356 = arith.constant 0 : i32
          %dma_start3A_357 = tpu.memref_slice %arg4[%add3A_345, %dma_start3A_356] : memref<2560x128xi32, #tpu.memory_space<hbm>> -> memref<1x128xi32, #tpu.memory_space<hbm>>
          %dma_start3A_358 = tpu.memref_squeeze %dma_start3A_357 : memref<1x128xi32, #tpu.memory_space<hbm>> -> memref<128xi32, #tpu.memory_space<hbm>>
          tpu.enqueue_dma source(%dma_start3A_358 : memref<128xi32, #tpu.memory_space<hbm>>) target(%dma_start3A_355 : memref<128xi32, #tpu.memory_space<vmem>>) target_semaphore(%arg10 : memref<!tpu.dma_semaphore, #tpu.memory_space<semaphore_mem>>)
          %mul3A_359 = arith.constant 20480 : i32
          %mul3A_360 = arith.muli %arg1, %mul3A_359 : i32
          %mul3A_361 = arith.constant 128 : i32
          %mul3A_362 = arith.muli %add3A_342, %mul3A_361 : i32
          %add3A_363 = arith.addi %mul3A_360, %mul3A_362 : i32
          %dma_start3A_364 = arith.constant 0 : i32
          %dma_start3A_365 = arith.constant 0 : i32
          %dma_start3A_366 = tpu.memref_slice %arg8[%dma_start3A_364, %dma_start3A_365] : memref<384x128xf32, #tpu.memory_space<vmem>> -> memref<128x128xf32, #tpu.memory_space<vmem>>
          %dma_start3A_367 = arith.constant 0 : i32
          %dma_start3A_368 = tpu.memref_slice %arg3[%add3A_363, %dma_start3A_367] : memref<327680x128xf32, #tpu.memory_space<hbm>> -> memref<128x128xf32, #tpu.memory_space<hbm>>
          %dma_start3A_369 = arith.constant 0 : i32
          %dma_start3A_370 = arith.constant 0 : i32
          %dma_start3A_371 = tpu.memref_slice %arg8[%dma_start3A_369, %dma_start3A_370] : memref<384x128xf32, #tpu.memory_space<vmem>> -> memref<128x128xf32, #tpu.memory_space<vmem>>
          %dma_start3A_372 = arith.constant 0 : i32
          %dma_start3A_373 = tpu.memref_slice %arg3[%add3A_363, %dma_start3A_372] : memref<327680x128xf32, #tpu.memory_space<hbm>> -> memref<128x128xf32, #tpu.memory_space<hbm>>
          tpu.enqueue_dma source(%dma_start3A_373 : memref<128x128xf32, #tpu.memory_space<hbm>>) target(%dma_start3A_371 : memref<128x128xf32, #tpu.memory_space<vmem>>) target_semaphore(%arg13 : memref<!tpu.dma_semaphore, #tpu.memory_space<semaphore_mem>>)
        } else {
        }
        %mul3A_299 = arith.constant 3 : i32
        %mul3A_300 = arith.muli %scan3A_142, %mul3A_299 : i32
        %add3A_301 = arith.constant 1 : i32
        %add3A_302 = arith.addi %mul3A_300, %add3A_301 : i32
        %dma_wait3A_303 = arith.constant 1 : i32
        %dma_wait3A_304 = arith.constant 128 : i32
        %dma_wait3A_305 = arith.constant 0 : i32
        %dma_wait3A_306 = tpu.memref_slice %arg8[%dma_wait3A_304, %dma_wait3A_305] : memref<384x128xf32, #tpu.memory_space<vmem>> -> memref<128x128xf32, #tpu.memory_space<vmem>>
        %dma_wait3A_307 = arith.constant 0 : i32
        %dma_wait3A_308 = tpu.memref_slice %arg7[%dma_wait3A_303, %dma_wait3A_307] : memref<3x128xi32, #tpu.memory_space<vmem>> -> memref<1x128xi32, #tpu.memory_space<vmem>>
        %dma_wait3A_309 = tpu.memref_squeeze %dma_wait3A_308 : memref<1x128xi32, #tpu.memory_space<vmem>> -> memref<128xi32, #tpu.memory_space<vmem>>
        %dma_wait3A_310 = arith.constant 0 : i32
        %dma_wait3A_311 = arith.constant 0 : i32
        %dma_wait3A_312 = tpu.memref_slice %arg9[%dma_wait3A_310, %dma_wait3A_311] : memref<10000x128xf32, #tpu.memory_space<vmem_shared>> -> memref<10000x128xf32, #tpu.memory_space<vmem_shared>>
        tpu.wait_indirect_dma semaphore(%arg17 : memref<!tpu.dma_semaphore, #tpu.memory_space<semaphore_mem>>) src(%dma_wait3A_306 : memref<128x128xf32, #tpu.memory_space<vmem>>) dst(%dma_wait3A_312 : memref<10000x128xf32, #tpu.memory_space<vmem_shared>>)
        %add3A_313 = arith.constant 3 : i32
        %add3A_314 = arith.addi %add3A_302, %add3A_313 : i32
        %lt3A_315 = arith.constant 160 : i32
        %lt3A_316 = arith.cmpi slt, %add3A_314, %lt3A_315 : i32
        %convert_element_type3A_317 = arith.extui %lt3A_316 : i1 to i32
        %cond3A_318 = arith.constant 0 : i32
        %cond3A_319 = arith.cmpi ne, %convert_element_type3A_317, %cond3A_318 : i32
        scf.if %cond3A_319 {
          %add3A_341 = arith.constant 3 : i32
          %add3A_342 = arith.addi %add3A_302, %add3A_341 : i32
          %mul3A_343 = arith.constant 160 : i32
          %mul3A_344 = arith.muli %arg1, %mul3A_343 : i32
          %add3A_345 = arith.addi %mul3A_344, %add3A_342 : i32
          %dma_start3A_346 = arith.constant 1 : i32
          %dma_start3A_347 = arith.constant 0 : i32
          %dma_start3A_348 = tpu.memref_slice %arg7[%dma_start3A_346, %dma_start3A_347] : memref<3x128xi32, #tpu.memory_space<vmem>> -> memref<1x128xi32, #tpu.memory_space<vmem>>
          %dma_start3A_349 = tpu.memref_squeeze %dma_start3A_348 : memref<1x128xi32, #tpu.memory_space<vmem>> -> memref<128xi32, #tpu.memory_space<vmem>>
          %dma_start3A_350 = arith.constant 0 : i32
          %dma_start3A_351 = tpu.memref_slice %arg4[%add3A_345, %dma_start3A_350] : memref<2560x128xi32, #tpu.memory_space<hbm>> -> memref<1x128xi32, #tpu.memory_space<hbm>>
          %dma_start3A_352 = tpu.memref_squeeze %dma_start3A_351 : memref<1x128xi32, #tpu.memory_space<hbm>> -> memref<128xi32, #tpu.memory_space<hbm>>
          %dma_start3A_353 = arith.constant 0 : i32
          %dma_start3A_354 = tpu.memref_slice %arg7[%dma_start3A_346, %dma_start3A_353] : memref<3x128xi32, #tpu.memory_space<vmem>> -> memref<1x128xi32, #tpu.memory_space<vmem>>
          %dma_start3A_355 = tpu.memref_squeeze %dma_start3A_354 : memref<1x128xi32, #tpu.memory_space<vmem>> -> memref<128xi32, #tpu.memory_space<vmem>>
          %dma_start3A_356 = arith.constant 0 : i32
          %dma_start3A_357 = tpu.memref_slice %arg4[%add3A_345, %dma_start3A_356] : memref<2560x128xi32, #tpu.memory_space<hbm>> -> memref<1x128xi32, #tpu.memory_space<hbm>>
          %dma_start3A_358 = tpu.memref_squeeze %dma_start3A_357 : memref<1x128xi32, #tpu.memory_space<hbm>> -> memref<128xi32, #tpu.memory_space<hbm>>
          tpu.enqueue_dma source(%dma_start3A_358 : memref<128xi32, #tpu.memory_space<hbm>>) target(%dma_start3A_355 : memref<128xi32, #tpu.memory_space<vmem>>) target_semaphore(%arg11 : memref<!tpu.dma_semaphore, #tpu.memory_space<semaphore_mem>>)
          %mul3A_359 = arith.constant 20480 : i32
          %mul3A_360 = arith.muli %arg1, %mul3A_359 : i32
          %mul3A_361 = arith.constant 128 : i32
          %mul3A_362 = arith.muli %add3A_342, %mul3A_361 : i32
          %add3A_363 = arith.addi %mul3A_360, %mul3A_362 : i32
          %dma_start3A_364 = arith.constant 128 : i32
          %dma_start3A_365 = arith.constant 0 : i32
          %dma_start3A_366 = tpu.memref_slice %arg8[%dma_start3A_364, %dma_start3A_365] : memref<384x128xf32, #tpu.memory_space<vmem>> -> memref<128x128xf32, #tpu.memory_space<vmem>>
          %dma_start3A_367 = arith.constant 0 : i32
          %dma_start3A_368 = tpu.memref_slice %arg3[%add3A_363, %dma_start3A_367] : memref<327680x128xf32, #tpu.memory_space<hbm>> -> memref<128x128xf32, #tpu.memory_space<hbm>>
          %dma_start3A_369 = arith.constant 128 : i32
          %dma_start3A_370 = arith.constant 0 : i32
          %dma_start3A_371 = tpu.memref_slice %arg8[%dma_start3A_369, %dma_start3A_370] : memref<384x128xf32, #tpu.memory_space<vmem>> -> memref<128x128xf32, #tpu.memory_space<vmem>>
          %dma_start3A_372 = arith.constant 0 : i32
          %dma_start3A_373 = tpu.memref_slice %arg3[%add3A_363, %dma_start3A_372] : memref<327680x128xf32, #tpu.memory_space<hbm>> -> memref<128x128xf32, #tpu.memory_space<hbm>>
          tpu.enqueue_dma source(%dma_start3A_373 : memref<128x128xf32, #tpu.memory_space<hbm>>) target(%dma_start3A_371 : memref<128x128xf32, #tpu.memory_space<vmem>>) target_semaphore(%arg14 : memref<!tpu.dma_semaphore, #tpu.memory_space<semaphore_mem>>)
        } else {
        }
        %mul3A_320 = arith.constant 3 : i32
        %mul3A_321 = arith.muli %scan3A_142, %mul3A_320 : i32
        %add3A_322 = arith.constant 2 : i32
        %add3A_323 = arith.addi %mul3A_321, %add3A_322 : i32
        %dma_wait3A_324 = arith.constant 2 : i32
        %dma_wait3A_325 = arith.constant 256 : i32
        %dma_wait3A_326 = arith.constant 0 : i32
        %dma_wait3A_327 = tpu.memref_slice %arg8[%dma_wait3A_325, %dma_wait3A_326] : memref<384x128xf32, #tpu.memory_space<vmem>> -> memref<128x128xf32, #tpu.memory_space<vmem>>
        %dma_wait3A_328 = arith.constant 0 : i32
        %dma_wait3A_329 = tpu.memref_slice %arg7[%dma_wait3A_324, %dma_wait3A_328] : memref<3x128xi32, #tpu.memory_space<vmem>> -> memref<1x128xi32, #tpu.memory_space<vmem>>
        %dma_wait3A_330 = tpu.memref_squeeze %dma_wait3A_329 : memref<1x128xi32, #tpu.memory_space<vmem>> -> memref<128xi32, #tpu.memory_space<vmem>>
        %dma_wait3A_331 = arith.constant 0 : i32
        %dma_wait3A_332 = arith.constant 0 : i32
        %dma_wait3A_333 = tpu.memref_slice %arg9[%dma_wait3A_331, %dma_wait3A_332] : memref<10000x128xf32, #tpu.memory_space<vmem_shared>> -> memref<10000x128xf32, #tpu.memory_space<vmem_shared>>
        tpu.wait_indirect_dma semaphore(%arg18 : memref<!tpu.dma_semaphore, #tpu.memory_space<semaphore_mem>>) src(%dma_wait3A_327 : memref<128x128xf32, #tpu.memory_space<vmem>>) dst(%dma_wait3A_333 : memref<10000x128xf32, #tpu.memory_space<vmem_shared>>)
        %add3A_334 = arith.constant 3 : i32
        %add3A_335 = arith.addi %add3A_323, %add3A_334 : i32
        %lt3A_336 = arith.constant 160 : i32
        %lt3A_337 = arith.cmpi slt, %add3A_335, %lt3A_336 : i32
        %convert_element_type3A_338 = arith.extui %lt3A_337 : i1 to i32
        %cond3A_339 = arith.constant 0 : i32
        %cond3A_340 = arith.cmpi ne, %convert_element_type3A_338, %cond3A_339 : i32
        scf.if %cond3A_340 {
          %add3A_341 = arith.constant 3 : i32
          %add3A_342 = arith.addi %add3A_323, %add3A_341 : i32
          %mul3A_343 = arith.constant 160 : i32
          %mul3A_344 = arith.muli %arg1, %mul3A_343 : i32
          %add3A_345 = arith.addi %mul3A_344, %add3A_342 : i32
          %dma_start3A_346 = arith.constant 2 : i32
          %dma_start3A_347 = arith.constant 0 : i32
          %dma_start3A_348 = tpu.memref_slice %arg7[%dma_start3A_346, %dma_start3A_347] : memref<3x128xi32, #tpu.memory_space<vmem>> -> memref<1x128xi32, #tpu.memory_space<vmem>>
          %dma_start3A_349 = tpu.memref_squeeze %dma_start3A_348 : memref<1x128xi32, #tpu.memory_space<vmem>> -> memref<128xi32, #tpu.memory_space<vmem>>
          %dma_start3A_350 = arith.constant 0 : i32
          %dma_start3A_351 = tpu.memref_slice %arg4[%add3A_345, %dma_start3A_350] : memref<2560x128xi32, #tpu.memory_space<hbm>> -> memref<1x128xi32, #tpu.memory_space<hbm>>
          %dma_start3A_352 = tpu.memref_squeeze %dma_start3A_351 : memref<1x128xi32, #tpu.memory_space<hbm>> -> memref<128xi32, #tpu.memory_space<hbm>>
          %dma_start3A_353 = arith.constant 0 : i32
          %dma_start3A_354 = tpu.memref_slice %arg7[%dma_start3A_346, %dma_start3A_353] : memref<3x128xi32, #tpu.memory_space<vmem>> -> memref<1x128xi32, #tpu.memory_space<vmem>>
          %dma_start3A_355 = tpu.memref_squeeze %dma_start3A_354 : memref<1x128xi32, #tpu.memory_space<vmem>> -> memref<128xi32, #tpu.memory_space<vmem>>
          %dma_start3A_356 = arith.constant 0 : i32
          %dma_start3A_357 = tpu.memref_slice %arg4[%add3A_345, %dma_start3A_356] : memref<2560x128xi32, #tpu.memory_space<hbm>> -> memref<1x128xi32, #tpu.memory_space<hbm>>
          %dma_start3A_358 = tpu.memref_squeeze %dma_start3A_357 : memref<1x128xi32, #tpu.memory_space<hbm>> -> memref<128xi32, #tpu.memory_space<hbm>>
          tpu.enqueue_dma source(%dma_start3A_358 : memref<128xi32, #tpu.memory_space<hbm>>) target(%dma_start3A_355 : memref<128xi32, #tpu.memory_space<vmem>>) target_semaphore(%arg12 : memref<!tpu.dma_semaphore, #tpu.memory_space<semaphore_mem>>)
          %mul3A_359 = arith.constant 20480 : i32
          %mul3A_360 = arith.muli %arg1, %mul3A_359 : i32
          %mul3A_361 = arith.constant 128 : i32
          %mul3A_362 = arith.muli %add3A_342, %mul3A_361 : i32
          %add3A_363 = arith.addi %mul3A_360, %mul3A_362 : i32
          %dma_start3A_364 = arith.constant 256 : i32
          %dma_start3A_365 = arith.constant 0 : i32
          %dma_start3A_366 = tpu.memref_slice %arg8[%dma_start3A_364, %dma_start3A_365] : memref<384x128xf32, #tpu.memory_space<vmem>> -> memref<128x128xf32, #tpu.memory_space<vmem>>
          %dma_start3A_367 = arith.constant 0 : i32
          %dma_start3A_368 = tpu.memref_slice %arg3[%add3A_363, %dma_start3A_367] : memref<327680x128xf32, #tpu.memory_space<hbm>> -> memref<128x128xf32, #tpu.memory_space<hbm>>
          %dma_start3A_369 = arith.constant 256 : i32
          %dma_start3A_370 = arith.constant 0 : i32
          %dma_start3A_371 = tpu.memref_slice %arg8[%dma_start3A_369, %dma_start3A_370] : memref<384x128xf32, #tpu.memory_space<vmem>> -> memref<128x128xf32, #tpu.memory_space<vmem>>
          %dma_start3A_372 = arith.constant 0 : i32
          %dma_start3A_373 = tpu.memref_slice %arg3[%add3A_363, %dma_start3A_372] : memref<327680x128xf32, #tpu.memory_space<hbm>> -> memref<128x128xf32, #tpu.memory_space<hbm>>
          tpu.enqueue_dma source(%dma_start3A_373 : memref<128x128xf32, #tpu.memory_space<hbm>>) target(%dma_start3A_371 : memref<128x128xf32, #tpu.memory_space<vmem>>) target_semaphore(%arg15 : memref<!tpu.dma_semaphore, #tpu.memory_space<semaphore_mem>>)
        } else {
        }
      }
      %scan3A_111 = arith.constant 53 : i32
      %mul3A_112 = arith.constant 160 : i32
      %mul3A_113 = arith.muli %arg1, %mul3A_112 : i32
      %add3A_114 = arith.constant 159 : i32
      %add3A_115 = arith.addi %mul3A_113, %add3A_114 : i32
      %dma_wait3A = arith.constant 0 : i32
      %dma_wait3A_116 = arith.constant 0 : i32
      %dma_wait3A_117 = tpu.memref_slice %arg7[%dma_wait3A, %dma_wait3A_116] : memref<3x128xi32, #tpu.memory_space<vmem>> -> memref<1x128xi32, #tpu.memory_space<vmem>>
      %dma_wait3A_118 = tpu.memref_squeeze %dma_wait3A_117 : memref<1x128xi32, #tpu.memory_space<vmem>> -> memref<128xi32, #tpu.memory_space<vmem>>
      %dma_wait3A_119 = arith.constant 0 : i32
      %dma_wait3A_120 = tpu.memref_slice %arg4[%add3A_115, %dma_wait3A_119] : memref<2560x128xi32, #tpu.memory_space<hbm>> -> memref<1x128xi32, #tpu.memory_space<hbm>>
      %dma_wait3A_121 = tpu.memref_squeeze %dma_wait3A_120 : memref<1x128xi32, #tpu.memory_space<hbm>> -> memref<128xi32, #tpu.memory_space<hbm>>
      %dma_wait3A_122 = arith.constant 0 : i32
      %dma_wait3A_123 = tpu.memref_slice %arg7[%dma_wait3A, %dma_wait3A_122] : memref<3x128xi32, #tpu.memory_space<vmem>> -> memref<1x128xi32, #tpu.memory_space<vmem>>
      %dma_wait3A_124 = tpu.memref_squeeze %dma_wait3A_123 : memref<1x128xi32, #tpu.memory_space<vmem>> -> memref<128xi32, #tpu.memory_space<vmem>>
      %dma_wait3A_125 = arith.constant 0 : i32
      %dma_wait3A_126 = tpu.memref_slice %arg4[%add3A_115, %dma_wait3A_125] : memref<2560x128xi32, #tpu.memory_space<hbm>> -> memref<1x128xi32, #tpu.memory_space<hbm>>
      %dma_wait3A_127 = tpu.memref_squeeze %dma_wait3A_126 : memref<1x128xi32, #tpu.memory_space<hbm>> -> memref<128xi32, #tpu.memory_space<hbm>>
      tpu.wait_dma2 semaphore(%arg10 : memref<!tpu.dma_semaphore, #tpu.memory_space<semaphore_mem>>) src(%dma_wait3A_127 : memref<128xi32, #tpu.memory_space<hbm>>) dst(%dma_wait3A_124 : memref<128xi32, #tpu.memory_space<vmem>>)
      %mul3A_128 = arith.constant 20480 : i32
      %mul3A_129 = arith.muli %arg1, %mul3A_128 : i32
      %add3A_130 = arith.constant 20352 : i32
      %add3A_131 = arith.addi %mul3A_129, %add3A_130 : i32
      %dma_wait3A_132 = arith.constant 0 : i32
      %dma_wait3A_133 = arith.constant 0 : i32
      %dma_wait3A_134 = tpu.memref_slice %arg8[%dma_wait3A_132, %dma_wait3A_133] : memref<384x128xf32, #tpu.memory_space<vmem>> -> memref<128x128xf32, #tpu.memory_space<vmem>>
      %dma_wait3A_135 = arith.constant 0 : i32
      %dma_wait3A_136 = tpu.memref_slice %arg3[%add3A_131, %dma_wait3A_135] : memref<327680x128xf32, #tpu.memory_space<hbm>> -> memref<128x128xf32, #tpu.memory_space<hbm>>
      %dma_wait3A_137 = arith.constant 0 : i32
      %dma_wait3A_138 = arith.constant 0 : i32
      %dma_wait3A_139 = tpu.memref_slice %arg8[%dma_wait3A_137, %dma_wait3A_138] : memref<384x128xf32, #tpu.memory_space<vmem>> -> memref<128x128xf32, #tpu.memory_space<vmem>>
      %dma_wait3A_140 = arith.constant 0 : i32
      %dma_wait3A_141 = tpu.memref_slice %arg3[%add3A_131, %dma_wait3A_140] : memref<327680x128xf32, #tpu.memory_space<hbm>> -> memref<128x128xf32, #tpu.memory_space<hbm>>
      tpu.wait_dma2 semaphore(%arg13 : memref<!tpu.dma_semaphore, #tpu.memory_space<semaphore_mem>>) src(%dma_wait3A_141 : memref<128x128xf32, #tpu.memory_space<hbm>>) dst(%dma_wait3A_139 : memref<128x128xf32, #tpu.memory_space<vmem>>)
      %run_scoped3A = arith.constant 0 : i32
      "tpu.region"() ({
        %run_scoped3A_142 = tpu.sem_alloc : memref<!tpu.dma_semaphore, #tpu.memory_space<semaphore_mem>>
        %dma_start3A_143 = arith.constant 0 : i32
        %dma_start3A_144 = arith.constant 0 : i32
        %dma_start3A_145 = tpu.memref_slice %arg8[%dma_start3A_143, %dma_start3A_144] : memref<384x128xf32, #tpu.memory_space<vmem>> -> memref<128x128xf32, #tpu.memory_space<vmem>>
        %dma_start3A_146 = arith.constant 0 : i32
        %dma_start3A_147 = tpu.memref_slice %arg7[%run_scoped3A, %dma_start3A_146] : memref<3x128xi32, #tpu.memory_space<vmem>> -> memref<1x128xi32, #tpu.memory_space<vmem>>
        %dma_start3A_148 = tpu.memref_squeeze %dma_start3A_147 : memref<1x128xi32, #tpu.memory_space<vmem>> -> memref<128xi32, #tpu.memory_space<vmem>>
        %dma_start3A_149 = arith.constant 0 : i32
        %dma_start3A_150 = arith.constant 0 : i32
        %dma_start3A_151 = tpu.memref_slice %arg9[%dma_start3A_149, %dma_start3A_150] : memref<10000x128xf32, #tpu.memory_space<vmem_shared>> -> memref<10000x128xf32, #tpu.memory_space<vmem_shared>>
        tpu.enqueue_indirect_dma source(%dma_start3A_145 : memref<128x128xf32, #tpu.memory_space<vmem>>) target(%dma_start3A_151 : memref<10000x128xf32, #tpu.memory_space<vmem_shared>>) offsets(%dma_start3A_148 : memref<128xi32, #tpu.memory_space<vmem>>) semaphore(%run_scoped3A_142 : memref<!tpu.dma_semaphore, #tpu.memory_space<semaphore_mem>>) {add = true}
        %dma_wait3A_152 = arith.constant 0 : i32
        %dma_wait3A_153 = arith.constant 0 : i32
        %dma_wait3A_154 = tpu.memref_slice %arg8[%dma_wait3A_152, %dma_wait3A_153] : memref<384x128xf32, #tpu.memory_space<vmem>> -> memref<128x128xf32, #tpu.memory_space<vmem>>
        %dma_wait3A_155 = arith.constant 0 : i32
        %dma_wait3A_156 = tpu.memref_slice %arg7[%run_scoped3A, %dma_wait3A_155] : memref<3x128xi32, #tpu.memory_space<vmem>> -> memref<1x128xi32, #tpu.memory_space<vmem>>
        %dma_wait3A_157 = tpu.memref_squeeze %dma_wait3A_156 : memref<1x128xi32, #tpu.memory_space<vmem>> -> memref<128xi32, #tpu.memory_space<vmem>>
        %dma_wait3A_158 = arith.constant 0 : i32
        %dma_wait3A_159 = arith.constant 0 : i32
        %dma_wait3A_160 = tpu.memref_slice %arg9[%dma_wait3A_158, %dma_wait3A_159] : memref<10000x128xf32, #tpu.memory_space<vmem_shared>> -> memref<10000x128xf32, #tpu.memory_space<vmem_shared>>
        tpu.wait_indirect_dma semaphore(%run_scoped3A_142 : memref<!tpu.dma_semaphore, #tpu.memory_space<semaphore_mem>>) src(%dma_wait3A_154 : memref<128x128xf32, #tpu.memory_space<vmem>>) dst(%dma_wait3A_160 : memref<10000x128xf32, #tpu.memory_space<vmem_shared>>)
        tpu.yield
      }) : () -> ()
    } else {
    }
    %barrier3A_11 = arith.constant 0 : index
    tpu.barrier barrier_id(%barrier3A_11)
    %lt3A_12 = arith.constant 10 : i32
    %lt3A_13 = arith.cmpi slt, %arg1, %lt3A_12 : i32
    %convert_element_type3A_14 = arith.extui %lt3A_13 : i1 to i32
    %cond3A_15 = arith.constant 0 : i32
    %cond3A_16 = arith.cmpi ne, %convert_element_type3A_14, %cond3A_15 : i32
    scf.if %cond3A_16 {
      %mul3A = arith.constant 1000 : i32
      %mul3A_17 = arith.muli %arg1, %mul3A : i32
      %mul3A_18 = arith.constant 10000 : i32
      %mul3A_19 = arith.muli %arg0, %mul3A_18 : i32
      %mul3A_20 = arith.constant 1000 : i32
      %mul3A_21 = arith.muli %arg1, %mul3A_20 : i32
      %add3A = arith.addi %mul3A_19, %mul3A_21 : i32
      "tpu.region"() ({
        %run_scoped3A = tpu.sem_alloc : memref<!tpu.dma_semaphore, #tpu.memory_space<semaphore_mem>>
        %dma_start3A = arith.constant 0 : i32
        %dma_start3A_22 = tpu.memref_slice %arg6[%add3A, %dma_start3A] : memref<20000x128xf32, #tpu.memory_space<hbm>> -> memref<1000x128xf32, #tpu.memory_space<hbm>>
        %dma_start3A_23 = arith.constant 0 : i32
        %dma_start3A_24 = tpu.memref_slice %arg9[%mul3A_17, %dma_start3A_23] : memref<10000x128xf32, #tpu.memory_space<vmem_shared>> -> memref<1000x128xf32, #tpu.memory_space<vmem_shared>>
        tpu.enqueue_dma source(%dma_start3A_24 : memref<1000x128xf32, #tpu.memory_space<vmem_shared>>) target(%dma_start3A_22 : memref<1000x128xf32, #tpu.memory_space<hbm>>) target_semaphore(%run_scoped3A : memref<!tpu.dma_semaphore, #tpu.memory_space<semaphore_mem>>)
        %dma_wait3A = arith.constant 0 : i32
        %dma_wait3A_25 = tpu.memref_slice %arg6[%add3A, %dma_wait3A] : memref<20000x128xf32, #tpu.memory_space<hbm>> -> memref<1000x128xf32, #tpu.memory_space<hbm>>
        %dma_wait3A_26 = arith.constant 0 : i32
        %dma_wait3A_27 = tpu.memref_slice %arg9[%mul3A_17, %dma_wait3A_26] : memref<10000x128xf32, #tpu.memory_space<vmem_shared>> -> memref<1000x128xf32, #tpu.memory_space<vmem_shared>>
        tpu.wait_dma2 semaphore(%run_scoped3A : memref<!tpu.dma_semaphore, #tpu.memory_space<semaphore_mem>>) src(%dma_wait3A_27 : memref<1000x128xf32, #tpu.memory_space<vmem_shared>>) dst(%dma_wait3A_25 : memref<1000x128xf32, #tpu.memory_space<hbm>>)
        tpu.yield
      }) : () -> ()
    } else {
    }
    return
  }
}

#map = affine_map<(d0, d1) -> (0, 0)>
module attributes {stable_mosaic.version = 14 : i64} {
  func.func @k(%arg0: i32, %arg1: i32, %arg2: memref<327680x128xf32, #tpu.memory_space<hbm>>, %arg3: memref<327680x128xf32, #tpu.memory_space<hbm>>, %arg4: memref<2560x128xi32, #tpu.memory_space<hbm>>, %arg5: memref<10000x128xf32, #tpu.memory_space<hbm>>, %arg6: memref<20000x128xf32, #tpu.memory_space<hbm>>, %arg7: memref<3x128xi32, #tpu.memory_space<vmem>>, %arg8: memref<384x128xf32, #tpu.memory_space<vmem>>, %arg9: memref<10000x128xf32, #tpu.memory_space<vmem_shared>>, %arg10: memref<!tpu.dma_semaphore, #tpu.memory_space<semaphore_mem>>, %arg11: memref<!tpu.dma_semaphore, #tpu.memory_space<semaphore_mem>>, %arg12: memref<!tpu.dma_semaphore, #tpu.memory_space<semaphore_mem>>, %arg13: memref<!tpu.dma_semaphore, #tpu.memory_space<semaphore_mem>>, %arg14: memref<!tpu.dma_semaphore, #tpu.memory_space<semaphore_mem>>, %arg15: memref<!tpu.dma_semaphore, #tpu.memory_space<semaphore_mem>>, %arg16: memref<!tpu.dma_semaphore, #tpu.memory_space<semaphore_mem>>, %arg17: memref<!tpu.dma_semaphore, #tpu.memory_space<semaphore_mem>>, %arg18: memref<!tpu.dma_semaphore, #tpu.memory_space<semaphore_mem>>) attributes {dimension_semantics = [#tpu.dimension_semantics<core_parallel>, #tpu.dimension_semantics<subcore_parallel>], iteration_bounds = array<i64: 2, 16>, scalar_prefetch = 0 : i64, scratch_operands = 12 : i64, tpu.core_type = #tpu.core_type<sc_vector_subcore>, window_params = [{transform_indices = #map}, {transform_indices = #map}, {transform_indices = #map}, {transform_indices = #map}, {transform_indices = #map}]} {
    %lt3A = arith.constant 10 : i32
    %lt3A_0 = arith.cmpi slt, %arg1, %lt3A : i32
    %convert_element_type3A = arith.extui %lt3A_0 : i1 to i32
    %cond3A = arith.constant 0 : i32
    %cond3A_1 = arith.cmpi ne, %convert_element_type3A, %cond3A : i32
    scf.if %cond3A_1 {
      %mul3A = arith.constant 1000 : i32
      %mul3A_17 = arith.muli %arg1, %mul3A : i32
      %mul3A_18 = arith.constant 1000 : i32
      %mul3A_19 = arith.muli %arg1, %mul3A_18 : i32
      "tpu.region"() ({
        %run_scoped3A = tpu.sem_alloc : memref<!tpu.dma_semaphore, #tpu.memory_space<semaphore_mem>>
        %dma_start3A = arith.constant 0 : i32
        %dma_start3A_20 = tpu.memref_slice %arg9[%mul3A_19, %dma_start3A] : memref<10000x128xf32, #tpu.memory_space<vmem_shared>> -> memref<1000x128xf32, #tpu.memory_space<vmem_shared>>
        %dma_start3A_21 = arith.constant 0 : i32
        %dma_start3A_22 = tpu.memref_slice %arg5[%mul3A_17, %dma_start3A_21] : memref<10000x128xf32, #tpu.memory_space<hbm>> -> memref<1000x128xf32, #tpu.memory_space<hbm>>
        tpu.enqueue_dma source(%dma_start3A_22 : memref<1000x128xf32, #tpu.memory_space<hbm>>) target(%dma_start3A_20 : memref<1000x128xf32, #tpu.memory_space<vmem_shared>>) target_semaphore(%run_scoped3A : memref<!tpu.dma_semaphore, #tpu.memory_space<semaphore_mem>>)
        %dma_wait3A = arith.constant 0 : i32
        %dma_wait3A_23 = tpu.memref_slice %arg9[%mul3A_19, %dma_wait3A] : memref<10000x128xf32, #tpu.memory_space<vmem_shared>> -> memref<1000x128xf32, #tpu.memory_space<vmem_shared>>
        %dma_wait3A_24 = arith.constant 0 : i32
        %dma_wait3A_25 = tpu.memref_slice %arg5[%mul3A_17, %dma_wait3A_24] : memref<10000x128xf32, #tpu.memory_space<hbm>> -> memref<1000x128xf32, #tpu.memory_space<hbm>>
        tpu.wait_dma2 semaphore(%run_scoped3A : memref<!tpu.dma_semaphore, #tpu.memory_space<semaphore_mem>>) src(%dma_wait3A_25 : memref<1000x128xf32, #tpu.memory_space<hbm>>) dst(%dma_wait3A_23 : memref<1000x128xf32, #tpu.memory_space<vmem_shared>>)
        tpu.yield
      }) : () -> ()
    } else {
    }
    %barrier3A = arith.constant 0 : index
    tpu.barrier barrier_id(%barrier3A)
    %eq3A = arith.constant 0 : i32
    %eq3A_2 = arith.cmpi eq, %arg0, %eq3A : i32
    %convert_element_type3A_3 = arith.extui %eq3A_2 : i1 to i32
    %cond3A_4 = arith.constant 0 : i32
    %cond3A_5 = arith.cmpi ne, %convert_element_type3A_3, %cond3A_4 : i32
    scf.if %cond3A_5 {
      %mul3A = arith.constant 160 : i32
      %mul3A_17 = arith.muli %arg1, %mul3A : i32
      %add3A = arith.constant 0 : i32
      %add3A_18 = arith.addi %mul3A_17, %add3A : i32
      %dma_start3A = arith.constant 0 : i32
      %dma_start3A_19 = arith.constant 0 : i32
      %dma_start3A_20 = tpu.memref_slice %arg7[%dma_start3A, %dma_start3A_19] : memref<3x128xi32, #tpu.memory_space<vmem>> -> memref<1x128xi32, #tpu.memory_space<vmem>>
      %dma_start3A_21 = tpu.memref_squeeze %dma_start3A_20 : memref<1x128xi32, #tpu.memory_space<vmem>> -> memref<128xi32, #tpu.memory_space<vmem>>
      %dma_start3A_22 = arith.constant 0 : i32
      %dma_start3A_23 = tpu.memref_slice %arg4[%add3A_18, %dma_start3A_22] : memref<2560x128xi32, #tpu.memory_space<hbm>> -> memref<1x128xi32, #tpu.memory_space<hbm>>
      %dma_start3A_24 = tpu.memref_squeeze %dma_start3A_23 : memref<1x128xi32, #tpu.memory_space<hbm>> -> memref<128xi32, #tpu.memory_space<hbm>>
      %dma_start3A_25 = arith.constant 0 : i32
      %dma_start3A_26 = tpu.memref_slice %arg7[%dma_start3A, %dma_start3A_25] : memref<3x128xi32, #tpu.memory_space<vmem>> -> memref<1x128xi32, #tpu.memory_space<vmem>>
      %dma_start3A_27 = tpu.memref_squeeze %dma_start3A_26 : memref<1x128xi32, #tpu.memory_space<vmem>> -> memref<128xi32, #tpu.memory_space<vmem>>
      %dma_start3A_28 = arith.constant 0 : i32
      %dma_start3A_29 = tpu.memref_slice %arg4[%add3A_18, %dma_start3A_28] : memref<2560x128xi32, #tpu.memory_space<hbm>> -> memref<1x128xi32, #tpu.memory_space<hbm>>
      %dma_start3A_30 = tpu.memref_squeeze %dma_start3A_29 : memref<1x128xi32, #tpu.memory_space<hbm>> -> memref<128xi32, #tpu.memory_space<hbm>>
      tpu.enqueue_dma source(%dma_start3A_30 : memref<128xi32, #tpu.memory_space<hbm>>) target(%dma_start3A_27 : memref<128xi32, #tpu.memory_space<vmem>>) target_semaphore(%arg10 : memref<!tpu.dma_semaphore, #tpu.memory_space<semaphore_mem>>)
      %mul3A_31 = arith.constant 20480 : i32
      %mul3A_32 = arith.muli %arg1, %mul3A_31 : i32
      %add3A_33 = arith.constant 0 : i32
      %add3A_34 = arith.addi %mul3A_32, %add3A_33 : i32
      %dma_start3A_35 = arith.constant 0 : i32
      %dma_start3A_36 = arith.constant 0 : i32
      %dma_start3A_37 = tpu.memref_slice %arg8[%dma_start3A_35, %dma_start3A_36] : memref<384x128xf32, #tpu.memory_space<vmem>> -> memref<128x128xf32, #tpu.memory_space<vmem>>
      %dma_start3A_38 = arith.constant 0 : i32
      %dma_start3A_39 = tpu.memref_slice %arg2[%add3A_34, %dma_start3A_38] : memref<327680x128xf32, #tpu.memory_space<hbm>> -> memref<128x128xf32, #tpu.memory_space<hbm>>
      %dma_start3A_40 = arith.constant 0 : i32
      %dma_start3A_41 = arith.constant 0 : i32
      %dma_start3A_42 = tpu.memref_slice %arg8[%dma_start3A_40, %dma_start3A_41] : memref<384x128xf32, #tpu.memory_space<vmem>> -> memref<128x128xf32, #tpu.memory_space<vmem>>
      %dma_start3A_43 = arith.constant 0 : i32
      %dma_start3A_44 = tpu.memref_slice %arg2[%add3A_34, %dma_start3A_43] : memref<327680x128xf32, #tpu.memory_space<hbm>> -> memref<128x128xf32, #tpu.memory_space<hbm>>
      tpu.enqueue_dma source(%dma_start3A_44 : memref<128x128xf32, #tpu.memory_space<hbm>>) target(%dma_start3A_42 : memref<128x128xf32, #tpu.memory_space<vmem>>) target_semaphore(%arg13 : memref<!tpu.dma_semaphore, #tpu.memory_space<semaphore_mem>>)
      %mul3A_45 = arith.constant 160 : i32
      %mul3A_46 = arith.muli %arg1, %mul3A_45 : i32
      %add3A_47 = arith.constant 1 : i32
      %add3A_48 = arith.addi %mul3A_46, %add3A_47 : i32
      %dma_start3A_49 = arith.constant 1 : i32
      %dma_start3A_50 = arith.constant 0 : i32
      %dma_start3A_51 = tpu.memref_slice %arg7[%dma_start3A_49, %dma_start3A_50] : memref<3x128xi32, #tpu.memory_space<vmem>> -> memref<1x128xi32, #tpu.memory_space<vmem>>
      %dma_start3A_52 = tpu.memref_squeeze %dma_start3A_51 : memref<1x128xi32, #tpu.memory_space<vmem>> -> memref<128xi32, #tpu.memory_space<vmem>>
      %dma_start3A_53 = arith.constant 0 : i32
      %dma_start3A_54 = tpu.memref_slice %arg4[%add3A_48, %dma_start3A_53] : memref<2560x128xi32, #tpu.memory_space<hbm>> -> memref<1x128xi32, #tpu.memory_space<hbm>>
      %dma_start3A_55 = tpu.memref_squeeze %dma_start3A_54 : memref<1x128xi32, #tpu.memory_space<hbm>> -> memref<128xi32, #tpu.memory_space<hbm>>
      %dma_start3A_56 = arith.constant 0 : i32
      %dma_start3A_57 = tpu.memref_slice %arg7[%dma_start3A_49, %dma_start3A_56] : memref<3x128xi32, #tpu.memory_space<vmem>> -> memref<1x128xi32, #tpu.memory_space<vmem>>
      %dma_start3A_58 = tpu.memref_squeeze %dma_start3A_57 : memref<1x128xi32, #tpu.memory_space<vmem>> -> memref<128xi32, #tpu.memory_space<vmem>>
      %dma_start3A_59 = arith.constant 0 : i32
      %dma_start3A_60 = tpu.memref_slice %arg4[%add3A_48, %dma_start3A_59] : memref<2560x128xi32, #tpu.memory_space<hbm>> -> memref<1x128xi32, #tpu.memory_space<hbm>>
      %dma_start3A_61 = tpu.memref_squeeze %dma_start3A_60 : memref<1x128xi32, #tpu.memory_space<hbm>> -> memref<128xi32, #tpu.memory_space<hbm>>
      tpu.enqueue_dma source(%dma_start3A_61 : memref<128xi32, #tpu.memory_space<hbm>>) target(%dma_start3A_58 : memref<128xi32, #tpu.memory_space<vmem>>) target_semaphore(%arg11 : memref<!tpu.dma_semaphore, #tpu.memory_space<semaphore_mem>>)
      %mul3A_62 = arith.constant 20480 : i32
      %mul3A_63 = arith.muli %arg1, %mul3A_62 : i32
      %add3A_64 = arith.constant 128 : i32
      %add3A_65 = arith.addi %mul3A_63, %add3A_64 : i32
      %dma_start3A_66 = arith.constant 128 : i32
      %dma_start3A_67 = arith.constant 0 : i32
      %dma_start3A_68 = tpu.memref_slice %arg8[%dma_start3A_66, %dma_start3A_67] : memref<384x128xf32, #tpu.memory_space<vmem>> -> memref<128x128xf32, #tpu.memory_space<vmem>>
      %dma_start3A_69 = arith.constant 0 : i32
      %dma_start3A_70 = tpu.memref_slice %arg2[%add3A_65, %dma_start3A_69] : memref<327680x128xf32, #tpu.memory_space<hbm>> -> memref<128x128xf32, #tpu.memory_space<hbm>>
      %dma_start3A_71 = arith.constant 128 : i32
      %dma_start3A_72 = arith.constant 0 : i32
      %dma_start3A_73 = tpu.memref_slice %arg8[%dma_start3A_71, %dma_start3A_72] : memref<384x128xf32, #tpu.memory_space<vmem>> -> memref<128x128xf32, #tpu.memory_space<vmem>>
      %dma_start3A_74 = arith.constant 0 : i32
      %dma_start3A_75 = tpu.memref_slice %arg2[%add3A_65, %dma_start3A_74] : memref<327680x128xf32, #tpu.memory_space<hbm>> -> memref<128x128xf32, #tpu.memory_space<hbm>>
      tpu.enqueue_dma source(%dma_start3A_75 : memref<128x128xf32, #tpu.memory_space<hbm>>) target(%dma_start3A_73 : memref<128x128xf32, #tpu.memory_space<vmem>>) target_semaphore(%arg14 : memref<!tpu.dma_semaphore, #tpu.memory_space<semaphore_mem>>)
      %mul3A_76 = arith.constant 160 : i32
      %mul3A_77 = arith.muli %arg1, %mul3A_76 : i32
      %add3A_78 = arith.constant 2 : i32
      %add3A_79 = arith.addi %mul3A_77, %add3A_78 : i32
      %dma_start3A_80 = arith.constant 2 : i32
      %dma_start3A_81 = arith.constant 0 : i32
      %dma_start3A_82 = tpu.memref_slice %arg7[%dma_start3A_80, %dma_start3A_81] : memref<3x128xi32, #tpu.memory_space<vmem>> -> memref<1x128xi32, #tpu.memory_space<vmem>>
      %dma_start3A_83 = tpu.memref_squeeze %dma_start3A_82 : memref<1x128xi32, #tpu.memory_space<vmem>> -> memref<128xi32, #tpu.memory_space<vmem>>
      %dma_start3A_84 = arith.constant 0 : i32
      %dma_start3A_85 = tpu.memref_slice %arg4[%add3A_79, %dma_start3A_84] : memref<2560x128xi32, #tpu.memory_space<hbm>> -> memref<1x128xi32, #tpu.memory_space<hbm>>
      %dma_start3A_86 = tpu.memref_squeeze %dma_start3A_85 : memref<1x128xi32, #tpu.memory_space<hbm>> -> memref<128xi32, #tpu.memory_space<hbm>>
      %dma_start3A_87 = arith.constant 0 : i32
      %dma_start3A_88 = tpu.memref_slice %arg7[%dma_start3A_80, %dma_start3A_87] : memref<3x128xi32, #tpu.memory_space<vmem>> -> memref<1x128xi32, #tpu.memory_space<vmem>>
      %dma_start3A_89 = tpu.memref_squeeze %dma_start3A_88 : memref<1x128xi32, #tpu.memory_space<vmem>> -> memref<128xi32, #tpu.memory_space<vmem>>
      %dma_start3A_90 = arith.constant 0 : i32
      %dma_start3A_91 = tpu.memref_slice %arg4[%add3A_79, %dma_start3A_90] : memref<2560x128xi32, #tpu.memory_space<hbm>> -> memref<1x128xi32, #tpu.memory_space<hbm>>
      %dma_start3A_92 = tpu.memref_squeeze %dma_start3A_91 : memref<1x128xi32, #tpu.memory_space<hbm>> -> memref<128xi32, #tpu.memory_space<hbm>>
      tpu.enqueue_dma source(%dma_start3A_92 : memref<128xi32, #tpu.memory_space<hbm>>) target(%dma_start3A_89 : memref<128xi32, #tpu.memory_space<vmem>>) target_semaphore(%arg12 : memref<!tpu.dma_semaphore, #tpu.memory_space<semaphore_mem>>)
      %mul3A_93 = arith.constant 20480 : i32
      %mul3A_94 = arith.muli %arg1, %mul3A_93 : i32
      %add3A_95 = arith.constant 256 : i32
      %add3A_96 = arith.addi %mul3A_94, %add3A_95 : i32
      %dma_start3A_97 = arith.constant 256 : i32
      %dma_start3A_98 = arith.constant 0 : i32
      %dma_start3A_99 = tpu.memref_slice %arg8[%dma_start3A_97, %dma_start3A_98] : memref<384x128xf32, #tpu.memory_space<vmem>> -> memref<128x128xf32, #tpu.memory_space<vmem>>
      %dma_start3A_100 = arith.constant 0 : i32
      %dma_start3A_101 = tpu.memref_slice %arg2[%add3A_96, %dma_start3A_100] : memref<327680x128xf32, #tpu.memory_space<hbm>> -> memref<128x128xf32, #tpu.memory_space<hbm>>
      %dma_start3A_102 = arith.constant 256 : i32
      %dma_start3A_103 = arith.constant 0 : i32
      %dma_start3A_104 = tpu.memref_slice %arg8[%dma_start3A_102, %dma_start3A_103] : memref<384x128xf32, #tpu.memory_space<vmem>> -> memref<128x128xf32, #tpu.memory_space<vmem>>
      %dma_start3A_105 = arith.constant 0 : i32
      %dma_start3A_106 = tpu.memref_slice %arg2[%add3A_96, %dma_start3A_105] : memref<327680x128xf32, #tpu.memory_space<hbm>> -> memref<128x128xf32, #tpu.memory_space<hbm>>
      tpu.enqueue_dma source(%dma_start3A_106 : memref<128x128xf32, #tpu.memory_space<hbm>>) target(%dma_start3A_104 : memref<128x128xf32, #tpu.memory_space<vmem>>) target_semaphore(%arg15 : memref<!tpu.dma_semaphore, #tpu.memory_space<semaphore_mem>>)
      %scan3A = arith.constant 0 : i32
      %scan3A_107 = arith.constant 0 : i32
      %scan3A_108 = arith.constant 53 : i32
      %scan3A_109 = arith.addi %scan3A_107, %scan3A_108 : i32
      %scan3A_110 = arith.constant 1 : i32
      scf.for %scan3A_142 = %scan3A_107 to %scan3A_109 step %scan3A_110  : i32 {
        %mul3A_143 = arith.constant 3 : i32
        %mul3A_144 = arith.muli %scan3A_142, %mul3A_143 : i32
        %add3A_145 = arith.constant 0 : i32
        %add3A_146 = arith.addi %mul3A_144, %add3A_145 : i32
        %mul3A_147 = arith.constant 160 : i32
        %mul3A_148 = arith.muli %arg1, %mul3A_147 : i32
        %add3A_149 = arith.addi %mul3A_148, %add3A_146 : i32
        %dma_wait3A_150 = arith.constant 0 : i32
        %dma_wait3A_151 = arith.constant 0 : i32
        %dma_wait3A_152 = tpu.memref_slice %arg7[%dma_wait3A_150, %dma_wait3A_151] : memref<3x128xi32, #tpu.memory_space<vmem>> -> memref<1x128xi32, #tpu.memory_space<vmem>>
        %dma_wait3A_153 = tpu.memref_squeeze %dma_wait3A_152 : memref<1x128xi32, #tpu.memory_space<vmem>> -> memref<128xi32, #tpu.memory_space<vmem>>
        %dma_wait3A_154 = arith.constant 0 : i32
        %dma_wait3A_155 = tpu.memref_slice %arg4[%add3A_149, %dma_wait3A_154] : memref<2560x128xi32, #tpu.memory_space<hbm>> -> memref<1x128xi32, #tpu.memory_space<hbm>>
        %dma_wait3A_156 = tpu.memref_squeeze %dma_wait3A_155 : memref<1x128xi32, #tpu.memory_space<hbm>> -> memref<128xi32, #tpu.memory_space<hbm>>
        %dma_wait3A_157 = arith.constant 0 : i32
        %dma_wait3A_158 = tpu.memref_slice %arg7[%dma_wait3A_150, %dma_wait3A_157] : memref<3x128xi32, #tpu.memory_space<vmem>> -> memref<1x128xi32, #tpu.memory_space<vmem>>
        %dma_wait3A_159 = tpu.memref_squeeze %dma_wait3A_158 : memref<1x128xi32, #tpu.memory_space<vmem>> -> memref<128xi32, #tpu.memory_space<vmem>>
        %dma_wait3A_160 = arith.constant 0 : i32
        %dma_wait3A_161 = tpu.memref_slice %arg4[%add3A_149, %dma_wait3A_160] : memref<2560x128xi32, #tpu.memory_space<hbm>> -> memref<1x128xi32, #tpu.memory_space<hbm>>
        %dma_wait3A_162 = tpu.memref_squeeze %dma_wait3A_161 : memref<1x128xi32, #tpu.memory_space<hbm>> -> memref<128xi32, #tpu.memory_space<hbm>>
        tpu.wait_dma2 semaphore(%arg10 : memref<!tpu.dma_semaphore, #tpu.memory_space<semaphore_mem>>) src(%dma_wait3A_162 : memref<128xi32, #tpu.memory_space<hbm>>) dst(%dma_wait3A_159 : memref<128xi32, #tpu.memory_space<vmem>>)
        %mul3A_163 = arith.constant 20480 : i32
        %mul3A_164 = arith.muli %arg1, %mul3A_163 : i32
        %mul3A_165 = arith.constant 128 : i32
        %mul3A_166 = arith.muli %add3A_146, %mul3A_165 : i32
        %add3A_167 = arith.addi %mul3A_164, %mul3A_166 : i32
        %dma_wait3A_168 = arith.constant 0 : i32
        %dma_wait3A_169 = arith.constant 0 : i32
        %dma_wait3A_170 = tpu.memref_slice %arg8[%dma_wait3A_168, %dma_wait3A_169] : memref<384x128xf32, #tpu.memory_space<vmem>> -> memref<128x128xf32, #tpu.memory_space<vmem>>
        %dma_wait3A_171 = arith.constant 0 : i32
        %dma_wait3A_172 = tpu.memref_slice %arg2[%add3A_167, %dma_wait3A_171] : memref<327680x128xf32, #tpu.memory_space<hbm>> -> memref<128x128xf32, #tpu.memory_space<hbm>>
        %dma_wait3A_173 = arith.constant 0 : i32
        %dma_wait3A_174 = arith.constant 0 : i32
        %dma_wait3A_175 = tpu.memref_slice %arg8[%dma_wait3A_173, %dma_wait3A_174] : memref<384x128xf32, #tpu.memory_space<vmem>> -> memref<128x128xf32, #tpu.memory_space<vmem>>
        %dma_wait3A_176 = arith.constant 0 : i32
        %dma_wait3A_177 = tpu.memref_slice %arg2[%add3A_167, %dma_wait3A_176] : memref<327680x128xf32, #tpu.memory_space<hbm>> -> memref<128x128xf32, #tpu.memory_space<hbm>>
        tpu.wait_dma2 semaphore(%arg13 : memref<!tpu.dma_semaphore, #tpu.memory_space<semaphore_mem>>) src(%dma_wait3A_177 : memref<128x128xf32, #tpu.memory_space<hbm>>) dst(%dma_wait3A_175 : memref<128x128xf32, #tpu.memory_space<vmem>>)
        %dma_start3A_178 = arith.constant 0 : i32
        %dma_start3A_179 = arith.constant 0 : i32
        %dma_start3A_180 = arith.constant 0 : i32
        %dma_start3A_181 = tpu.memref_slice %arg8[%dma_start3A_179, %dma_start3A_180] : memref<384x128xf32, #tpu.memory_space<vmem>> -> memref<128x128xf32, #tpu.memory_space<vmem>>
        %dma_start3A_182 = arith.constant 0 : i32
        %dma_start3A_183 = tpu.memref_slice %arg7[%dma_start3A_178, %dma_start3A_182] : memref<3x128xi32, #tpu.memory_space<vmem>> -> memref<1x128xi32, #tpu.memory_space<vmem>>
        %dma_start3A_184 = tpu.memref_squeeze %dma_start3A_183 : memref<1x128xi32, #tpu.memory_space<vmem>> -> memref<128xi32, #tpu.memory_space<vmem>>
        %dma_start3A_185 = arith.constant 0 : i32
        %dma_start3A_186 = arith.constant 0 : i32
        %dma_start3A_187 = tpu.memref_slice %arg9[%dma_start3A_185, %dma_start3A_186] : memref<10000x128xf32, #tpu.memory_space<vmem_shared>> -> memref<10000x128xf32, #tpu.memory_space<vmem_shared>>
        tpu.enqueue_indirect_dma source(%dma_start3A_181 : memref<128x128xf32, #tpu.memory_space<vmem>>) target(%dma_start3A_187 : memref<10000x128xf32, #tpu.memory_space<vmem_shared>>) offsets(%dma_start3A_184 : memref<128xi32, #tpu.memory_space<vmem>>) semaphore(%arg16 : memref<!tpu.dma_semaphore, #tpu.memory_space<semaphore_mem>>) {add = true}
        %mul3A_188 = arith.constant 3 : i32
        %mul3A_189 = arith.muli %scan3A_142, %mul3A_188 : i32
        %add3A_190 = arith.constant 1 : i32
        %add3A_191 = arith.addi %mul3A_189, %add3A_190 : i32
        %mul3A_192 = arith.constant 160 : i32
        %mul3A_193 = arith.muli %arg1, %mul3A_192 : i32
        %add3A_194 = arith.addi %mul3A_193, %add3A_191 : i32
        %dma_wait3A_195 = arith.constant 1 : i32
        %dma_wait3A_196 = arith.constant 0 : i32
        %dma_wait3A_197 = tpu.memref_slice %arg7[%dma_wait3A_195, %dma_wait3A_196] : memref<3x128xi32, #tpu.memory_space<vmem>> -> memref<1x128xi32, #tpu.memory_space<vmem>>
        %dma_wait3A_198 = tpu.memref_squeeze %dma_wait3A_197 : memref<1x128xi32, #tpu.memory_space<vmem>> -> memref<128xi32, #tpu.memory_space<vmem>>
        %dma_wait3A_199 = arith.constant 0 : i32
        %dma_wait3A_200 = tpu.memref_slice %arg4[%add3A_194, %dma_wait3A_199] : memref<2560x128xi32, #tpu.memory_space<hbm>> -> memref<1x128xi32, #tpu.memory_space<hbm>>
        %dma_wait3A_201 = tpu.memref_squeeze %dma_wait3A_200 : memref<1x128xi32, #tpu.memory_space<hbm>> -> memref<128xi32, #tpu.memory_space<hbm>>
        %dma_wait3A_202 = arith.constant 0 : i32
        %dma_wait3A_203 = tpu.memref_slice %arg7[%dma_wait3A_195, %dma_wait3A_202] : memref<3x128xi32, #tpu.memory_space<vmem>> -> memref<1x128xi32, #tpu.memory_space<vmem>>
        %dma_wait3A_204 = tpu.memref_squeeze %dma_wait3A_203 : memref<1x128xi32, #tpu.memory_space<vmem>> -> memref<128xi32, #tpu.memory_space<vmem>>
        %dma_wait3A_205 = arith.constant 0 : i32
        %dma_wait3A_206 = tpu.memref_slice %arg4[%add3A_194, %dma_wait3A_205] : memref<2560x128xi32, #tpu.memory_space<hbm>> -> memref<1x128xi32, #tpu.memory_space<hbm>>
        %dma_wait3A_207 = tpu.memref_squeeze %dma_wait3A_206 : memref<1x128xi32, #tpu.memory_space<hbm>> -> memref<128xi32, #tpu.memory_space<hbm>>
        tpu.wait_dma2 semaphore(%arg11 : memref<!tpu.dma_semaphore, #tpu.memory_space<semaphore_mem>>) src(%dma_wait3A_207 : memref<128xi32, #tpu.memory_space<hbm>>) dst(%dma_wait3A_204 : memref<128xi32, #tpu.memory_space<vmem>>)
        %mul3A_208 = arith.constant 20480 : i32
        %mul3A_209 = arith.muli %arg1, %mul3A_208 : i32
        %mul3A_210 = arith.constant 128 : i32
        %mul3A_211 = arith.muli %add3A_191, %mul3A_210 : i32
        %add3A_212 = arith.addi %mul3A_209, %mul3A_211 : i32
        %dma_wait3A_213 = arith.constant 128 : i32
        %dma_wait3A_214 = arith.constant 0 : i32
        %dma_wait3A_215 = tpu.memref_slice %arg8[%dma_wait3A_213, %dma_wait3A_214] : memref<384x128xf32, #tpu.memory_space<vmem>> -> memref<128x128xf32, #tpu.memory_space<vmem>>
        %dma_wait3A_216 = arith.constant 0 : i32
        %dma_wait3A_217 = tpu.memref_slice %arg2[%add3A_212, %dma_wait3A_216] : memref<327680x128xf32, #tpu.memory_space<hbm>> -> memref<128x128xf32, #tpu.memory_space<hbm>>
        %dma_wait3A_218 = arith.constant 128 : i32
        %dma_wait3A_219 = arith.constant 0 : i32
        %dma_wait3A_220 = tpu.memref_slice %arg8[%dma_wait3A_218, %dma_wait3A_219] : memref<384x128xf32, #tpu.memory_space<vmem>> -> memref<128x128xf32, #tpu.memory_space<vmem>>
        %dma_wait3A_221 = arith.constant 0 : i32
        %dma_wait3A_222 = tpu.memref_slice %arg2[%add3A_212, %dma_wait3A_221] : memref<327680x128xf32, #tpu.memory_space<hbm>> -> memref<128x128xf32, #tpu.memory_space<hbm>>
        tpu.wait_dma2 semaphore(%arg14 : memref<!tpu.dma_semaphore, #tpu.memory_space<semaphore_mem>>) src(%dma_wait3A_222 : memref<128x128xf32, #tpu.memory_space<hbm>>) dst(%dma_wait3A_220 : memref<128x128xf32, #tpu.memory_space<vmem>>)
        %dma_start3A_223 = arith.constant 1 : i32
        %dma_start3A_224 = arith.constant 128 : i32
        %dma_start3A_225 = arith.constant 0 : i32
        %dma_start3A_226 = tpu.memref_slice %arg8[%dma_start3A_224, %dma_start3A_225] : memref<384x128xf32, #tpu.memory_space<vmem>> -> memref<128x128xf32, #tpu.memory_space<vmem>>
        %dma_start3A_227 = arith.constant 0 : i32
        %dma_start3A_228 = tpu.memref_slice %arg7[%dma_start3A_223, %dma_start3A_227] : memref<3x128xi32, #tpu.memory_space<vmem>> -> memref<1x128xi32, #tpu.memory_space<vmem>>
        %dma_start3A_229 = tpu.memref_squeeze %dma_start3A_228 : memref<1x128xi32, #tpu.memory_space<vmem>> -> memref<128xi32, #tpu.memory_space<vmem>>
        %dma_start3A_230 = arith.constant 0 : i32
        %dma_start3A_231 = arith.constant 0 : i32
        %dma_start3A_232 = tpu.memref_slice %arg9[%dma_start3A_230, %dma_start3A_231] : memref<10000x128xf32, #tpu.memory_space<vmem_shared>> -> memref<10000x128xf32, #tpu.memory_space<vmem_shared>>
        tpu.enqueue_indirect_dma source(%dma_start3A_226 : memref<128x128xf32, #tpu.memory_space<vmem>>) target(%dma_start3A_232 : memref<10000x128xf32, #tpu.memory_space<vmem_shared>>) offsets(%dma_start3A_229 : memref<128xi32, #tpu.memory_space<vmem>>) semaphore(%arg17 : memref<!tpu.dma_semaphore, #tpu.memory_space<semaphore_mem>>) {add = true}
        %mul3A_233 = arith.constant 3 : i32
        %mul3A_234 = arith.muli %scan3A_142, %mul3A_233 : i32
        %add3A_235 = arith.constant 2 : i32
        %add3A_236 = arith.addi %mul3A_234, %add3A_235 : i32
        %mul3A_237 = arith.constant 160 : i32
        %mul3A_238 = arith.muli %arg1, %mul3A_237 : i32
        %add3A_239 = arith.addi %mul3A_238, %add3A_236 : i32
        %dma_wait3A_240 = arith.constant 2 : i32
        %dma_wait3A_241 = arith.constant 0 : i32
        %dma_wait3A_242 = tpu.memref_slice %arg7[%dma_wait3A_240, %dma_wait3A_241] : memref<3x128xi32, #tpu.memory_space<vmem>> -> memref<1x128xi32, #tpu.memory_space<vmem>>
        %dma_wait3A_243 = tpu.memref_squeeze %dma_wait3A_242 : memref<1x128xi32, #tpu.memory_space<vmem>> -> memref<128xi32, #tpu.memory_space<vmem>>
        %dma_wait3A_244 = arith.constant 0 : i32
        %dma_wait3A_245 = tpu.memref_slice %arg4[%add3A_239, %dma_wait3A_244] : memref<2560x128xi32, #tpu.memory_space<hbm>> -> memref<1x128xi32, #tpu.memory_space<hbm>>
        %dma_wait3A_246 = tpu.memref_squeeze %dma_wait3A_245 : memref<1x128xi32, #tpu.memory_space<hbm>> -> memref<128xi32, #tpu.memory_space<hbm>>
        %dma_wait3A_247 = arith.constant 0 : i32
        %dma_wait3A_248 = tpu.memref_slice %arg7[%dma_wait3A_240, %dma_wait3A_247] : memref<3x128xi32, #tpu.memory_space<vmem>> -> memref<1x128xi32, #tpu.memory_space<vmem>>
        %dma_wait3A_249 = tpu.memref_squeeze %dma_wait3A_248 : memref<1x128xi32, #tpu.memory_space<vmem>> -> memref<128xi32, #tpu.memory_space<vmem>>
        %dma_wait3A_250 = arith.constant 0 : i32
        %dma_wait3A_251 = tpu.memref_slice %arg4[%add3A_239, %dma_wait3A_250] : memref<2560x128xi32, #tpu.memory_space<hbm>> -> memref<1x128xi32, #tpu.memory_space<hbm>>
        %dma_wait3A_252 = tpu.memref_squeeze %dma_wait3A_251 : memref<1x128xi32, #tpu.memory_space<hbm>> -> memref<128xi32, #tpu.memory_space<hbm>>
        tpu.wait_dma2 semaphore(%arg12 : memref<!tpu.dma_semaphore, #tpu.memory_space<semaphore_mem>>) src(%dma_wait3A_252 : memref<128xi32, #tpu.memory_space<hbm>>) dst(%dma_wait3A_249 : memref<128xi32, #tpu.memory_space<vmem>>)
        %mul3A_253 = arith.constant 20480 : i32
        %mul3A_254 = arith.muli %arg1, %mul3A_253 : i32
        %mul3A_255 = arith.constant 128 : i32
        %mul3A_256 = arith.muli %add3A_236, %mul3A_255 : i32
        %add3A_257 = arith.addi %mul3A_254, %mul3A_256 : i32
        %dma_wait3A_258 = arith.constant 256 : i32
        %dma_wait3A_259 = arith.constant 0 : i32
        %dma_wait3A_260 = tpu.memref_slice %arg8[%dma_wait3A_258, %dma_wait3A_259] : memref<384x128xf32, #tpu.memory_space<vmem>> -> memref<128x128xf32, #tpu.memory_space<vmem>>
        %dma_wait3A_261 = arith.constant 0 : i32
        %dma_wait3A_262 = tpu.memref_slice %arg2[%add3A_257, %dma_wait3A_261] : memref<327680x128xf32, #tpu.memory_space<hbm>> -> memref<128x128xf32, #tpu.memory_space<hbm>>
        %dma_wait3A_263 = arith.constant 256 : i32
        %dma_wait3A_264 = arith.constant 0 : i32
        %dma_wait3A_265 = tpu.memref_slice %arg8[%dma_wait3A_263, %dma_wait3A_264] : memref<384x128xf32, #tpu.memory_space<vmem>> -> memref<128x128xf32, #tpu.memory_space<vmem>>
        %dma_wait3A_266 = arith.constant 0 : i32
        %dma_wait3A_267 = tpu.memref_slice %arg2[%add3A_257, %dma_wait3A_266] : memref<327680x128xf32, #tpu.memory_space<hbm>> -> memref<128x128xf32, #tpu.memory_space<hbm>>
        tpu.wait_dma2 semaphore(%arg15 : memref<!tpu.dma_semaphore, #tpu.memory_space<semaphore_mem>>) src(%dma_wait3A_267 : memref<128x128xf32, #tpu.memory_space<hbm>>) dst(%dma_wait3A_265 : memref<128x128xf32, #tpu.memory_space<vmem>>)
        %dma_start3A_268 = arith.constant 2 : i32
        %dma_start3A_269 = arith.constant 256 : i32
        %dma_start3A_270 = arith.constant 0 : i32
        %dma_start3A_271 = tpu.memref_slice %arg8[%dma_start3A_269, %dma_start3A_270] : memref<384x128xf32, #tpu.memory_space<vmem>> -> memref<128x128xf32, #tpu.memory_space<vmem>>
        %dma_start3A_272 = arith.constant 0 : i32
        %dma_start3A_273 = tpu.memref_slice %arg7[%dma_start3A_268, %dma_start3A_272] : memref<3x128xi32, #tpu.memory_space<vmem>> -> memref<1x128xi32, #tpu.memory_space<vmem>>
        %dma_start3A_274 = tpu.memref_squeeze %dma_start3A_273 : memref<1x128xi32, #tpu.memory_space<vmem>> -> memref<128xi32, #tpu.memory_space<vmem>>
        %dma_start3A_275 = arith.constant 0 : i32
        %dma_start3A_276 = arith.constant 0 : i32
        %dma_start3A_277 = tpu.memref_slice %arg9[%dma_start3A_275, %dma_start3A_276] : memref<10000x128xf32, #tpu.memory_space<vmem_shared>> -> memref<10000x128xf32, #tpu.memory_space<vmem_shared>>
        tpu.enqueue_indirect_dma source(%dma_start3A_271 : memref<128x128xf32, #tpu.memory_space<vmem>>) target(%dma_start3A_277 : memref<10000x128xf32, #tpu.memory_space<vmem_shared>>) offsets(%dma_start3A_274 : memref<128xi32, #tpu.memory_space<vmem>>) semaphore(%arg18 : memref<!tpu.dma_semaphore, #tpu.memory_space<semaphore_mem>>) {add = true}
        %mul3A_278 = arith.constant 3 : i32
        %mul3A_279 = arith.muli %scan3A_142, %mul3A_278 : i32
        %add3A_280 = arith.constant 0 : i32
        %add3A_281 = arith.addi %mul3A_279, %add3A_280 : i32
        %dma_wait3A_282 = arith.constant 0 : i32
        %dma_wait3A_283 = arith.constant 0 : i32
        %dma_wait3A_284 = arith.constant 0 : i32
        %dma_wait3A_285 = tpu.memref_slice %arg8[%dma_wait3A_283, %dma_wait3A_284] : memref<384x128xf32, #tpu.memory_space<vmem>> -> memref<128x128xf32, #tpu.memory_space<vmem>>
        %dma_wait3A_286 = arith.constant 0 : i32
        %dma_wait3A_287 = tpu.memref_slice %arg7[%dma_wait3A_282, %dma_wait3A_286] : memref<3x128xi32, #tpu.memory_space<vmem>> -> memref<1x128xi32, #tpu.memory_space<vmem>>
        %dma_wait3A_288 = tpu.memref_squeeze %dma_wait3A_287 : memref<1x128xi32, #tpu.memory_space<vmem>> -> memref<128xi32, #tpu.memory_space<vmem>>
        %dma_wait3A_289 = arith.constant 0 : i32
        %dma_wait3A_290 = arith.constant 0 : i32
        %dma_wait3A_291 = tpu.memref_slice %arg9[%dma_wait3A_289, %dma_wait3A_290] : memref<10000x128xf32, #tpu.memory_space<vmem_shared>> -> memref<10000x128xf32, #tpu.memory_space<vmem_shared>>
        tpu.wait_indirect_dma semaphore(%arg16 : memref<!tpu.dma_semaphore, #tpu.memory_space<semaphore_mem>>) src(%dma_wait3A_285 : memref<128x128xf32, #tpu.memory_space<vmem>>) dst(%dma_wait3A_291 : memref<10000x128xf32, #tpu.memory_space<vmem_shared>>)
        %add3A_292 = arith.constant 3 : i32
        %add3A_293 = arith.addi %add3A_281, %add3A_292 : i32
        %lt3A_294 = arith.constant 160 : i32
        %lt3A_295 = arith.cmpi slt, %add3A_293, %lt3A_294 : i32
        %convert_element_type3A_296 = arith.extui %lt3A_295 : i1 to i32
        %cond3A_297 = arith.constant 0 : i32
        %cond3A_298 = arith.cmpi ne, %convert_element_type3A_296, %cond3A_297 : i32
        scf.if %cond3A_298 {
          %add3A_341 = arith.constant 3 : i32
          %add3A_342 = arith.addi %add3A_281, %add3A_341 : i32
          %mul3A_343 = arith.constant 160 : i32
          %mul3A_344 = arith.muli %arg1, %mul3A_343 : i32
          %add3A_345 = arith.addi %mul3A_344, %add3A_342 : i32
          %dma_start3A_346 = arith.constant 0 : i32
          %dma_start3A_347 = arith.constant 0 : i32
          %dma_start3A_348 = tpu.memref_slice %arg7[%dma_start3A_346, %dma_start3A_347] : memref<3x128xi32, #tpu.memory_space<vmem>> -> memref<1x128xi32, #tpu.memory_space<vmem>>
          %dma_start3A_349 = tpu.memref_squeeze %dma_start3A_348 : memref<1x128xi32, #tpu.memory_space<vmem>> -> memref<128xi32, #tpu.memory_space<vmem>>
          %dma_start3A_350 = arith.constant 0 : i32
          %dma_start3A_351 = tpu.memref_slice %arg4[%add3A_345, %dma_start3A_350] : memref<2560x128xi32, #tpu.memory_space<hbm>> -> memref<1x128xi32, #tpu.memory_space<hbm>>
          %dma_start3A_352 = tpu.memref_squeeze %dma_start3A_351 : memref<1x128xi32, #tpu.memory_space<hbm>> -> memref<128xi32, #tpu.memory_space<hbm>>
          %dma_start3A_353 = arith.constant 0 : i32
          %dma_start3A_354 = tpu.memref_slice %arg7[%dma_start3A_346, %dma_start3A_353] : memref<3x128xi32, #tpu.memory_space<vmem>> -> memref<1x128xi32, #tpu.memory_space<vmem>>
          %dma_start3A_355 = tpu.memref_squeeze %dma_start3A_354 : memref<1x128xi32, #tpu.memory_space<vmem>> -> memref<128xi32, #tpu.memory_space<vmem>>
          %dma_start3A_356 = arith.constant 0 : i32
          %dma_start3A_357 = tpu.memref_slice %arg4[%add3A_345, %dma_start3A_356] : memref<2560x128xi32, #tpu.memory_space<hbm>> -> memref<1x128xi32, #tpu.memory_space<hbm>>
          %dma_start3A_358 = tpu.memref_squeeze %dma_start3A_357 : memref<1x128xi32, #tpu.memory_space<hbm>> -> memref<128xi32, #tpu.memory_space<hbm>>
          tpu.enqueue_dma source(%dma_start3A_358 : memref<128xi32, #tpu.memory_space<hbm>>) target(%dma_start3A_355 : memref<128xi32, #tpu.memory_space<vmem>>) target_semaphore(%arg10 : memref<!tpu.dma_semaphore, #tpu.memory_space<semaphore_mem>>)
          %mul3A_359 = arith.constant 20480 : i32
          %mul3A_360 = arith.muli %arg1, %mul3A_359 : i32
          %mul3A_361 = arith.constant 128 : i32
          %mul3A_362 = arith.muli %add3A_342, %mul3A_361 : i32
          %add3A_363 = arith.addi %mul3A_360, %mul3A_362 : i32
          %dma_start3A_364 = arith.constant 0 : i32
          %dma_start3A_365 = arith.constant 0 : i32
          %dma_start3A_366 = tpu.memref_slice %arg8[%dma_start3A_364, %dma_start3A_365] : memref<384x128xf32, #tpu.memory_space<vmem>> -> memref<128x128xf32, #tpu.memory_space<vmem>>
          %dma_start3A_367 = arith.constant 0 : i32
          %dma_start3A_368 = tpu.memref_slice %arg2[%add3A_363, %dma_start3A_367] : memref<327680x128xf32, #tpu.memory_space<hbm>> -> memref<128x128xf32, #tpu.memory_space<hbm>>
          %dma_start3A_369 = arith.constant 0 : i32
          %dma_start3A_370 = arith.constant 0 : i32
          %dma_start3A_371 = tpu.memref_slice %arg8[%dma_start3A_369, %dma_start3A_370] : memref<384x128xf32, #tpu.memory_space<vmem>> -> memref<128x128xf32, #tpu.memory_space<vmem>>
          %dma_start3A_372 = arith.constant 0 : i32
          %dma_start3A_373 = tpu.memref_slice %arg2[%add3A_363, %dma_start3A_372] : memref<327680x128xf32, #tpu.memory_space<hbm>> -> memref<128x128xf32, #tpu.memory_space<hbm>>
          tpu.enqueue_dma source(%dma_start3A_373 : memref<128x128xf32, #tpu.memory_space<hbm>>) target(%dma_start3A_371 : memref<128x128xf32, #tpu.memory_space<vmem>>) target_semaphore(%arg13 : memref<!tpu.dma_semaphore, #tpu.memory_space<semaphore_mem>>)
        } else {
        }
        %mul3A_299 = arith.constant 3 : i32
        %mul3A_300 = arith.muli %scan3A_142, %mul3A_299 : i32
        %add3A_301 = arith.constant 1 : i32
        %add3A_302 = arith.addi %mul3A_300, %add3A_301 : i32
        %dma_wait3A_303 = arith.constant 1 : i32
        %dma_wait3A_304 = arith.constant 128 : i32
        %dma_wait3A_305 = arith.constant 0 : i32
        %dma_wait3A_306 = tpu.memref_slice %arg8[%dma_wait3A_304, %dma_wait3A_305] : memref<384x128xf32, #tpu.memory_space<vmem>> -> memref<128x128xf32, #tpu.memory_space<vmem>>
        %dma_wait3A_307 = arith.constant 0 : i32
        %dma_wait3A_308 = tpu.memref_slice %arg7[%dma_wait3A_303, %dma_wait3A_307] : memref<3x128xi32, #tpu.memory_space<vmem>> -> memref<1x128xi32, #tpu.memory_space<vmem>>
        %dma_wait3A_309 = tpu.memref_squeeze %dma_wait3A_308 : memref<1x128xi32, #tpu.memory_space<vmem>> -> memref<128xi32, #tpu.memory_space<vmem>>
        %dma_wait3A_310 = arith.constant 0 : i32
        %dma_wait3A_311 = arith.constant 0 : i32
        %dma_wait3A_312 = tpu.memref_slice %arg9[%dma_wait3A_310, %dma_wait3A_311] : memref<10000x128xf32, #tpu.memory_space<vmem_shared>> -> memref<10000x128xf32, #tpu.memory_space<vmem_shared>>
        tpu.wait_indirect_dma semaphore(%arg17 : memref<!tpu.dma_semaphore, #tpu.memory_space<semaphore_mem>>) src(%dma_wait3A_306 : memref<128x128xf32, #tpu.memory_space<vmem>>) dst(%dma_wait3A_312 : memref<10000x128xf32, #tpu.memory_space<vmem_shared>>)
        %add3A_313 = arith.constant 3 : i32
        %add3A_314 = arith.addi %add3A_302, %add3A_313 : i32
        %lt3A_315 = arith.constant 160 : i32
        %lt3A_316 = arith.cmpi slt, %add3A_314, %lt3A_315 : i32
        %convert_element_type3A_317 = arith.extui %lt3A_316 : i1 to i32
        %cond3A_318 = arith.constant 0 : i32
        %cond3A_319 = arith.cmpi ne, %convert_element_type3A_317, %cond3A_318 : i32
        scf.if %cond3A_319 {
          %add3A_341 = arith.constant 3 : i32
          %add3A_342 = arith.addi %add3A_302, %add3A_341 : i32
          %mul3A_343 = arith.constant 160 : i32
          %mul3A_344 = arith.muli %arg1, %mul3A_343 : i32
          %add3A_345 = arith.addi %mul3A_344, %add3A_342 : i32
          %dma_start3A_346 = arith.constant 1 : i32
          %dma_start3A_347 = arith.constant 0 : i32
          %dma_start3A_348 = tpu.memref_slice %arg7[%dma_start3A_346, %dma_start3A_347] : memref<3x128xi32, #tpu.memory_space<vmem>> -> memref<1x128xi32, #tpu.memory_space<vmem>>
          %dma_start3A_349 = tpu.memref_squeeze %dma_start3A_348 : memref<1x128xi32, #tpu.memory_space<vmem>> -> memref<128xi32, #tpu.memory_space<vmem>>
          %dma_start3A_350 = arith.constant 0 : i32
          %dma_start3A_351 = tpu.memref_slice %arg4[%add3A_345, %dma_start3A_350] : memref<2560x128xi32, #tpu.memory_space<hbm>> -> memref<1x128xi32, #tpu.memory_space<hbm>>
          %dma_start3A_352 = tpu.memref_squeeze %dma_start3A_351 : memref<1x128xi32, #tpu.memory_space<hbm>> -> memref<128xi32, #tpu.memory_space<hbm>>
          %dma_start3A_353 = arith.constant 0 : i32
          %dma_start3A_354 = tpu.memref_slice %arg7[%dma_start3A_346, %dma_start3A_353] : memref<3x128xi32, #tpu.memory_space<vmem>> -> memref<1x128xi32, #tpu.memory_space<vmem>>
          %dma_start3A_355 = tpu.memref_squeeze %dma_start3A_354 : memref<1x128xi32, #tpu.memory_space<vmem>> -> memref<128xi32, #tpu.memory_space<vmem>>
          %dma_start3A_356 = arith.constant 0 : i32
          %dma_start3A_357 = tpu.memref_slice %arg4[%add3A_345, %dma_start3A_356] : memref<2560x128xi32, #tpu.memory_space<hbm>> -> memref<1x128xi32, #tpu.memory_space<hbm>>
          %dma_start3A_358 = tpu.memref_squeeze %dma_start3A_357 : memref<1x128xi32, #tpu.memory_space<hbm>> -> memref<128xi32, #tpu.memory_space<hbm>>
          tpu.enqueue_dma source(%dma_start3A_358 : memref<128xi32, #tpu.memory_space<hbm>>) target(%dma_start3A_355 : memref<128xi32, #tpu.memory_space<vmem>>) target_semaphore(%arg11 : memref<!tpu.dma_semaphore, #tpu.memory_space<semaphore_mem>>)
          %mul3A_359 = arith.constant 20480 : i32
          %mul3A_360 = arith.muli %arg1, %mul3A_359 : i32
          %mul3A_361 = arith.constant 128 : i32
          %mul3A_362 = arith.muli %add3A_342, %mul3A_361 : i32
          %add3A_363 = arith.addi %mul3A_360, %mul3A_362 : i32
          %dma_start3A_364 = arith.constant 128 : i32
          %dma_start3A_365 = arith.constant 0 : i32
          %dma_start3A_366 = tpu.memref_slice %arg8[%dma_start3A_364, %dma_start3A_365] : memref<384x128xf32, #tpu.memory_space<vmem>> -> memref<128x128xf32, #tpu.memory_space<vmem>>
          %dma_start3A_367 = arith.constant 0 : i32
          %dma_start3A_368 = tpu.memref_slice %arg2[%add3A_363, %dma_start3A_367] : memref<327680x128xf32, #tpu.memory_space<hbm>> -> memref<128x128xf32, #tpu.memory_space<hbm>>
          %dma_start3A_369 = arith.constant 128 : i32
          %dma_start3A_370 = arith.constant 0 : i32
          %dma_start3A_371 = tpu.memref_slice %arg8[%dma_start3A_369, %dma_start3A_370] : memref<384x128xf32, #tpu.memory_space<vmem>> -> memref<128x128xf32, #tpu.memory_space<vmem>>
          %dma_start3A_372 = arith.constant 0 : i32
          %dma_start3A_373 = tpu.memref_slice %arg2[%add3A_363, %dma_start3A_372] : memref<327680x128xf32, #tpu.memory_space<hbm>> -> memref<128x128xf32, #tpu.memory_space<hbm>>
          tpu.enqueue_dma source(%dma_start3A_373 : memref<128x128xf32, #tpu.memory_space<hbm>>) target(%dma_start3A_371 : memref<128x128xf32, #tpu.memory_space<vmem>>) target_semaphore(%arg14 : memref<!tpu.dma_semaphore, #tpu.memory_space<semaphore_mem>>)
        } else {
        }
        %mul3A_320 = arith.constant 3 : i32
        %mul3A_321 = arith.muli %scan3A_142, %mul3A_320 : i32
        %add3A_322 = arith.constant 2 : i32
        %add3A_323 = arith.addi %mul3A_321, %add3A_322 : i32
        %dma_wait3A_324 = arith.constant 2 : i32
        %dma_wait3A_325 = arith.constant 256 : i32
        %dma_wait3A_326 = arith.constant 0 : i32
        %dma_wait3A_327 = tpu.memref_slice %arg8[%dma_wait3A_325, %dma_wait3A_326] : memref<384x128xf32, #tpu.memory_space<vmem>> -> memref<128x128xf32, #tpu.memory_space<vmem>>
        %dma_wait3A_328 = arith.constant 0 : i32
        %dma_wait3A_329 = tpu.memref_slice %arg7[%dma_wait3A_324, %dma_wait3A_328] : memref<3x128xi32, #tpu.memory_space<vmem>> -> memref<1x128xi32, #tpu.memory_space<vmem>>
        %dma_wait3A_330 = tpu.memref_squeeze %dma_wait3A_329 : memref<1x128xi32, #tpu.memory_space<vmem>> -> memref<128xi32, #tpu.memory_space<vmem>>
        %dma_wait3A_331 = arith.constant 0 : i32
        %dma_wait3A_332 = arith.constant 0 : i32
        %dma_wait3A_333 = tpu.memref_slice %arg9[%dma_wait3A_331, %dma_wait3A_332] : memref<10000x128xf32, #tpu.memory_space<vmem_shared>> -> memref<10000x128xf32, #tpu.memory_space<vmem_shared>>
        tpu.wait_indirect_dma semaphore(%arg18 : memref<!tpu.dma_semaphore, #tpu.memory_space<semaphore_mem>>) src(%dma_wait3A_327 : memref<128x128xf32, #tpu.memory_space<vmem>>) dst(%dma_wait3A_333 : memref<10000x128xf32, #tpu.memory_space<vmem_shared>>)
        %add3A_334 = arith.constant 3 : i32
        %add3A_335 = arith.addi %add3A_323, %add3A_334 : i32
        %lt3A_336 = arith.constant 160 : i32
        %lt3A_337 = arith.cmpi slt, %add3A_335, %lt3A_336 : i32
        %convert_element_type3A_338 = arith.extui %lt3A_337 : i1 to i32
        %cond3A_339 = arith.constant 0 : i32
        %cond3A_340 = arith.cmpi ne, %convert_element_type3A_338, %cond3A_339 : i32
        scf.if %cond3A_340 {
          %add3A_341 = arith.constant 3 : i32
          %add3A_342 = arith.addi %add3A_323, %add3A_341 : i32
          %mul3A_343 = arith.constant 160 : i32
          %mul3A_344 = arith.muli %arg1, %mul3A_343 : i32
          %add3A_345 = arith.addi %mul3A_344, %add3A_342 : i32
          %dma_start3A_346 = arith.constant 2 : i32
          %dma_start3A_347 = arith.constant 0 : i32
          %dma_start3A_348 = tpu.memref_slice %arg7[%dma_start3A_346, %dma_start3A_347] : memref<3x128xi32, #tpu.memory_space<vmem>> -> memref<1x128xi32, #tpu.memory_space<vmem>>
          %dma_start3A_349 = tpu.memref_squeeze %dma_start3A_348 : memref<1x128xi32, #tpu.memory_space<vmem>> -> memref<128xi32, #tpu.memory_space<vmem>>
          %dma_start3A_350 = arith.constant 0 : i32
          %dma_start3A_351 = tpu.memref_slice %arg4[%add3A_345, %dma_start3A_350] : memref<2560x128xi32, #tpu.memory_space<hbm>> -> memref<1x128xi32, #tpu.memory_space<hbm>>
          %dma_start3A_352 = tpu.memref_squeeze %dma_start3A_351 : memref<1x128xi32, #tpu.memory_space<hbm>> -> memref<128xi32, #tpu.memory_space<hbm>>
          %dma_start3A_353 = arith.constant 0 : i32
          %dma_start3A_354 = tpu.memref_slice %arg7[%dma_start3A_346, %dma_start3A_353] : memref<3x128xi32, #tpu.memory_space<vmem>> -> memref<1x128xi32, #tpu.memory_space<vmem>>
          %dma_start3A_355 = tpu.memref_squeeze %dma_start3A_354 : memref<1x128xi32, #tpu.memory_space<vmem>> -> memref<128xi32, #tpu.memory_space<vmem>>
          %dma_start3A_356 = arith.constant 0 : i32
          %dma_start3A_357 = tpu.memref_slice %arg4[%add3A_345, %dma_start3A_356] : memref<2560x128xi32, #tpu.memory_space<hbm>> -> memref<1x128xi32, #tpu.memory_space<hbm>>
          %dma_start3A_358 = tpu.memref_squeeze %dma_start3A_357 : memref<1x128xi32, #tpu.memory_space<hbm>> -> memref<128xi32, #tpu.memory_space<hbm>>
          tpu.enqueue_dma source(%dma_start3A_358 : memref<128xi32, #tpu.memory_space<hbm>>) target(%dma_start3A_355 : memref<128xi32, #tpu.memory_space<vmem>>) target_semaphore(%arg12 : memref<!tpu.dma_semaphore, #tpu.memory_space<semaphore_mem>>)
          %mul3A_359 = arith.constant 20480 : i32
          %mul3A_360 = arith.muli %arg1, %mul3A_359 : i32
          %mul3A_361 = arith.constant 128 : i32
          %mul3A_362 = arith.muli %add3A_342, %mul3A_361 : i32
          %add3A_363 = arith.addi %mul3A_360, %mul3A_362 : i32
          %dma_start3A_364 = arith.constant 256 : i32
          %dma_start3A_365 = arith.constant 0 : i32
          %dma_start3A_366 = tpu.memref_slice %arg8[%dma_start3A_364, %dma_start3A_365] : memref<384x128xf32, #tpu.memory_space<vmem>> -> memref<128x128xf32, #tpu.memory_space<vmem>>
          %dma_start3A_367 = arith.constant 0 : i32
          %dma_start3A_368 = tpu.memref_slice %arg2[%add3A_363, %dma_start3A_367] : memref<327680x128xf32, #tpu.memory_space<hbm>> -> memref<128x128xf32, #tpu.memory_space<hbm>>
          %dma_start3A_369 = arith.constant 256 : i32
          %dma_start3A_370 = arith.constant 0 : i32
          %dma_start3A_371 = tpu.memref_slice %arg8[%dma_start3A_369, %dma_start3A_370] : memref<384x128xf32, #tpu.memory_space<vmem>> -> memref<128x128xf32, #tpu.memory_space<vmem>>
          %dma_start3A_372 = arith.constant 0 : i32
          %dma_start3A_373 = tpu.memref_slice %arg2[%add3A_363, %dma_start3A_372] : memref<327680x128xf32, #tpu.memory_space<hbm>> -> memref<128x128xf32, #tpu.memory_space<hbm>>
          tpu.enqueue_dma source(%dma_start3A_373 : memref<128x128xf32, #tpu.memory_space<hbm>>) target(%dma_start3A_371 : memref<128x128xf32, #tpu.memory_space<vmem>>) target_semaphore(%arg15 : memref<!tpu.dma_semaphore, #tpu.memory_space<semaphore_mem>>)
        } else {
        }
      }
      %scan3A_111 = arith.constant 53 : i32
      %mul3A_112 = arith.constant 160 : i32
      %mul3A_113 = arith.muli %arg1, %mul3A_112 : i32
      %add3A_114 = arith.constant 159 : i32
      %add3A_115 = arith.addi %mul3A_113, %add3A_114 : i32
      %dma_wait3A = arith.constant 0 : i32
      %dma_wait3A_116 = arith.constant 0 : i32
      %dma_wait3A_117 = tpu.memref_slice %arg7[%dma_wait3A, %dma_wait3A_116] : memref<3x128xi32, #tpu.memory_space<vmem>> -> memref<1x128xi32, #tpu.memory_space<vmem>>
      %dma_wait3A_118 = tpu.memref_squeeze %dma_wait3A_117 : memref<1x128xi32, #tpu.memory_space<vmem>> -> memref<128xi32, #tpu.memory_space<vmem>>
      %dma_wait3A_119 = arith.constant 0 : i32
      %dma_wait3A_120 = tpu.memref_slice %arg4[%add3A_115, %dma_wait3A_119] : memref<2560x128xi32, #tpu.memory_space<hbm>> -> memref<1x128xi32, #tpu.memory_space<hbm>>
      %dma_wait3A_121 = tpu.memref_squeeze %dma_wait3A_120 : memref<1x128xi32, #tpu.memory_space<hbm>> -> memref<128xi32, #tpu.memory_space<hbm>>
      %dma_wait3A_122 = arith.constant 0 : i32
      %dma_wait3A_123 = tpu.memref_slice %arg7[%dma_wait3A, %dma_wait3A_122] : memref<3x128xi32, #tpu.memory_space<vmem>> -> memref<1x128xi32, #tpu.memory_space<vmem>>
      %dma_wait3A_124 = tpu.memref_squeeze %dma_wait3A_123 : memref<1x128xi32, #tpu.memory_space<vmem>> -> memref<128xi32, #tpu.memory_space<vmem>>
      %dma_wait3A_125 = arith.constant 0 : i32
      %dma_wait3A_126 = tpu.memref_slice %arg4[%add3A_115, %dma_wait3A_125] : memref<2560x128xi32, #tpu.memory_space<hbm>> -> memref<1x128xi32, #tpu.memory_space<hbm>>
      %dma_wait3A_127 = tpu.memref_squeeze %dma_wait3A_126 : memref<1x128xi32, #tpu.memory_space<hbm>> -> memref<128xi32, #tpu.memory_space<hbm>>
      tpu.wait_dma2 semaphore(%arg10 : memref<!tpu.dma_semaphore, #tpu.memory_space<semaphore_mem>>) src(%dma_wait3A_127 : memref<128xi32, #tpu.memory_space<hbm>>) dst(%dma_wait3A_124 : memref<128xi32, #tpu.memory_space<vmem>>)
      %mul3A_128 = arith.constant 20480 : i32
      %mul3A_129 = arith.muli %arg1, %mul3A_128 : i32
      %add3A_130 = arith.constant 20352 : i32
      %add3A_131 = arith.addi %mul3A_129, %add3A_130 : i32
      %dma_wait3A_132 = arith.constant 0 : i32
      %dma_wait3A_133 = arith.constant 0 : i32
      %dma_wait3A_134 = tpu.memref_slice %arg8[%dma_wait3A_132, %dma_wait3A_133] : memref<384x128xf32, #tpu.memory_space<vmem>> -> memref<128x128xf32, #tpu.memory_space<vmem>>
      %dma_wait3A_135 = arith.constant 0 : i32
      %dma_wait3A_136 = tpu.memref_slice %arg2[%add3A_131, %dma_wait3A_135] : memref<327680x128xf32, #tpu.memory_space<hbm>> -> memref<128x128xf32, #tpu.memory_space<hbm>>
      %dma_wait3A_137 = arith.constant 0 : i32
      %dma_wait3A_138 = arith.constant 0 : i32
      %dma_wait3A_139 = tpu.memref_slice %arg8[%dma_wait3A_137, %dma_wait3A_138] : memref<384x128xf32, #tpu.memory_space<vmem>> -> memref<128x128xf32, #tpu.memory_space<vmem>>
      %dma_wait3A_140 = arith.constant 0 : i32
      %dma_wait3A_141 = tpu.memref_slice %arg2[%add3A_131, %dma_wait3A_140] : memref<327680x128xf32, #tpu.memory_space<hbm>> -> memref<128x128xf32, #tpu.memory_space<hbm>>
      tpu.wait_dma2 semaphore(%arg13 : memref<!tpu.dma_semaphore, #tpu.memory_space<semaphore_mem>>) src(%dma_wait3A_141 : memref<128x128xf32, #tpu.memory_space<hbm>>) dst(%dma_wait3A_139 : memref<128x128xf32, #tpu.memory_space<vmem>>)
      %run_scoped3A = arith.constant 0 : i32
      "tpu.region"() ({
        %run_scoped3A_142 = tpu.sem_alloc : memref<!tpu.dma_semaphore, #tpu.memory_space<semaphore_mem>>
        %dma_start3A_143 = arith.constant 0 : i32
        %dma_start3A_144 = arith.constant 0 : i32
        %dma_start3A_145 = tpu.memref_slice %arg8[%dma_start3A_143, %dma_start3A_144] : memref<384x128xf32, #tpu.memory_space<vmem>> -> memref<128x128xf32, #tpu.memory_space<vmem>>
        %dma_start3A_146 = arith.constant 0 : i32
        %dma_start3A_147 = tpu.memref_slice %arg7[%run_scoped3A, %dma_start3A_146] : memref<3x128xi32, #tpu.memory_space<vmem>> -> memref<1x128xi32, #tpu.memory_space<vmem>>
        %dma_start3A_148 = tpu.memref_squeeze %dma_start3A_147 : memref<1x128xi32, #tpu.memory_space<vmem>> -> memref<128xi32, #tpu.memory_space<vmem>>
        %dma_start3A_149 = arith.constant 0 : i32
        %dma_start3A_150 = arith.constant 0 : i32
        %dma_start3A_151 = tpu.memref_slice %arg9[%dma_start3A_149, %dma_start3A_150] : memref<10000x128xf32, #tpu.memory_space<vmem_shared>> -> memref<10000x128xf32, #tpu.memory_space<vmem_shared>>
        tpu.enqueue_indirect_dma source(%dma_start3A_145 : memref<128x128xf32, #tpu.memory_space<vmem>>) target(%dma_start3A_151 : memref<10000x128xf32, #tpu.memory_space<vmem_shared>>) offsets(%dma_start3A_148 : memref<128xi32, #tpu.memory_space<vmem>>) semaphore(%run_scoped3A_142 : memref<!tpu.dma_semaphore, #tpu.memory_space<semaphore_mem>>) {add = true}
        %dma_wait3A_152 = arith.constant 0 : i32
        %dma_wait3A_153 = arith.constant 0 : i32
        %dma_wait3A_154 = tpu.memref_slice %arg8[%dma_wait3A_152, %dma_wait3A_153] : memref<384x128xf32, #tpu.memory_space<vmem>> -> memref<128x128xf32, #tpu.memory_space<vmem>>
        %dma_wait3A_155 = arith.constant 0 : i32
        %dma_wait3A_156 = tpu.memref_slice %arg7[%run_scoped3A, %dma_wait3A_155] : memref<3x128xi32, #tpu.memory_space<vmem>> -> memref<1x128xi32, #tpu.memory_space<vmem>>
        %dma_wait3A_157 = tpu.memref_squeeze %dma_wait3A_156 : memref<1x128xi32, #tpu.memory_space<vmem>> -> memref<128xi32, #tpu.memory_space<vmem>>
        %dma_wait3A_158 = arith.constant 0 : i32
        %dma_wait3A_159 = arith.constant 0 : i32
        %dma_wait3A_160 = tpu.memref_slice %arg9[%dma_wait3A_158, %dma_wait3A_159] : memref<10000x128xf32, #tpu.memory_space<vmem_shared>> -> memref<10000x128xf32, #tpu.memory_space<vmem_shared>>
        tpu.wait_indirect_dma semaphore(%run_scoped3A_142 : memref<!tpu.dma_semaphore, #tpu.memory_space<semaphore_mem>>) src(%dma_wait3A_154 : memref<128x128xf32, #tpu.memory_space<vmem>>) dst(%dma_wait3A_160 : memref<10000x128xf32, #tpu.memory_space<vmem_shared>>)
        tpu.yield
      }) : () -> ()
    } else {
    }
    %eq3A_6 = arith.constant 1 : i32
    %eq3A_7 = arith.cmpi eq, %arg0, %eq3A_6 : i32
    %convert_element_type3A_8 = arith.extui %eq3A_7 : i1 to i32
    %cond3A_9 = arith.constant 0 : i32
    %cond3A_10 = arith.cmpi ne, %convert_element_type3A_8, %cond3A_9 : i32
    scf.if %cond3A_10 {
      %mul3A = arith.constant 160 : i32
      %mul3A_17 = arith.muli %arg1, %mul3A : i32
      %add3A = arith.constant 0 : i32
      %add3A_18 = arith.addi %mul3A_17, %add3A : i32
      %dma_start3A = arith.constant 0 : i32
      %dma_start3A_19 = arith.constant 0 : i32
      %dma_start3A_20 = tpu.memref_slice %arg7[%dma_start3A, %dma_start3A_19] : memref<3x128xi32, #tpu.memory_space<vmem>> -> memref<1x128xi32, #tpu.memory_space<vmem>>
      %dma_start3A_21 = tpu.memref_squeeze %dma_start3A_20 : memref<1x128xi32, #tpu.memory_space<vmem>> -> memref<128xi32, #tpu.memory_space<vmem>>
      %dma_start3A_22 = arith.constant 0 : i32
      %dma_start3A_23 = tpu.memref_slice %arg4[%add3A_18, %dma_start3A_22] : memref<2560x128xi32, #tpu.memory_space<hbm>> -> memref<1x128xi32, #tpu.memory_space<hbm>>
      %dma_start3A_24 = tpu.memref_squeeze %dma_start3A_23 : memref<1x128xi32, #tpu.memory_space<hbm>> -> memref<128xi32, #tpu.memory_space<hbm>>
      %dma_start3A_25 = arith.constant 0 : i32
      %dma_start3A_26 = tpu.memref_slice %arg7[%dma_start3A, %dma_start3A_25] : memref<3x128xi32, #tpu.memory_space<vmem>> -> memref<1x128xi32, #tpu.memory_space<vmem>>
      %dma_start3A_27 = tpu.memref_squeeze %dma_start3A_26 : memref<1x128xi32, #tpu.memory_space<vmem>> -> memref<128xi32, #tpu.memory_space<vmem>>
      %dma_start3A_28 = arith.constant 0 : i32
      %dma_start3A_29 = tpu.memref_slice %arg4[%add3A_18, %dma_start3A_28] : memref<2560x128xi32, #tpu.memory_space<hbm>> -> memref<1x128xi32, #tpu.memory_space<hbm>>
      %dma_start3A_30 = tpu.memref_squeeze %dma_start3A_29 : memref<1x128xi32, #tpu.memory_space<hbm>> -> memref<128xi32, #tpu.memory_space<hbm>>
      tpu.enqueue_dma source(%dma_start3A_30 : memref<128xi32, #tpu.memory_space<hbm>>) target(%dma_start3A_27 : memref<128xi32, #tpu.memory_space<vmem>>) target_semaphore(%arg10 : memref<!tpu.dma_semaphore, #tpu.memory_space<semaphore_mem>>)
      %mul3A_31 = arith.constant 20480 : i32
      %mul3A_32 = arith.muli %arg1, %mul3A_31 : i32
      %add3A_33 = arith.constant 0 : i32
      %add3A_34 = arith.addi %mul3A_32, %add3A_33 : i32
      %dma_start3A_35 = arith.constant 0 : i32
      %dma_start3A_36 = arith.constant 0 : i32
      %dma_start3A_37 = tpu.memref_slice %arg8[%dma_start3A_35, %dma_start3A_36] : memref<384x128xf32, #tpu.memory_space<vmem>> -> memref<128x128xf32, #tpu.memory_space<vmem>>
      %dma_start3A_38 = arith.constant 0 : i32
      %dma_start3A_39 = tpu.memref_slice %arg3[%add3A_34, %dma_start3A_38] : memref<327680x128xf32, #tpu.memory_space<hbm>> -> memref<128x128xf32, #tpu.memory_space<hbm>>
      %dma_start3A_40 = arith.constant 0 : i32
      %dma_start3A_41 = arith.constant 0 : i32
      %dma_start3A_42 = tpu.memref_slice %arg8[%dma_start3A_40, %dma_start3A_41] : memref<384x128xf32, #tpu.memory_space<vmem>> -> memref<128x128xf32, #tpu.memory_space<vmem>>
      %dma_start3A_43 = arith.constant 0 : i32
      %dma_start3A_44 = tpu.memref_slice %arg3[%add3A_34, %dma_start3A_43] : memref<327680x128xf32, #tpu.memory_space<hbm>> -> memref<128x128xf32, #tpu.memory_space<hbm>>
      tpu.enqueue_dma source(%dma_start3A_44 : memref<128x128xf32, #tpu.memory_space<hbm>>) target(%dma_start3A_42 : memref<128x128xf32, #tpu.memory_space<vmem>>) target_semaphore(%arg13 : memref<!tpu.dma_semaphore, #tpu.memory_space<semaphore_mem>>)
      %mul3A_45 = arith.constant 160 : i32
      %mul3A_46 = arith.muli %arg1, %mul3A_45 : i32
      %add3A_47 = arith.constant 1 : i32
      %add3A_48 = arith.addi %mul3A_46, %add3A_47 : i32
      %dma_start3A_49 = arith.constant 1 : i32
      %dma_start3A_50 = arith.constant 0 : i32
      %dma_start3A_51 = tpu.memref_slice %arg7[%dma_start3A_49, %dma_start3A_50] : memref<3x128xi32, #tpu.memory_space<vmem>> -> memref<1x128xi32, #tpu.memory_space<vmem>>
      %dma_start3A_52 = tpu.memref_squeeze %dma_start3A_51 : memref<1x128xi32, #tpu.memory_space<vmem>> -> memref<128xi32, #tpu.memory_space<vmem>>
      %dma_start3A_53 = arith.constant 0 : i32
      %dma_start3A_54 = tpu.memref_slice %arg4[%add3A_48, %dma_start3A_53] : memref<2560x128xi32, #tpu.memory_space<hbm>> -> memref<1x128xi32, #tpu.memory_space<hbm>>
      %dma_start3A_55 = tpu.memref_squeeze %dma_start3A_54 : memref<1x128xi32, #tpu.memory_space<hbm>> -> memref<128xi32, #tpu.memory_space<hbm>>
      %dma_start3A_56 = arith.constant 0 : i32
      %dma_start3A_57 = tpu.memref_slice %arg7[%dma_start3A_49, %dma_start3A_56] : memref<3x128xi32, #tpu.memory_space<vmem>> -> memref<1x128xi32, #tpu.memory_space<vmem>>
      %dma_start3A_58 = tpu.memref_squeeze %dma_start3A_57 : memref<1x128xi32, #tpu.memory_space<vmem>> -> memref<128xi32, #tpu.memory_space<vmem>>
      %dma_start3A_59 = arith.constant 0 : i32
      %dma_start3A_60 = tpu.memref_slice %arg4[%add3A_48, %dma_start3A_59] : memref<2560x128xi32, #tpu.memory_space<hbm>> -> memref<1x128xi32, #tpu.memory_space<hbm>>
      %dma_start3A_61 = tpu.memref_squeeze %dma_start3A_60 : memref<1x128xi32, #tpu.memory_space<hbm>> -> memref<128xi32, #tpu.memory_space<hbm>>
      tpu.enqueue_dma source(%dma_start3A_61 : memref<128xi32, #tpu.memory_space<hbm>>) target(%dma_start3A_58 : memref<128xi32, #tpu.memory_space<vmem>>) target_semaphore(%arg11 : memref<!tpu.dma_semaphore, #tpu.memory_space<semaphore_mem>>)
      %mul3A_62 = arith.constant 20480 : i32
      %mul3A_63 = arith.muli %arg1, %mul3A_62 : i32
      %add3A_64 = arith.constant 128 : i32
      %add3A_65 = arith.addi %mul3A_63, %add3A_64 : i32
      %dma_start3A_66 = arith.constant 128 : i32
      %dma_start3A_67 = arith.constant 0 : i32
      %dma_start3A_68 = tpu.memref_slice %arg8[%dma_start3A_66, %dma_start3A_67] : memref<384x128xf32, #tpu.memory_space<vmem>> -> memref<128x128xf32, #tpu.memory_space<vmem>>
      %dma_start3A_69 = arith.constant 0 : i32
      %dma_start3A_70 = tpu.memref_slice %arg3[%add3A_65, %dma_start3A_69] : memref<327680x128xf32, #tpu.memory_space<hbm>> -> memref<128x128xf32, #tpu.memory_space<hbm>>
      %dma_start3A_71 = arith.constant 128 : i32
      %dma_start3A_72 = arith.constant 0 : i32
      %dma_start3A_73 = tpu.memref_slice %arg8[%dma_start3A_71, %dma_start3A_72] : memref<384x128xf32, #tpu.memory_space<vmem>> -> memref<128x128xf32, #tpu.memory_space<vmem>>
      %dma_start3A_74 = arith.constant 0 : i32
      %dma_start3A_75 = tpu.memref_slice %arg3[%add3A_65, %dma_start3A_74] : memref<327680x128xf32, #tpu.memory_space<hbm>> -> memref<128x128xf32, #tpu.memory_space<hbm>>
      tpu.enqueue_dma source(%dma_start3A_75 : memref<128x128xf32, #tpu.memory_space<hbm>>) target(%dma_start3A_73 : memref<128x128xf32, #tpu.memory_space<vmem>>) target_semaphore(%arg14 : memref<!tpu.dma_semaphore, #tpu.memory_space<semaphore_mem>>)
      %mul3A_76 = arith.constant 160 : i32
      %mul3A_77 = arith.muli %arg1, %mul3A_76 : i32
      %add3A_78 = arith.constant 2 : i32
      %add3A_79 = arith.addi %mul3A_77, %add3A_78 : i32
      %dma_start3A_80 = arith.constant 2 : i32
      %dma_start3A_81 = arith.constant 0 : i32
      %dma_start3A_82 = tpu.memref_slice %arg7[%dma_start3A_80, %dma_start3A_81] : memref<3x128xi32, #tpu.memory_space<vmem>> -> memref<1x128xi32, #tpu.memory_space<vmem>>
      %dma_start3A_83 = tpu.memref_squeeze %dma_start3A_82 : memref<1x128xi32, #tpu.memory_space<vmem>> -> memref<128xi32, #tpu.memory_space<vmem>>
      %dma_start3A_84 = arith.constant 0 : i32
      %dma_start3A_85 = tpu.memref_slice %arg4[%add3A_79, %dma_start3A_84] : memref<2560x128xi32, #tpu.memory_space<hbm>> -> memref<1x128xi32, #tpu.memory_space<hbm>>
      %dma_start3A_86 = tpu.memref_squeeze %dma_start3A_85 : memref<1x128xi32, #tpu.memory_space<hbm>> -> memref<128xi32, #tpu.memory_space<hbm>>
      %dma_start3A_87 = arith.constant 0 : i32
      %dma_start3A_88 = tpu.memref_slice %arg7[%dma_start3A_80, %dma_start3A_87] : memref<3x128xi32, #tpu.memory_space<vmem>> -> memref<1x128xi32, #tpu.memory_space<vmem>>
      %dma_start3A_89 = tpu.memref_squeeze %dma_start3A_88 : memref<1x128xi32, #tpu.memory_space<vmem>> -> memref<128xi32, #tpu.memory_space<vmem>>
      %dma_start3A_90 = arith.constant 0 : i32
      %dma_start3A_91 = tpu.memref_slice %arg4[%add3A_79, %dma_start3A_90] : memref<2560x128xi32, #tpu.memory_space<hbm>> -> memref<1x128xi32, #tpu.memory_space<hbm>>
      %dma_start3A_92 = tpu.memref_squeeze %dma_start3A_91 : memref<1x128xi32, #tpu.memory_space<hbm>> -> memref<128xi32, #tpu.memory_space<hbm>>
      tpu.enqueue_dma source(%dma_start3A_92 : memref<128xi32, #tpu.memory_space<hbm>>) target(%dma_start3A_89 : memref<128xi32, #tpu.memory_space<vmem>>) target_semaphore(%arg12 : memref<!tpu.dma_semaphore, #tpu.memory_space<semaphore_mem>>)
      %mul3A_93 = arith.constant 20480 : i32
      %mul3A_94 = arith.muli %arg1, %mul3A_93 : i32
      %add3A_95 = arith.constant 256 : i32
      %add3A_96 = arith.addi %mul3A_94, %add3A_95 : i32
      %dma_start3A_97 = arith.constant 256 : i32
      %dma_start3A_98 = arith.constant 0 : i32
      %dma_start3A_99 = tpu.memref_slice %arg8[%dma_start3A_97, %dma_start3A_98] : memref<384x128xf32, #tpu.memory_space<vmem>> -> memref<128x128xf32, #tpu.memory_space<vmem>>
      %dma_start3A_100 = arith.constant 0 : i32
      %dma_start3A_101 = tpu.memref_slice %arg3[%add3A_96, %dma_start3A_100] : memref<327680x128xf32, #tpu.memory_space<hbm>> -> memref<128x128xf32, #tpu.memory_space<hbm>>
      %dma_start3A_102 = arith.constant 256 : i32
      %dma_start3A_103 = arith.constant 0 : i32
      %dma_start3A_104 = tpu.memref_slice %arg8[%dma_start3A_102, %dma_start3A_103] : memref<384x128xf32, #tpu.memory_space<vmem>> -> memref<128x128xf32, #tpu.memory_space<vmem>>
      %dma_start3A_105 = arith.constant 0 : i32
      %dma_start3A_106 = tpu.memref_slice %arg3[%add3A_96, %dma_start3A_105] : memref<327680x128xf32, #tpu.memory_space<hbm>> -> memref<128x128xf32, #tpu.memory_space<hbm>>
      tpu.enqueue_dma source(%dma_start3A_106 : memref<128x128xf32, #tpu.memory_space<hbm>>) target(%dma_start3A_104 : memref<128x128xf32, #tpu.memory_space<vmem>>) target_semaphore(%arg15 : memref<!tpu.dma_semaphore, #tpu.memory_space<semaphore_mem>>)
      %scan3A = arith.constant 0 : i32
      %scan3A_107 = arith.constant 0 : i32
      %scan3A_108 = arith.constant 53 : i32
      %scan3A_109 = arith.addi %scan3A_107, %scan3A_108 : i32
      %scan3A_110 = arith.constant 1 : i32
      scf.for %scan3A_142 = %scan3A_107 to %scan3A_109 step %scan3A_110  : i32 {
        %mul3A_143 = arith.constant 3 : i32
        %mul3A_144 = arith.muli %scan3A_142, %mul3A_143 : i32
        %add3A_145 = arith.constant 0 : i32
        %add3A_146 = arith.addi %mul3A_144, %add3A_145 : i32
        %mul3A_147 = arith.constant 160 : i32
        %mul3A_148 = arith.muli %arg1, %mul3A_147 : i32
        %add3A_149 = arith.addi %mul3A_148, %add3A_146 : i32
        %dma_wait3A_150 = arith.constant 0 : i32
        %dma_wait3A_151 = arith.constant 0 : i32
        %dma_wait3A_152 = tpu.memref_slice %arg7[%dma_wait3A_150, %dma_wait3A_151] : memref<3x128xi32, #tpu.memory_space<vmem>> -> memref<1x128xi32, #tpu.memory_space<vmem>>
        %dma_wait3A_153 = tpu.memref_squeeze %dma_wait3A_152 : memref<1x128xi32, #tpu.memory_space<vmem>> -> memref<128xi32, #tpu.memory_space<vmem>>
        %dma_wait3A_154 = arith.constant 0 : i32
        %dma_wait3A_155 = tpu.memref_slice %arg4[%add3A_149, %dma_wait3A_154] : memref<2560x128xi32, #tpu.memory_space<hbm>> -> memref<1x128xi32, #tpu.memory_space<hbm>>
        %dma_wait3A_156 = tpu.memref_squeeze %dma_wait3A_155 : memref<1x128xi32, #tpu.memory_space<hbm>> -> memref<128xi32, #tpu.memory_space<hbm>>
        %dma_wait3A_157 = arith.constant 0 : i32
        %dma_wait3A_158 = tpu.memref_slice %arg7[%dma_wait3A_150, %dma_wait3A_157] : memref<3x128xi32, #tpu.memory_space<vmem>> -> memref<1x128xi32, #tpu.memory_space<vmem>>
        %dma_wait3A_159 = tpu.memref_squeeze %dma_wait3A_158 : memref<1x128xi32, #tpu.memory_space<vmem>> -> memref<128xi32, #tpu.memory_space<vmem>>
        %dma_wait3A_160 = arith.constant 0 : i32
        %dma_wait3A_161 = tpu.memref_slice %arg4[%add3A_149, %dma_wait3A_160] : memref<2560x128xi32, #tpu.memory_space<hbm>> -> memref<1x128xi32, #tpu.memory_space<hbm>>
        %dma_wait3A_162 = tpu.memref_squeeze %dma_wait3A_161 : memref<1x128xi32, #tpu.memory_space<hbm>> -> memref<128xi32, #tpu.memory_space<hbm>>
        tpu.wait_dma2 semaphore(%arg10 : memref<!tpu.dma_semaphore, #tpu.memory_space<semaphore_mem>>) src(%dma_wait3A_162 : memref<128xi32, #tpu.memory_space<hbm>>) dst(%dma_wait3A_159 : memref<128xi32, #tpu.memory_space<vmem>>)
        %mul3A_163 = arith.constant 20480 : i32
        %mul3A_164 = arith.muli %arg1, %mul3A_163 : i32
        %mul3A_165 = arith.constant 128 : i32
        %mul3A_166 = arith.muli %add3A_146, %mul3A_165 : i32
        %add3A_167 = arith.addi %mul3A_164, %mul3A_166 : i32
        %dma_wait3A_168 = arith.constant 0 : i32
        %dma_wait3A_169 = arith.constant 0 : i32
        %dma_wait3A_170 = tpu.memref_slice %arg8[%dma_wait3A_168, %dma_wait3A_169] : memref<384x128xf32, #tpu.memory_space<vmem>> -> memref<128x128xf32, #tpu.memory_space<vmem>>
        %dma_wait3A_171 = arith.constant 0 : i32
        %dma_wait3A_172 = tpu.memref_slice %arg3[%add3A_167, %dma_wait3A_171] : memref<327680x128xf32, #tpu.memory_space<hbm>> -> memref<128x128xf32, #tpu.memory_space<hbm>>
        %dma_wait3A_173 = arith.constant 0 : i32
        %dma_wait3A_174 = arith.constant 0 : i32
        %dma_wait3A_175 = tpu.memref_slice %arg8[%dma_wait3A_173, %dma_wait3A_174] : memref<384x128xf32, #tpu.memory_space<vmem>> -> memref<128x128xf32, #tpu.memory_space<vmem>>
        %dma_wait3A_176 = arith.constant 0 : i32
        %dma_wait3A_177 = tpu.memref_slice %arg3[%add3A_167, %dma_wait3A_176] : memref<327680x128xf32, #tpu.memory_space<hbm>> -> memref<128x128xf32, #tpu.memory_space<hbm>>
        tpu.wait_dma2 semaphore(%arg13 : memref<!tpu.dma_semaphore, #tpu.memory_space<semaphore_mem>>) src(%dma_wait3A_177 : memref<128x128xf32, #tpu.memory_space<hbm>>) dst(%dma_wait3A_175 : memref<128x128xf32, #tpu.memory_space<vmem>>)
        %dma_start3A_178 = arith.constant 0 : i32
        %dma_start3A_179 = arith.constant 0 : i32
        %dma_start3A_180 = arith.constant 0 : i32
        %dma_start3A_181 = tpu.memref_slice %arg8[%dma_start3A_179, %dma_start3A_180] : memref<384x128xf32, #tpu.memory_space<vmem>> -> memref<128x128xf32, #tpu.memory_space<vmem>>
        %dma_start3A_182 = arith.constant 0 : i32
        %dma_start3A_183 = tpu.memref_slice %arg7[%dma_start3A_178, %dma_start3A_182] : memref<3x128xi32, #tpu.memory_space<vmem>> -> memref<1x128xi32, #tpu.memory_space<vmem>>
        %dma_start3A_184 = tpu.memref_squeeze %dma_start3A_183 : memref<1x128xi32, #tpu.memory_space<vmem>> -> memref<128xi32, #tpu.memory_space<vmem>>
        %dma_start3A_185 = arith.constant 0 : i32
        %dma_start3A_186 = arith.constant 0 : i32
        %dma_start3A_187 = tpu.memref_slice %arg9[%dma_start3A_185, %dma_start3A_186] : memref<10000x128xf32, #tpu.memory_space<vmem_shared>> -> memref<10000x128xf32, #tpu.memory_space<vmem_shared>>
        tpu.enqueue_indirect_dma source(%dma_start3A_181 : memref<128x128xf32, #tpu.memory_space<vmem>>) target(%dma_start3A_187 : memref<10000x128xf32, #tpu.memory_space<vmem_shared>>) offsets(%dma_start3A_184 : memref<128xi32, #tpu.memory_space<vmem>>) semaphore(%arg16 : memref<!tpu.dma_semaphore, #tpu.memory_space<semaphore_mem>>) {add = true}
        %mul3A_188 = arith.constant 3 : i32
        %mul3A_189 = arith.muli %scan3A_142, %mul3A_188 : i32
        %add3A_190 = arith.constant 1 : i32
        %add3A_191 = arith.addi %mul3A_189, %add3A_190 : i32
        %mul3A_192 = arith.constant 160 : i32
        %mul3A_193 = arith.muli %arg1, %mul3A_192 : i32
        %add3A_194 = arith.addi %mul3A_193, %add3A_191 : i32
        %dma_wait3A_195 = arith.constant 1 : i32
        %dma_wait3A_196 = arith.constant 0 : i32
        %dma_wait3A_197 = tpu.memref_slice %arg7[%dma_wait3A_195, %dma_wait3A_196] : memref<3x128xi32, #tpu.memory_space<vmem>> -> memref<1x128xi32, #tpu.memory_space<vmem>>
        %dma_wait3A_198 = tpu.memref_squeeze %dma_wait3A_197 : memref<1x128xi32, #tpu.memory_space<vmem>> -> memref<128xi32, #tpu.memory_space<vmem>>
        %dma_wait3A_199 = arith.constant 0 : i32
        %dma_wait3A_200 = tpu.memref_slice %arg4[%add3A_194, %dma_wait3A_199] : memref<2560x128xi32, #tpu.memory_space<hbm>> -> memref<1x128xi32, #tpu.memory_space<hbm>>
        %dma_wait3A_201 = tpu.memref_squeeze %dma_wait3A_200 : memref<1x128xi32, #tpu.memory_space<hbm>> -> memref<128xi32, #tpu.memory_space<hbm>>
        %dma_wait3A_202 = arith.constant 0 : i32
        %dma_wait3A_203 = tpu.memref_slice %arg7[%dma_wait3A_195, %dma_wait3A_202] : memref<3x128xi32, #tpu.memory_space<vmem>> -> memref<1x128xi32, #tpu.memory_space<vmem>>
        %dma_wait3A_204 = tpu.memref_squeeze %dma_wait3A_203 : memref<1x128xi32, #tpu.memory_space<vmem>> -> memref<128xi32, #tpu.memory_space<vmem>>
        %dma_wait3A_205 = arith.constant 0 : i32
        %dma_wait3A_206 = tpu.memref_slice %arg4[%add3A_194, %dma_wait3A_205] : memref<2560x128xi32, #tpu.memory_space<hbm>> -> memref<1x128xi32, #tpu.memory_space<hbm>>
        %dma_wait3A_207 = tpu.memref_squeeze %dma_wait3A_206 : memref<1x128xi32, #tpu.memory_space<hbm>> -> memref<128xi32, #tpu.memory_space<hbm>>
        tpu.wait_dma2 semaphore(%arg11 : memref<!tpu.dma_semaphore, #tpu.memory_space<semaphore_mem>>) src(%dma_wait3A_207 : memref<128xi32, #tpu.memory_space<hbm>>) dst(%dma_wait3A_204 : memref<128xi32, #tpu.memory_space<vmem>>)
        %mul3A_208 = arith.constant 20480 : i32
        %mul3A_209 = arith.muli %arg1, %mul3A_208 : i32
        %mul3A_210 = arith.constant 128 : i32
        %mul3A_211 = arith.muli %add3A_191, %mul3A_210 : i32
        %add3A_212 = arith.addi %mul3A_209, %mul3A_211 : i32
        %dma_wait3A_213 = arith.constant 128 : i32
        %dma_wait3A_214 = arith.constant 0 : i32
        %dma_wait3A_215 = tpu.memref_slice %arg8[%dma_wait3A_213, %dma_wait3A_214] : memref<384x128xf32, #tpu.memory_space<vmem>> -> memref<128x128xf32, #tpu.memory_space<vmem>>
        %dma_wait3A_216 = arith.constant 0 : i32
        %dma_wait3A_217 = tpu.memref_slice %arg3[%add3A_212, %dma_wait3A_216] : memref<327680x128xf32, #tpu.memory_space<hbm>> -> memref<128x128xf32, #tpu.memory_space<hbm>>
        %dma_wait3A_218 = arith.constant 128 : i32
        %dma_wait3A_219 = arith.constant 0 : i32
        %dma_wait3A_220 = tpu.memref_slice %arg8[%dma_wait3A_218, %dma_wait3A_219] : memref<384x128xf32, #tpu.memory_space<vmem>> -> memref<128x128xf32, #tpu.memory_space<vmem>>
        %dma_wait3A_221 = arith.constant 0 : i32
        %dma_wait3A_222 = tpu.memref_slice %arg3[%add3A_212, %dma_wait3A_221] : memref<327680x128xf32, #tpu.memory_space<hbm>> -> memref<128x128xf32, #tpu.memory_space<hbm>>
        tpu.wait_dma2 semaphore(%arg14 : memref<!tpu.dma_semaphore, #tpu.memory_space<semaphore_mem>>) src(%dma_wait3A_222 : memref<128x128xf32, #tpu.memory_space<hbm>>) dst(%dma_wait3A_220 : memref<128x128xf32, #tpu.memory_space<vmem>>)
        %dma_start3A_223 = arith.constant 1 : i32
        %dma_start3A_224 = arith.constant 128 : i32
        %dma_start3A_225 = arith.constant 0 : i32
        %dma_start3A_226 = tpu.memref_slice %arg8[%dma_start3A_224, %dma_start3A_225] : memref<384x128xf32, #tpu.memory_space<vmem>> -> memref<128x128xf32, #tpu.memory_space<vmem>>
        %dma_start3A_227 = arith.constant 0 : i32
        %dma_start3A_228 = tpu.memref_slice %arg7[%dma_start3A_223, %dma_start3A_227] : memref<3x128xi32, #tpu.memory_space<vmem>> -> memref<1x128xi32, #tpu.memory_space<vmem>>
        %dma_start3A_229 = tpu.memref_squeeze %dma_start3A_228 : memref<1x128xi32, #tpu.memory_space<vmem>> -> memref<128xi32, #tpu.memory_space<vmem>>
        %dma_start3A_230 = arith.constant 0 : i32
        %dma_start3A_231 = arith.constant 0 : i32
        %dma_start3A_232 = tpu.memref_slice %arg9[%dma_start3A_230, %dma_start3A_231] : memref<10000x128xf32, #tpu.memory_space<vmem_shared>> -> memref<10000x128xf32, #tpu.memory_space<vmem_shared>>
        tpu.enqueue_indirect_dma source(%dma_start3A_226 : memref<128x128xf32, #tpu.memory_space<vmem>>) target(%dma_start3A_232 : memref<10000x128xf32, #tpu.memory_space<vmem_shared>>) offsets(%dma_start3A_229 : memref<128xi32, #tpu.memory_space<vmem>>) semaphore(%arg17 : memref<!tpu.dma_semaphore, #tpu.memory_space<semaphore_mem>>) {add = true}
        %mul3A_233 = arith.constant 3 : i32
        %mul3A_234 = arith.muli %scan3A_142, %mul3A_233 : i32
        %add3A_235 = arith.constant 2 : i32
        %add3A_236 = arith.addi %mul3A_234, %add3A_235 : i32
        %mul3A_237 = arith.constant 160 : i32
        %mul3A_238 = arith.muli %arg1, %mul3A_237 : i32
        %add3A_239 = arith.addi %mul3A_238, %add3A_236 : i32
        %dma_wait3A_240 = arith.constant 2 : i32
        %dma_wait3A_241 = arith.constant 0 : i32
        %dma_wait3A_242 = tpu.memref_slice %arg7[%dma_wait3A_240, %dma_wait3A_241] : memref<3x128xi32, #tpu.memory_space<vmem>> -> memref<1x128xi32, #tpu.memory_space<vmem>>
        %dma_wait3A_243 = tpu.memref_squeeze %dma_wait3A_242 : memref<1x128xi32, #tpu.memory_space<vmem>> -> memref<128xi32, #tpu.memory_space<vmem>>
        %dma_wait3A_244 = arith.constant 0 : i32
        %dma_wait3A_245 = tpu.memref_slice %arg4[%add3A_239, %dma_wait3A_244] : memref<2560x128xi32, #tpu.memory_space<hbm>> -> memref<1x128xi32, #tpu.memory_space<hbm>>
        %dma_wait3A_246 = tpu.memref_squeeze %dma_wait3A_245 : memref<1x128xi32, #tpu.memory_space<hbm>> -> memref<128xi32, #tpu.memory_space<hbm>>
        %dma_wait3A_247 = arith.constant 0 : i32
        %dma_wait3A_248 = tpu.memref_slice %arg7[%dma_wait3A_240, %dma_wait3A_247] : memref<3x128xi32, #tpu.memory_space<vmem>> -> memref<1x128xi32, #tpu.memory_space<vmem>>
        %dma_wait3A_249 = tpu.memref_squeeze %dma_wait3A_248 : memref<1x128xi32, #tpu.memory_space<vmem>> -> memref<128xi32, #tpu.memory_space<vmem>>
        %dma_wait3A_250 = arith.constant 0 : i32
        %dma_wait3A_251 = tpu.memref_slice %arg4[%add3A_239, %dma_wait3A_250] : memref<2560x128xi32, #tpu.memory_space<hbm>> -> memref<1x128xi32, #tpu.memory_space<hbm>>
        %dma_wait3A_252 = tpu.memref_squeeze %dma_wait3A_251 : memref<1x128xi32, #tpu.memory_space<hbm>> -> memref<128xi32, #tpu.memory_space<hbm>>
        tpu.wait_dma2 semaphore(%arg12 : memref<!tpu.dma_semaphore, #tpu.memory_space<semaphore_mem>>) src(%dma_wait3A_252 : memref<128xi32, #tpu.memory_space<hbm>>) dst(%dma_wait3A_249 : memref<128xi32, #tpu.memory_space<vmem>>)
        %mul3A_253 = arith.constant 20480 : i32
        %mul3A_254 = arith.muli %arg1, %mul3A_253 : i32
        %mul3A_255 = arith.constant 128 : i32
        %mul3A_256 = arith.muli %add3A_236, %mul3A_255 : i32
        %add3A_257 = arith.addi %mul3A_254, %mul3A_256 : i32
        %dma_wait3A_258 = arith.constant 256 : i32
        %dma_wait3A_259 = arith.constant 0 : i32
        %dma_wait3A_260 = tpu.memref_slice %arg8[%dma_wait3A_258, %dma_wait3A_259] : memref<384x128xf32, #tpu.memory_space<vmem>> -> memref<128x128xf32, #tpu.memory_space<vmem>>
        %dma_wait3A_261 = arith.constant 0 : i32
        %dma_wait3A_262 = tpu.memref_slice %arg3[%add3A_257, %dma_wait3A_261] : memref<327680x128xf32, #tpu.memory_space<hbm>> -> memref<128x128xf32, #tpu.memory_space<hbm>>
        %dma_wait3A_263 = arith.constant 256 : i32
        %dma_wait3A_264 = arith.constant 0 : i32
        %dma_wait3A_265 = tpu.memref_slice %arg8[%dma_wait3A_263, %dma_wait3A_264] : memref<384x128xf32, #tpu.memory_space<vmem>> -> memref<128x128xf32, #tpu.memory_space<vmem>>
        %dma_wait3A_266 = arith.constant 0 : i32
        %dma_wait3A_267 = tpu.memref_slice %arg3[%add3A_257, %dma_wait3A_266] : memref<327680x128xf32, #tpu.memory_space<hbm>> -> memref<128x128xf32, #tpu.memory_space<hbm>>
        tpu.wait_dma2 semaphore(%arg15 : memref<!tpu.dma_semaphore, #tpu.memory_space<semaphore_mem>>) src(%dma_wait3A_267 : memref<128x128xf32, #tpu.memory_space<hbm>>) dst(%dma_wait3A_265 : memref<128x128xf32, #tpu.memory_space<vmem>>)
        %dma_start3A_268 = arith.constant 2 : i32
        %dma_start3A_269 = arith.constant 256 : i32
        %dma_start3A_270 = arith.constant 0 : i32
        %dma_start3A_271 = tpu.memref_slice %arg8[%dma_start3A_269, %dma_start3A_270] : memref<384x128xf32, #tpu.memory_space<vmem>> -> memref<128x128xf32, #tpu.memory_space<vmem>>
        %dma_start3A_272 = arith.constant 0 : i32
        %dma_start3A_273 = tpu.memref_slice %arg7[%dma_start3A_268, %dma_start3A_272] : memref<3x128xi32, #tpu.memory_space<vmem>> -> memref<1x128xi32, #tpu.memory_space<vmem>>
        %dma_start3A_274 = tpu.memref_squeeze %dma_start3A_273 : memref<1x128xi32, #tpu.memory_space<vmem>> -> memref<128xi32, #tpu.memory_space<vmem>>
        %dma_start3A_275 = arith.constant 0 : i32
        %dma_start3A_276 = arith.constant 0 : i32
        %dma_start3A_277 = tpu.memref_slice %arg9[%dma_start3A_275, %dma_start3A_276] : memref<10000x128xf32, #tpu.memory_space<vmem_shared>> -> memref<10000x128xf32, #tpu.memory_space<vmem_shared>>
        tpu.enqueue_indirect_dma source(%dma_start3A_271 : memref<128x128xf32, #tpu.memory_space<vmem>>) target(%dma_start3A_277 : memref<10000x128xf32, #tpu.memory_space<vmem_shared>>) offsets(%dma_start3A_274 : memref<128xi32, #tpu.memory_space<vmem>>) semaphore(%arg18 : memref<!tpu.dma_semaphore, #tpu.memory_space<semaphore_mem>>) {add = true}
        %mul3A_278 = arith.constant 3 : i32
        %mul3A_279 = arith.muli %scan3A_142, %mul3A_278 : i32
        %add3A_280 = arith.constant 0 : i32
        %add3A_281 = arith.addi %mul3A_279, %add3A_280 : i32
        %dma_wait3A_282 = arith.constant 0 : i32
        %dma_wait3A_283 = arith.constant 0 : i32
        %dma_wait3A_284 = arith.constant 0 : i32
        %dma_wait3A_285 = tpu.memref_slice %arg8[%dma_wait3A_283, %dma_wait3A_284] : memref<384x128xf32, #tpu.memory_space<vmem>> -> memref<128x128xf32, #tpu.memory_space<vmem>>
        %dma_wait3A_286 = arith.constant 0 : i32
        %dma_wait3A_287 = tpu.memref_slice %arg7[%dma_wait3A_282, %dma_wait3A_286] : memref<3x128xi32, #tpu.memory_space<vmem>> -> memref<1x128xi32, #tpu.memory_space<vmem>>
        %dma_wait3A_288 = tpu.memref_squeeze %dma_wait3A_287 : memref<1x128xi32, #tpu.memory_space<vmem>> -> memref<128xi32, #tpu.memory_space<vmem>>
        %dma_wait3A_289 = arith.constant 0 : i32
        %dma_wait3A_290 = arith.constant 0 : i32
        %dma_wait3A_291 = tpu.memref_slice %arg9[%dma_wait3A_289, %dma_wait3A_290] : memref<10000x128xf32, #tpu.memory_space<vmem_shared>> -> memref<10000x128xf32, #tpu.memory_space<vmem_shared>>
        tpu.wait_indirect_dma semaphore(%arg16 : memref<!tpu.dma_semaphore, #tpu.memory_space<semaphore_mem>>) src(%dma_wait3A_285 : memref<128x128xf32, #tpu.memory_space<vmem>>) dst(%dma_wait3A_291 : memref<10000x128xf32, #tpu.memory_space<vmem_shared>>)
        %add3A_292 = arith.constant 3 : i32
        %add3A_293 = arith.addi %add3A_281, %add3A_292 : i32
        %lt3A_294 = arith.constant 160 : i32
        %lt3A_295 = arith.cmpi slt, %add3A_293, %lt3A_294 : i32
        %convert_element_type3A_296 = arith.extui %lt3A_295 : i1 to i32
        %cond3A_297 = arith.constant 0 : i32
        %cond3A_298 = arith.cmpi ne, %convert_element_type3A_296, %cond3A_297 : i32
        scf.if %cond3A_298 {
          %add3A_341 = arith.constant 3 : i32
          %add3A_342 = arith.addi %add3A_281, %add3A_341 : i32
          %mul3A_343 = arith.constant 160 : i32
          %mul3A_344 = arith.muli %arg1, %mul3A_343 : i32
          %add3A_345 = arith.addi %mul3A_344, %add3A_342 : i32
          %dma_start3A_346 = arith.constant 0 : i32
          %dma_start3A_347 = arith.constant 0 : i32
          %dma_start3A_348 = tpu.memref_slice %arg7[%dma_start3A_346, %dma_start3A_347] : memref<3x128xi32, #tpu.memory_space<vmem>> -> memref<1x128xi32, #tpu.memory_space<vmem>>
          %dma_start3A_349 = tpu.memref_squeeze %dma_start3A_348 : memref<1x128xi32, #tpu.memory_space<vmem>> -> memref<128xi32, #tpu.memory_space<vmem>>
          %dma_start3A_350 = arith.constant 0 : i32
          %dma_start3A_351 = tpu.memref_slice %arg4[%add3A_345, %dma_start3A_350] : memref<2560x128xi32, #tpu.memory_space<hbm>> -> memref<1x128xi32, #tpu.memory_space<hbm>>
          %dma_start3A_352 = tpu.memref_squeeze %dma_start3A_351 : memref<1x128xi32, #tpu.memory_space<hbm>> -> memref<128xi32, #tpu.memory_space<hbm>>
          %dma_start3A_353 = arith.constant 0 : i32
          %dma_start3A_354 = tpu.memref_slice %arg7[%dma_start3A_346, %dma_start3A_353] : memref<3x128xi32, #tpu.memory_space<vmem>> -> memref<1x128xi32, #tpu.memory_space<vmem>>
          %dma_start3A_355 = tpu.memref_squeeze %dma_start3A_354 : memref<1x128xi32, #tpu.memory_space<vmem>> -> memref<128xi32, #tpu.memory_space<vmem>>
          %dma_start3A_356 = arith.constant 0 : i32
          %dma_start3A_357 = tpu.memref_slice %arg4[%add3A_345, %dma_start3A_356] : memref<2560x128xi32, #tpu.memory_space<hbm>> -> memref<1x128xi32, #tpu.memory_space<hbm>>
          %dma_start3A_358 = tpu.memref_squeeze %dma_start3A_357 : memref<1x128xi32, #tpu.memory_space<hbm>> -> memref<128xi32, #tpu.memory_space<hbm>>
          tpu.enqueue_dma source(%dma_start3A_358 : memref<128xi32, #tpu.memory_space<hbm>>) target(%dma_start3A_355 : memref<128xi32, #tpu.memory_space<vmem>>) target_semaphore(%arg10 : memref<!tpu.dma_semaphore, #tpu.memory_space<semaphore_mem>>)
          %mul3A_359 = arith.constant 20480 : i32
          %mul3A_360 = arith.muli %arg1, %mul3A_359 : i32
          %mul3A_361 = arith.constant 128 : i32
          %mul3A_362 = arith.muli %add3A_342, %mul3A_361 : i32
          %add3A_363 = arith.addi %mul3A_360, %mul3A_362 : i32
          %dma_start3A_364 = arith.constant 0 : i32
          %dma_start3A_365 = arith.constant 0 : i32
          %dma_start3A_366 = tpu.memref_slice %arg8[%dma_start3A_364, %dma_start3A_365] : memref<384x128xf32, #tpu.memory_space<vmem>> -> memref<128x128xf32, #tpu.memory_space<vmem>>
          %dma_start3A_367 = arith.constant 0 : i32
          %dma_start3A_368 = tpu.memref_slice %arg3[%add3A_363, %dma_start3A_367] : memref<327680x128xf32, #tpu.memory_space<hbm>> -> memref<128x128xf32, #tpu.memory_space<hbm>>
          %dma_start3A_369 = arith.constant 0 : i32
          %dma_start3A_370 = arith.constant 0 : i32
          %dma_start3A_371 = tpu.memref_slice %arg8[%dma_start3A_369, %dma_start3A_370] : memref<384x128xf32, #tpu.memory_space<vmem>> -> memref<128x128xf32, #tpu.memory_space<vmem>>
          %dma_start3A_372 = arith.constant 0 : i32
          %dma_start3A_373 = tpu.memref_slice %arg3[%add3A_363, %dma_start3A_372] : memref<327680x128xf32, #tpu.memory_space<hbm>> -> memref<128x128xf32, #tpu.memory_space<hbm>>
          tpu.enqueue_dma source(%dma_start3A_373 : memref<128x128xf32, #tpu.memory_space<hbm>>) target(%dma_start3A_371 : memref<128x128xf32, #tpu.memory_space<vmem>>) target_semaphore(%arg13 : memref<!tpu.dma_semaphore, #tpu.memory_space<semaphore_mem>>)
        } else {
        }
        %mul3A_299 = arith.constant 3 : i32
        %mul3A_300 = arith.muli %scan3A_142, %mul3A_299 : i32
        %add3A_301 = arith.constant 1 : i32
        %add3A_302 = arith.addi %mul3A_300, %add3A_301 : i32
        %dma_wait3A_303 = arith.constant 1 : i32
        %dma_wait3A_304 = arith.constant 128 : i32
        %dma_wait3A_305 = arith.constant 0 : i32
        %dma_wait3A_306 = tpu.memref_slice %arg8[%dma_wait3A_304, %dma_wait3A_305] : memref<384x128xf32, #tpu.memory_space<vmem>> -> memref<128x128xf32, #tpu.memory_space<vmem>>
        %dma_wait3A_307 = arith.constant 0 : i32
        %dma_wait3A_308 = tpu.memref_slice %arg7[%dma_wait3A_303, %dma_wait3A_307] : memref<3x128xi32, #tpu.memory_space<vmem>> -> memref<1x128xi32, #tpu.memory_space<vmem>>
        %dma_wait3A_309 = tpu.memref_squeeze %dma_wait3A_308 : memref<1x128xi32, #tpu.memory_space<vmem>> -> memref<128xi32, #tpu.memory_space<vmem>>
        %dma_wait3A_310 = arith.constant 0 : i32
        %dma_wait3A_311 = arith.constant 0 : i32
        %dma_wait3A_312 = tpu.memref_slice %arg9[%dma_wait3A_310, %dma_wait3A_311] : memref<10000x128xf32, #tpu.memory_space<vmem_shared>> -> memref<10000x128xf32, #tpu.memory_space<vmem_shared>>
        tpu.wait_indirect_dma semaphore(%arg17 : memref<!tpu.dma_semaphore, #tpu.memory_space<semaphore_mem>>) src(%dma_wait3A_306 : memref<128x128xf32, #tpu.memory_space<vmem>>) dst(%dma_wait3A_312 : memref<10000x128xf32, #tpu.memory_space<vmem_shared>>)
        %add3A_313 = arith.constant 3 : i32
        %add3A_314 = arith.addi %add3A_302, %add3A_313 : i32
        %lt3A_315 = arith.constant 160 : i32
        %lt3A_316 = arith.cmpi slt, %add3A_314, %lt3A_315 : i32
        %convert_element_type3A_317 = arith.extui %lt3A_316 : i1 to i32
        %cond3A_318 = arith.constant 0 : i32
        %cond3A_319 = arith.cmpi ne, %convert_element_type3A_317, %cond3A_318 : i32
        scf.if %cond3A_319 {
          %add3A_341 = arith.constant 3 : i32
          %add3A_342 = arith.addi %add3A_302, %add3A_341 : i32
          %mul3A_343 = arith.constant 160 : i32
          %mul3A_344 = arith.muli %arg1, %mul3A_343 : i32
          %add3A_345 = arith.addi %mul3A_344, %add3A_342 : i32
          %dma_start3A_346 = arith.constant 1 : i32
          %dma_start3A_347 = arith.constant 0 : i32
          %dma_start3A_348 = tpu.memref_slice %arg7[%dma_start3A_346, %dma_start3A_347] : memref<3x128xi32, #tpu.memory_space<vmem>> -> memref<1x128xi32, #tpu.memory_space<vmem>>
          %dma_start3A_349 = tpu.memref_squeeze %dma_start3A_348 : memref<1x128xi32, #tpu.memory_space<vmem>> -> memref<128xi32, #tpu.memory_space<vmem>>
          %dma_start3A_350 = arith.constant 0 : i32
          %dma_start3A_351 = tpu.memref_slice %arg4[%add3A_345, %dma_start3A_350] : memref<2560x128xi32, #tpu.memory_space<hbm>> -> memref<1x128xi32, #tpu.memory_space<hbm>>
          %dma_start3A_352 = tpu.memref_squeeze %dma_start3A_351 : memref<1x128xi32, #tpu.memory_space<hbm>> -> memref<128xi32, #tpu.memory_space<hbm>>
          %dma_start3A_353 = arith.constant 0 : i32
          %dma_start3A_354 = tpu.memref_slice %arg7[%dma_start3A_346, %dma_start3A_353] : memref<3x128xi32, #tpu.memory_space<vmem>> -> memref<1x128xi32, #tpu.memory_space<vmem>>
          %dma_start3A_355 = tpu.memref_squeeze %dma_start3A_354 : memref<1x128xi32, #tpu.memory_space<vmem>> -> memref<128xi32, #tpu.memory_space<vmem>>
          %dma_start3A_356 = arith.constant 0 : i32
          %dma_start3A_357 = tpu.memref_slice %arg4[%add3A_345, %dma_start3A_356] : memref<2560x128xi32, #tpu.memory_space<hbm>> -> memref<1x128xi32, #tpu.memory_space<hbm>>
          %dma_start3A_358 = tpu.memref_squeeze %dma_start3A_357 : memref<1x128xi32, #tpu.memory_space<hbm>> -> memref<128xi32, #tpu.memory_space<hbm>>
          tpu.enqueue_dma source(%dma_start3A_358 : memref<128xi32, #tpu.memory_space<hbm>>) target(%dma_start3A_355 : memref<128xi32, #tpu.memory_space<vmem>>) target_semaphore(%arg11 : memref<!tpu.dma_semaphore, #tpu.memory_space<semaphore_mem>>)
          %mul3A_359 = arith.constant 20480 : i32
          %mul3A_360 = arith.muli %arg1, %mul3A_359 : i32
          %mul3A_361 = arith.constant 128 : i32
          %mul3A_362 = arith.muli %add3A_342, %mul3A_361 : i32
          %add3A_363 = arith.addi %mul3A_360, %mul3A_362 : i32
          %dma_start3A_364 = arith.constant 128 : i32
          %dma_start3A_365 = arith.constant 0 : i32
          %dma_start3A_366 = tpu.memref_slice %arg8[%dma_start3A_364, %dma_start3A_365] : memref<384x128xf32, #tpu.memory_space<vmem>> -> memref<128x128xf32, #tpu.memory_space<vmem>>
          %dma_start3A_367 = arith.constant 0 : i32
          %dma_start3A_368 = tpu.memref_slice %arg3[%add3A_363, %dma_start3A_367] : memref<327680x128xf32, #tpu.memory_space<hbm>> -> memref<128x128xf32, #tpu.memory_space<hbm>>
          %dma_start3A_369 = arith.constant 128 : i32
          %dma_start3A_370 = arith.constant 0 : i32
          %dma_start3A_371 = tpu.memref_slice %arg8[%dma_start3A_369, %dma_start3A_370] : memref<384x128xf32, #tpu.memory_space<vmem>> -> memref<128x128xf32, #tpu.memory_space<vmem>>
          %dma_start3A_372 = arith.constant 0 : i32
          %dma_start3A_373 = tpu.memref_slice %arg3[%add3A_363, %dma_start3A_372] : memref<327680x128xf32, #tpu.memory_space<hbm>> -> memref<128x128xf32, #tpu.memory_space<hbm>>
          tpu.enqueue_dma source(%dma_start3A_373 : memref<128x128xf32, #tpu.memory_space<hbm>>) target(%dma_start3A_371 : memref<128x128xf32, #tpu.memory_space<vmem>>) target_semaphore(%arg14 : memref<!tpu.dma_semaphore, #tpu.memory_space<semaphore_mem>>)
        } else {
        }
        %mul3A_320 = arith.constant 3 : i32
        %mul3A_321 = arith.muli %scan3A_142, %mul3A_320 : i32
        %add3A_322 = arith.constant 2 : i32
        %add3A_323 = arith.addi %mul3A_321, %add3A_322 : i32
        %dma_wait3A_324 = arith.constant 2 : i32
        %dma_wait3A_325 = arith.constant 256 : i32
        %dma_wait3A_326 = arith.constant 0 : i32
        %dma_wait3A_327 = tpu.memref_slice %arg8[%dma_wait3A_325, %dma_wait3A_326] : memref<384x128xf32, #tpu.memory_space<vmem>> -> memref<128x128xf32, #tpu.memory_space<vmem>>
        %dma_wait3A_328 = arith.constant 0 : i32
        %dma_wait3A_329 = tpu.memref_slice %arg7[%dma_wait3A_324, %dma_wait3A_328] : memref<3x128xi32, #tpu.memory_space<vmem>> -> memref<1x128xi32, #tpu.memory_space<vmem>>
        %dma_wait3A_330 = tpu.memref_squeeze %dma_wait3A_329 : memref<1x128xi32, #tpu.memory_space<vmem>> -> memref<128xi32, #tpu.memory_space<vmem>>
        %dma_wait3A_331 = arith.constant 0 : i32
        %dma_wait3A_332 = arith.constant 0 : i32
        %dma_wait3A_333 = tpu.memref_slice %arg9[%dma_wait3A_331, %dma_wait3A_332] : memref<10000x128xf32, #tpu.memory_space<vmem_shared>> -> memref<10000x128xf32, #tpu.memory_space<vmem_shared>>
        tpu.wait_indirect_dma semaphore(%arg18 : memref<!tpu.dma_semaphore, #tpu.memory_space<semaphore_mem>>) src(%dma_wait3A_327 : memref<128x128xf32, #tpu.memory_space<vmem>>) dst(%dma_wait3A_333 : memref<10000x128xf32, #tpu.memory_space<vmem_shared>>)
        %add3A_334 = arith.constant 3 : i32
        %add3A_335 = arith.addi %add3A_323, %add3A_334 : i32
        %lt3A_336 = arith.constant 160 : i32
        %lt3A_337 = arith.cmpi slt, %add3A_335, %lt3A_336 : i32
        %convert_element_type3A_338 = arith.extui %lt3A_337 : i1 to i32
        %cond3A_339 = arith.constant 0 : i32
        %cond3A_340 = arith.cmpi ne, %convert_element_type3A_338, %cond3A_339 : i32
        scf.if %cond3A_340 {
          %add3A_341 = arith.constant 3 : i32
          %add3A_342 = arith.addi %add3A_323, %add3A_341 : i32
          %mul3A_343 = arith.constant 160 : i32
          %mul3A_344 = arith.muli %arg1, %mul3A_343 : i32
          %add3A_345 = arith.addi %mul3A_344, %add3A_342 : i32
          %dma_start3A_346 = arith.constant 2 : i32
          %dma_start3A_347 = arith.constant 0 : i32
          %dma_start3A_348 = tpu.memref_slice %arg7[%dma_start3A_346, %dma_start3A_347] : memref<3x128xi32, #tpu.memory_space<vmem>> -> memref<1x128xi32, #tpu.memory_space<vmem>>
          %dma_start3A_349 = tpu.memref_squeeze %dma_start3A_348 : memref<1x128xi32, #tpu.memory_space<vmem>> -> memref<128xi32, #tpu.memory_space<vmem>>
          %dma_start3A_350 = arith.constant 0 : i32
          %dma_start3A_351 = tpu.memref_slice %arg4[%add3A_345, %dma_start3A_350] : memref<2560x128xi32, #tpu.memory_space<hbm>> -> memref<1x128xi32, #tpu.memory_space<hbm>>
          %dma_start3A_352 = tpu.memref_squeeze %dma_start3A_351 : memref<1x128xi32, #tpu.memory_space<hbm>> -> memref<128xi32, #tpu.memory_space<hbm>>
          %dma_start3A_353 = arith.constant 0 : i32
          %dma_start3A_354 = tpu.memref_slice %arg7[%dma_start3A_346, %dma_start3A_353] : memref<3x128xi32, #tpu.memory_space<vmem>> -> memref<1x128xi32, #tpu.memory_space<vmem>>
          %dma_start3A_355 = tpu.memref_squeeze %dma_start3A_354 : memref<1x128xi32, #tpu.memory_space<vmem>> -> memref<128xi32, #tpu.memory_space<vmem>>
          %dma_start3A_356 = arith.constant 0 : i32
          %dma_start3A_357 = tpu.memref_slice %arg4[%add3A_345, %dma_start3A_356] : memref<2560x128xi32, #tpu.memory_space<hbm>> -> memref<1x128xi32, #tpu.memory_space<hbm>>
          %dma_start3A_358 = tpu.memref_squeeze %dma_start3A_357 : memref<1x128xi32, #tpu.memory_space<hbm>> -> memref<128xi32, #tpu.memory_space<hbm>>
          tpu.enqueue_dma source(%dma_start3A_358 : memref<128xi32, #tpu.memory_space<hbm>>) target(%dma_start3A_355 : memref<128xi32, #tpu.memory_space<vmem>>) target_semaphore(%arg12 : memref<!tpu.dma_semaphore, #tpu.memory_space<semaphore_mem>>)
          %mul3A_359 = arith.constant 20480 : i32
          %mul3A_360 = arith.muli %arg1, %mul3A_359 : i32
          %mul3A_361 = arith.constant 128 : i32
          %mul3A_362 = arith.muli %add3A_342, %mul3A_361 : i32
          %add3A_363 = arith.addi %mul3A_360, %mul3A_362 : i32
          %dma_start3A_364 = arith.constant 256 : i32
          %dma_start3A_365 = arith.constant 0 : i32
          %dma_start3A_366 = tpu.memref_slice %arg8[%dma_start3A_364, %dma_start3A_365] : memref<384x128xf32, #tpu.memory_space<vmem>> -> memref<128x128xf32, #tpu.memory_space<vmem>>
          %dma_start3A_367 = arith.constant 0 : i32
          %dma_start3A_368 = tpu.memref_slice %arg3[%add3A_363, %dma_start3A_367] : memref<327680x128xf32, #tpu.memory_space<hbm>> -> memref<128x128xf32, #tpu.memory_space<hbm>>
          %dma_start3A_369 = arith.constant 256 : i32
          %dma_start3A_370 = arith.constant 0 : i32
          %dma_start3A_371 = tpu.memref_slice %arg8[%dma_start3A_369, %dma_start3A_370] : memref<384x128xf32, #tpu.memory_space<vmem>> -> memref<128x128xf32, #tpu.memory_space<vmem>>
          %dma_start3A_372 = arith.constant 0 : i32
          %dma_start3A_373 = tpu.memref_slice %arg3[%add3A_363, %dma_start3A_372] : memref<327680x128xf32, #tpu.memory_space<hbm>> -> memref<128x128xf32, #tpu.memory_space<hbm>>
          tpu.enqueue_dma source(%dma_start3A_373 : memref<128x128xf32, #tpu.memory_space<hbm>>) target(%dma_start3A_371 : memref<128x128xf32, #tpu.memory_space<vmem>>) target_semaphore(%arg15 : memref<!tpu.dma_semaphore, #tpu.memory_space<semaphore_mem>>)
        } else {
        }
      }
      %scan3A_111 = arith.constant 53 : i32
      %mul3A_112 = arith.constant 160 : i32
      %mul3A_113 = arith.muli %arg1, %mul3A_112 : i32
      %add3A_114 = arith.constant 159 : i32
      %add3A_115 = arith.addi %mul3A_113, %add3A_114 : i32
      %dma_wait3A = arith.constant 0 : i32
      %dma_wait3A_116 = arith.constant 0 : i32
      %dma_wait3A_117 = tpu.memref_slice %arg7[%dma_wait3A, %dma_wait3A_116] : memref<3x128xi32, #tpu.memory_space<vmem>> -> memref<1x128xi32, #tpu.memory_space<vmem>>
      %dma_wait3A_118 = tpu.memref_squeeze %dma_wait3A_117 : memref<1x128xi32, #tpu.memory_space<vmem>> -> memref<128xi32, #tpu.memory_space<vmem>>
      %dma_wait3A_119 = arith.constant 0 : i32
      %dma_wait3A_120 = tpu.memref_slice %arg4[%add3A_115, %dma_wait3A_119] : memref<2560x128xi32, #tpu.memory_space<hbm>> -> memref<1x128xi32, #tpu.memory_space<hbm>>
      %dma_wait3A_121 = tpu.memref_squeeze %dma_wait3A_120 : memref<1x128xi32, #tpu.memory_space<hbm>> -> memref<128xi32, #tpu.memory_space<hbm>>
      %dma_wait3A_122 = arith.constant 0 : i32
      %dma_wait3A_123 = tpu.memref_slice %arg7[%dma_wait3A, %dma_wait3A_122] : memref<3x128xi32, #tpu.memory_space<vmem>> -> memref<1x128xi32, #tpu.memory_space<vmem>>
      %dma_wait3A_124 = tpu.memref_squeeze %dma_wait3A_123 : memref<1x128xi32, #tpu.memory_space<vmem>> -> memref<128xi32, #tpu.memory_space<vmem>>
      %dma_wait3A_125 = arith.constant 0 : i32
      %dma_wait3A_126 = tpu.memref_slice %arg4[%add3A_115, %dma_wait3A_125] : memref<2560x128xi32, #tpu.memory_space<hbm>> -> memref<1x128xi32, #tpu.memory_space<hbm>>
      %dma_wait3A_127 = tpu.memref_squeeze %dma_wait3A_126 : memref<1x128xi32, #tpu.memory_space<hbm>> -> memref<128xi32, #tpu.memory_space<hbm>>
      tpu.wait_dma2 semaphore(%arg10 : memref<!tpu.dma_semaphore, #tpu.memory_space<semaphore_mem>>) src(%dma_wait3A_127 : memref<128xi32, #tpu.memory_space<hbm>>) dst(%dma_wait3A_124 : memref<128xi32, #tpu.memory_space<vmem>>)
      %mul3A_128 = arith.constant 20480 : i32
      %mul3A_129 = arith.muli %arg1, %mul3A_128 : i32
      %add3A_130 = arith.constant 20352 : i32
      %add3A_131 = arith.addi %mul3A_129, %add3A_130 : i32
      %dma_wait3A_132 = arith.constant 0 : i32
      %dma_wait3A_133 = arith.constant 0 : i32
      %dma_wait3A_134 = tpu.memref_slice %arg8[%dma_wait3A_132, %dma_wait3A_133] : memref<384x128xf32, #tpu.memory_space<vmem>> -> memref<128x128xf32, #tpu.memory_space<vmem>>
      %dma_wait3A_135 = arith.constant 0 : i32
      %dma_wait3A_136 = tpu.memref_slice %arg3[%add3A_131, %dma_wait3A_135] : memref<327680x128xf32, #tpu.memory_space<hbm>> -> memref<128x128xf32, #tpu.memory_space<hbm>>
      %dma_wait3A_137 = arith.constant 0 : i32
      %dma_wait3A_138 = arith.constant 0 : i32
      %dma_wait3A_139 = tpu.memref_slice %arg8[%dma_wait3A_137, %dma_wait3A_138] : memref<384x128xf32, #tpu.memory_space<vmem>> -> memref<128x128xf32, #tpu.memory_space<vmem>>
      %dma_wait3A_140 = arith.constant 0 : i32
      %dma_wait3A_141 = tpu.memref_slice %arg3[%add3A_131, %dma_wait3A_140] : memref<327680x128xf32, #tpu.memory_space<hbm>> -> memref<128x128xf32, #tpu.memory_space<hbm>>
      tpu.wait_dma2 semaphore(%arg13 : memref<!tpu.dma_semaphore, #tpu.memory_space<semaphore_mem>>) src(%dma_wait3A_141 : memref<128x128xf32, #tpu.memory_space<hbm>>) dst(%dma_wait3A_139 : memref<128x128xf32, #tpu.memory_space<vmem>>)
      %run_scoped3A = arith.constant 0 : i32
      "tpu.region"() ({
        %run_scoped3A_142 = tpu.sem_alloc : memref<!tpu.dma_semaphore, #tpu.memory_space<semaphore_mem>>
        %dma_start3A_143 = arith.constant 0 : i32
        %dma_start3A_144 = arith.constant 0 : i32
        %dma_start3A_145 = tpu.memref_slice %arg8[%dma_start3A_143, %dma_start3A_144] : memref<384x128xf32, #tpu.memory_space<vmem>> -> memref<128x128xf32, #tpu.memory_space<vmem>>
        %dma_start3A_146 = arith.constant 0 : i32
        %dma_start3A_147 = tpu.memref_slice %arg7[%run_scoped3A, %dma_start3A_146] : memref<3x128xi32, #tpu.memory_space<vmem>> -> memref<1x128xi32, #tpu.memory_space<vmem>>
        %dma_start3A_148 = tpu.memref_squeeze %dma_start3A_147 : memref<1x128xi32, #tpu.memory_space<vmem>> -> memref<128xi32, #tpu.memory_space<vmem>>
        %dma_start3A_149 = arith.constant 0 : i32
        %dma_start3A_150 = arith.constant 0 : i32
        %dma_start3A_151 = tpu.memref_slice %arg9[%dma_start3A_149, %dma_start3A_150] : memref<10000x128xf32, #tpu.memory_space<vmem_shared>> -> memref<10000x128xf32, #tpu.memory_space<vmem_shared>>
        tpu.enqueue_indirect_dma source(%dma_start3A_145 : memref<128x128xf32, #tpu.memory_space<vmem>>) target(%dma_start3A_151 : memref<10000x128xf32, #tpu.memory_space<vmem_shared>>) offsets(%dma_start3A_148 : memref<128xi32, #tpu.memory_space<vmem>>) semaphore(%run_scoped3A_142 : memref<!tpu.dma_semaphore, #tpu.memory_space<semaphore_mem>>) {add = true}
        %dma_wait3A_152 = arith.constant 0 : i32
        %dma_wait3A_153 = arith.constant 0 : i32
        %dma_wait3A_154 = tpu.memref_slice %arg8[%dma_wait3A_152, %dma_wait3A_153] : memref<384x128xf32, #tpu.memory_space<vmem>> -> memref<128x128xf32, #tpu.memory_space<vmem>>
        %dma_wait3A_155 = arith.constant 0 : i32
        %dma_wait3A_156 = tpu.memref_slice %arg7[%run_scoped3A, %dma_wait3A_155] : memref<3x128xi32, #tpu.memory_space<vmem>> -> memref<1x128xi32, #tpu.memory_space<vmem>>
        %dma_wait3A_157 = tpu.memref_squeeze %dma_wait3A_156 : memref<1x128xi32, #tpu.memory_space<vmem>> -> memref<128xi32, #tpu.memory_space<vmem>>
        %dma_wait3A_158 = arith.constant 0 : i32
        %dma_wait3A_159 = arith.constant 0 : i32
        %dma_wait3A_160 = tpu.memref_slice %arg9[%dma_wait3A_158, %dma_wait3A_159] : memref<10000x128xf32, #tpu.memory_space<vmem_shared>> -> memref<10000x128xf32, #tpu.memory_space<vmem_shared>>
        tpu.wait_indirect_dma semaphore(%run_scoped3A_142 : memref<!tpu.dma_semaphore, #tpu.memory_space<semaphore_mem>>) src(%dma_wait3A_154 : memref<128x128xf32, #tpu.memory_space<vmem>>) dst(%dma_wait3A_160 : memref<10000x128xf32, #tpu.memory_space<vmem_shared>>)
        tpu.yield
      }) : () -> ()
    } else {
    }
    %barrier3A_11 = arith.constant 0 : index
    tpu.barrier barrier_id(%barrier3A_11)
    %lt3A_12 = arith.constant 10 : i32
    %lt3A_13 = arith.cmpi slt, %arg1, %lt3A_12 : i32
    %convert_element_type3A_14 = arith.extui %lt3A_13 : i1 to i32
    %cond3A_15 = arith.constant 0 : i32
    %cond3A_16 = arith.cmpi ne, %convert_element_type3A_14, %cond3A_15 : i32
    scf.if %cond3A_16 {
      %mul3A = arith.constant 1000 : i32
      %mul3A_17 = arith.muli %arg1, %mul3A : i32
      %mul3A_18 = arith.constant 10000 : i32
      %mul3A_19 = arith.muli %arg0, %mul3A_18 : i32
      %mul3A_20 = arith.constant 1000 : i32
      %mul3A_21 = arith.muli %arg1, %mul3A_20 : i32
      %add3A = arith.addi %mul3A_19, %mul3A_21 : i32
      "tpu.region"() ({
        %run_scoped3A = tpu.sem_alloc : memref<!tpu.dma_semaphore, #tpu.memory_space<semaphore_mem>>
        %dma_start3A = arith.constant 0 : i32
        %dma_start3A_22 = tpu.memref_slice %arg6[%add3A, %dma_start3A] : memref<20000x128xf32, #tpu.memory_space<hbm>> -> memref<1000x128xf32, #tpu.memory_space<hbm>>
        %dma_start3A_23 = arith.constant 0 : i32
        %dma_start3A_24 = tpu.memref_slice %arg9[%mul3A_17, %dma_start3A_23] : memref<10000x128xf32, #tpu.memory_space<vmem_shared>> -> memref<1000x128xf32, #tpu.memory_space<vmem_shared>>
        tpu.enqueue_dma source(%dma_start3A_24 : memref<1000x128xf32, #tpu.memory_space<vmem_shared>>) target(%dma_start3A_22 : memref<1000x128xf32, #tpu.memory_space<hbm>>) target_semaphore(%run_scoped3A : memref<!tpu.dma_semaphore, #tpu.memory_space<semaphore_mem>>)
        %dma_wait3A = arith.constant 0 : i32
        %dma_wait3A_25 = tpu.memref_slice %arg6[%add3A, %dma_wait3A] : memref<20000x128xf32, #tpu.memory_space<hbm>> -> memref<1000x128xf32, #tpu.memory_space<hbm>>
        %dma_wait3A_26 = arith.constant 0 : i32
        %dma_wait3A_27 = tpu.memref_slice %arg9[%mul3A_17, %dma_wait3A_26] : memref<10000x128xf32, #tpu.memory_space<vmem_shared>> -> memref<1000x128xf32, #tpu.memory_space<vmem_shared>>
        tpu.wait_dma2 semaphore(%run_scoped3A : memref<!tpu.dma_semaphore, #tpu.memory_space<semaphore_mem>>) src(%dma_wait3A_27 : memref<1000x128xf32, #tpu.memory_space<vmem_shared>>) dst(%dma_wait3A_25 : memref<1000x128xf32, #tpu.memory_space<hbm>>)
        tpu.yield
      }) : () -> ()
    } else {
    }
    return
  }
}

module attributes {stable_mosaic.version = 14 : i64} {
  func.func @body(%arg0: i32, %arg1: memref<1000x128xf32, #tpu.memory_space<vmem>>, %arg2: memref<128x128xf32, #tpu.memory_space<vmem>>, %arg3: memref<1x128xf32, #tpu.memory_space<vmem>>, %arg4: memref<128x128xf32, #tpu.memory_space<vmem>>, %arg5: memref<1x128xf32, #tpu.memory_space<vmem>>, %arg6: memref<1000x128xf32, #tpu.memory_space<vmem>>, %arg7: memref<1000x128xf32, #tpu.memory_space<vmem>>) attributes {dimension_semantics = [#tpu.dimension_semantics<arbitrary>], iteration_bounds = array<i64: 10>, scalar_prefetch = 0 : i64, scratch_operands = 0 : i64, tpu.core_type = #tpu.core_type<tc>, window_params = [{transform_indices = @transform_0, window_bounds = array<i64: 1000, 128>}, {pipeline_mode = #tpu.pipeline_mode<synchronous>, transform_indices = @transform_1, window_bounds = array<i64: 128, 128>}, {pipeline_mode = #tpu.pipeline_mode<synchronous>, transform_indices = @transform_2, window_bounds = array<i64: 1, 128>}, {pipeline_mode = #tpu.pipeline_mode<synchronous>, transform_indices = @transform_3, window_bounds = array<i64: 128, 128>}, {pipeline_mode = #tpu.pipeline_mode<synchronous>, transform_indices = @transform_4, window_bounds = array<i64: 1, 128>}, {transform_indices = @transform_5, window_bounds = array<i64: 1000, 128>}, {transform_indices = @transform_6, window_bounds = array<i64: 1000, 128>}]} {
    %get3A = arith.constant 0 : index
    %get3A_0 = arith.constant 0 : index
    %get3A_1 = vector.load %arg1[%get3A, %get3A_0] : memref<1000x128xf32, #tpu.memory_space<vmem>>, vector<1000x128xf32>
    %get3A_2 = arith.constant 0 : index
    %get3A_3 = arith.constant 0 : index
    %get3A_4 = vector.load %arg2[%get3A_2, %get3A_3] : memref<128x128xf32, #tpu.memory_space<vmem>>, vector<128x128xf32>
    %dot_general3A = arith.constant dense<0.000000e+00> : vector<1000x128xf32>
    %dot_general3A_5 = tpu.matmul %get3A_1, %get3A_4, %dot_general3A {dimension_numbers = #tpu.dot_dimension_numbers<[1], [0], [0], [1], [0, 0, 1, 1], [], []>, transpose_lhs_hint = false} : vector<1000x128xf32>, vector<128x128xf32>, vector<1000x128xf32> -> vector<1000x128xf32>
    %get3A_6 = arith.constant 0 : index
    %get3A_7 = arith.constant 0 : index
    %get3A_8 = vector.load %arg3[%get3A_6, %get3A_7] : memref<1x128xf32, #tpu.memory_space<vmem>>, vector<1x128xf32>
    %add3A = vector.broadcast %get3A_8 : vector<1x128xf32> to vector<1000x128xf32>
    %add3A_9 = arith.addf %dot_general3A_5, %add3A : vector<1000x128xf32>
    %swap3A = arith.constant 0 : index
    %swap3A_10 = arith.constant 0 : index
    %swap3A_11 = vector.load %arg6[%swap3A, %swap3A_10] : memref<1000x128xf32, #tpu.memory_space<vmem>>, vector<1000x128xf32>
    tpu.vector_store %arg6[%swap3A, %swap3A_10], %add3A_9 {strides = array<i32>} : memref<1000x128xf32, #tpu.memory_space<vmem>>, vector<1000x128xf32>,
    %get3A_12 = arith.constant 0 : index
    %get3A_13 = arith.constant 0 : index
    %get3A_14 = vector.load %arg4[%get3A_12, %get3A_13] : memref<128x128xf32, #tpu.memory_space<vmem>>, vector<128x128xf32>
    %dot_general3A_15 = arith.constant dense<0.000000e+00> : vector<1000x128xf32>
    %dot_general3A_16 = tpu.matmul %get3A_1, %get3A_14, %dot_general3A_15 {dimension_numbers = #tpu.dot_dimension_numbers<[1], [0], [0], [1], [0, 0, 1, 1], [], []>, transpose_lhs_hint = false} : vector<1000x128xf32>, vector<128x128xf32>, vector<1000x128xf32> -> vector<1000x128xf32>
    %get3A_17 = arith.constant 0 : index
    %get3A_18 = arith.constant 0 : index
    %get3A_19 = vector.load %arg5[%get3A_17, %get3A_18] : memref<1x128xf32, #tpu.memory_space<vmem>>, vector<1x128xf32>
    %add3A_20 = vector.broadcast %get3A_19 : vector<1x128xf32> to vector<1000x128xf32>
    %add3A_21 = arith.addf %dot_general3A_16, %add3A_20 : vector<1000x128xf32>
    %swap3A_22 = arith.constant 0 : index
    %swap3A_23 = arith.constant 0 : index
    %swap3A_24 = vector.load %arg7[%swap3A_22, %swap3A_23] : memref<1000x128xf32, #tpu.memory_space<vmem>>, vector<1000x128xf32>
    tpu.vector_store %arg7[%swap3A_22, %swap3A_23], %add3A_21 {strides = array<i32>} : memref<1000x128xf32, #tpu.memory_space<vmem>>, vector<1000x128xf32>,
    return
  }
  func.func @transform_0(%arg0: i32) -> (i32, i32) {
    %c0_i32 = arith.constant 0 : i32
    %c0_i32_0 = arith.constant 0 : i32
    return %arg0, %c0_i32 : i32, i32
  }
  func.func @transform_1(%arg0: i32) -> (i32, i32) {
    %c0_i32 = arith.constant 0 : i32
    %c0_i32_0 = arith.constant 0 : i32
    %c0_i32_1 = arith.constant 0 : i32
    return %c0_i32, %c0_i32_0 : i32, i32
  }
  func.func @transform_2(%arg0: i32) -> (i32, i32) {
    %c0_i32 = arith.constant 0 : i32
    %c0_i32_0 = arith.constant 0 : i32
    %c0_i32_1 = arith.constant 0 : i32
    return %c0_i32, %c0_i32_0 : i32, i32
  }
  func.func @transform_3(%arg0: i32) -> (i32, i32) {
    %c0_i32 = arith.constant 0 : i32
    %c0_i32_0 = arith.constant 0 : i32
    %c0_i32_1 = arith.constant 0 : i32
    return %c0_i32, %c0_i32_0 : i32, i32
  }
  func.func @transform_4(%arg0: i32) -> (i32, i32) {
    %c0_i32 = arith.constant 0 : i32
    %c0_i32_0 = arith.constant 0 : i32
    %c0_i32_1 = arith.constant 0 : i32
    return %c0_i32, %c0_i32_0 : i32, i32
  }
  func.func @transform_5(%arg0: i32) -> (i32, i32) {
    %c0_i32 = arith.constant 0 : i32
    %c0_i32_0 = arith.constant 0 : i32
    return %arg0, %c0_i32 : i32, i32
  }
  func.func @transform_6(%arg0: i32) -> (i32, i32) {
    %c0_i32 = arith.constant 0 : i32
    %c0_i32_0 = arith.constant 0 : i32
    return %arg0, %c0_i32 : i32, i32
  }
}

module attributes {stable_mosaic.version = 14 : i64} {
  func.func @body(%arg0: i32, %arg1: memref<4096x128xf32, #tpu.memory_space<vmem>>, %arg2: memref<4096x128xf32, #tpu.memory_space<vmem>>, %arg3: memref<1x128xf32, #tpu.memory_space<vmem>>, %arg4: memref<128x8xf32, #tpu.memory_space<vmem>>, %arg5: memref<8x128xf32, #tpu.memory_space<vmem>>, %arg6: memref<4096x128xf32, #tpu.memory_space<vmem>>, %arg7: memref<4096x128xf32, #tpu.memory_space<vmem>>) attributes {dimension_semantics = [#tpu.dimension_semantics<arbitrary>], iteration_bounds = array<i64: 80>, scalar_prefetch = 0 : i64, scratch_operands = 0 : i64, tpu.core_type = #tpu.core_type<tc>, window_params = [{transform_indices = @transform_0, window_bounds = array<i64: 4096, 128>}, {transform_indices = @transform_1, window_bounds = array<i64: 4096, 128>}, {pipeline_mode = #tpu.pipeline_mode<synchronous>, transform_indices = @transform_2, window_bounds = array<i64: 1, 128>}, {pipeline_mode = #tpu.pipeline_mode<synchronous>, transform_indices = @transform_3, window_bounds = array<i64: 128, 8>}, {pipeline_mode = #tpu.pipeline_mode<synchronous>, transform_indices = @transform_4, window_bounds = array<i64: 8, 128>}, {transform_indices = @transform_5, window_bounds = array<i64: 4096, 128>}, {transform_indices = @transform_6, window_bounds = array<i64: 4096, 128>}]} {
    %get3A = arith.constant 0 : index
    %get3A_0 = arith.constant 0 : index
    %get3A_1 = vector.load %arg1[%get3A, %get3A_0] : memref<4096x128xf32, #tpu.memory_space<vmem>>, vector<4096x128xf32>
    %get3A_2 = arith.constant 0 : index
    %get3A_3 = arith.constant 0 : index
    %get3A_4 = vector.load %arg2[%get3A_2, %get3A_3] : memref<4096x128xf32, #tpu.memory_space<vmem>>, vector<4096x128xf32>
    %add3A = arith.addf %get3A_1, %get3A_4 : vector<4096x128xf32>
    %gt3A = arith.constant 0.000000e+00 : f32
    %gt3A_5 = vector.broadcast %gt3A : f32 to vector<4096x128xf32>
    %gt3A_6 = arith.cmpf ogt, %add3A, %gt3A_5 : vector<4096x128xf32>
    %mul3A = arith.constant 2.000000e-01 : f32
    %mul3A_7 = vector.broadcast %mul3A : f32 to vector<4096x128xf32>
    %mul3A_8 = arith.mulf %mul3A_7, %add3A : vector<4096x128xf32>
    %select_n3A = arith.select %gt3A_6, %add3A, %mul3A_8 : vector<4096x128xi1>, vector<4096x128xf32>
    %get3A_9 = arith.constant 0 : index
    %get3A_10 = arith.constant 0 : index
    %get3A_11 = vector.load %arg3[%get3A_9, %get3A_10] : memref<1x128xf32, #tpu.memory_space<vmem>>, vector<1x128xf32>
    %mul3A_12 = vector.broadcast %get3A_11 : vector<1x128xf32> to vector<4096x128xf32>
    %mul3A_13 = arith.mulf %select_n3A, %mul3A_12 : vector<4096x128xf32>
    %get3A_14 = arith.constant 0 : index
    %get3A_15 = arith.constant 0 : index
    %get3A_16 = vector.load %arg4[%get3A_14, %get3A_15] : memref<128x8xf32, #tpu.memory_space<vmem>>, vector<128x8xf32>
    %dot_general3A = arith.constant dense<0.000000e+00> : vector<4096x8xf32>
    %dot_general3A_17 = tpu.matmul %mul3A_13, %get3A_16, %dot_general3A {dimension_numbers = #tpu.dot_dimension_numbers<[1], [0], [0], [1], [0, 0, 1, 1], [], []>, transpose_lhs_hint = false} : vector<4096x128xf32>, vector<128x8xf32>, vector<4096x8xf32> -> vector<4096x8xf32>
    %iota3A = tpu.iota {dimensions = array<i32: 0>} : vector<4096x1xi32>
    %mul3A_18 = arith.constant 4096 : i32
    %mul3A_19 = arith.muli %arg0, %mul3A_18 : i32
    %add3A_20 = vector.broadcast %mul3A_19 : i32 to vector<4096x1xi32>
    %add3A_21 = arith.addi %iota3A, %add3A_20 : vector<4096x1xi32>
    %lt3A = arith.constant 320000 : i32
    %lt3A_22 = vector.broadcast %lt3A : i32 to vector<4096x1xi32>
    %lt3A_23 = arith.cmpi slt, %add3A_21, %lt3A_22 : vector<4096x1xi32>
    %exp3A = math.exp %dot_general3A_17 : vector<4096x8xf32>
    %jit3A = arith.constant 0.000000e+00 : f32
    %broadcast_in_dim3A = vector.shape_cast %lt3A_23 : vector<4096x1xi1> to vector<4096x1xi1>
    %broadcast_in_dim3A_24 = vector.broadcast %broadcast_in_dim3A : vector<4096x1xi1> to vector<4096x8xi1>
    %broadcast_in_dim3A_25 = vector.broadcast %jit3A : f32 to vector<4096x8xf32>
    %select_n3A_26 = arith.select %broadcast_in_dim3A_24, %exp3A, %broadcast_in_dim3A_25 : vector<4096x8xi1>, vector<4096x8xf32>
    %get3A_27 = arith.constant 0 : index
    %get3A_28 = arith.constant 0 : index
    %get3A_29 = vector.load %arg5[%get3A_27, %get3A_28] : memref<8x128xf32, #tpu.memory_space<vmem>>, vector<8x128xf32>
    %dot_general3A_30 = arith.constant dense<0.000000e+00> : vector<4096x128xf32>
    %dot_general3A_31 = tpu.matmul %select_n3A_26, %get3A_29, %dot_general3A_30 {dimension_numbers = #tpu.dot_dimension_numbers<[1], [0], [0], [1], [0, 0, 1, 1], [], []>, transpose_lhs_hint = false} : vector<4096x8xf32>, vector<8x128xf32>, vector<4096x128xf32> -> vector<4096x128xf32>
    %mul3A_32 = arith.mulf %get3A_1, %dot_general3A_31 : vector<4096x128xf32>
    %swap3A = arith.constant 0 : index
    %swap3A_33 = arith.constant 0 : index
    %swap3A_34 = vector.load %arg6[%swap3A, %swap3A_33] : memref<4096x128xf32, #tpu.memory_space<vmem>>, vector<4096x128xf32>
    tpu.vector_store %arg6[%swap3A, %swap3A_33], %mul3A_32 {strides = array<i32>} : memref<4096x128xf32, #tpu.memory_space<vmem>>, vector<4096x128xf32>,
    %swap3A_35 = arith.constant 0 : index
    %swap3A_36 = arith.constant 0 : index
    %swap3A_37 = vector.load %arg7[%swap3A_35, %swap3A_36] : memref<4096x128xf32, #tpu.memory_space<vmem>>, vector<4096x128xf32>
    tpu.vector_store %arg7[%swap3A_35, %swap3A_36], %dot_general3A_31 {strides = array<i32>} : memref<4096x128xf32, #tpu.memory_space<vmem>>, vector<4096x128xf32>,
    return
  }
  func.func @transform_0(%arg0: i32) -> (i32, i32) {
    %c0_i32 = arith.constant 0 : i32
    %c0_i32_0 = arith.constant 0 : i32
    return %arg0, %c0_i32 : i32, i32
  }
  func.func @transform_1(%arg0: i32) -> (i32, i32) {
    %c0_i32 = arith.constant 0 : i32
    %c0_i32_0 = arith.constant 0 : i32
    return %arg0, %c0_i32 : i32, i32
  }
  func.func @transform_2(%arg0: i32) -> (i32, i32) {
    %c0_i32 = arith.constant 0 : i32
    %c0_i32_0 = arith.constant 0 : i32
    %c0_i32_1 = arith.constant 0 : i32
    return %c0_i32, %c0_i32_0 : i32, i32
  }
  func.func @transform_3(%arg0: i32) -> (i32, i32) {
    %c0_i32 = arith.constant 0 : i32
    %c0_i32_0 = arith.constant 0 : i32
    %c0_i32_1 = arith.constant 0 : i32
    return %c0_i32, %c0_i32_0 : i32, i32
  }
  func.func @transform_4(%arg0: i32) -> (i32, i32) {
    %c0_i32 = arith.constant 0 : i32
    %c0_i32_0 = arith.constant 0 : i32
    %c0_i32_1 = arith.constant 0 : i32
    return %c0_i32, %c0_i32_0 : i32, i32
  }
  func.func @transform_5(%arg0: i32) -> (i32, i32) {
    %c0_i32 = arith.constant 0 : i32
    %c0_i32_0 = arith.constant 0 : i32
    return %arg0, %c0_i32 : i32, i32
  }
  func.func @transform_6(%arg0: i32) -> (i32, i32) {
    %c0_i32 = arith.constant 0 : i32
    %c0_i32_0 = arith.constant 0 : i32
    return %arg0, %c0_i32 : i32, i32
  }
}

module attributes {stable_mosaic.version = 14 : i64} {
  func.func @body(%arg0: i32, %arg1: memref<1000x128xf32, #tpu.memory_space<vmem>>, %arg2: memref<1000x128xf32, #tpu.memory_space<vmem>>, %arg3: memref<128x128xf32, #tpu.memory_space<vmem>>, %arg4: memref<1x128xf32, #tpu.memory_space<vmem>>, %arg5: memref<128x128xf32, #tpu.memory_space<vmem>>, %arg6: memref<1x128xf32, #tpu.memory_space<vmem>>, %arg7: memref<1000x128xf32, #tpu.memory_space<vmem>>, %arg8: memref<1000x128xf32, #tpu.memory_space<vmem>>) attributes {dimension_semantics = [#tpu.dimension_semantics<arbitrary>], iteration_bounds = array<i64: 10>, scalar_prefetch = 0 : i64, scratch_operands = 0 : i64, tpu.core_type = #tpu.core_type<tc>, window_params = [{transform_indices = @transform_0, window_bounds = array<i64: 1000, 128>}, {transform_indices = @transform_1, window_bounds = array<i64: 1000, 128>}, {pipeline_mode = #tpu.pipeline_mode<synchronous>, transform_indices = @transform_2, window_bounds = array<i64: 128, 128>}, {pipeline_mode = #tpu.pipeline_mode<synchronous>, transform_indices = @transform_3, window_bounds = array<i64: 1, 128>}, {pipeline_mode = #tpu.pipeline_mode<synchronous>, transform_indices = @transform_4, window_bounds = array<i64: 128, 128>}, {pipeline_mode = #tpu.pipeline_mode<synchronous>, transform_indices = @transform_5, window_bounds = array<i64: 1, 128>}, {transform_indices = @transform_6, window_bounds = array<i64: 1000, 128>}, {transform_indices = @transform_7, window_bounds = array<i64: 1000, 128>}]} {
    %get3A = arith.constant 0 : index
    %get3A_0 = arith.constant 0 : index
    %get3A_1 = vector.load %arg1[%get3A, %get3A_0] : memref<1000x128xf32, #tpu.memory_space<vmem>>, vector<1000x128xf32>
    %get3A_2 = arith.constant 0 : index
    %get3A_3 = arith.constant 0 : index
    %get3A_4 = vector.load %arg2[%get3A_2, %get3A_3] : memref<1000x128xf32, #tpu.memory_space<vmem>>, vector<1000x128xf32>
    %add3A = arith.constant 1.000000e-16 : f32
    %add3A_5 = vector.broadcast %add3A : f32 to vector<1000x128xf32>
    %add3A_6 = arith.addf %get3A_4, %add3A_5 : vector<1000x128xf32>
    %div3A = arith.divf %get3A_1, %add3A_6 : vector<1000x128xf32>
    %get3A_7 = arith.constant 0 : index
    %get3A_8 = arith.constant 0 : index
    %get3A_9 = vector.load %arg3[%get3A_7, %get3A_8] : memref<128x128xf32, #tpu.memory_space<vmem>>, vector<128x128xf32>
    %dot_general3A = arith.constant dense<0.000000e+00> : vector<1000x128xf32>
    %dot_general3A_10 = tpu.matmul %div3A, %get3A_9, %dot_general3A {dimension_numbers = #tpu.dot_dimension_numbers<[1], [0], [0], [1], [0, 0, 1, 1], [], []>, transpose_lhs_hint = false} : vector<1000x128xf32>, vector<128x128xf32>, vector<1000x128xf32> -> vector<1000x128xf32>
    %get3A_11 = arith.constant 0 : index
    %get3A_12 = arith.constant 0 : index
    %get3A_13 = vector.load %arg4[%get3A_11, %get3A_12] : memref<1x128xf32, #tpu.memory_space<vmem>>, vector<1x128xf32>
    %add3A_14 = vector.broadcast %get3A_13 : vector<1x128xf32> to vector<1000x128xf32>
    %add3A_15 = arith.addf %dot_general3A_10, %add3A_14 : vector<1000x128xf32>
    %swap3A = arith.constant 0 : index
    %swap3A_16 = arith.constant 0 : index
    %swap3A_17 = vector.load %arg7[%swap3A, %swap3A_16] : memref<1000x128xf32, #tpu.memory_space<vmem>>, vector<1000x128xf32>
    tpu.vector_store %arg7[%swap3A, %swap3A_16], %add3A_15 {strides = array<i32>} : memref<1000x128xf32, #tpu.memory_space<vmem>>, vector<1000x128xf32>,
    %get3A_18 = arith.constant 0 : index
    %get3A_19 = arith.constant 0 : index
    %get3A_20 = vector.load %arg5[%get3A_18, %get3A_19] : memref<128x128xf32, #tpu.memory_space<vmem>>, vector<128x128xf32>
    %dot_general3A_21 = arith.constant dense<0.000000e+00> : vector<1000x128xf32>
    %dot_general3A_22 = tpu.matmul %div3A, %get3A_20, %dot_general3A_21 {dimension_numbers = #tpu.dot_dimension_numbers<[1], [0], [0], [1], [0, 0, 1, 1], [], []>, transpose_lhs_hint = false} : vector<1000x128xf32>, vector<128x128xf32>, vector<1000x128xf32> -> vector<1000x128xf32>
    %get3A_23 = arith.constant 0 : index
    %get3A_24 = arith.constant 0 : index
    %get3A_25 = vector.load %arg6[%get3A_23, %get3A_24] : memref<1x128xf32, #tpu.memory_space<vmem>>, vector<1x128xf32>
    %add3A_26 = vector.broadcast %get3A_25 : vector<1x128xf32> to vector<1000x128xf32>
    %add3A_27 = arith.addf %dot_general3A_22, %add3A_26 : vector<1000x128xf32>
    %swap3A_28 = arith.constant 0 : index
    %swap3A_29 = arith.constant 0 : index
    %swap3A_30 = vector.load %arg8[%swap3A_28, %swap3A_29] : memref<1000x128xf32, #tpu.memory_space<vmem>>, vector<1000x128xf32>
    tpu.vector_store %arg8[%swap3A_28, %swap3A_29], %add3A_27 {strides = array<i32>} : memref<1000x128xf32, #tpu.memory_space<vmem>>, vector<1000x128xf32>,
    return
  }
  func.func @transform_0(%arg0: i32) -> (i32, i32) {
    %c0_i32 = arith.constant 0 : i32
    %c0_i32_0 = arith.constant 0 : i32
    return %arg0, %c0_i32 : i32, i32
  }
  func.func @transform_1(%arg0: i32) -> (i32, i32) {
    %c0_i32 = arith.constant 0 : i32
    %c0_i32_0 = arith.constant 0 : i32
    return %arg0, %c0_i32 : i32, i32
  }
  func.func @transform_2(%arg0: i32) -> (i32, i32) {
    %c0_i32 = arith.constant 0 : i32
    %c0_i32_0 = arith.constant 0 : i32
    %c0_i32_1 = arith.constant 0 : i32
    return %c0_i32, %c0_i32_0 : i32, i32
  }
  func.func @transform_3(%arg0: i32) -> (i32, i32) {
    %c0_i32 = arith.constant 0 : i32
    %c0_i32_0 = arith.constant 0 : i32
    %c0_i32_1 = arith.constant 0 : i32
    return %c0_i32, %c0_i32_0 : i32, i32
  }
  func.func @transform_4(%arg0: i32) -> (i32, i32) {
    %c0_i32 = arith.constant 0 : i32
    %c0_i32_0 = arith.constant 0 : i32
    %c0_i32_1 = arith.constant 0 : i32
    return %c0_i32, %c0_i32_0 : i32, i32
  }
  func.func @transform_5(%arg0: i32) -> (i32, i32) {
    %c0_i32 = arith.constant 0 : i32
    %c0_i32_0 = arith.constant 0 : i32
    %c0_i32_1 = arith.constant 0 : i32
    return %c0_i32, %c0_i32_0 : i32, i32
  }
  func.func @transform_6(%arg0: i32) -> (i32, i32) {
    %c0_i32 = arith.constant 0 : i32
    %c0_i32_0 = arith.constant 0 : i32
    return %arg0, %c0_i32 : i32, i32
  }
  func.func @transform_7(%arg0: i32) -> (i32, i32) {
    %c0_i32 = arith.constant 0 : i32
    %c0_i32_0 = arith.constant 0 : i32
    return %arg0, %c0_i32 : i32, i32
  }
}

module attributes {stable_mosaic.version = 14 : i64} {
  func.func @body(%arg0: i32, %arg1: memref<1000x128xf32, #tpu.memory_space<vmem>>, %arg2: memref<1000x128xf32, #tpu.memory_space<vmem>>, %arg3: memref<1x128xf32, #tpu.memory_space<vmem>>, %arg4: memref<1000x128xf32, #tpu.memory_space<vmem>>) attributes {dimension_semantics = [#tpu.dimension_semantics<arbitrary>], iteration_bounds = array<i64: 10>, scalar_prefetch = 0 : i64, scratch_operands = 0 : i64, tpu.core_type = #tpu.core_type<tc>, window_params = [{transform_indices = @transform_0, window_bounds = array<i64: 1000, 128>}, {transform_indices = @transform_1, window_bounds = array<i64: 1000, 128>}, {pipeline_mode = #tpu.pipeline_mode<synchronous>, transform_indices = @transform_2, window_bounds = array<i64: 1, 128>}, {transform_indices = @transform_3, window_bounds = array<i64: 1000, 128>}]} {
    %get3A = arith.constant 0 : index
    %get3A_0 = arith.constant 0 : index
    %get3A_1 = vector.load %arg1[%get3A, %get3A_0] : memref<1000x128xf32, #tpu.memory_space<vmem>>, vector<1000x128xf32>
    %get3A_2 = arith.constant 0 : index
    %get3A_3 = arith.constant 0 : index
    %get3A_4 = vector.load %arg2[%get3A_2, %get3A_3] : memref<1000x128xf32, #tpu.memory_space<vmem>>, vector<1000x128xf32>
    %add3A = arith.constant 1.000000e-16 : f32
    %add3A_5 = vector.broadcast %add3A : f32 to vector<1000x128xf32>
    %add3A_6 = arith.addf %get3A_4, %add3A_5 : vector<1000x128xf32>
    %div3A = arith.divf %get3A_1, %add3A_6 : vector<1000x128xf32>
    %get3A_7 = arith.constant 0 : index
    %get3A_8 = arith.constant 0 : index
    %get3A_9 = vector.load %arg3[%get3A_7, %get3A_8] : memref<1x128xf32, #tpu.memory_space<vmem>>, vector<1x128xf32>
    %add3A_10 = vector.broadcast %get3A_9 : vector<1x128xf32> to vector<1000x128xf32>
    %add3A_11 = arith.addf %div3A, %add3A_10 : vector<1000x128xf32>
    %mul3A = arith.mulf %add3A_11, %add3A_11 : vector<1000x128xf32>
    %reduce_sum3A = arith.constant dense<0.000000e+00> : vector<1000xf32>
    %reduce_sum3A_12 = vector.multi_reduction <add>, %mul3A, %reduce_sum3A [1] : vector<1000x128xf32> to vector<1000xf32>
    %broadcast_in_dim3A = vector.shape_cast %reduce_sum3A_12 : vector<1000xf32> to vector<1000x1xf32>
    %sqrt3A = math.sqrt %broadcast_in_dim3A : vector<1000x1xf32>
    %max3A = arith.constant 9.99999996E-13 : f32
    %max3A_13 = vector.broadcast %max3A : f32 to vector<1000x1xf32>
    %max3A_14 = arith.maximumf %sqrt3A, %max3A_13 : vector<1000x1xf32>
    %div3A_15 = vector.broadcast %max3A_14 : vector<1000x1xf32> to vector<1000x128xf32>
    %div3A_16 = arith.divf %add3A_11, %div3A_15 : vector<1000x128xf32>
    %swap3A = arith.constant 0 : index
    %swap3A_17 = arith.constant 0 : index
    %swap3A_18 = vector.load %arg4[%swap3A, %swap3A_17] : memref<1000x128xf32, #tpu.memory_space<vmem>>, vector<1000x128xf32>
    tpu.vector_store %arg4[%swap3A, %swap3A_17], %div3A_16 {strides = array<i32>} : memref<1000x128xf32, #tpu.memory_space<vmem>>, vector<1000x128xf32>,
    return
  }
  func.func @transform_0(%arg0: i32) -> (i32, i32) {
    %c0_i32 = arith.constant 0 : i32
    %c0_i32_0 = arith.constant 0 : i32
    return %arg0, %c0_i32 : i32, i32
  }
  func.func @transform_1(%arg0: i32) -> (i32, i32) {
    %c0_i32 = arith.constant 0 : i32
    %c0_i32_0 = arith.constant 0 : i32
    return %arg0, %c0_i32 : i32, i32
  }
  func.func @transform_2(%arg0: i32) -> (i32, i32) {
    %c0_i32 = arith.constant 0 : i32
    %c0_i32_0 = arith.constant 0 : i32
    %c0_i32_1 = arith.constant 0 : i32
    return %c0_i32, %c0_i32_0 : i32, i32
  }
  func.func @transform_3(%arg0: i32) -> (i32, i32) {
    %c0_i32 = arith.constant 0 : i32
    %c0_i32_0 = arith.constant 0 : i32
    return %arg0, %c0_i32 : i32, i32
  }
}

module attributes {stable_mosaic.version = 14 : i64} {
  func.func @body(%arg0: i32, %arg1: memref<200x128xf32, #tpu.memory_space<vmem>>, %arg2: memref<10000x128xf32, #tpu.memory_space<vmem>>, %arg3: memref<200x10000xf32, #tpu.memory_space<vmem>>) attributes {dimension_semantics = [#tpu.dimension_semantics<arbitrary>], iteration_bounds = array<i64: 50>, scalar_prefetch = 0 : i64, scratch_operands = 0 : i64, tpu.core_type = #tpu.core_type<tc>, window_params = [{transform_indices = @transform_0, window_bounds = array<i64: 200, 128>}, {pipeline_mode = #tpu.pipeline_mode<synchronous>, transform_indices = @transform_1, window_bounds = array<i64: 10000, 128>}, {transform_indices = @transform_2, window_bounds = array<i64: 200, 10000>}]} {
    %get3A = arith.constant 0 : index
    %get3A_0 = arith.constant 0 : index
    %get3A_1 = vector.load %arg1[%get3A, %get3A_0] : memref<200x128xf32, #tpu.memory_space<vmem>>, vector<200x128xf32>
    %get3A_2 = arith.constant 0 : index
    %get3A_3 = arith.constant 0 : index
    %get3A_4 = vector.load %arg2[%get3A_2, %get3A_3] : memref<10000x128xf32, #tpu.memory_space<vmem>>, vector<10000x128xf32>
    %dot_general3A = arith.constant dense<0.000000e+00> : vector<200x10000xf32>
    %dot_general3A_5 = tpu.matmul %get3A_1, %get3A_4, %dot_general3A {dimension_numbers = #tpu.dot_dimension_numbers<[1], [1], [0], [0], [0, 0, 1, 0], [], []>, transpose_lhs_hint = false} : vector<200x128xf32>, vector<10000x128xf32>, vector<200x10000xf32> -> vector<200x10000xf32>
    %logistic3A = arith.negf %dot_general3A_5 : vector<200x10000xf32>
    %logistic3A_6 = math.exp %logistic3A : vector<200x10000xf32>
    %logistic3A_7 = arith.constant 1.000000e+00 : f32
    %logistic3A_8 = vector.broadcast %logistic3A_7 : f32 to vector<200x10000xf32>
    %logistic3A_9 = arith.addf %logistic3A_8, %logistic3A_6 : vector<200x10000xf32>
    %logistic3A_10 = arith.divf %logistic3A_8, %logistic3A_9 : vector<200x10000xf32>
    %swap3A = arith.constant 0 : index
    %swap3A_11 = arith.constant 0 : index
    %swap3A_12 = vector.load %arg3[%swap3A, %swap3A_11] : memref<200x10000xf32, #tpu.memory_space<vmem>>, vector<200x10000xf32>
    tpu.vector_store %arg3[%swap3A, %swap3A_11], %logistic3A_10 {strides = array<i32>} : memref<200x10000xf32, #tpu.memory_space<vmem>>, vector<200x10000xf32>,
    return
  }
  func.func @transform_0(%arg0: i32) -> (i32, i32) {
    %c0_i32 = arith.constant 0 : i32
    %c0_i32_0 = arith.constant 0 : i32
    return %arg0, %c0_i32 : i32, i32
  }
  func.func @transform_1(%arg0: i32) -> (i32, i32) {
    %c0_i32 = arith.constant 0 : i32
    %c0_i32_0 = arith.constant 0 : i32
    %c0_i32_1 = arith.constant 0 : i32
    return %c0_i32, %c0_i32_0 : i32, i32
  }
  func.func @transform_2(%arg0: i32) -> (i32, i32) {
    %c0_i32 = arith.constant 0 : i32
    %c0_i32_0 = arith.constant 0 : i32
    return %arg0, %c0_i32 : i32, i32
  }
}

</mosaic_0001>

<sc_bundles>
// kernel: kernel.12.cloned.1.call-start
scs
__scs_entry_jumppad:
0x0: {  	(pc) =	sbr.rel $0x88, $3  }
0x1: {  	(tag) =	ssettag $0x0;
	lr =	simm.s32 $0x1  }
0x2: {  	[smem:$0x3F94] =	sst lr;
	_ =	strace $0xD0000000  }
0x3: {  	_ = 	snop  }
0x4: {  	_ = 	snop  }
0x5: {  	_ = 	snop  }
0x6: {  	_ = 	snop  }
0x7: {  	_ = 	snop  }
__scs_overlays_trampoline_lowered:
0x8: {  	[smem:$0x3FA3] =	sst s0  }
0x9: {  	[smem:$0x3FA4] =	sst s1  }
0xa: {  	[smem:$0x3FA5] =	sst s2  }
0xb: {  	[smem:$0x3FA6] =	sst s3  }
0xc: {  	[smem:$0x3FA7] =	sst s4  }
0xd: {  	[smem:$0x3FA8] =	sst s5  }
0xe: {  	[smem:$0x3FA9] =	sst s6  }
0xf: {  	[smem:$0x3FAA] =	sst s7  }
0x10: {  	[smem:$0x3FAB] =	sst s8  }
0x11: {  	[smem:$0x3FAC] =	sst s9;
	s0 =	simm.s32 @!p0 $0x0  }
0x12: {  	s1 =	sld [smem:$0x3F92];
	s0 =	simm.s32 @p0 $0x1  }
0x13: {  	[smem:$0x3FAD] =	sst s0;
	s0 =	simm.s32 @!p1 $0x0  }
0x14: {  	s2 =	sld [smem:$0x3F91];
	s0 =	simm.s32 @p1 $0x1  }
0x15: {  	[smem:$0x3FAE] =	sst s0;
	s0 =	simm.s32 @!p2 $0x0  }
0x16: {  	s3 =	sld [smem:$0x3FDB];
	s0 =	simm.s32 @p2 $0x1  }
0x17: {  	s4 =	simm.s32 $0x1BF5;
	[smem:$0x3FB0] =	sst s0  }
0x18: {  	s0 =	sld [smem:$0x3F93];
	_ =	swait.ge [sflag:s4], $0x0  }
0x19: {  	s7 =	sld [smem:$0x3F94]  }
0x1a: {  	s8 =	sadd.s32 $0xFFFFE003, lr  }
0x1b: {  	s9 =	sadd.s32 $0xFFFFFEF7, lr;
	s5 =	simm.s32 $0xFFFFFFFF;
	p2 =	slt.u32 s8, $0xFFFFF086  }
0x1c: {  	p1 =	slt.u32 s9, $0xF7A;
	s5 =	simm.s32 @!p2 $0x0  }
0x1d: {  	s5 =	simm.s32 @p1 $0x1;
	p0 =	seq.s32 s7, s2  }
0x1e: {  	s7 =	smul.u32 @!p0 $0xF7A, s2;
	p2 =	seq.s32 @!p0 s5, $0x0  }
0x1f: {  	s9 =	smul.u32 $0xF7A, s1;
	s8 =	simm.s32 @!p0 $0x1BF5;
	p2 =	por !p2, p0  }
0x20: {  	[sflag:s8] =	ssyncset.s32 @!p0 $0xFFFFF086;
	s6 =	sadd.s32 @!p0 s3, s7;
	s7 =	simm.s32 @!p0 $0x108  }
0x21: {  	s3 =	sadd.s32 s3, s9;
	s6 =	sadd.s32 @!p0 $0x88, s6;
	s7 =	simm.s32 @p2 $0x1082  }
0x22: {  	[simem:s7], [sflag:s8] =	dma.local @!p0 [hbm:s6], $0xF7A  }
0x23: {  	s9 =	sor.u32 $0xD0000000, s2;
	s6 =	simm.s32 $0x108;
	_ =	swait.ge @!p0 [sflag:s8], $0x0  }
0x24: {  	s3 =	sadd.s32 $0x88, s3;
	s6 =	simm.s32 @!p1 $0x1082;
	[sflag:s4] =	ssyncset.s32 $0xFFFFF086  }
0x25: {  	[simem:s6], [sflag:s4] =	dma.local [hbm:s3], $0xF7A  }
0x26: {  	[smem:$0x3F94] =	sst s1;
	(tag) =	ssettag s2;
	_ =	strace s9  }
0x27: {  	s1 =	sld [smem:$0x3FA4]  }
0x28: {  	s2 =	sld [smem:$0x3FA5]  }
0x29: {  	s4 =	sld [smem:$0x3FA7]  }
0x2a: {  	p0 =	seq.s32 s5, $0x0;
	s5 =	sld [smem:$0x3FA8]  }
0x2b: {  	s6 =	sld [smem:$0x3FA9]  }
0x2c: {  	s7 =	sld [smem:$0x3FAA]  }
0x2d: {  	s3 =	simm.s32 $0x108;
	s8 =	sld [smem:$0x3FAB]  }
0x2e: {  	s3 =	simm.s32 @!p0 $0x1082;
	s9 =	sld [smem:$0x3FAC]  }
0x2f: {  	lr =	sadd.s32 s0, s3;
	s0 =	sld [smem:$0x3FA3]  }
0x30: {  	s3 =	sld [smem:$0x3FA6]  }
0x31: {  	[smem:$0x3FAF] =	sst s10  }
0x32: {  	s10 =	sld [smem:$0x3FAD];
	_ =	sdelay $0x3  }
0x33: {  	p0 =	seq.s32 s10, $0x1;
	s10 =	sld [smem:$0x3FAF];
	_ =	sdelay $0x3  }
0x34: {  	[smem:$0x3FAF] =	sst s10  }
0x35: {  	s10 =	sld [smem:$0x3FAE];
	_ =	sdelay $0x3  }
0x36: {  	p1 =	seq.s32 s10, $0x1;
	s10 =	sld [smem:$0x3FAF];
	_ =	sdelay $0x3  }
0x37: {  	[smem:$0x3FAF] =	sst s10  }
0x38: {  	s10 =	sld [smem:$0x3FB0]  }
0x39: {  	_ = 	snop;
	(pc) =	sbr.ind lr, $3  }
0x3a: {  	_ = 	snop  }
0x3b: {  	_ = 	snop  }
0x3c: {  	p2 =	seq.s32 s10, $0x1;
	s10 =	sld [smem:$0x3FAF]  }
0x3d: {  	_ =	shalt  }
0x3e: {  	_ =	shalt  }
0x3f: {  	_ =	shalt  }
0x40: {  	_ =	shalt  }
0x41: {  	_ =	shalt  }
0x42: {  	_ =	shalt  }
0x43: {  	_ =	shalt  }
0x44: {  	_ =	shalt  }
0x45: {  	_ =	shalt  }
0x46: {  	_ =	shalt  }
0x47: {  	_ =	shalt  }
0x48: {  	_ =	shalt  }
0x49: {  	_ =	shalt  }
0x4a: {  	_ =	shalt  }
0x4b: {  	_ =	shalt  }
0x4c: {  	_ =	shalt  }
0x4d: {  	_ =	shalt  }
0x4e: {  	_ =	shalt  }
0x4f: {  	_ =	shalt  }
0x50: {  	_ =	shalt  }
0x51: {  	_ =	shalt  }
0x52: {  	_ =	shalt  }
0x53: {  	_ =	shalt  }
0x54: {  	_ =	shalt  }
0x55: {  	_ =	shalt  }
0x56: {  	_ =	shalt  }
0x57: {  	_ =	shalt  }
0x58: {  	_ =	shalt  }
0x59: {  	_ =	shalt  }
0x5a: {  	_ =	shalt  }
0x5b: {  	_ =	shalt  }
0x5c: {  	_ =	shalt  }
0x5d: {  	_ =	shalt  }
0x5e: {  	_ =	shalt  }
0x5f: {  	_ =	shalt  }
0x60: {  	_ =	shalt  }
0x61: {  	_ =	shalt  }
0x62: {  	_ =	shalt  }
0x63: {  	_ =	shalt  }
0x64: {  	_ =	shalt  }
0x65: {  	_ =	shalt  }
0x66: {  	_ =	shalt  }
0x67: {  	_ =	shalt  }
0x68: {  	_ =	shalt  }
0x69: {  	_ =	shalt  }
0x6a: {  	_ =	shalt  }
0x6b: {  	_ =	shalt  }
0x6c: {  	_ =	shalt  }
0x6d: {  	_ =	shalt  }
0x6e: {  	_ =	shalt  }
0x6f: {  	_ =	shalt  }
0x70: {  	_ =	shalt  }
0x71: {  	_ =	shalt  }
0x72: {  	_ =	shalt  }
0x73: {  	_ =	shalt  }
0x74: {  	_ =	shalt  }
0x75: {  	_ =	shalt  }
0x76: {  	_ =	shalt  }
0x77: {  	_ =	shalt  }
0x78: {  	_ =	shalt  }
0x79: {  	_ =	shalt  }
0x7a: {  	_ =	shalt  }
0x7b: {  	_ =	shalt  }
0x7c: {  	_ =	shalt  }
0x7d: {  	_ =	shalt  }
0x7e: {  	_ =	shalt  }
0x7f: {  	_ =	shalt  }
0x80: {  	_ =	shalt  }
0x81: {  	_ =	shalt  }
0x82: {  	_ =	shalt  }
0x83: {  	_ =	shalt  }
0x84: {  	_ =	shalt  }
0x85: {  	_ =	shalt  }
0x86: {  	_ =	shalt  }
0x87: {  	_ =	shalt  }
.Lfunc_end0:
.L_simem_size_0:
called_computation_lowered:
.L_overlay_start_0:
0x88: {  	s2 =	sld [smem:$0x3FD9]  }
0x89: {  	s3 =	sld [smem:$0x3FFE];
	_ =	sdelay $0x1  }
0x8a: {  	s1 =	srdreg.scid  }
0x8b: {  	s0 =	sand.u32 $0x1, s1  }
0x8c: {  	s14 =	sshll.u32 s0, $0xA;
	s2 =	sadd.s32 s3, s2  }
0x8d: {  	s2 =	sadd.s32 s2, s14  }
0x8e: {  	[smem:$0x3FBB] =	sst s2  }
0x8f: {  	_ = 	snop  }
0x90: {  	s2 =	sld [smem:$0x3FD0];
	_ =	sdelay $0x2  }
0x91: {  	s15 =	simm.s32 $0xA;
	s4 =	simm.s32 $0x10  }
0x92: {  	[smem:s4], [sflag:s15] =	dma.local [hbm:s2], $0x1  }
0x93: {  	_ =	swait.eq [sflag:s15], $0x1  }
0x94: {  	[sflag:s15] =	ssyncset.done $0x0  }
0x95: {  	s16 =	sld [smem:$0x10];
	[sflag:s15] =	ssyncadd.s32 $0xFFFFFFFF  }
0x96: {  	s17 =	sld [smem:$0x11];
	(tm) =	ssettm $0x1  }
0x97: {  	s18 =	sld [smem:$0x3FFB];
	_ =	sdelay $0x3  }
0x98: {  	_ =	strace s18  }
0x99: {  	s4 =	sld [smem:$0x3FFC];
	_ =	sdelay $0x3  }
0x9a: {  	_ =	strace s4  }
0x9b: {  	s4 =	sld [smem:$0x3FFD];
	_ =	sdelay $0x3  }
0x9c: {  	_ =	strace s4  }
0x9d: {  	_ =	strace $0x8FFFFFFF  }
0x9e: {  	s19 =	sld [smem:$0x3FDB];
	_ =	sdelay $0x1  }
0x9f: {  	s5 =	simm.s32 $_scs_section_size  }
0xa0: {  	s6 =	simm.s32 $_size__tile_overlayer_lowered;
	s7 =	simm.s32 $_tile_overlayer_lowered  }
0xa1: {  	s22 =	simm.s32 $0x1BFF;
	s21 =	sshll.u32 s7, $0x1;
	s4 =	sadd.s32 s5, s19  }
0xa2: {  	s8 =	simm.s32 $0x0;
	s20 =	sshll.u32 s6, $0x1;
	s6 =	sadd.s32 s21, s4  }
0xa3: {  	[timem:s8], [sflag:s22] =	dma.local [hbm:s6], s20  }
0xa4: {  	_ =	swait.ge [sflag:s22], s20  }
0xa5: {  	s5 =	ssub.s32 $0x0, s20;
	[sflag:s22] =	ssyncset.done $0x0  }
0xa6: {  	[sflag:s22] =	ssyncadd.s32 s5;
	_ =	sdelay $0x1  }
0xa7: {  	s23 =	simm.s32 $0x1B8B  }
0xa8: {  	_ =	swait.ge [sflag:s23], $0x1  }
0xa9: {  	[sflag:s23] =	ssyncset.done $0x0  }
0xaa: {  	s25 =	simm.s32 $0x1B8E;
	s24 =	sld [smem:$0x3FFE];
	[sflag:s23] =	ssyncadd.s32 $0xFFFFFFFF  }
0xab: {  	s26 =	simm.s32 $execute0_lowered;
	[smem:$0x3FD2] =	sst s25  }
0xac: {  	s6 =	sshll.u32 s26, $0x1;
	_ =	strace $0x80000046;
	[dreg:$0x1] =	wrdreg $0xFFFFFFFF  }
0xad: {  	s28 =	simm.s32 $_size_execute0_lowered;
	s4 =	sadd.s32 s4, s6;
	[dreg:$0x0] =	wrdreg $0x0  }
0xae: {  	s6 =	sshll.u32 s28, $0x1;
	[dreg:$0x2] =	wrdreg s4  }
0xaf: {  	[dreg:$0x3] =	wrdreg s6  }
0xb0: {  	[dreg:$0x4] =	wrdreg $0xC0  }
0xb1: {  	_ =	task [dreg:s8], $0x5FFFF  }
0xb2: {  	[dreg:$0x1] =	wrdreg $0xFFFFFFFF  }
0xb3: {  	[dreg:$0x0] =	wrdreg $0x60  }
0xb4: {  	[dreg:$0x2] =	wrdreg s17  }
0xb5: {  	[dreg:$0x3] =	wrdreg s16  }
0xb6: {  	[dreg:$0x4] =	wrdreg s24  }
0xb7: {  	[dreg:$0x5] =	wrdreg $0xA8000  }
0xb8: {  	[dreg:$0x6] =	wrdreg $0x9  }
0xb9: {  	_ =	task.clear_ibuf [dreg:s8], $0x7FFFF;
	_ =	strace $0x90000046  }
0xba: {  	s29 =	simm.s32 $0x9;
	_ =	strace $0x80000048  }
0xbb: {  	_ =	swait.ge [sflag:s29], $0x1  }
0xbc: {  	[sflag:s29] =	ssyncadd.s32 $0xFFFFFFFF  }
0xbd: {  	_ =	strace $0x90000048  }
0xbe: {  	_ =	sfence  }
0xbf: {  	s30 =	sld [smem:$0x0];
	_ =	sdelay $0x2  }
0xc0: {  	s31 =	sshll.u32 s1, $0xD;
	s1 =	sshrl.u32 s1, $0x2  }
0xc1: {  	s3 =	sand.u32 $0x4000, s31;
	s1 =	sadd.s32 s1, s30  }
0xc2: {  	s0 =	sor.u32 s3, s0;
	s1 =	sshll.u32 s1, $0x11  }
0xc3: {  	s0 =	sor.u32 s1, s0  }
0xc4: {  	s0 =	sadd.s32 $0x8F2B, s0  }
0xc5: {  	[sflag:s0] =	ssyncadd.remote.s32 $0x1  }
0xc6: {  	_ =	sfence.sel $0xFFFF  }
0xc7: {  	[dreg:$0x0] =	wrdreg $0xFFFFFFFF;
	(pc) =	sbr.abs _section_cstart, $3  }
0xc8: {  	[dreg:$0x1] =	wrdreg $0xFFFFFFFF  }
0xc9: {  	_ =	task.clear_ibuf [dreg:s8], $0x2FFFF;
	_ =	strace $0x9FFFFFFF  }
0xca: {  	(tm) =	ssettm $0x7FFFFFFF  }
0xcb: {  	_ =	shalt  }
tec
execute0_lowered:
.L_overlay_start_1:
0x0: {  	(tag) =	ssettag $0x1  }
0x1: {  	s0 =	rddreg [dreg:$0x0]  }
0x2: {  	s7 =	rddreg [dreg:$0x1]  }
0x3: {  	s5 =	rddreg [dreg:$0x2]  }
0x4: {  	s1 =	rddreg [dreg:$0x3];
	s2 =	simm.s32 $0x0;
	s3 =	srdreg.scid  }
0x5: {  	s28 =	simm.s32 $0x2;
	s6 =	sand.u32 $0x1, s3;
	s3 =	stileid.u32  }
0x6: {  	s29 =	simm.s32 $0x3;
	s30 =	simm.s32 $0x4;
	s11 =	smul.u32 $0x7D000, s3  }
0x7: {  	s31 =	simm.s32 $0x0;
	[smem:$0x7FF] =	sst s2;
	s20 =	smul.u32 $0x5000, s3  }
0x8: {  	s8 =	sadd.s32 $0x4000, s5;
	s12 =	sadd.s32 $0xE000, s5;
	s22 =	smul.u32 $0x3E80, s3  }
0x9: {  	s4 =	sadd.s32 $0x18000, s5;
	s5 =	sadd.s32 $0x518000, s5;
	s23 =	smul.u32 $0xA00, s3  }
0xa: {  	_ =	strace $0x80000047;
	s9 =	ssub.s32 $0x2, s6;
	s24 =	smul.u32 $0x280000, s3  }
0xb: {  	p0 =	seq.s32 s6, $0x1;
	s26 =	smul.u32 $0x50000, s3;
	s10 =	sshrl.u32 s9, $0x1  }
0xc: {  	p1 =	sgt.u32 s3, $0x9;
	s13 =	ssub.s32 s9, s10;
	s21 =	sshrl.u32 s11, $0x2  }
0xd: {  	s9 =	sshrl.u32 s20, $0x3;
	s0 =	sadd.s32 s0, s22;
	s25 =	sadd.s32 s8, s23  }
0xe: {  	s7 =	sadd.s32 s7, s22;
	s11 =	sadd.s32 s12, s23;
	s15 =	sadd.s32 $0x4F000, s26  }
0xf: {  	s16 =	sadd.s32 $0x4F800, s26;
	s18 =	sadd.s32 s26, s4;
	s19 =	sadd.s32 s26, s5  }
0x10: {  	s22 =	simm.s32 $0x5;
	s23 =	simm.s32 $0x80;
	[dreg:$0x5] =	wrdreg s0  }
0x11: {  	s26 =	simm.s32 $0x1;
	s6 =	sadd.s32 s21, s1;
	[dreg:$0x6] =	wrdreg s25  }
.Ltmp0:
0x12: {  	s14 =	sadd.s32 $0x500, s9;
	[dreg:$0x8] =	wrdreg s7;
	(pc) =	sbr.rel .LBB2_1-.Ltmp0, $4  }
0x13: {  	s0 =	sshrl.u32 s24, $0x3;
	s13 =	smax.u32 s13, $0x1;
	s20 =	sadd.s32 $0x27800, s18  }
0x14: {  	s21 =	sadd.s32 $0x27800, s19;
	s24 =	simm.s32 $0x2800;
	s25 =	simm.s32 $0x6800  }
0x15: {  	s8 =	sadd.s32 s8, s14;
	s12 =	sadd.s32 s12, s14;
	s0 =	sadd.s32 $0x27000, s0  }
0x16: {  	[dreg:$0x7] =	wrdreg s8;
	s14 =	sadd.s32 s4, s0;
	s17 =	sadd.s32 s5, s0  }
.LBB2_11:
0x17: {  	[tilespmem:s25], [sflag:$0x2] =	stream.indirect.gather [spmem:s1], $0x80, s0, s23, $0xb8;
	[tilespmem:$0x1E080] =	vst v63  }
0x18: {  	s0 =	smov.u32 s5  }
.LBB2_12:
0x19: {  	_ =	swait.ge [sflag:s26], $0x4000  }
0x1a: {  	[sflag:s26] =	ssyncset.done $0x0  }
0x1b: {  	s7 =	sadd.s32 s0, s15;
	[sflag:s26] =	ssyncadd.s32 $0xFFFFC000  }
0x1c: {  	[hbm4b:s7+s2] =	stream.linear.scatter [tilespmem:s24], [sflag:$0x3], $0x4000, $0x38;
	[tilespmem:$0x1E080] =	vst v63  }
0x1d: {  	_ =	swait.ge [sflag:s28], $0x4000  }
0x1e: {  	[sflag:s28] =	ssyncset.done $0x0  }
0x1f: {  	s10 =	sadd.s32 s0, s16;
	s31 =	sadd.s32 $0x1, s31;
	[sflag:s28] =	ssyncadd.s32 $0xFFFFC000  }
0x20: {  	[hbm4b:s10+s2] =	stream.linear.scatter [tilespmem:s25], [sflag:$0x4], $0x4000, $0x38;
	[tilespmem:$0x1E080] =	vst v63  }
0x21: {  	p2 =	sne.s32 s31, s13;
	_ =	swait.ge [sflag:s29], $0x4000  }
.Ltmp1:
0x22: {  	[sflag:s29] =	ssyncset.done $0x0;
	(pc) =	sbr.rel @!p2 .LBB2_13-.Ltmp1, $4  }
0x23: {  	[sflag:s29] =	ssyncadd.s32 $0xFFFFC000  }
0x24: {  	_ =	swait.ge [sflag:s30], $0x4000  }
0x25: {  	[sflag:s30] =	ssyncset.done $0x0  }
0x26: {  	[sflag:s30] =	ssyncadd.s32 $0xFFFFC000  }
.LBB2_1:
.Ltmp2:
0x27: {  	(pc) =	sbr.rel @!p0 .LBB2_2-.Ltmp2, $3  }
0x28: {  	_ =	sdelay $0x1  }
0x29: {  	s7 =	sshll.u32 @!p1 s3, $0x6  }
0x2a: {  	s0 =	sshrl.u32 @!p1 s6, $0x3;
	s7 =	sor.u32 @!p1 $0x1C05, s7  }
0x2b: {  	s8 =	rddreg [dreg:$0x8]  }
0x2c: {  	[spmem:s0], [sflag:s7] =	dma.local @!p1 [hbm:s8], $0x3E80  }
0x2d: {  	s0 =	simm.s32 @!p1 $0x5  }
0x2e: {  	_ =	swait.ge @!p1 [sflag:s0], $0x3E80  }
0x2f: {  	[sflag:s0] =	ssyncset.done @!p1 $0x0  }
0x30: {  	[sflag:s0] =	ssyncadd.s32 @!p1 $0xFFFFC180  }
0x31: {  	s8 =	simm.s32 $0x0;
	[bflag:$0x0] =	sbarrier.arrive $0xFFFF  }
0x32: {  	[tilespmem:s8], [sflag:$0x5] =	stream.linear.gather [hbm4b:s11+s8], $0x2800, $0x38;
	[tilespmem:$0x1E080] =	vst v63  }
0x33: {  	_ =	swait.ge [sflag:s22], $0x2800  }
0x34: {  	[sflag:s22] =	ssyncset.done $0x0  }
0x35: {  	[sflag:s22] =	ssyncadd.s32 $0xFFFFD800  }
0x36: {  	[tilespmem:s24], [sflag:$0x1] =	stream.indirect.gather [spmem:s1], $0x80, s8, s23, $0xb8;
	[tilespmem:$0x1E080] =	vst v63  }
0x37: {  	_ = 	snop  }
0x38: {  	[tilespmem:s25], [sflag:$0x2] =	stream.indirect.gather [spmem:s1], $0x80, s23, s23, $0xb8;
	[tilespmem:$0x1E080] =	vst v63  }
0x39: {  	_ =	swait.ge [sflag:s26], $0x4000  }
0x3a: {  	[sflag:s26] =	ssyncset.done $0x0  }
0x3b: {  	s9 =	sadd.s32 $0x0, s19;
	[sflag:s26] =	ssyncadd.s32 $0xFFFFC000  }
0x3c: {  	[hbm4b:s9+s2] =	stream.linear.scatter [tilespmem:s24], [sflag:$0x3], $0x4000, $0x38;
	[tilespmem:$0x1E080] =	vst v63  }
0x3d: {  	_ =	swait.ge [sflag:s28], $0x4000  }
0x3e: {  	[sflag:s28] =	ssyncset.done $0x0  }
0x3f: {  	s0 =	sadd.s32 $0x800, s9;
	[sflag:s28] =	ssyncadd.s32 $0xFFFFC000  }
0x40: {  	[hbm4b:s0+s2] =	stream.linear.scatter [tilespmem:s25], [sflag:$0x4], $0x4000, $0x38;
	[tilespmem:$0x1E080] =	vst v63  }
0x41: {  	_ =	swait.ge [sflag:s29], $0x4000  }
0x42: {  	[sflag:s29] =	ssyncset.done $0x0  }
0x43: {  	s10 =	simm.s32 $0x100;
	[sflag:s29] =	ssyncadd.s32 $0xFFFFC000  }
0x44: {  	[tilespmem:s24], [sflag:$0x1] =	stream.indirect.gather [spmem:s1], $0x80, s10, s23, $0xb8;
	[tilespmem:$0x1E080] =	vst v63  }
0x45: {  	_ =	swait.ge [sflag:s30], $0x4000  }
0x46: {  	s7 =	simm.s32 $0x1000;
	[sflag:s30] =	ssyncset.done $0x0  }
0x47: {  	s8 =	simm.s32 $0x280;
	s0 =	simm.s32 $0x180;
	[sflag:s30] =	ssyncadd.s32 $0xFFFFC000  }
.LBB2_8:
0x48: {  	[tilespmem:s25], [sflag:$0x2] =	stream.indirect.gather [spmem:s1], $0x80, s0, s23, $0xb8;
	[tilespmem:$0x1E080] =	vst v63  }
0x49: {  	s9 =	smov.u32 s7;
	s0 =	smov.u32 s8  }
0x4a: {  	p2 =	sne.s32 s7, $0x26000;
	s7 =	sadd.s32 $0x1000, s7;
	_ =	swait.ge [sflag:s26], $0x4000  }
0x4b: {  	[sflag:s26] =	ssyncset.done $0x0  }
0x4c: {  	s9 =	sadd.s32 s9, s19;
	[sflag:s26] =	ssyncadd.s32 $0xFFFFC000  }
0x4d: {  	[hbm4b:s9+s2] =	stream.linear.scatter [tilespmem:s24], [sflag:$0x3], $0x4000, $0x38;
	[tilespmem:$0x1E080] =	vst v63  }
0x4e: {  	_ =	swait.ge [sflag:s28], $0x4000  }
0x4f: {  	[sflag:s28] =	ssyncset.done $0x0  }
0x50: {  	s9 =	sadd.s32 $0x800, s9;
	[sflag:s28] =	ssyncadd.s32 $0xFFFFC000  }
0x51: {  	[hbm4b:s9+s2] =	stream.linear.scatter [tilespmem:s25], [sflag:$0x4], $0x4000, $0x38;
	[tilespmem:$0x1E080] =	vst v63  }
0x52: {  	_ =	swait.ge [sflag:s29], $0x4000  }
0x53: {  	[sflag:s29] =	ssyncset.done $0x0  }
.Ltmp3:
0x54: {  	s9 =	sadd.s32 $0xFFFFFF80, s8;
	[sflag:s29] =	ssyncadd.s32 $0xFFFFC000;
	(pc) =	sbr.rel @p2 .LBB2_8-.Ltmp3, $4  }
0x55: {  	[tilespmem:s24], [sflag:$0x1] =	stream.indirect.gather [spmem:s1], $0x80, s9, s23, $0xb8;
	[tilespmem:$0x1E080] =	vst v63  }
0x56: {  	_ =	swait.ge [sflag:s30], $0x4000  }
0x57: {  	[sflag:s30] =	ssyncset.done $0x0  }
0x58: {  	s8 =	sadd.s32 $0x100, s8;
	[sflag:s30] =	ssyncadd.s32 $0xFFFFC000  }
0x59: {  	[tilespmem:s25], [sflag:$0x2] =	stream.indirect.gather [spmem:s1], $0x80, s0, s23, $0xb8;
	[tilespmem:$0x1E080] =	vst v63  }
0x5a: {  	_ =	swait.ge [sflag:s26], $0x4000  }
0x5b: {  	[sflag:s26] =	ssyncset.done $0x0  }
0x5c: {  	[sflag:s26] =	ssyncadd.s32 $0xFFFFC000  }
0x5d: {  	[hbm4b:s17+s2] =	stream.linear.scatter [tilespmem:s24], [sflag:$0x3], $0x4000, $0x38;
	[tilespmem:$0x1E080] =	vst v63  }
0x5e: {  	_ =	swait.ge [sflag:s28], $0x4000  }
0x5f: {  	[sflag:s28] =	ssyncset.done $0x0  }
0x60: {  	[sflag:s28] =	ssyncadd.s32 $0xFFFFC000  }
0x61: {  	[hbm4b:s21+s2] =	stream.linear.scatter [tilespmem:s25], [sflag:$0x4], $0x4000, $0x38;
	[tilespmem:$0x1E080] =	vst v63  }
0x62: {  	_ =	swait.ge [sflag:s29], $0x4000  }
0x63: {  	[sflag:s29] =	ssyncset.done $0x0  }
0x64: {  	[sflag:s29] =	ssyncadd.s32 $0xFFFFC000  }
0x65: {  	_ =	swait.ge [sflag:s30], $0x4000  }
0x66: {  	[sflag:s30] =	ssyncset.done $0x0  }
0x67: {  	[sflag:s30] =	ssyncadd.s32 $0xFFFFC000  }
0x68: {  	[tilespmem:s2], [sflag:$0x5] =	stream.linear.gather [hbm4b:s12+s2], $0x2800, $0x38;
	[tilespmem:$0x1E080] =	vst v63  }
0x69: {  	_ =	swait.ge [sflag:s22], $0x2800  }
0x6a: {  	[sflag:s22] =	ssyncset.done $0x0  }
0x6b: {  	[sflag:s22] =	ssyncadd.s32 $0xFFFFD800  }
0x6c: {  	[tilespmem:s24], [sflag:$0x1] =	stream.indirect.gather [spmem:s1], $0x80, s2, s23, $0xb8;
	[tilespmem:$0x1E080] =	vst v63  }
0x6d: {  	_ = 	snop  }
0x6e: {  	[tilespmem:s25], [sflag:$0x2] =	stream.indirect.gather [spmem:s1], $0x80, s23, s23, $0xb8;
	[tilespmem:$0x1E080] =	vst v63  }
0x6f: {  	_ =	swait.ge [sflag:s26], $0x4000  }
0x70: {  	s9 =	sadd.s32 $0xFFFD9000, s19;
	[sflag:s26] =	ssyncset.done $0x0  }
0x71: {  	s7 =	sadd.s32 $0x4F000, s9;
	[sflag:s26] =	ssyncadd.s32 $0xFFFFC000  }
0x72: {  	[hbm4b:s7+s2] =	stream.linear.scatter [tilespmem:s24], [sflag:$0x3], $0x4000, $0x38;
	[tilespmem:$0x1E080] =	vst v63  }
0x73: {  	_ =	swait.ge [sflag:s28], $0x4000  }
0x74: {  	[sflag:s28] =	ssyncset.done $0x0  }
0x75: {  	s0 =	sadd.s32 $0x4F800, s9;
	[sflag:s28] =	ssyncadd.s32 $0xFFFFC000  }
0x76: {  	[hbm4b:s0+s2] =	stream.linear.scatter [tilespmem:s25], [sflag:$0x4], $0x4000, $0x38;
	[tilespmem:$0x1E080] =	vst v63  }
0x77: {  	_ =	swait.ge [sflag:s29], $0x4000  }
0x78: {  	[sflag:s29] =	ssyncset.done $0x0  }
0x79: {  	s10 =	simm.s32 $0x100;
	[sflag:s29] =	ssyncadd.s32 $0xFFFFC000  }
0x7a: {  	[tilespmem:s24], [sflag:$0x1] =	stream.indirect.gather [spmem:s1], $0x80, s10, s23, $0xb8;
	[tilespmem:$0x1E080] =	vst v63  }
0x7b: {  	_ =	swait.ge [sflag:s30], $0x4000  }
0x7c: {  	s8 =	simm.s32 $0x280;
	[sflag:s30] =	ssyncset.done $0x0  }
0x7d: {  	s7 =	simm.s32 $0xFFFDA000;
	s0 =	simm.s32 $0x180;
	[sflag:s30] =	ssyncadd.s32 $0xFFFFC000  }
.LBB2_10:
0x7e: {  	[tilespmem:s25], [sflag:$0x2] =	stream.indirect.gather [spmem:s1], $0x80, s0, s23, $0xb8;
	[tilespmem:$0x1E080] =	vst v63  }
0x7f: {  	s9 =	smov.u32 s7;
	s0 =	smov.u32 s8  }
0x80: {  	p2 =	sne.s32 s7, $0xFFFFF000;
	s7 =	sadd.s32 $0x1000, s7;
	_ =	swait.ge [sflag:s26], $0x4000  }
0x81: {  	s9 =	sadd.s32 s9, s19;
	[sflag:s26] =	ssyncset.done $0x0  }
0x82: {  	s10 =	sadd.s32 $0x4F000, s9;
	[sflag:s26] =	ssyncadd.s32 $0xFFFFC000  }
0x83: {  	[hbm4b:s10+s2] =	stream.linear.scatter [tilespmem:s24], [sflag:$0x3], $0x4000, $0x38;
	[tilespmem:$0x1E080] =	vst v63  }
0x84: {  	_ =	swait.ge [sflag:s28], $0x4000  }
0x85: {  	[sflag:s28] =	ssyncset.done $0x0  }
0x86: {  	s9 =	sadd.s32 $0x4F800, s9;
	[sflag:s28] =	ssyncadd.s32 $0xFFFFC000  }
0x87: {  	[hbm4b:s9+s2] =	stream.linear.scatter [tilespmem:s25], [sflag:$0x4], $0x4000, $0x38;
	[tilespmem:$0x1E080] =	vst v63  }
0x88: {  	_ =	swait.ge [sflag:s29], $0x4000  }
0x89: {  	[sflag:s29] =	ssyncset.done $0x0  }
.Ltmp4:
0x8a: {  	s9 =	sadd.s32 $0xFFFFFF80, s8;
	[sflag:s29] =	ssyncadd.s32 $0xFFFFC000;
	(pc) =	sbr.rel @p2 .LBB2_10-.Ltmp4, $4  }
0x8b: {  	[tilespmem:s24], [sflag:$0x1] =	stream.indirect.gather [spmem:s1], $0x80, s9, s23, $0xb8;
	[tilespmem:$0x1E080] =	vst v63  }
0x8c: {  	_ =	swait.ge [sflag:s30], $0x4000  }
0x8d: {  	[sflag:s30] =	ssyncset.done $0x0  }
0x8e: {  	s8 =	sadd.s32 $0x100, s8;
	[sflag:s30] =	ssyncadd.s32 $0xFFFFC000  }
.Ltmp5:
0x8f: {  	_ = 	snop;
	(pc) =	sbr.rel .LBB2_11-.Ltmp5, $1  }
0x90: {  	_ =	sdelay $0x3  }
.LBB2_2:
0x91: {  	s8 =	rddreg [dreg:$0x5]  }
0x92: {  	[spmem:s0], [sflag:s7] =	dma.local @!p1 [hbm:s8], $0x3E80  }
0x93: {  	s0 =	simm.s32 @!p1 $0x5  }
0x94: {  	_ =	swait.ge @!p1 [sflag:s0], $0x3E80  }
0x95: {  	[sflag:s0] =	ssyncset.done @!p1 $0x0  }
0x96: {  	[sflag:s0] =	ssyncadd.s32 @!p1 $0xFFFFC180  }
0x97: {  	[bflag:$0x0] =	sbarrier.arrive $0xFFFF  }
0x98: {  	s10 =	simm.s32 $0x0;
	s8 =	rddreg [dreg:$0x6]  }
0x99: {  	[tilespmem:s10], [sflag:$0x5] =	stream.linear.gather [hbm4b:s8+s10], $0x2800, $0x38;
	[tilespmem:$0x1E080] =	vst v63  }
0x9a: {  	_ =	swait.ge [sflag:s22], $0x2800  }
0x9b: {  	[sflag:s22] =	ssyncset.done $0x0  }
0x9c: {  	[sflag:s22] =	ssyncadd.s32 $0xFFFFD800  }
0x9d: {  	[tilespmem:s24], [sflag:$0x1] =	stream.indirect.gather [spmem:s1], $0x80, s10, s23, $0xb8;
	[tilespmem:$0x1E080] =	vst v63  }
0x9e: {  	_ = 	snop  }
0x9f: {  	[tilespmem:s25], [sflag:$0x2] =	stream.indirect.gather [spmem:s1], $0x80, s23, s23, $0xb8;
	[tilespmem:$0x1E080] =	vst v63  }
0xa0: {  	_ =	swait.ge [sflag:s26], $0x4000  }
0xa1: {  	[sflag:s26] =	ssyncset.done $0x0  }
0xa2: {  	s9 =	sadd.s32 $0x0, s18;
	[sflag:s26] =	ssyncadd.s32 $0xFFFFC000  }
0xa3: {  	[hbm4b:s9+s2] =	stream.linear.scatter [tilespmem:s24], [sflag:$0x3], $0x4000, $0x38;
	[tilespmem:$0x1E080] =	vst v63  }
0xa4: {  	_ =	swait.ge [sflag:s28], $0x4000  }
0xa5: {  	[sflag:s28] =	ssyncset.done $0x0  }
0xa6: {  	s0 =	sadd.s32 $0x800, s9;
	[sflag:s28] =	ssyncadd.s32 $0xFFFFC000  }
0xa7: {  	[hbm4b:s0+s2] =	stream.linear.scatter [tilespmem:s25], [sflag:$0x4], $0x4000, $0x38;
	[tilespmem:$0x1E080] =	vst v63  }
0xa8: {  	_ =	swait.ge [sflag:s29], $0x4000  }
0xa9: {  	[sflag:s29] =	ssyncset.done $0x0  }
0xaa: {  	s10 =	simm.s32 $0x100;
	[sflag:s29] =	ssyncadd.s32 $0xFFFFC000  }
0xab: {  	[tilespmem:s24], [sflag:$0x1] =	stream.indirect.gather [spmem:s1], $0x80, s10, s23, $0xb8;
	[tilespmem:$0x1E080] =	vst v63  }
0xac: {  	_ =	swait.ge [sflag:s30], $0x4000  }
0xad: {  	s7 =	simm.s32 $0x1000;
	[sflag:s30] =	ssyncset.done $0x0  }
0xae: {  	s8 =	simm.s32 $0x280;
	s0 =	simm.s32 $0x180;
	[sflag:s30] =	ssyncadd.s32 $0xFFFFC000  }
.LBB2_3:
0xaf: {  	[tilespmem:s25], [sflag:$0x2] =	stream.indirect.gather [spmem:s1], $0x80, s0, s23, $0xb8;
	[tilespmem:$0x1E080] =	vst v63  }
0xb0: {  	s9 =	smov.u32 s7;
	s0 =	smov.u32 s8  }
0xb1: {  	p2 =	sne.s32 s7, $0x26000;
	s7 =	sadd.s32 $0x1000, s7;
	_ =	swait.ge [sflag:s26], $0x4000  }
0xb2: {  	[sflag:s26] =	ssyncset.done $0x0  }
0xb3: {  	s9 =	sadd.s32 s9, s18;
	[sflag:s26] =	ssyncadd.s32 $0xFFFFC000  }
0xb4: {  	[hbm4b:s9+s2] =	stream.linear.scatter [tilespmem:s24], [sflag:$0x3], $0x4000, $0x38;
	[tilespmem:$0x1E080] =	vst v63  }
0xb5: {  	_ =	swait.ge [sflag:s28], $0x4000  }
0xb6: {  	[sflag:s28] =	ssyncset.done $0x0  }
0xb7: {  	s9 =	sadd.s32 $0x800, s9;
	[sflag:s28] =	ssyncadd.s32 $0xFFFFC000  }
0xb8: {  	[hbm4b:s9+s2] =	stream.linear.scatter [tilespmem:s25], [sflag:$0x4], $0x4000, $0x38;
	[tilespmem:$0x1E080] =	vst v63  }
0xb9: {  	_ =	swait.ge [sflag:s29], $0x4000  }
0xba: {  	[sflag:s29] =	ssyncset.done $0x0  }
.Ltmp6:
0xbb: {  	s9 =	sadd.s32 $0xFFFFFF80, s8;
	[sflag:s29] =	ssyncadd.s32 $0xFFFFC000;
	(pc) =	sbr.rel @p2 .LBB2_3-.Ltmp6, $4  }
0xbc: {  	[tilespmem:s24], [sflag:$0x1] =	stream.indirect.gather [spmem:s1], $0x80, s9, s23, $0xb8;
	[tilespmem:$0x1E080] =	vst v63  }
0xbd: {  	_ =	swait.ge [sflag:s30], $0x4000  }
0xbe: {  	[sflag:s30] =	ssyncset.done $0x0  }
0xbf: {  	s8 =	sadd.s32 $0x100, s8;
	[sflag:s30] =	ssyncadd.s32 $0xFFFFC000  }
0xc0: {  	[tilespmem:s25], [sflag:$0x2] =	stream.indirect.gather [spmem:s1], $0x80, s0, s23, $0xb8;
	[tilespmem:$0x1E080] =	vst v63  }
0xc1: {  	_ =	swait.ge [sflag:s26], $0x4000  }
0xc2: {  	[sflag:s26] =	ssyncset.done $0x0  }
0xc3: {  	[sflag:s26] =	ssyncadd.s32 $0xFFFFC000  }
0xc4: {  	[hbm4b:s14+s2] =	stream.linear.scatter [tilespmem:s24], [sflag:$0x3], $0x4000, $0x38;
	[tilespmem:$0x1E080] =	vst v63  }
0xc5: {  	_ =	swait.ge [sflag:s28], $0x4000  }
0xc6: {  	[sflag:s28] =	ssyncset.done $0x0  }
0xc7: {  	[sflag:s28] =	ssyncadd.s32 $0xFFFFC000  }
0xc8: {  	[hbm4b:s20+s2] =	stream.linear.scatter [tilespmem:s25], [sflag:$0x4], $0x4000, $0x38;
	[tilespmem:$0x1E080] =	vst v63  }
0xc9: {  	_ =	swait.ge [sflag:s29], $0x4000  }
0xca: {  	[sflag:s29] =	ssyncset.done $0x0  }
0xcb: {  	[sflag:s29] =	ssyncadd.s32 $0xFFFFC000  }
0xcc: {  	_ =	swait.ge [sflag:s30], $0x4000  }
0xcd: {  	[sflag:s30] =	ssyncset.done $0x0  }
0xce: {  	s8 =	rddreg [dreg:$0x7];
	[sflag:s30] =	ssyncadd.s32 $0xFFFFC000  }
0xcf: {  	[tilespmem:s2], [sflag:$0x5] =	stream.linear.gather [hbm4b:s8+s2], $0x2800, $0x38;
	[tilespmem:$0x1E080] =	vst v63  }
0xd0: {  	_ =	swait.ge [sflag:s22], $0x2800  }
0xd1: {  	[sflag:s22] =	ssyncset.done $0x0  }
0xd2: {  	[sflag:s22] =	ssyncadd.s32 $0xFFFFD800  }
0xd3: {  	[tilespmem:s24], [sflag:$0x1] =	stream.indirect.gather [spmem:s1], $0x80, s2, s23, $0xb8;
	[tilespmem:$0x1E080] =	vst v63  }
0xd4: {  	_ = 	snop  }
0xd5: {  	[tilespmem:s25], [sflag:$0x2] =	stream.indirect.gather [spmem:s1], $0x80, s23, s23, $0xb8;
	[tilespmem:$0x1E080] =	vst v63  }
0xd6: {  	_ =	swait.ge [sflag:s26], $0x4000  }
0xd7: {  	s9 =	sadd.s32 $0xFFFD9000, s18;
	[sflag:s26] =	ssyncset.done $0x0  }
0xd8: {  	s7 =	sadd.s32 $0x4F000, s9;
	[sflag:s26] =	ssyncadd.s32 $0xFFFFC000  }
0xd9: {  	[hbm4b:s7+s2] =	stream.linear.scatter [tilespmem:s24], [sflag:$0x3], $0x4000, $0x38;
	[tilespmem:$0x1E080] =	vst v63  }
0xda: {  	_ =	swait.ge [sflag:s28], $0x4000  }
0xdb: {  	[sflag:s28] =	ssyncset.done $0x0  }
0xdc: {  	s0 =	sadd.s32 $0x4F800, s9;
	[sflag:s28] =	ssyncadd.s32 $0xFFFFC000  }
0xdd: {  	[hbm4b:s0+s2] =	stream.linear.scatter [tilespmem:s25], [sflag:$0x4], $0x4000, $0x38;
	[tilespmem:$0x1E080] =	vst v63  }
0xde: {  	_ =	swait.ge [sflag:s29], $0x4000  }
0xdf: {  	[sflag:s29] =	ssyncset.done $0x0  }
0xe0: {  	s10 =	simm.s32 $0x100;
	[sflag:s29] =	ssyncadd.s32 $0xFFFFC000  }
0xe1: {  	[tilespmem:s24], [sflag:$0x1] =	stream.indirect.gather [spmem:s1], $0x80, s10, s23, $0xb8;
	[tilespmem:$0x1E080] =	vst v63  }
0xe2: {  	_ =	swait.ge [sflag:s30], $0x4000  }
0xe3: {  	s8 =	simm.s32 $0x280;
	[sflag:s30] =	ssyncset.done $0x0  }
0xe4: {  	s7 =	simm.s32 $0xFFFDA000;
	s0 =	simm.s32 $0x180;
	[sflag:s30] =	ssyncadd.s32 $0xFFFFC000  }
.LBB2_5:
0xe5: {  	[tilespmem:s25], [sflag:$0x2] =	stream.indirect.gather [spmem:s1], $0x80, s0, s23, $0xb8;
	[tilespmem:$0x1E080] =	vst v63  }
0xe6: {  	s9 =	smov.u32 s7;
	s0 =	smov.u32 s8  }
0xe7: {  	p2 =	seq.s32 s7, $0xFFFFF000;
	s7 =	sadd.s32 $0x1000, s7;
	_ =	swait.ge [sflag:s26], $0x4000  }
0xe8: {  	s9 =	sadd.s32 s9, s18;
	[sflag:s26] =	ssyncset.done $0x0  }
0xe9: {  	s10 =	sadd.s32 $0x4F000, s9;
	[sflag:s26] =	ssyncadd.s32 $0xFFFFC000  }
0xea: {  	[hbm4b:s10+s2] =	stream.linear.scatter [tilespmem:s24], [sflag:$0x3], $0x4000, $0x38;
	[tilespmem:$0x1E080] =	vst v63  }
0xeb: {  	_ =	swait.ge [sflag:s28], $0x4000  }
0xec: {  	[sflag:s28] =	ssyncset.done $0x0  }
0xed: {  	s9 =	sadd.s32 $0x4F800, s9;
	[sflag:s28] =	ssyncadd.s32 $0xFFFFC000  }
0xee: {  	[hbm4b:s9+s2] =	stream.linear.scatter [tilespmem:s25], [sflag:$0x4], $0x4000, $0x38;
	[tilespmem:$0x1E080] =	vst v63  }
0xef: {  	_ =	swait.ge [sflag:s29], $0x4000  }
0xf0: {  	[sflag:s29] =	ssyncset.done $0x0  }
.Ltmp7:
0xf1: {  	s9 =	sadd.s32 $0xFFFFFF80, s8;
	[sflag:s29] =	ssyncadd.s32 $0xFFFFC000;
	(pc) =	sbr.rel @!p2 .LBB2_5-.Ltmp7, $4  }
0xf2: {  	[tilespmem:s24], [sflag:$0x1] =	stream.indirect.gather [spmem:s1], $0x80, s9, s23, $0xb8;
	[tilespmem:$0x1E080] =	vst v63  }
0xf3: {  	_ =	swait.ge [sflag:s30], $0x4000  }
0xf4: {  	[sflag:s30] =	ssyncset.done $0x0  }
0xf5: {  	s8 =	sadd.s32 $0x100, s8;
	[sflag:s30] =	ssyncadd.s32 $0xFFFFC000  }
.Ltmp8:
0xf6: {  	(pc) =	sbr.rel .LBB2_12-.Ltmp8, $3  }
0xf7: {  	_ =	sdelay $0x1  }
0xf8: {  	[tilespmem:s25], [sflag:$0x2] =	stream.indirect.gather [spmem:s1], $0x80, s0, s23, $0xb8;
	[tilespmem:$0x1E080] =	vst v63  }
0xf9: {  	s0 =	smov.u32 s4  }
.LBB2_13:
0xfa: {  	_ =	sfence.sel $0x180000  }
0xfb: {  	[bflag:$0x0] =	sbarrier.arrive $0xFFFF  }
0xfc: {  	_ =	strace $0x90000047  }
0xfd: {  	[bflag:$0x2] =	sbarrier.arrive $0xFFFF  }
0xfe: {  	p0 =	sne.s32 s3, $0x0;
	s0 =	rddreg [dreg:$0x4]  }
0xff: {  	s0 =	sadd.s32 @!p0 $0x100000, s0  }
0x100: {  	[sflag:s0] =	ssyncadd.tile.s32 @!p0 $0x1;
	_ =	shalt  }
.Lfunc_end2:
_tile_overlayer_lowered:
.L_overlay_start_2:
0x101: {  	(tag) =	ssettag $0x2  }
0x102: {  	s0 =	rddreg [dreg:$0x0];
	s2 =	stileid.u32  }
0x103: {  	s1 =	rddreg [dreg:$0x1];
	p0 =	sne.s32 s2, $0x0  }
0x104: {  	s3 =	rddreg [dreg:$0x2];
	[bflag:$0x3] =	sbarrier.arrive $0xFFFF;
	s2 =	simm.s32 @!p0 $0x1C05  }
0x105: {  	[timem:s3], [sflag:s2] =	dma.local @!p0 [hbm:s0], s1  }
0x106: {  	s0 =	simm.s32 @!p0 $0x5  }
0x107: {  	_ =	swait.ge @!p0 [sflag:s0], s1  }
0x108: {  	s1 =	ssub.s32 @!p0 $0x0, s1;
	[sflag:s0] =	ssyncset.done @!p0 $0x0  }
0x109: {  	[sflag:s0] =	ssyncadd.s32 @!p0 s1  }
0x10a: {  	[bflag:$0x3] =	sbarrier.arrive $0xFFFF  }
0x10b: {  	_ =	shalt  }

// kernel: kernel.15.cloned.1.call-start
scs
__scs_entry_jumppad:
0x0: {  	(pc) =	sbr.rel $0x88, $3  }
0x1: {  	(tag) =	ssettag $0x0;
	lr =	simm.s32 $0x1  }
0x2: {  	[smem:$0x3F94] =	sst lr;
	_ =	strace $0xD0000000  }
0x3: {  	_ = 	snop  }
0x4: {  	_ = 	snop  }
0x5: {  	_ = 	snop  }
0x6: {  	_ = 	snop  }
0x7: {  	_ = 	snop  }
__scs_overlays_trampoline_lowered:
0x8: {  	[smem:$0x3FA3] =	sst s0  }
0x9: {  	[smem:$0x3FA4] =	sst s1  }
0xa: {  	[smem:$0x3FA5] =	sst s2  }
0xb: {  	[smem:$0x3FA6] =	sst s3  }
0xc: {  	[smem:$0x3FA7] =	sst s4  }
0xd: {  	[smem:$0x3FA8] =	sst s5  }
0xe: {  	[smem:$0x3FA9] =	sst s6  }
0xf: {  	[smem:$0x3FAA] =	sst s7  }
0x10: {  	[smem:$0x3FAB] =	sst s8  }
0x11: {  	[smem:$0x3FAC] =	sst s9;
	s0 =	simm.s32 @!p0 $0x0  }
0x12: {  	s1 =	sld [smem:$0x3F92];
	s0 =	simm.s32 @p0 $0x1  }
0x13: {  	[smem:$0x3FAD] =	sst s0;
	s0 =	simm.s32 @!p1 $0x0  }
0x14: {  	s2 =	sld [smem:$0x3F91];
	s0 =	simm.s32 @p1 $0x1  }
0x15: {  	[smem:$0x3FAE] =	sst s0;
	s0 =	simm.s32 @!p2 $0x0  }
0x16: {  	s3 =	sld [smem:$0x3FDB];
	s0 =	simm.s32 @p2 $0x1  }
0x17: {  	s4 =	simm.s32 $0x1BF5;
	[smem:$0x3FB0] =	sst s0  }
0x18: {  	s0 =	sld [smem:$0x3F93];
	_ =	swait.ge [sflag:s4], $0x0  }
0x19: {  	s7 =	sld [smem:$0x3F94]  }
0x1a: {  	s8 =	sadd.s32 $0xFFFFE003, lr  }
0x1b: {  	s9 =	sadd.s32 $0xFFFFFEF7, lr;
	s5 =	simm.s32 $0xFFFFFFFF;
	p2 =	slt.u32 s8, $0xFFFFF086  }
0x1c: {  	p1 =	slt.u32 s9, $0xF7A;
	s5 =	simm.s32 @!p2 $0x0  }
0x1d: {  	s5 =	simm.s32 @p1 $0x1;
	p0 =	seq.s32 s7, s2  }
0x1e: {  	s7 =	smul.u32 @!p0 $0xF7A, s2;
	p2 =	seq.s32 @!p0 s5, $0x0  }
0x1f: {  	s9 =	smul.u32 $0xF7A, s1;
	s8 =	simm.s32 @!p0 $0x1BF5;
	p2 =	por !p2, p0  }
0x20: {  	[sflag:s8] =	ssyncset.s32 @!p0 $0xFFFFF086;
	s6 =	sadd.s32 @!p0 s3, s7;
	s7 =	simm.s32 @!p0 $0x108  }
0x21: {  	s3 =	sadd.s32 s3, s9;
	s6 =	sadd.s32 @!p0 $0x88, s6;
	s7 =	simm.s32 @p2 $0x1082  }
0x22: {  	[simem:s7], [sflag:s8] =	dma.local @!p0 [hbm:s6], $0xF7A  }
0x23: {  	s9 =	sor.u32 $0xD0000000, s2;
	s6 =	simm.s32 $0x108;
	_ =	swait.ge @!p0 [sflag:s8], $0x0  }
0x24: {  	s3 =	sadd.s32 $0x88, s3;
	s6 =	simm.s32 @!p1 $0x1082;
	[sflag:s4] =	ssyncset.s32 $0xFFFFF086  }
0x25: {  	[simem:s6], [sflag:s4] =	dma.local [hbm:s3], $0xF7A  }
0x26: {  	[smem:$0x3F94] =	sst s1;
	(tag) =	ssettag s2;
	_ =	strace s9  }
0x27: {  	s1 =	sld [smem:$0x3FA4]  }
0x28: {  	s2 =	sld [smem:$0x3FA5]  }
0x29: {  	s4 =	sld [smem:$0x3FA7]  }
0x2a: {  	p0 =	seq.s32 s5, $0x0;
	s5 =	sld [smem:$0x3FA8]  }
0x2b: {  	s6 =	sld [smem:$0x3FA9]  }
0x2c: {  	s7 =	sld [smem:$0x3FAA]  }
0x2d: {  	s3 =	simm.s32 $0x108;
	s8 =	sld [smem:$0x3FAB]  }
0x2e: {  	s3 =	simm.s32 @!p0 $0x1082;
	s9 =	sld [smem:$0x3FAC]  }
0x2f: {  	lr =	sadd.s32 s0, s3;
	s0 =	sld [smem:$0x3FA3]  }
0x30: {  	s3 =	sld [smem:$0x3FA6]  }
0x31: {  	[smem:$0x3FAF] =	sst s10  }
0x32: {  	s10 =	sld [smem:$0x3FAD];
	_ =	sdelay $0x3  }
0x33: {  	p0 =	seq.s32 s10, $0x1;
	s10 =	sld [smem:$0x3FAF];
	_ =	sdelay $0x3  }
0x34: {  	[smem:$0x3FAF] =	sst s10  }
0x35: {  	s10 =	sld [smem:$0x3FAE];
	_ =	sdelay $0x3  }
0x36: {  	p1 =	seq.s32 s10, $0x1;
	s10 =	sld [smem:$0x3FAF];
	_ =	sdelay $0x3  }
0x37: {  	[smem:$0x3FAF] =	sst s10  }
0x38: {  	s10 =	sld [smem:$0x3FB0]  }
0x39: {  	_ = 	snop;
	(pc) =	sbr.ind lr, $3  }
0x3a: {  	_ = 	snop  }
0x3b: {  	_ = 	snop  }
0x3c: {  	p2 =	seq.s32 s10, $0x1;
	s10 =	sld [smem:$0x3FAF]  }
0x3d: {  	_ =	shalt  }
0x3e: {  	_ =	shalt  }
0x3f: {  	_ =	shalt  }
0x40: {  	_ =	shalt  }
0x41: {  	_ =	shalt  }
0x42: {  	_ =	shalt  }
0x43: {  	_ =	shalt  }
0x44: {  	_ =	shalt  }
0x45: {  	_ =	shalt  }
0x46: {  	_ =	shalt  }
0x47: {  	_ =	shalt  }
0x48: {  	_ =	shalt  }
0x49: {  	_ =	shalt  }
0x4a: {  	_ =	shalt  }
0x4b: {  	_ =	shalt  }
0x4c: {  	_ =	shalt  }
0x4d: {  	_ =	shalt  }
0x4e: {  	_ =	shalt  }
0x4f: {  	_ =	shalt  }
0x50: {  	_ =	shalt  }
0x51: {  	_ =	shalt  }
0x52: {  	_ =	shalt  }
0x53: {  	_ =	shalt  }
0x54: {  	_ =	shalt  }
0x55: {  	_ =	shalt  }
0x56: {  	_ =	shalt  }
0x57: {  	_ =	shalt  }
0x58: {  	_ =	shalt  }
0x59: {  	_ =	shalt  }
0x5a: {  	_ =	shalt  }
0x5b: {  	_ =	shalt  }
0x5c: {  	_ =	shalt  }
0x5d: {  	_ =	shalt  }
0x5e: {  	_ =	shalt  }
0x5f: {  	_ =	shalt  }
0x60: {  	_ =	shalt  }
0x61: {  	_ =	shalt  }
0x62: {  	_ =	shalt  }
0x63: {  	_ =	shalt  }
0x64: {  	_ =	shalt  }
0x65: {  	_ =	shalt  }
0x66: {  	_ =	shalt  }
0x67: {  	_ =	shalt  }
0x68: {  	_ =	shalt  }
0x69: {  	_ =	shalt  }
0x6a: {  	_ =	shalt  }
0x6b: {  	_ =	shalt  }
0x6c: {  	_ =	shalt  }
0x6d: {  	_ =	shalt  }
0x6e: {  	_ =	shalt  }
0x6f: {  	_ =	shalt  }
0x70: {  	_ =	shalt  }
0x71: {  	_ =	shalt  }
0x72: {  	_ =	shalt  }
0x73: {  	_ =	shalt  }
0x74: {  	_ =	shalt  }
0x75: {  	_ =	shalt  }
0x76: {  	_ =	shalt  }
0x77: {  	_ =	shalt  }
0x78: {  	_ =	shalt  }
0x79: {  	_ =	shalt  }
0x7a: {  	_ =	shalt  }
0x7b: {  	_ =	shalt  }
0x7c: {  	_ =	shalt  }
0x7d: {  	_ =	shalt  }
0x7e: {  	_ =	shalt  }
0x7f: {  	_ =	shalt  }
0x80: {  	_ =	shalt  }
0x81: {  	_ =	shalt  }
0x82: {  	_ =	shalt  }
0x83: {  	_ =	shalt  }
0x84: {  	_ =	shalt  }
0x85: {  	_ =	shalt  }
0x86: {  	_ =	shalt  }
0x87: {  	_ =	shalt  }
.Lfunc_end0:
.L_simem_size_0:
called_computation.1_lowered:
.L_overlay_start_0:
0x88: {  	s2 =	sld [smem:$0x3FD9]  }
0x89: {  	s3 =	sld [smem:$0x3FFE];
	_ =	sdelay $0x1  }
0x8a: {  	s1 =	srdreg.scid  }
0x8b: {  	s0 =	sand.u32 $0x1, s1  }
0x8c: {  	s14 =	sshll.u32 s0, $0xA;
	s2 =	sadd.s32 s3, s2  }
0x8d: {  	s2 =	sadd.s32 s2, s14  }
0x8e: {  	[smem:$0x3FBB] =	sst s2  }
0x8f: {  	_ = 	snop  }
0x90: {  	s2 =	sld [smem:$0x3FD0];
	_ =	sdelay $0x2  }
0x91: {  	s15 =	simm.s32 $0xA;
	s4 =	simm.s32 $0x10  }
0x92: {  	[smem:s4], [sflag:s15] =	dma.local [hbm:s2], $0x1  }
0x93: {  	_ =	swait.eq [sflag:s15], $0x1  }
0x94: {  	[sflag:s15] =	ssyncset.done $0x0  }
0x95: {  	s16 =	sld [smem:$0x10];
	[sflag:s15] =	ssyncadd.s32 $0xFFFFFFFF  }
0x96: {  	s17 =	sld [smem:$0x11];
	(tm) =	ssettm $0x1  }
0x97: {  	s18 =	sld [smem:$0x3FFB];
	_ =	sdelay $0x3  }
0x98: {  	_ =	strace s18  }
0x99: {  	s4 =	sld [smem:$0x3FFC];
	_ =	sdelay $0x3  }
0x9a: {  	_ =	strace s4  }
0x9b: {  	s4 =	sld [smem:$0x3FFD];
	_ =	sdelay $0x3  }
0x9c: {  	_ =	strace s4  }
0x9d: {  	_ =	strace $0x8FFFFFFF  }
0x9e: {  	s19 =	sld [smem:$0x3FDB];
	_ =	sdelay $0x1  }
0x9f: {  	s5 =	simm.s32 $_scs_section_size  }
0xa0: {  	s6 =	simm.s32 $_size__tile_overlayer_lowered;
	s7 =	simm.s32 $_tile_overlayer_lowered  }
0xa1: {  	s22 =	simm.s32 $0x1BFF;
	s21 =	sshll.u32 s7, $0x1;
	s4 =	sadd.s32 s5, s19  }
0xa2: {  	s8 =	simm.s32 $0x0;
	s20 =	sshll.u32 s6, $0x1;
	s6 =	sadd.s32 s21, s4  }
0xa3: {  	[timem:s8], [sflag:s22] =	dma.local [hbm:s6], s20  }
0xa4: {  	_ =	swait.ge [sflag:s22], s20  }
0xa5: {  	s5 =	ssub.s32 $0x0, s20;
	[sflag:s22] =	ssyncset.done $0x0  }
0xa6: {  	[sflag:s22] =	ssyncadd.s32 s5;
	_ =	sdelay $0x1  }
0xa7: {  	s23 =	simm.s32 $0x1B8B  }
0xa8: {  	_ =	swait.ge [sflag:s23], $0x1  }
0xa9: {  	[sflag:s23] =	ssyncset.done $0x0  }
0xaa: {  	s25 =	simm.s32 $0x1B8E;
	s24 =	sld [smem:$0x3FFE];
	[sflag:s23] =	ssyncadd.s32 $0xFFFFFFFF  }
0xab: {  	s26 =	simm.s32 $execute0_lowered;
	[smem:$0x3FD2] =	sst s25  }
0xac: {  	s6 =	sshll.u32 s26, $0x1;
	_ =	strace $0x80000049;
	[dreg:$0x1] =	wrdreg $0xFFFFFFFF  }
0xad: {  	s28 =	simm.s32 $_size_execute0_lowered;
	s4 =	sadd.s32 s4, s6;
	[dreg:$0x0] =	wrdreg $0x0  }
0xae: {  	s6 =	sshll.u32 s28, $0x1;
	[dreg:$0x2] =	wrdreg s4  }
0xaf: {  	[dreg:$0x3] =	wrdreg s6  }
0xb0: {  	[dreg:$0x4] =	wrdreg $0xC0  }
0xb1: {  	_ =	task [dreg:s8], $0x5FFFF  }
0xb2: {  	[dreg:$0x1] =	wrdreg $0xFFFFFFFF  }
0xb3: {  	[dreg:$0x0] =	wrdreg $0x60  }
0xb4: {  	[dreg:$0x2] =	wrdreg s16  }
0xb5: {  	[dreg:$0x3] =	wrdreg s24  }
0xb6: {  	[dreg:$0x4] =	wrdreg s17  }
0xb7: {  	[dreg:$0x5] =	wrdreg $0xC2000  }
0xb8: {  	[dreg:$0x6] =	wrdreg $0x9  }
0xb9: {  	_ =	task.clear_ibuf [dreg:s8], $0x7FFFF;
	_ =	strace $0x90000049  }
0xba: {  	s29 =	simm.s32 $0x9;
	_ =	strace $0x8000004B  }
0xbb: {  	_ =	swait.ge [sflag:s29], $0x1  }
0xbc: {  	[sflag:s29] =	ssyncadd.s32 $0xFFFFFFFF  }
0xbd: {  	_ =	strace $0x9000004B  }
0xbe: {  	_ =	sfence  }
0xbf: {  	s30 =	sld [smem:$0x0];
	_ =	sdelay $0x2  }
0xc0: {  	s31 =	sshll.u32 s1, $0xD;
	s1 =	sshrl.u32 s1, $0x2  }
0xc1: {  	s3 =	sand.u32 $0x4000, s31;
	s1 =	sadd.s32 s1, s30  }
0xc2: {  	s0 =	sor.u32 s3, s0;
	s1 =	sshll.u32 s1, $0x11  }
0xc3: {  	s0 =	sor.u32 s1, s0  }
0xc4: {  	s0 =	sadd.s32 $0x8F2B, s0  }
0xc5: {  	[sflag:s0] =	ssyncadd.remote.s32 $0x1  }
0xc6: {  	_ =	sfence.sel $0xFFFF  }
0xc7: {  	[dreg:$0x0] =	wrdreg $0xFFFFFFFF;
	(pc) =	sbr.abs _section_cstart, $3  }
0xc8: {  	[dreg:$0x1] =	wrdreg $0xFFFFFFFF  }
0xc9: {  	_ =	task.clear_ibuf [dreg:s8], $0x2FFFF;
	_ =	strace $0x9FFFFFFF  }
0xca: {  	(tm) =	ssettm $0x7FFFFFFF  }
0xcb: {  	_ =	shalt  }
tec
execute0_lowered:
.L_overlay_start_1:
0x0: {  	(tag) =	ssettag $0x1  }
0x1: {  	s0 =	rddreg [dreg:$0x0]  }
0x2: {  	s1 =	rddreg [dreg:$0x1]  }
0x3: {  	s6 =	rddreg [dreg:$0x2]  }
0x4: {  	s2 =	rddreg [dreg:$0x3];
	s15 =	stileid.u32  }
0x5: {  	s3 =	simm.s32 $0x0;
	s4 =	srdreg.scid;
	s28 =	simm.s32 $0x1  }
0x6: {  	s29 =	simm.s32 $0x4;
	s30 =	simm.s32 $0x2;
	s8 =	smul.u32 $0x50000, s15  }
0x7: {  	s31 =	simm.s32 $0x5;
	[smem:$0x7FF] =	sst s3;
	s7 =	smul.u32 $0x3E80, s15  }
0x8: {  	s9 =	sand.u32 $0x1, s4;
	s4 =	sadd.s32 $0xE000, s1;
	s12 =	smul.u32 $0x7D000, s15  }
0x9: {  	p1 =	sgt.u32 s15, $0x9;
	_ =	strace $0x8000004A;
	s5 =	smul.u32 $0x27100, s9  }
0xa: {  	s11 =	ssub.s32 $0x2, s9;
	p0 =	seq.s32 s9, $0x1;
	s10 =	sadd.s32 s8, s1  }
0xb: {  	s14 =	sshrl.u32 s11, $0x1;
	s18 =	sshrl.u32 s12, $0x2;
	s6 =	sadd.s32 s6, s7  }
0xc: {  	s0 =	sadd.s32 s0, s8;
	s13 =	sadd.s32 s7, s5;
	[dreg:$0x5] =	wrdreg s6  }
0xd: {  	s5 =	smul.u32 $0xA00, s15;
	s20 =	sadd.s32 $0x800, s0;
	[dreg:$0x6] =	wrdreg s0  }
0xe: {  	s17 =	ssub.s32 s11, s14;
	s22 =	sadd.s32 $0x1000, s0;
	[dreg:$0x8] =	wrdreg s20  }
0xf: {  	s12 =	sadd.s32 s18, s2;
	s23 =	sadd.s32 $0xA18000, s10;
	[dreg:$0xa] =	wrdreg s22  }
0x10: {  	s24 =	sadd.s32 $0xA18800, s10;
	s25 =	sadd.s32 $0xA19000, s10;
	[dreg:$0xb] =	wrdreg s23  }
0x11: {  	s0 =	sadd.s32 $0x2800, s0;
	s26 =	sadd.s32 $0xA1A800, s10;
	[dreg:$0xc] =	wrdreg s24  }
0x12: {  	s10 =	simm.s32 $0x7;
	s14 =	simm.s32 $0xA;
	[dreg:$0xd] =	wrdreg s25  }
0x13: {  	s1 =	sadd.s32 s13, s1;
	s17 =	smax.u32 s17, $0x1;
	[dreg:$0xe] =	wrdreg s0  }
0x14: {  	[dreg:$0xf] =	wrdreg s26;
	s0 =	sshll.u32 @!p1 s15, $0x6;
	s22 =	simm.s32 $0x200  }
0x15: {  	s23 =	simm.s32 $0x80;
	s24 =	simm.s32 $0x4200;
	s25 =	simm.s32 $0x100  }
.Ltmp0:
0x16: {  	s26 =	simm.s32 $0x8200;
	s13 =	simm.s32 $0x9;
	(pc) =	sbr.rel .LBB2_1-.Ltmp0, $4  }
0x17: {  	s15 =	simm.s32 $0x0;
	s7 =	sadd.s32 s4, s5;
	s16 =	sadd.s32 $0x18000, s1  }
0x18: {  	s20 =	sor.u32 @!p1 $0x1C0A, s0;
	s0 =	simm.s32 $0x3;
	s19 =	sadd.s32 $0x10, s7  }
0x19: {  	s1 =	simm.s32 $0x6;
	s21 =	sadd.s32 $0x20, s7;
	[dreg:$0x7] =	wrdreg s19  }
0x1a: {  	[dreg:$0x9] =	wrdreg s21;
	s21 =	sshrl.u32 @!p1 s12, $0x3;
	s12 =	simm.s32 $0x8  }
.LBB2_8:
0x1b: {  	_ =	swait.ge [sflag:s13], $0x4000  }
0x1c: {  	[sflag:s13] =	ssyncset.done $0x0  }
0x1d: {  	[sflag:s13] =	ssyncadd.s32 $0xFFFFC000  }
0x1e: {  	_ =	swait.ge [sflag:s28], $0x80  }
0x1f: {  	[sflag:s28] =	ssyncset.done $0x0  }
0x20: {  	[sflag:s28] =	ssyncadd.s32 $0xFFFFFF80  }
0x21: {  	_ =	swait.ge [sflag:s29], $0x4000  }
0x22: {  	[sflag:s29] =	ssyncset.done $0x0  }
0x23: {  	[sflag:s29] =	ssyncadd.s32 $0xFFFFC000  }
0x24: {  	[spmem:s2] =	stream.indirect.scatter.add.f32 [tilespmem:s22], [sflag:$0xA], $0x80, s3, s23, $0xb8;
	[tilespmem:$0x1FA80] =	vst v63  }
0x25: {  	_ =	swait.ge [sflag:s14], $0x4000  }
0x26: {  	s15 =	sadd.s32 $0x1, s15;
	[sflag:s14] =	ssyncset.done $0x0  }
0x27: {  	p2 =	sne.s32 s15, s17;
	[sflag:s14] =	ssyncadd.s32 $0xFFFFC000  }
.Ltmp1:
0x28: {  	s6 =	simm.s32 @!p1 $0xA;
	[bflag:$0x0] =	sbarrier.arrive $0xFFFF;
	(pc) =	sbr.rel @!p2 .LBB2_9-.Ltmp1, $4  }
0x29: {  	[hbm:s16], [sflag:s20] =	dma.local @!p1 [spmem:s21], $0x3E80  }
0x2a: {  	_ =	swait.ge @!p1 [sflag:s6], $0x3E80  }
0x2b: {  	[sflag:s6] =	ssyncset.done @!p1 $0x0  }
0x2c: {  	[sflag:s6] =	ssyncadd.s32 @!p1 $0xFFFFC180  }
.LBB2_1:
0x2d: {  	s6 =	rddreg [dreg:$0x5];
	s8 =	simm.s32 @!p1 $0xA  }
0x2e: {  	[spmem:s21], [sflag:s20] =	dma.local @!p1 [hbm:s6], $0x3E80  }
.Ltmp2:
0x2f: {  	_ =	swait.ge @!p1 [sflag:s8], $0x3E80;
	(pc) =	sbr.rel @!p0 .LBB2_2-.Ltmp2, $4  }
0x30: {  	[sflag:s8] =	ssyncset.done @!p1 $0x0  }
0x31: {  	[sflag:s8] =	ssyncadd.s32 @!p1 $0xFFFFC180  }
0x32: {  	[bflag:$0x0] =	sbarrier.arrive $0xFFFF  }
0x33: {  	[tilespmem:s3], [sflag:$0x1] =	stream.linear.gather [hbm4b:s7+s3], $0x80, $0x38;
	[tilespmem:$0x1FA80] =	vst v63  }
0x34: {  	s19 =	simm.s32 $0x0;
	s6 =	rddreg [dreg:$0xb]  }
0x35: {  	[tilespmem:s22], [sflag:$0x4] =	stream.linear.gather [hbm4b:s6+s19], $0x4000, $0x38;
	[tilespmem:$0x1FA80] =	vst v63  }
0x36: {  	s8 =	rddreg [dreg:$0x7]  }
0x37: {  	[tilespmem:s23], [sflag:$0x2] =	stream.linear.gather [hbm4b:s8+s19], $0x80, $0x38;
	[tilespmem:$0x1FA80] =	vst v63  }
0x38: {  	s9 =	rddreg [dreg:$0xc]  }
0x39: {  	[tilespmem:s24], [sflag:$0x5] =	stream.linear.gather [hbm4b:s9+s19], $0x4000, $0x38;
	[tilespmem:$0x1FA80] =	vst v63  }
0x3a: {  	s11 =	rddreg [dreg:$0x9]  }
0x3b: {  	[tilespmem:s25], [sflag:$0x3] =	stream.linear.gather [hbm4b:s11+s19], $0x80, $0x38;
	[tilespmem:$0x1FA80] =	vst v63  }
0x3c: {  	s18 =	rddreg [dreg:$0xd]  }
0x3d: {  	[tilespmem:s26], [sflag:$0x6] =	stream.linear.gather [hbm4b:s18+s19], $0x4000, $0x38;
	[tilespmem:$0x1FA80] =	vst v63  }
0x3e: {  	s18 =	rddreg [dreg:$0xf]  }
.LBB2_6:
0x3f: {  	_ =	swait.ge [sflag:s28], $0x80  }
0x40: {  	[sflag:s28] =	ssyncset.done $0x0  }
0x41: {  	[sflag:s28] =	ssyncadd.s32 $0xFFFFFF80  }
0x42: {  	_ =	swait.ge [sflag:s29], $0x4000  }
0x43: {  	[sflag:s29] =	ssyncset.done $0x0  }
0x44: {  	[sflag:s29] =	ssyncadd.s32 $0xFFFFC000  }
0x45: {  	[spmem:s2] =	stream.indirect.scatter.add.f32 [tilespmem:s22], [sflag:$0x7], $0x80, s3, s23, $0xb8;
	[tilespmem:$0x1FA80] =	vst v63  }
0x46: {  	_ =	swait.ge [sflag:s30], $0x80  }
0x47: {  	[sflag:s30] =	ssyncset.done $0x0  }
0x48: {  	[sflag:s30] =	ssyncadd.s32 $0xFFFFFF80  }
0x49: {  	_ =	swait.ge [sflag:s31], $0x4000  }
0x4a: {  	[sflag:s31] =	ssyncset.done $0x0  }
0x4b: {  	[sflag:s31] =	ssyncadd.s32 $0xFFFFC000  }
0x4c: {  	[spmem:s2] =	stream.indirect.scatter.add.f32 [tilespmem:s24], [sflag:$0x8], $0x80, s23, s23, $0xb8;
	[tilespmem:$0x1FA80] =	vst v63  }
0x4d: {  	_ =	swait.ge [sflag:s0], $0x80  }
0x4e: {  	[sflag:s0] =	ssyncset.done $0x0  }
0x4f: {  	[sflag:s0] =	ssyncadd.s32 $0xFFFFFF80  }
0x50: {  	_ =	swait.ge [sflag:s1], $0x4000  }
0x51: {  	[sflag:s1] =	ssyncset.done $0x0  }
0x52: {  	s8 =	sadd.s32 $0x30, s19;
	[sflag:s1] =	ssyncadd.s32 $0xFFFFC000  }
0x53: {  	[spmem:s2] =	stream.indirect.scatter.add.f32 [tilespmem:s26], [sflag:$0x9], $0x80, s25, s23, $0xb8;
	[tilespmem:$0x1FA80] =	vst v63  }
0x54: {  	s6 =	sadd.s32 s5, s8;
	s9 =	sand.u32 $0x70, s8;
	_ =	swait.ge [sflag:s10], $0x4000  }
0x55: {  	s6 =	sand.u32 $0x1FF80, s6;
	s9 =	sadd.s32 s4, s9;
	[sflag:s10] =	ssyncset.done $0x0  }
0x56: {  	p2 =	seq.s32 s19, $0x9C0;
	s6 =	sadd.s32 s6, s9;
	[sflag:s10] =	ssyncadd.s32 $0xFFFFC000  }
0x57: {  	[tilespmem:s3], [sflag:$0x1] =	stream.linear.gather [hbm4b:s6+s3], $0x80, $0x38;
	[tilespmem:$0x1FA80] =	vst v63  }
.Ltmp3:
0x58: {  	s11 =	sadd.s32 $0xFFFFF000, s18;
	(pc) =	sbr.rel @p2 .LBB2_8-.Ltmp3, $4  }
0x59: {  	[tilespmem:s22], [sflag:$0x4] =	stream.linear.gather [hbm4b:s11+s3], $0x4000, $0x38;
	[tilespmem:$0x1FA80] =	vst v63  }
0x5a: {  	_ =	swait.ge [sflag:s12], $0x4000  }
0x5b: {  	[sflag:s12] =	ssyncset.done $0x0  }
0x5c: {  	[sflag:s12] =	ssyncadd.s32 $0xFFFFC000  }
0x5d: {  	s6 =	sadd.s32 s19, s5;
	s9 =	sadd.s32 $0x40, s19  }
0x5e: {  	s11 =	sadd.s32 $0x40, s6;
	s9 =	sand.u32 $0x70, s9  }
0x5f: {  	s11 =	sand.u32 $0x1FF80, s11;
	s9 =	sadd.s32 s4, s9  }
0x60: {  	s9 =	sadd.s32 s11, s9  }
0x61: {  	[tilespmem:s23], [sflag:$0x2] =	stream.linear.gather [hbm4b:s9+s3], $0x80, $0x38;
	[tilespmem:$0x1FA80] =	vst v63  }
0x62: {  	s19 =	sadd.s32 $0x50, s19;
	s11 =	sadd.s32 $0xFFFFF800, s18  }
0x63: {  	[tilespmem:s24], [sflag:$0x5] =	stream.linear.gather [hbm4b:s11+s3], $0x4000, $0x38;
	[tilespmem:$0x1FA80] =	vst v63  }
0x64: {  	s6 =	sadd.s32 $0x50, s6;
	s9 =	sand.u32 $0x70, s19;
	_ =	swait.ge [sflag:s13], $0x4000  }
0x65: {  	s6 =	sand.u32 $0x1FF80, s6;
	s9 =	sadd.s32 s4, s9;
	[sflag:s13] =	ssyncset.done $0x0  }
.Ltmp4:
0x66: {  	s6 =	sadd.s32 s6, s9;
	[sflag:s13] =	ssyncadd.s32 $0xFFFFC000;
	(pc) =	sbr.rel .LBB2_6-.Ltmp4, $4  }
0x67: {  	[tilespmem:s25], [sflag:$0x3] =	stream.linear.gather [hbm4b:s6+s3], $0x80, $0x38;
	[tilespmem:$0x1FA80] =	vst v63  }
0x68: {  	_ = 	snop  }
0x69: {  	[tilespmem:s26], [sflag:$0x6] =	stream.linear.gather [hbm4b:s18+s3], $0x4000, $0x38;
	[tilespmem:$0x1FA80] =	vst v63  }
0x6a: {  	s19 =	smov.u32 s8;
	s18 =	sadd.s32 $0x1800, s18  }
.LBB2_2:
0x6b: {  	s6 =	rddreg [dreg:$0x6]  }
0x6c: {  	s8 =	simm.s32 $0x0;
	s9 =	rddreg [dreg:$0x7]  }
0x6d: {  	[tilespmem:s22], [sflag:$0x4] =	stream.linear.gather [hbm4b:s6+s8], $0x4000, $0x38;
	[tilespmem:$0x1FA80] =	vst v63  }
0x6e: {  	s11 =	rddreg [dreg:$0x8]  }
0x6f: {  	[tilespmem:s23], [sflag:$0x2] =	stream.linear.gather [hbm4b:s9+s8], $0x80, $0x38;
	[tilespmem:$0x1FA80] =	vst v63  }
0x70: {  	s18 =	rddreg [dreg:$0x9]  }
0x71: {  	[tilespmem:s24], [sflag:$0x5] =	stream.linear.gather [hbm4b:s11+s8], $0x4000, $0x38;
	[tilespmem:$0x1FA80] =	vst v63  }
0x72: {  	s19 =	rddreg [dreg:$0xa]  }
0x73: {  	[tilespmem:s25], [sflag:$0x3] =	stream.linear.gather [hbm4b:s18+s8], $0x80, $0x38;
	[tilespmem:$0x1FA80] =	vst v63  }
0x74: {  	s18 =	rddreg [dreg:$0xe]  }
0x75: {  	[tilespmem:s26], [sflag:$0x6] =	stream.linear.gather [hbm4b:s19+s8], $0x4000, $0x38;
	[tilespmem:$0x1FA80] =	vst v63  }
.LBB2_3:
0x76: {  	_ =	swait.ge [sflag:s28], $0x80  }
0x77: {  	[sflag:s28] =	ssyncset.done $0x0  }
0x78: {  	[sflag:s28] =	ssyncadd.s32 $0xFFFFFF80  }
0x79: {  	_ =	swait.ge [sflag:s29], $0x4000  }
0x7a: {  	[sflag:s29] =	ssyncset.done $0x0  }
0x7b: {  	[sflag:s29] =	ssyncadd.s32 $0xFFFFC000  }
0x7c: {  	[spmem:s2] =	stream.indirect.scatter.add.f32 [tilespmem:s22], [sflag:$0x7], $0x80, s3, s23, $0xb8;
	[tilespmem:$0x1FA80] =	vst v63  }
0x7d: {  	_ =	swait.ge [sflag:s30], $0x80  }
0x7e: {  	[sflag:s30] =	ssyncset.done $0x0  }
0x7f: {  	[sflag:s30] =	ssyncadd.s32 $0xFFFFFF80  }
0x80: {  	_ =	swait.ge [sflag:s31], $0x4000  }
0x81: {  	[sflag:s31] =	ssyncset.done $0x0  }
0x82: {  	[sflag:s31] =	ssyncadd.s32 $0xFFFFC000  }
0x83: {  	[spmem:s2] =	stream.indirect.scatter.add.f32 [tilespmem:s24], [sflag:$0x8], $0x80, s23, s23, $0xb8;
	[tilespmem:$0x1FA80] =	vst v63  }
0x84: {  	_ =	swait.ge [sflag:s0], $0x80  }
0x85: {  	[sflag:s0] =	ssyncset.done $0x0  }
0x86: {  	[sflag:s0] =	ssyncadd.s32 $0xFFFFFF80  }
0x87: {  	_ =	swait.ge [sflag:s1], $0x4000  }
0x88: {  	[sflag:s1] =	ssyncset.done $0x0  }
0x89: {  	s19 =	sadd.s32 $0x30, s8;
	[sflag:s1] =	ssyncadd.s32 $0xFFFFC000  }
0x8a: {  	[spmem:s2] =	stream.indirect.scatter.add.f32 [tilespmem:s26], [sflag:$0x9], $0x80, s25, s23, $0xb8;
	[tilespmem:$0x1FA80] =	vst v63  }
0x8b: {  	s6 =	sadd.s32 s5, s19;
	s9 =	sand.u32 $0x70, s19;
	_ =	swait.ge [sflag:s10], $0x4000  }
0x8c: {  	s6 =	sand.u32 $0x1FF80, s6;
	s9 =	sadd.s32 s4, s9;
	[sflag:s10] =	ssyncset.done $0x0  }
0x8d: {  	p2 =	seq.s32 s8, $0x9C0;
	s6 =	sadd.s32 s6, s9;
	[sflag:s10] =	ssyncadd.s32 $0xFFFFC000  }
0x8e: {  	[tilespmem:s3], [sflag:$0x1] =	stream.linear.gather [hbm4b:s6+s3], $0x80, $0x38;
	[tilespmem:$0x1FA80] =	vst v63  }
.Ltmp5:
0x8f: {  	s11 =	sadd.s32 $0xFFFFF000, s18;
	(pc) =	sbr.rel @p2 .LBB2_8-.Ltmp5, $4  }
0x90: {  	[tilespmem:s22], [sflag:$0x4] =	stream.linear.gather [hbm4b:s11+s3], $0x4000, $0x38;
	[tilespmem:$0x1FA80] =	vst v63  }
0x91: {  	_ =	swait.ge [sflag:s12], $0x4000  }
0x92: {  	[sflag:s12] =	ssyncset.done $0x0  }
0x93: {  	[sflag:s12] =	ssyncadd.s32 $0xFFFFC000  }
0x94: {  	s6 =	sadd.s32 s8, s5;
	s9 =	sadd.s32 $0x40, s8  }
0x95: {  	s11 =	sadd.s32 $0x40, s6;
	s9 =	sand.u32 $0x70, s9  }
0x96: {  	s11 =	sand.u32 $0x1FF80, s11;
	s9 =	sadd.s32 s4, s9  }
0x97: {  	s9 =	sadd.s32 s11, s9  }
0x98: {  	[tilespmem:s23], [sflag:$0x2] =	stream.linear.gather [hbm4b:s9+s3], $0x80, $0x38;
	[tilespmem:$0x1FA80] =	vst v63  }
0x99: {  	s11 =	sadd.s32 $0xFFFFF800, s18  }
0x9a: {  	[tilespmem:s24], [sflag:$0x5] =	stream.linear.gather [hbm4b:s11+s3], $0x4000, $0x38;
	[tilespmem:$0x1FA80] =	vst v63  }
0x9b: {  	s11 =	sadd.s32 $0x50, s8  }
0x9c: {  	s6 =	sadd.s32 $0x50, s6;
	_ =	swait.ge [sflag:s13], $0x4000;
	s8 =	sand.u32 $0x70, s11  }
0x9d: {  	s6 =	sand.u32 $0x1FF80, s6;
	[sflag:s13] =	ssyncset.done $0x0;
	s8 =	sadd.s32 s4, s8  }
.Ltmp6:
0x9e: {  	[sflag:s13] =	ssyncadd.s32 $0xFFFFC000;
	s6 =	sadd.s32 s6, s8;
	(pc) =	sbr.rel .LBB2_3-.Ltmp6, $4  }
0x9f: {  	[tilespmem:s25], [sflag:$0x3] =	stream.linear.gather [hbm4b:s6+s3], $0x80, $0x38;
	[tilespmem:$0x1FA80] =	vst v63  }
0xa0: {  	_ = 	snop  }
0xa1: {  	[tilespmem:s26], [sflag:$0x6] =	stream.linear.gather [hbm4b:s18+s3], $0x4000, $0x38;
	[tilespmem:$0x1FA80] =	vst v63  }
0xa2: {  	s8 =	smov.u32 s19;
	s18 =	sadd.s32 $0x1800, s18  }
.LBB2_9:
0xa3: {  	_ =	sfence.sel $0x180000  }
0xa4: {  	[bflag:$0x0] =	sbarrier.arrive $0xFFFF  }
0xa5: {  	_ =	strace $0x9000004A  }
0xa6: {  	s0 =	stileid.u32;
	[bflag:$0x2] =	sbarrier.arrive $0xFFFF  }
0xa7: {  	p0 =	sne.s32 s0, $0x0;
	s0 =	rddreg [dreg:$0x4]  }
0xa8: {  	s0 =	sadd.s32 @!p0 $0x100000, s0  }
0xa9: {  	[sflag:s0] =	ssyncadd.tile.s32 @!p0 $0x1;
	_ =	shalt  }
.Lfunc_end2:
_tile_overlayer_lowered:
.L_overlay_start_2:
0xaa: {  	(tag) =	ssettag $0x2  }
0xab: {  	s0 =	rddreg [dreg:$0x0];
	s2 =	stileid.u32  }
0xac: {  	s1 =	rddreg [dreg:$0x1];
	p0 =	sne.s32 s2, $0x0  }
0xad: {  	s3 =	rddreg [dreg:$0x2];
	[bflag:$0x3] =	sbarrier.arrive $0xFFFF;
	s2 =	simm.s32 @!p0 $0x1C0A  }
0xae: {  	[timem:s3], [sflag:s2] =	dma.local @!p0 [hbm:s0], s1  }
0xaf: {  	s0 =	simm.s32 @!p0 $0xA  }
0xb0: {  	_ =	swait.ge @!p0 [sflag:s0], s1  }
0xb1: {  	s1 =	ssub.s32 @!p0 $0x0, s1;
	[sflag:s0] =	ssyncset.done @!p0 $0x0  }
0xb2: {  	[sflag:s0] =	ssyncadd.s32 @!p0 s1  }
0xb3: {  	[bflag:$0x3] =	sbarrier.arrive $0xFFFF  }
0xb4: {  	_ =	shalt  }

// kernel: kernel.18.cloned.1.call-start
scs
__scs_entry_jumppad:
0x0: {  	(pc) =	sbr.rel $0x88, $3  }
0x1: {  	(tag) =	ssettag $0x0;
	lr =	simm.s32 $0x1  }
0x2: {  	[smem:$0x3F94] =	sst lr;
	_ =	strace $0xD0000000  }
0x3: {  	_ = 	snop  }
0x4: {  	_ = 	snop  }
0x5: {  	_ = 	snop  }
0x6: {  	_ = 	snop  }
0x7: {  	_ = 	snop  }
__scs_overlays_trampoline_lowered:
0x8: {  	[smem:$0x3FA3] =	sst s0  }
0x9: {  	[smem:$0x3FA4] =	sst s1  }
0xa: {  	[smem:$0x3FA5] =	sst s2  }
0xb: {  	[smem:$0x3FA6] =	sst s3  }
0xc: {  	[smem:$0x3FA7] =	sst s4  }
0xd: {  	[smem:$0x3FA8] =	sst s5  }
0xe: {  	[smem:$0x3FA9] =	sst s6  }
0xf: {  	[smem:$0x3FAA] =	sst s7  }
0x10: {  	[smem:$0x3FAB] =	sst s8  }
0x11: {  	[smem:$0x3FAC] =	sst s9;
	s0 =	simm.s32 @!p0 $0x0  }
0x12: {  	s1 =	sld [smem:$0x3F92];
	s0 =	simm.s32 @p0 $0x1  }
0x13: {  	[smem:$0x3FAD] =	sst s0;
	s0 =	simm.s32 @!p1 $0x0  }
0x14: {  	s2 =	sld [smem:$0x3F91];
	s0 =	simm.s32 @p1 $0x1  }
0x15: {  	[smem:$0x3FAE] =	sst s0;
	s0 =	simm.s32 @!p2 $0x0  }
0x16: {  	s3 =	sld [smem:$0x3FDB];
	s0 =	simm.s32 @p2 $0x1  }
0x17: {  	s4 =	simm.s32 $0x1BF5;
	[smem:$0x3FB0] =	sst s0  }
0x18: {  	s0 =	sld [smem:$0x3F93];
	_ =	swait.ge [sflag:s4], $0x0  }
0x19: {  	s7 =	sld [smem:$0x3F94]  }
0x1a: {  	s8 =	sadd.s32 $0xFFFFE003, lr  }
0x1b: {  	s9 =	sadd.s32 $0xFFFFFEF7, lr;
	s5 =	simm.s32 $0xFFFFFFFF;
	p2 =	slt.u32 s8, $0xFFFFF086  }
0x1c: {  	p1 =	slt.u32 s9, $0xF7A;
	s5 =	simm.s32 @!p2 $0x0  }
0x1d: {  	s5 =	simm.s32 @p1 $0x1;
	p0 =	seq.s32 s7, s2  }
0x1e: {  	s7 =	smul.u32 @!p0 $0xF7A, s2;
	p2 =	seq.s32 @!p0 s5, $0x0  }
0x1f: {  	s9 =	smul.u32 $0xF7A, s1;
	s8 =	simm.s32 @!p0 $0x1BF5;
	p2 =	por !p2, p0  }
0x20: {  	[sflag:s8] =	ssyncset.s32 @!p0 $0xFFFFF086;
	s6 =	sadd.s32 @!p0 s3, s7;
	s7 =	simm.s32 @!p0 $0x108  }
0x21: {  	s3 =	sadd.s32 s3, s9;
	s6 =	sadd.s32 @!p0 $0x88, s6;
	s7 =	simm.s32 @p2 $0x1082  }
0x22: {  	[simem:s7], [sflag:s8] =	dma.local @!p0 [hbm:s6], $0xF7A  }
0x23: {  	s9 =	sor.u32 $0xD0000000, s2;
	s6 =	simm.s32 $0x108;
	_ =	swait.ge @!p0 [sflag:s8], $0x0  }
0x24: {  	s3 =	sadd.s32 $0x88, s3;
	s6 =	simm.s32 @!p1 $0x1082;
	[sflag:s4] =	ssyncset.s32 $0xFFFFF086  }
0x25: {  	[simem:s6], [sflag:s4] =	dma.local [hbm:s3], $0xF7A  }
0x26: {  	[smem:$0x3F94] =	sst s1;
	(tag) =	ssettag s2;
	_ =	strace s9  }
0x27: {  	s1 =	sld [smem:$0x3FA4]  }
0x28: {  	s2 =	sld [smem:$0x3FA5]  }
0x29: {  	s4 =	sld [smem:$0x3FA7]  }
0x2a: {  	p0 =	seq.s32 s5, $0x0;
	s5 =	sld [smem:$0x3FA8]  }
0x2b: {  	s6 =	sld [smem:$0x3FA9]  }
0x2c: {  	s7 =	sld [smem:$0x3FAA]  }
0x2d: {  	s3 =	simm.s32 $0x108;
	s8 =	sld [smem:$0x3FAB]  }
0x2e: {  	s3 =	simm.s32 @!p0 $0x1082;
	s9 =	sld [smem:$0x3FAC]  }
0x2f: {  	lr =	sadd.s32 s0, s3;
	s0 =	sld [smem:$0x3FA3]  }
0x30: {  	s3 =	sld [smem:$0x3FA6]  }
0x31: {  	[smem:$0x3FAF] =	sst s10  }
0x32: {  	s10 =	sld [smem:$0x3FAD];
	_ =	sdelay $0x3  }
0x33: {  	p0 =	seq.s32 s10, $0x1;
	s10 =	sld [smem:$0x3FAF];
	_ =	sdelay $0x3  }
0x34: {  	[smem:$0x3FAF] =	sst s10  }
0x35: {  	s10 =	sld [smem:$0x3FAE];
	_ =	sdelay $0x3  }
0x36: {  	p1 =	seq.s32 s10, $0x1;
	s10 =	sld [smem:$0x3FAF];
	_ =	sdelay $0x3  }
0x37: {  	[smem:$0x3FAF] =	sst s10  }
0x38: {  	s10 =	sld [smem:$0x3FB0]  }
0x39: {  	_ = 	snop;
	(pc) =	sbr.ind lr, $3  }
0x3a: {  	_ = 	snop  }
0x3b: {  	_ = 	snop  }
0x3c: {  	p2 =	seq.s32 s10, $0x1;
	s10 =	sld [smem:$0x3FAF]  }
0x3d: {  	_ =	shalt  }
0x3e: {  	_ =	shalt  }
0x3f: {  	_ =	shalt  }
0x40: {  	_ =	shalt  }
0x41: {  	_ =	shalt  }
0x42: {  	_ =	shalt  }
0x43: {  	_ =	shalt  }
0x44: {  	_ =	shalt  }
0x45: {  	_ =	shalt  }
0x46: {  	_ =	shalt  }
0x47: {  	_ =	shalt  }
0x48: {  	_ =	shalt  }
0x49: {  	_ =	shalt  }
0x4a: {  	_ =	shalt  }
0x4b: {  	_ =	shalt  }
0x4c: {  	_ =	shalt  }
0x4d: {  	_ =	shalt  }
0x4e: {  	_ =	shalt  }
0x4f: {  	_ =	shalt  }
0x50: {  	_ =	shalt  }
0x51: {  	_ =	shalt  }
0x52: {  	_ =	shalt  }
0x53: {  	_ =	shalt  }
0x54: {  	_ =	shalt  }
0x55: {  	_ =	shalt  }
0x56: {  	_ =	shalt  }
0x57: {  	_ =	shalt  }
0x58: {  	_ =	shalt  }
0x59: {  	_ =	shalt  }
0x5a: {  	_ =	shalt  }
0x5b: {  	_ =	shalt  }
0x5c: {  	_ =	shalt  }
0x5d: {  	_ =	shalt  }
0x5e: {  	_ =	shalt  }
0x5f: {  	_ =	shalt  }
0x60: {  	_ =	shalt  }
0x61: {  	_ =	shalt  }
0x62: {  	_ =	shalt  }
0x63: {  	_ =	shalt  }
0x64: {  	_ =	shalt  }
0x65: {  	_ =	shalt  }
0x66: {  	_ =	shalt  }
0x67: {  	_ =	shalt  }
0x68: {  	_ =	shalt  }
0x69: {  	_ =	shalt  }
0x6a: {  	_ =	shalt  }
0x6b: {  	_ =	shalt  }
0x6c: {  	_ =	shalt  }
0x6d: {  	_ =	shalt  }
0x6e: {  	_ =	shalt  }
0x6f: {  	_ =	shalt  }
0x70: {  	_ =	shalt  }
0x71: {  	_ =	shalt  }
0x72: {  	_ =	shalt  }
0x73: {  	_ =	shalt  }
0x74: {  	_ =	shalt  }
0x75: {  	_ =	shalt  }
0x76: {  	_ =	shalt  }
0x77: {  	_ =	shalt  }
0x78: {  	_ =	shalt  }
0x79: {  	_ =	shalt  }
0x7a: {  	_ =	shalt  }
0x7b: {  	_ =	shalt  }
0x7c: {  	_ =	shalt  }
0x7d: {  	_ =	shalt  }
0x7e: {  	_ =	shalt  }
0x7f: {  	_ =	shalt  }
0x80: {  	_ =	shalt  }
0x81: {  	_ =	shalt  }
0x82: {  	_ =	shalt  }
0x83: {  	_ =	shalt  }
0x84: {  	_ =	shalt  }
0x85: {  	_ =	shalt  }
0x86: {  	_ =	shalt  }
0x87: {  	_ =	shalt  }
.Lfunc_end0:
.L_simem_size_0:
called_computation.2_lowered:
.L_overlay_start_0:
0x88: {  	s2 =	sld [smem:$0x3FD9]  }
0x89: {  	s3 =	sld [smem:$0x3FFE];
	_ =	sdelay $0x1  }
0x8a: {  	s1 =	srdreg.scid  }
0x8b: {  	s0 =	sand.u32 $0x1, s1  }
0x8c: {  	s14 =	sshll.u32 s0, $0xA;
	s2 =	sadd.s32 s3, s2  }
0x8d: {  	s2 =	sadd.s32 s2, s14  }
0x8e: {  	[smem:$0x3FBB] =	sst s2  }
0x8f: {  	_ = 	snop  }
0x90: {  	s2 =	sld [smem:$0x3FD0];
	_ =	sdelay $0x2  }
0x91: {  	s15 =	simm.s32 $0xA;
	s4 =	simm.s32 $0x10  }
0x92: {  	[smem:s4], [sflag:s15] =	dma.local [hbm:s2], $0x1  }
0x93: {  	_ =	swait.eq [sflag:s15], $0x1  }
0x94: {  	[sflag:s15] =	ssyncset.done $0x0  }
0x95: {  	[sflag:s15] =	ssyncadd.s32 $0xFFFFFFFF  }
0x96: {  	s16 =	sld [smem:$0x10];
	(tm) =	ssettm $0x1  }
0x97: {  	s17 =	sld [smem:$0x3FFB];
	_ =	sdelay $0x3  }
0x98: {  	_ =	strace s17  }
0x99: {  	s3 =	sld [smem:$0x3FFC];
	_ =	sdelay $0x3  }
0x9a: {  	_ =	strace s3  }
0x9b: {  	s3 =	sld [smem:$0x3FFD];
	_ =	sdelay $0x3  }
0x9c: {  	_ =	strace s3  }
0x9d: {  	_ =	strace $0x8FFFFFFF  }
0x9e: {  	s18 =	sld [smem:$0x3FDB];
	_ =	sdelay $0x1  }
0x9f: {  	s19 =	simm.s32 $_scs_section_size  }
0xa0: {  	s5 =	simm.s32 $_size__tile_overlayer_lowered;
	s6 =	simm.s32 $_tile_overlayer_lowered  }
0xa1: {  	s22 =	simm.s32 $0x1BFF;
	s21 =	sshll.u32 s6, $0x1;
	s3 =	sadd.s32 s19, s18  }
0xa2: {  	s7 =	simm.s32 $0x0;
	s20 =	sshll.u32 s5, $0x1;
	s5 =	sadd.s32 s21, s3  }
0xa3: {  	[timem:s7], [sflag:s22] =	dma.local [hbm:s5], s20  }
0xa4: {  	_ =	swait.ge [sflag:s22], s20  }
0xa5: {  	s4 =	ssub.s32 $0x0, s20;
	[sflag:s22] =	ssyncset.done $0x0  }
0xa6: {  	[sflag:s22] =	ssyncadd.s32 s4;
	_ =	sdelay $0x1  }
0xa7: {  	s23 =	simm.s32 $0x1B8B  }
0xa8: {  	_ =	swait.ge [sflag:s23], $0x1  }
0xa9: {  	[sflag:s23] =	ssyncset.done $0x0  }
0xaa: {  	s25 =	simm.s32 $0x1B8E;
	s24 =	sld [smem:$0x3FFE];
	[sflag:s23] =	ssyncadd.s32 $0xFFFFFFFF  }
0xab: {  	s26 =	simm.s32 $execute0_lowered;
	[smem:$0x3FD2] =	sst s25  }
0xac: {  	s5 =	sshll.u32 s26, $0x1;
	_ =	strace $0x8000004C;
	[dreg:$0x1] =	wrdreg $0xFFFFFFFF  }
0xad: {  	s28 =	simm.s32 $_size_execute0_lowered;
	s3 =	sadd.s32 s3, s5;
	[dreg:$0x0] =	wrdreg $0x0  }
0xae: {  	s5 =	sshll.u32 s28, $0x1;
	[dreg:$0x2] =	wrdreg s3  }
0xaf: {  	[dreg:$0x3] =	wrdreg s5  }
0xb0: {  	[dreg:$0x4] =	wrdreg $0xC0  }
0xb1: {  	_ =	task [dreg:s7], $0x5FFFF  }
0xb2: {  	[dreg:$0x1] =	wrdreg $0xFFFFFFFF  }
0xb3: {  	[dreg:$0x0] =	wrdreg $0x60  }
0xb4: {  	[dreg:$0x2] =	wrdreg s16  }
0xb5: {  	[dreg:$0x3] =	wrdreg s24  }
0xb6: {  	[dreg:$0x4] =	wrdreg $0xA8000  }
0xb7: {  	[dreg:$0x5] =	wrdreg $0x9  }
0xb8: {  	_ =	task.clear_ibuf [dreg:s7], $0x6FFFF;
	_ =	strace $0x9000004C  }
0xb9: {  	s29 =	simm.s32 $0x9;
	_ =	strace $0x8000004E  }
0xba: {  	_ =	swait.ge [sflag:s29], $0x1  }
0xbb: {  	[sflag:s29] =	ssyncadd.s32 $0xFFFFFFFF  }
0xbc: {  	_ =	strace $0x9000004E  }
0xbd: {  	_ =	sfence  }
0xbe: {  	s30 =	sld [smem:$0x0];
	_ =	sdelay $0x2  }
0xbf: {  	s31 =	sshll.u32 s1, $0xD;
	s1 =	sshrl.u32 s1, $0x2  }
0xc0: {  	s3 =	sand.u32 $0x4000, s31;
	s1 =	sadd.s32 s1, s30  }
0xc1: {  	s0 =	sor.u32 s3, s0;
	s1 =	sshll.u32 s1, $0x11  }
0xc2: {  	s0 =	sor.u32 s1, s0  }
0xc3: {  	s0 =	sadd.s32 $0x8F2B, s0  }
0xc4: {  	[sflag:s0] =	ssyncadd.remote.s32 $0x1  }
0xc5: {  	_ =	sfence.sel $0xFFFF  }
0xc6: {  	[dreg:$0x0] =	wrdreg $0xFFFFFFFF;
	(pc) =	sbr.abs _section_cstart, $3  }
0xc7: {  	[dreg:$0x1] =	wrdreg $0xFFFFFFFF  }
0xc8: {  	_ =	task.clear_ibuf [dreg:s7], $0x2FFFF;
	_ =	strace $0x9FFFFFFF  }
0xc9: {  	(tm) =	ssettm $0x7FFFFFFF  }
tec
execute0_lowered:
.L_overlay_start_1:
0x0: {  	(tag) =	ssettag $0x1  }
0x1: {  	s0 =	rddreg [dreg:$0x0]  }
0x2: {  	s5 =	rddreg [dreg:$0x1];
	s1 =	stileid.u32  }
0x3: {  	s2 =	rddreg [dreg:$0x2];
	s3 =	simm.s32 $0x0;
	s7 =	smul.u32 $0x3E80, s1  }
0x4: {  	s4 =	srdreg.scid;
	s28 =	simm.s32 $0x2;
	s11 =	smul.u32 $0x7D000, s1  }
0x5: {  	s29 =	simm.s32 $0x3;
	s30 =	simm.s32 $0x4;
	s14 =	smul.u32 $0x5000, s1  }
0x6: {  	s31 =	simm.s32 $0x0;
	[smem:$0x7FF] =	sst s3;
	s21 =	smul.u32 $0xA00, s1  }
0x7: {  	s9 =	sadd.s32 $0x4000, s5;
	s12 =	sadd.s32 $0xE000, s5;
	s23 =	smul.u32 $0x280000, s1  }
0x8: {  	s6 =	sand.u32 $0x1, s4;
	s4 =	sadd.s32 $0x3F200, s5;
	s26 =	smul.u32 $0x50000, s1  }
0x9: {  	p1 =	sgt.u32 s1, $0x9;
	_ =	strace $0x8000004D;
	s10 =	ssub.s32 $0x2, s6  }
0xa: {  	p0 =	seq.s32 s6, $0x1;
	s8 =	sadd.s32 s7, s5;
	s5 =	sadd.s32 $0x53F200, s5  }
0xb: {  	s13 =	sshrl.u32 s10, $0x1;
	s20 =	sshrl.u32 s11, $0x2;
	s22 =	sshrl.u32 s14, $0x3  }
0xc: {  	s0 =	sadd.s32 s0, s7;
	s25 =	sadd.s32 s9, s21;
	s11 =	sadd.s32 s12, s21  }
0xd: {  	s15 =	sadd.s32 $0x4F000, s26;
	s16 =	sadd.s32 $0x4F800, s26;
	s18 =	sadd.s32 s26, s4  }
0xe: {  	s13 =	ssub.s32 s10, s13;
	s6 =	sadd.s32 s20, s2;
	[dreg:$0x4] =	wrdreg s0  }
0xf: {  	s24 =	sadd.s32 $0x500, s22;
	[dreg:$0x5] =	wrdreg s25;
	s8 =	sadd.s32 $0x18000, s8  }
0x10: {  	s0 =	sshrl.u32 s23, $0x3;
	s19 =	sadd.s32 s26, s5;
	s20 =	sadd.s32 $0x27800, s18  }
.Ltmp0:
0x11: {  	s22 =	simm.s32 $0x5;
	s23 =	simm.s32 $0x80;
	(pc) =	sbr.rel .LBB2_1-.Ltmp0, $4  }
0x12: {  	s25 =	simm.s32 $0x6800;
	s26 =	simm.s32 $0x1;
	s9 =	sadd.s32 s9, s24  }
0x13: {  	[dreg:$0x7] =	wrdreg s8;
	s12 =	sadd.s32 s12, s24;
	s13 =	smax.u32 s13, $0x1  }
0x14: {  	s0 =	sadd.s32 $0x27000, s0;
	s21 =	sadd.s32 $0x27800, s19;
	s24 =	simm.s32 $0x2800  }
0x15: {  	[dreg:$0x6] =	wrdreg s9;
	s14 =	sadd.s32 s4, s0;
	s17 =	sadd.s32 s5, s0  }
.LBB2_11:
0x16: {  	[tilespmem:s25], [sflag:$0x2] =	stream.indirect.gather [spmem:s2], $0x80, s0, s23, $0xb8;
	[tilespmem:$0x1E080] =	vst v63  }
0x17: {  	s0 =	smov.u32 s5  }
.LBB2_12:
0x18: {  	_ =	swait.ge [sflag:s26], $0x4000  }
0x19: {  	[sflag:s26] =	ssyncset.done $0x0  }
0x1a: {  	s7 =	sadd.s32 s0, s15;
	[sflag:s26] =	ssyncadd.s32 $0xFFFFC000  }
0x1b: {  	[hbm4b:s7+s3] =	stream.linear.scatter [tilespmem:s24], [sflag:$0x3], $0x4000, $0x38;
	[tilespmem:$0x1E080] =	vst v63  }
0x1c: {  	_ =	swait.ge [sflag:s28], $0x4000  }
0x1d: {  	[sflag:s28] =	ssyncset.done $0x0  }
0x1e: {  	s10 =	sadd.s32 s0, s16;
	s31 =	sadd.s32 $0x1, s31;
	[sflag:s28] =	ssyncadd.s32 $0xFFFFC000  }
0x1f: {  	[hbm4b:s10+s3] =	stream.linear.scatter [tilespmem:s25], [sflag:$0x4], $0x4000, $0x38;
	[tilespmem:$0x1E080] =	vst v63  }
0x20: {  	p2 =	sne.s32 s31, s13;
	_ =	swait.ge [sflag:s29], $0x4000  }
.Ltmp1:
0x21: {  	[sflag:s29] =	ssyncset.done $0x0;
	(pc) =	sbr.rel @!p2 .LBB2_13-.Ltmp1, $4  }
0x22: {  	[sflag:s29] =	ssyncadd.s32 $0xFFFFC000  }
0x23: {  	_ =	swait.ge [sflag:s30], $0x4000  }
0x24: {  	[sflag:s30] =	ssyncset.done $0x0  }
0x25: {  	[sflag:s30] =	ssyncadd.s32 $0xFFFFC000  }
.LBB2_1:
.Ltmp2:
0x26: {  	(pc) =	sbr.rel @!p0 .LBB2_2-.Ltmp2, $3  }
0x27: {  	_ =	sdelay $0x1  }
0x28: {  	s7 =	sshll.u32 @!p1 s1, $0x6  }
0x29: {  	s0 =	sshrl.u32 @!p1 s6, $0x3;
	s7 =	sor.u32 @!p1 $0x1C05, s7  }
0x2a: {  	s8 =	rddreg [dreg:$0x7]  }
0x2b: {  	[spmem:s0], [sflag:s7] =	dma.local @!p1 [hbm:s8], $0x3E80  }
0x2c: {  	s0 =	simm.s32 @!p1 $0x5  }
0x2d: {  	_ =	swait.ge @!p1 [sflag:s0], $0x3E80  }
0x2e: {  	[sflag:s0] =	ssyncset.done @!p1 $0x0  }
0x2f: {  	[sflag:s0] =	ssyncadd.s32 @!p1 $0xFFFFC180  }
0x30: {  	s8 =	simm.s32 $0x0;
	[bflag:$0x0] =	sbarrier.arrive $0xFFFF  }
0x31: {  	[tilespmem:s8], [sflag:$0x5] =	stream.linear.gather [hbm4b:s11+s8], $0x2800, $0x38;
	[tilespmem:$0x1E080] =	vst v63  }
0x32: {  	_ =	swait.ge [sflag:s22], $0x2800  }
0x33: {  	[sflag:s22] =	ssyncset.done $0x0  }
0x34: {  	[sflag:s22] =	ssyncadd.s32 $0xFFFFD800  }
0x35: {  	[tilespmem:s24], [sflag:$0x1] =	stream.indirect.gather [spmem:s2], $0x80, s8, s23, $0xb8;
	[tilespmem:$0x1E080] =	vst v63  }
0x36: {  	_ = 	snop  }
0x37: {  	[tilespmem:s25], [sflag:$0x2] =	stream.indirect.gather [spmem:s2], $0x80, s23, s23, $0xb8;
	[tilespmem:$0x1E080] =	vst v63  }
0x38: {  	_ =	swait.ge [sflag:s26], $0x4000  }
0x39: {  	[sflag:s26] =	ssyncset.done $0x0  }
0x3a: {  	s9 =	sadd.s32 $0x0, s19;
	[sflag:s26] =	ssyncadd.s32 $0xFFFFC000  }
0x3b: {  	[hbm4b:s9+s3] =	stream.linear.scatter [tilespmem:s24], [sflag:$0x3], $0x4000, $0x38;
	[tilespmem:$0x1E080] =	vst v63  }
0x3c: {  	_ =	swait.ge [sflag:s28], $0x4000  }
0x3d: {  	[sflag:s28] =	ssyncset.done $0x0  }
0x3e: {  	s0 =	sadd.s32 $0x800, s9;
	[sflag:s28] =	ssyncadd.s32 $0xFFFFC000  }
0x3f: {  	[hbm4b:s0+s3] =	stream.linear.scatter [tilespmem:s25], [sflag:$0x4], $0x4000, $0x38;
	[tilespmem:$0x1E080] =	vst v63  }
0x40: {  	_ =	swait.ge [sflag:s29], $0x4000  }
0x41: {  	[sflag:s29] =	ssyncset.done $0x0  }
0x42: {  	s10 =	simm.s32 $0x100;
	[sflag:s29] =	ssyncadd.s32 $0xFFFFC000  }
0x43: {  	[tilespmem:s24], [sflag:$0x1] =	stream.indirect.gather [spmem:s2], $0x80, s10, s23, $0xb8;
	[tilespmem:$0x1E080] =	vst v63  }
0x44: {  	_ =	swait.ge [sflag:s30], $0x4000  }
0x45: {  	s7 =	simm.s32 $0x1000;
	[sflag:s30] =	ssyncset.done $0x0  }
0x46: {  	s8 =	simm.s32 $0x280;
	s0 =	simm.s32 $0x180;
	[sflag:s30] =	ssyncadd.s32 $0xFFFFC000  }
.LBB2_8:
0x47: {  	[tilespmem:s25], [sflag:$0x2] =	stream.indirect.gather [spmem:s2], $0x80, s0, s23, $0xb8;
	[tilespmem:$0x1E080] =	vst v63  }
0x48: {  	s9 =	smov.u32 s7;
	s0 =	smov.u32 s8  }
0x49: {  	p2 =	sne.s32 s7, $0x26000;
	s7 =	sadd.s32 $0x1000, s7;
	_ =	swait.ge [sflag:s26], $0x4000  }
0x4a: {  	[sflag:s26] =	ssyncset.done $0x0  }
0x4b: {  	s9 =	sadd.s32 s9, s19;
	[sflag:s26] =	ssyncadd.s32 $0xFFFFC000  }
0x4c: {  	[hbm4b:s9+s3] =	stream.linear.scatter [tilespmem:s24], [sflag:$0x3], $0x4000, $0x38;
	[tilespmem:$0x1E080] =	vst v63  }
0x4d: {  	_ =	swait.ge [sflag:s28], $0x4000  }
0x4e: {  	[sflag:s28] =	ssyncset.done $0x0  }
0x4f: {  	s9 =	sadd.s32 $0x800, s9;
	[sflag:s28] =	ssyncadd.s32 $0xFFFFC000  }
0x50: {  	[hbm4b:s9+s3] =	stream.linear.scatter [tilespmem:s25], [sflag:$0x4], $0x4000, $0x38;
	[tilespmem:$0x1E080] =	vst v63  }
0x51: {  	_ =	swait.ge [sflag:s29], $0x4000  }
0x52: {  	[sflag:s29] =	ssyncset.done $0x0  }
.Ltmp3:
0x53: {  	s9 =	sadd.s32 $0xFFFFFF80, s8;
	[sflag:s29] =	ssyncadd.s32 $0xFFFFC000;
	(pc) =	sbr.rel @p2 .LBB2_8-.Ltmp3, $4  }
0x54: {  	[tilespmem:s24], [sflag:$0x1] =	stream.indirect.gather [spmem:s2], $0x80, s9, s23, $0xb8;
	[tilespmem:$0x1E080] =	vst v63  }
0x55: {  	_ =	swait.ge [sflag:s30], $0x4000  }
0x56: {  	[sflag:s30] =	ssyncset.done $0x0  }
0x57: {  	s8 =	sadd.s32 $0x100, s8;
	[sflag:s30] =	ssyncadd.s32 $0xFFFFC000  }
0x58: {  	[tilespmem:s25], [sflag:$0x2] =	stream.indirect.gather [spmem:s2], $0x80, s0, s23, $0xb8;
	[tilespmem:$0x1E080] =	vst v63  }
0x59: {  	_ =	swait.ge [sflag:s26], $0x4000  }
0x5a: {  	[sflag:s26] =	ssyncset.done $0x0  }
0x5b: {  	[sflag:s26] =	ssyncadd.s32 $0xFFFFC000  }
0x5c: {  	[hbm4b:s17+s3] =	stream.linear.scatter [tilespmem:s24], [sflag:$0x3], $0x4000, $0x38;
	[tilespmem:$0x1E080] =	vst v63  }
0x5d: {  	_ =	swait.ge [sflag:s28], $0x4000  }
0x5e: {  	[sflag:s28] =	ssyncset.done $0x0  }
0x5f: {  	[sflag:s28] =	ssyncadd.s32 $0xFFFFC000  }
0x60: {  	[hbm4b:s21+s3] =	stream.linear.scatter [tilespmem:s25], [sflag:$0x4], $0x4000, $0x38;
	[tilespmem:$0x1E080] =	vst v63  }
0x61: {  	_ =	swait.ge [sflag:s29], $0x4000  }
0x62: {  	[sflag:s29] =	ssyncset.done $0x0  }
0x63: {  	[sflag:s29] =	ssyncadd.s32 $0xFFFFC000  }
0x64: {  	_ =	swait.ge [sflag:s30], $0x4000  }
0x65: {  	[sflag:s30] =	ssyncset.done $0x0  }
0x66: {  	[sflag:s30] =	ssyncadd.s32 $0xFFFFC000  }
0x67: {  	[tilespmem:s3], [sflag:$0x5] =	stream.linear.gather [hbm4b:s12+s3], $0x2800, $0x38;
	[tilespmem:$0x1E080] =	vst v63  }
0x68: {  	_ =	swait.ge [sflag:s22], $0x2800  }
0x69: {  	[sflag:s22] =	ssyncset.done $0x0  }
0x6a: {  	[sflag:s22] =	ssyncadd.s32 $0xFFFFD800  }
0x6b: {  	[tilespmem:s24], [sflag:$0x1] =	stream.indirect.gather [spmem:s2], $0x80, s3, s23, $0xb8;
	[tilespmem:$0x1E080] =	vst v63  }
0x6c: {  	_ = 	snop  }
0x6d: {  	[tilespmem:s25], [sflag:$0x2] =	stream.indirect.gather [spmem:s2], $0x80, s23, s23, $0xb8;
	[tilespmem:$0x1E080] =	vst v63  }
0x6e: {  	_ =	swait.ge [sflag:s26], $0x4000  }
0x6f: {  	s9 =	sadd.s32 $0xFFFD9000, s19;
	[sflag:s26] =	ssyncset.done $0x0  }
0x70: {  	s7 =	sadd.s32 $0x4F000, s9;
	[sflag:s26] =	ssyncadd.s32 $0xFFFFC000  }
0x71: {  	[hbm4b:s7+s3] =	stream.linear.scatter [tilespmem:s24], [sflag:$0x3], $0x4000, $0x38;
	[tilespmem:$0x1E080] =	vst v63  }
0x72: {  	_ =	swait.ge [sflag:s28], $0x4000  }
0x73: {  	[sflag:s28] =	ssyncset.done $0x0  }
0x74: {  	s0 =	sadd.s32 $0x4F800, s9;
	[sflag:s28] =	ssyncadd.s32 $0xFFFFC000  }
0x75: {  	[hbm4b:s0+s3] =	stream.linear.scatter [tilespmem:s25], [sflag:$0x4], $0x4000, $0x38;
	[tilespmem:$0x1E080] =	vst v63  }
0x76: {  	_ =	swait.ge [sflag:s29], $0x4000  }
0x77: {  	[sflag:s29] =	ssyncset.done $0x0  }
0x78: {  	s10 =	simm.s32 $0x100;
	[sflag:s29] =	ssyncadd.s32 $0xFFFFC000  }
0x79: {  	[tilespmem:s24], [sflag:$0x1] =	stream.indirect.gather [spmem:s2], $0x80, s10, s23, $0xb8;
	[tilespmem:$0x1E080] =	vst v63  }
0x7a: {  	_ =	swait.ge [sflag:s30], $0x4000  }
0x7b: {  	s8 =	simm.s32 $0x280;
	[sflag:s30] =	ssyncset.done $0x0  }
0x7c: {  	s7 =	simm.s32 $0xFFFDA000;
	s0 =	simm.s32 $0x180;
	[sflag:s30] =	ssyncadd.s32 $0xFFFFC000  }
.LBB2_10:
0x7d: {  	[tilespmem:s25], [sflag:$0x2] =	stream.indirect.gather [spmem:s2], $0x80, s0, s23, $0xb8;
	[tilespmem:$0x1E080] =	vst v63  }
0x7e: {  	s9 =	smov.u32 s7;
	s0 =	smov.u32 s8  }
0x7f: {  	p2 =	sne.s32 s7, $0xFFFFF000;
	s7 =	sadd.s32 $0x1000, s7;
	_ =	swait.ge [sflag:s26], $0x4000  }
0x80: {  	s9 =	sadd.s32 s9, s19;
	[sflag:s26] =	ssyncset.done $0x0  }
0x81: {  	s10 =	sadd.s32 $0x4F000, s9;
	[sflag:s26] =	ssyncadd.s32 $0xFFFFC000  }
0x82: {  	[hbm4b:s10+s3] =	stream.linear.scatter [tilespmem:s24], [sflag:$0x3], $0x4000, $0x38;
	[tilespmem:$0x1E080] =	vst v63  }
0x83: {  	_ =	swait.ge [sflag:s28], $0x4000  }
0x84: {  	[sflag:s28] =	ssyncset.done $0x0  }
0x85: {  	s9 =	sadd.s32 $0x4F800, s9;
	[sflag:s28] =	ssyncadd.s32 $0xFFFFC000  }
0x86: {  	[hbm4b:s9+s3] =	stream.linear.scatter [tilespmem:s25], [sflag:$0x4], $0x4000, $0x38;
	[tilespmem:$0x1E080] =	vst v63  }
0x87: {  	_ =	swait.ge [sflag:s29], $0x4000  }
0x88: {  	[sflag:s29] =	ssyncset.done $0x0  }
.Ltmp4:
0x89: {  	s9 =	sadd.s32 $0xFFFFFF80, s8;
	[sflag:s29] =	ssyncadd.s32 $0xFFFFC000;
	(pc) =	sbr.rel @p2 .LBB2_10-.Ltmp4, $4  }
0x8a: {  	[tilespmem:s24], [sflag:$0x1] =	stream.indirect.gather [spmem:s2], $0x80, s9, s23, $0xb8;
	[tilespmem:$0x1E080] =	vst v63  }
0x8b: {  	_ =	swait.ge [sflag:s30], $0x4000  }
0x8c: {  	[sflag:s30] =	ssyncset.done $0x0  }
0x8d: {  	s8 =	sadd.s32 $0x100, s8;
	[sflag:s30] =	ssyncadd.s32 $0xFFFFC000  }
.Ltmp5:
0x8e: {  	_ = 	snop;
	(pc) =	sbr.rel .LBB2_11-.Ltmp5, $1  }
0x8f: {  	_ =	sdelay $0x3  }
.LBB2_2:
0x90: {  	s8 =	rddreg [dreg:$0x4]  }
0x91: {  	[spmem:s0], [sflag:s7] =	dma.local @!p1 [hbm:s8], $0x3E80  }
0x92: {  	s0 =	simm.s32 @!p1 $0x5  }
0x93: {  	_ =	swait.ge @!p1 [sflag:s0], $0x3E80  }
0x94: {  	[sflag:s0] =	ssyncset.done @!p1 $0x0  }
0x95: {  	[sflag:s0] =	ssyncadd.s32 @!p1 $0xFFFFC180  }
0x96: {  	[bflag:$0x0] =	sbarrier.arrive $0xFFFF  }
0x97: {  	s10 =	simm.s32 $0x0;
	s8 =	rddreg [dreg:$0x5]  }
0x98: {  	[tilespmem:s10], [sflag:$0x5] =	stream.linear.gather [hbm4b:s8+s10], $0x2800, $0x38;
	[tilespmem:$0x1E080] =	vst v63  }
0x99: {  	_ =	swait.ge [sflag:s22], $0x2800  }
0x9a: {  	[sflag:s22] =	ssyncset.done $0x0  }
0x9b: {  	[sflag:s22] =	ssyncadd.s32 $0xFFFFD800  }
0x9c: {  	[tilespmem:s24], [sflag:$0x1] =	stream.indirect.gather [spmem:s2], $0x80, s10, s23, $0xb8;
	[tilespmem:$0x1E080] =	vst v63  }
0x9d: {  	_ = 	snop  }
0x9e: {  	[tilespmem:s25], [sflag:$0x2] =	stream.indirect.gather [spmem:s2], $0x80, s23, s23, $0xb8;
	[tilespmem:$0x1E080] =	vst v63  }
0x9f: {  	_ =	swait.ge [sflag:s26], $0x4000  }
0xa0: {  	[sflag:s26] =	ssyncset.done $0x0  }
0xa1: {  	s9 =	sadd.s32 $0x0, s18;
	[sflag:s26] =	ssyncadd.s32 $0xFFFFC000  }
0xa2: {  	[hbm4b:s9+s3] =	stream.linear.scatter [tilespmem:s24], [sflag:$0x3], $0x4000, $0x38;
	[tilespmem:$0x1E080] =	vst v63  }
0xa3: {  	_ =	swait.ge [sflag:s28], $0x4000  }
0xa4: {  	[sflag:s28] =	ssyncset.done $0x0  }
0xa5: {  	s0 =	sadd.s32 $0x800, s9;
	[sflag:s28] =	ssyncadd.s32 $0xFFFFC000  }
0xa6: {  	[hbm4b:s0+s3] =	stream.linear.scatter [tilespmem:s25], [sflag:$0x4], $0x4000, $0x38;
	[tilespmem:$0x1E080] =	vst v63  }
0xa7: {  	_ =	swait.ge [sflag:s29], $0x4000  }
0xa8: {  	[sflag:s29] =	ssyncset.done $0x0  }
0xa9: {  	s10 =	simm.s32 $0x100;
	[sflag:s29] =	ssyncadd.s32 $0xFFFFC000  }
0xaa: {  	[tilespmem:s24], [sflag:$0x1] =	stream.indirect.gather [spmem:s2], $0x80, s10, s23, $0xb8;
	[tilespmem:$0x1E080] =	vst v63  }
0xab: {  	_ =	swait.ge [sflag:s30], $0x4000  }
0xac: {  	s7 =	simm.s32 $0x1000;
	[sflag:s30] =	ssyncset.done $0x0  }
0xad: {  	s8 =	simm.s32 $0x280;
	s0 =	simm.s32 $0x180;
	[sflag:s30] =	ssyncadd.s32 $0xFFFFC000  }
.LBB2_3:
0xae: {  	[tilespmem:s25], [sflag:$0x2] =	stream.indirect.gather [spmem:s2], $0x80, s0, s23, $0xb8;
	[tilespmem:$0x1E080] =	vst v63  }
0xaf: {  	s9 =	smov.u32 s7;
	s0 =	smov.u32 s8  }
0xb0: {  	p2 =	sne.s32 s7, $0x26000;
	s7 =	sadd.s32 $0x1000, s7;
	_ =	swait.ge [sflag:s26], $0x4000  }
0xb1: {  	[sflag:s26] =	ssyncset.done $0x0  }
0xb2: {  	s9 =	sadd.s32 s9, s18;
	[sflag:s26] =	ssyncadd.s32 $0xFFFFC000  }
0xb3: {  	[hbm4b:s9+s3] =	stream.linear.scatter [tilespmem:s24], [sflag:$0x3], $0x4000, $0x38;
	[tilespmem:$0x1E080] =	vst v63  }
0xb4: {  	_ =	swait.ge [sflag:s28], $0x4000  }
0xb5: {  	[sflag:s28] =	ssyncset.done $0x0  }
0xb6: {  	s9 =	sadd.s32 $0x800, s9;
	[sflag:s28] =	ssyncadd.s32 $0xFFFFC000  }
0xb7: {  	[hbm4b:s9+s3] =	stream.linear.scatter [tilespmem:s25], [sflag:$0x4], $0x4000, $0x38;
	[tilespmem:$0x1E080] =	vst v63  }
0xb8: {  	_ =	swait.ge [sflag:s29], $0x4000  }
0xb9: {  	[sflag:s29] =	ssyncset.done $0x0  }
.Ltmp6:
0xba: {  	s9 =	sadd.s32 $0xFFFFFF80, s8;
	[sflag:s29] =	ssyncadd.s32 $0xFFFFC000;
	(pc) =	sbr.rel @p2 .LBB2_3-.Ltmp6, $4  }
0xbb: {  	[tilespmem:s24], [sflag:$0x1] =	stream.indirect.gather [spmem:s2], $0x80, s9, s23, $0xb8;
	[tilespmem:$0x1E080] =	vst v63  }
0xbc: {  	_ =	swait.ge [sflag:s30], $0x4000  }
0xbd: {  	[sflag:s30] =	ssyncset.done $0x0  }
0xbe: {  	s8 =	sadd.s32 $0x100, s8;
	[sflag:s30] =	ssyncadd.s32 $0xFFFFC000  }
0xbf: {  	[tilespmem:s25], [sflag:$0x2] =	stream.indirect.gather [spmem:s2], $0x80, s0, s23, $0xb8;
	[tilespmem:$0x1E080] =	vst v63  }
0xc0: {  	_ =	swait.ge [sflag:s26], $0x4000  }
0xc1: {  	[sflag:s26] =	ssyncset.done $0x0  }
0xc2: {  	[sflag:s26] =	ssyncadd.s32 $0xFFFFC000  }
0xc3: {  	[hbm4b:s14+s3] =	stream.linear.scatter [tilespmem:s24], [sflag:$0x3], $0x4000, $0x38;
	[tilespmem:$0x1E080] =	vst v63  }
0xc4: {  	_ =	swait.ge [sflag:s28], $0x4000  }
0xc5: {  	[sflag:s28] =	ssyncset.done $0x0  }
0xc6: {  	[sflag:s28] =	ssyncadd.s32 $0xFFFFC000  }
0xc7: {  	[hbm4b:s20+s3] =	stream.linear.scatter [tilespmem:s25], [sflag:$0x4], $0x4000, $0x38;
	[tilespmem:$0x1E080] =	vst v63  }
0xc8: {  	_ =	swait.ge [sflag:s29], $0x4000  }
0xc9: {  	[sflag:s29] =	ssyncset.done $0x0  }
0xca: {  	[sflag:s29] =	ssyncadd.s32 $0xFFFFC000  }
0xcb: {  	_ =	swait.ge [sflag:s30], $0x4000  }
0xcc: {  	[sflag:s30] =	ssyncset.done $0x0  }
0xcd: {  	s8 =	rddreg [dreg:$0x6];
	[sflag:s30] =	ssyncadd.s32 $0xFFFFC000  }
0xce: {  	[tilespmem:s3], [sflag:$0x5] =	stream.linear.gather [hbm4b:s8+s3], $0x2800, $0x38;
	[tilespmem:$0x1E080] =	vst v63  }
0xcf: {  	_ =	swait.ge [sflag:s22], $0x2800  }
0xd0: {  	[sflag:s22] =	ssyncset.done $0x0  }
0xd1: {  	[sflag:s22] =	ssyncadd.s32 $0xFFFFD800  }
0xd2: {  	[tilespmem:s24], [sflag:$0x1] =	stream.indirect.gather [spmem:s2], $0x80, s3, s23, $0xb8;
	[tilespmem:$0x1E080] =	vst v63  }
0xd3: {  	_ = 	snop  }
0xd4: {  	[tilespmem:s25], [sflag:$0x2] =	stream.indirect.gather [spmem:s2], $0x80, s23, s23, $0xb8;
	[tilespmem:$0x1E080] =	vst v63  }
0xd5: {  	_ =	swait.ge [sflag:s26], $0x4000  }
0xd6: {  	s9 =	sadd.s32 $0xFFFD9000, s18;
	[sflag:s26] =	ssyncset.done $0x0  }
0xd7: {  	s7 =	sadd.s32 $0x4F000, s9;
	[sflag:s26] =	ssyncadd.s32 $0xFFFFC000  }
0xd8: {  	[hbm4b:s7+s3] =	stream.linear.scatter [tilespmem:s24], [sflag:$0x3], $0x4000, $0x38;
	[tilespmem:$0x1E080] =	vst v63  }
0xd9: {  	_ =	swait.ge [sflag:s28], $0x4000  }
0xda: {  	[sflag:s28] =	ssyncset.done $0x0  }
0xdb: {  	s0 =	sadd.s32 $0x4F800, s9;
	[sflag:s28] =	ssyncadd.s32 $0xFFFFC000  }
0xdc: {  	[hbm4b:s0+s3] =	stream.linear.scatter [tilespmem:s25], [sflag:$0x4], $0x4000, $0x38;
	[tilespmem:$0x1E080] =	vst v63  }
0xdd: {  	_ =	swait.ge [sflag:s29], $0x4000  }
0xde: {  	[sflag:s29] =	ssyncset.done $0x0  }
0xdf: {  	s10 =	simm.s32 $0x100;
	[sflag:s29] =	ssyncadd.s32 $0xFFFFC000  }
0xe0: {  	[tilespmem:s24], [sflag:$0x1] =	stream.indirect.gather [spmem:s2], $0x80, s10, s23, $0xb8;
	[tilespmem:$0x1E080] =	vst v63  }
0xe1: {  	_ =	swait.ge [sflag:s30], $0x4000  }
0xe2: {  	s8 =	simm.s32 $0x280;
	[sflag:s30] =	ssyncset.done $0x0  }
0xe3: {  	s7 =	simm.s32 $0xFFFDA000;
	s0 =	simm.s32 $0x180;
	[sflag:s30] =	ssyncadd.s32 $0xFFFFC000  }
.LBB2_5:
0xe4: {  	[tilespmem:s25], [sflag:$0x2] =	stream.indirect.gather [spmem:s2], $0x80, s0, s23, $0xb8;
	[tilespmem:$0x1E080] =	vst v63  }
0xe5: {  	s9 =	smov.u32 s7;
	s0 =	smov.u32 s8  }
0xe6: {  	p2 =	seq.s32 s7, $0xFFFFF000;
	s7 =	sadd.s32 $0x1000, s7;
	_ =	swait.ge [sflag:s26], $0x4000  }
0xe7: {  	s9 =	sadd.s32 s9, s18;
	[sflag:s26] =	ssyncset.done $0x0  }
0xe8: {  	s10 =	sadd.s32 $0x4F000, s9;
	[sflag:s26] =	ssyncadd.s32 $0xFFFFC000  }
0xe9: {  	[hbm4b:s10+s3] =	stream.linear.scatter [tilespmem:s24], [sflag:$0x3], $0x4000, $0x38;
	[tilespmem:$0x1E080] =	vst v63  }
0xea: {  	_ =	swait.ge [sflag:s28], $0x4000  }
0xeb: {  	[sflag:s28] =	ssyncset.done $0x0  }
0xec: {  	s9 =	sadd.s32 $0x4F800, s9;
	[sflag:s28] =	ssyncadd.s32 $0xFFFFC000  }
0xed: {  	[hbm4b:s9+s3] =	stream.linear.scatter [tilespmem:s25], [sflag:$0x4], $0x4000, $0x38;
	[tilespmem:$0x1E080] =	vst v63  }
0xee: {  	_ =	swait.ge [sflag:s29], $0x4000  }
0xef: {  	[sflag:s29] =	ssyncset.done $0x0  }
.Ltmp7:
0xf0: {  	s9 =	sadd.s32 $0xFFFFFF80, s8;
	[sflag:s29] =	ssyncadd.s32 $0xFFFFC000;
	(pc) =	sbr.rel @!p2 .LBB2_5-.Ltmp7, $4  }
0xf1: {  	[tilespmem:s24], [sflag:$0x1] =	stream.indirect.gather [spmem:s2], $0x80, s9, s23, $0xb8;
	[tilespmem:$0x1E080] =	vst v63  }
0xf2: {  	_ =	swait.ge [sflag:s30], $0x4000  }
0xf3: {  	[sflag:s30] =	ssyncset.done $0x0  }
0xf4: {  	s8 =	sadd.s32 $0x100, s8;
	[sflag:s30] =	ssyncadd.s32 $0xFFFFC000  }
.Ltmp8:
0xf5: {  	(pc) =	sbr.rel .LBB2_12-.Ltmp8, $3  }
0xf6: {  	_ =	sdelay $0x1  }
0xf7: {  	[tilespmem:s25], [sflag:$0x2] =	stream.indirect.gather [spmem:s2], $0x80, s0, s23, $0xb8;
	[tilespmem:$0x1E080] =	vst v63  }
0xf8: {  	s0 =	smov.u32 s4  }
.LBB2_13:
0xf9: {  	_ =	sfence.sel $0x180000  }
0xfa: {  	[bflag:$0x0] =	sbarrier.arrive $0xFFFF  }
0xfb: {  	_ =	strace $0x9000004D  }
0xfc: {  	[bflag:$0x2] =	sbarrier.arrive $0xFFFF  }
0xfd: {  	p0 =	sne.s32 s1, $0x0;
	s0 =	rddreg [dreg:$0x3]  }
0xfe: {  	s0 =	sadd.s32 @!p0 $0x100000, s0  }
0xff: {  	[sflag:s0] =	ssyncadd.tile.s32 @!p0 $0x1;
	_ =	shalt  }
.Lfunc_end2:
_tile_overlayer_lowered:
.L_overlay_start_2:
0x100: {  	(tag) =	ssettag $0x2  }
0x101: {  	s0 =	rddreg [dreg:$0x0];
	s2 =	stileid.u32  }
0x102: {  	s1 =	rddreg [dreg:$0x1];
	p0 =	sne.s32 s2, $0x0  }
0x103: {  	s3 =	rddreg [dreg:$0x2];
	[bflag:$0x3] =	sbarrier.arrive $0xFFFF;
	s2 =	simm.s32 @!p0 $0x1C05  }
0x104: {  	[timem:s3], [sflag:s2] =	dma.local @!p0 [hbm:s0], s1  }
0x105: {  	s0 =	simm.s32 @!p0 $0x5  }
0x106: {  	_ =	swait.ge @!p0 [sflag:s0], s1  }
0x107: {  	s1 =	ssub.s32 @!p0 $0x0, s1;
	[sflag:s0] =	ssyncset.done @!p0 $0x0  }
0x108: {  	[sflag:s0] =	ssyncadd.s32 @!p0 s1  }
0x109: {  	[bflag:$0x3] =	sbarrier.arrive $0xFFFF  }
0x10a: {  	_ =	shalt  }

// kernel: kernel.21.cloned.1.call-start
scs
__scs_entry_jumppad:
0x0: {  	(pc) =	sbr.rel $0x88, $3  }
0x1: {  	(tag) =	ssettag $0x0;
	lr =	simm.s32 $0x1  }
0x2: {  	[smem:$0x3F94] =	sst lr;
	_ =	strace $0xD0000000  }
0x3: {  	_ = 	snop  }
0x4: {  	_ = 	snop  }
0x5: {  	_ = 	snop  }
0x6: {  	_ = 	snop  }
0x7: {  	_ = 	snop  }
__scs_overlays_trampoline_lowered:
0x8: {  	[smem:$0x3FA3] =	sst s0  }
0x9: {  	[smem:$0x3FA4] =	sst s1  }
0xa: {  	[smem:$0x3FA5] =	sst s2  }
0xb: {  	[smem:$0x3FA6] =	sst s3  }
0xc: {  	[smem:$0x3FA7] =	sst s4  }
0xd: {  	[smem:$0x3FA8] =	sst s5  }
0xe: {  	[smem:$0x3FA9] =	sst s6  }
0xf: {  	[smem:$0x3FAA] =	sst s7  }
0x10: {  	[smem:$0x3FAB] =	sst s8  }
0x11: {  	[smem:$0x3FAC] =	sst s9;
	s0 =	simm.s32 @!p0 $0x0  }
0x12: {  	s1 =	sld [smem:$0x3F92];
	s0 =	simm.s32 @p0 $0x1  }
0x13: {  	[smem:$0x3FAD] =	sst s0;
	s0 =	simm.s32 @!p1 $0x0  }
0x14: {  	s2 =	sld [smem:$0x3F91];
	s0 =	simm.s32 @p1 $0x1  }
0x15: {  	[smem:$0x3FAE] =	sst s0;
	s0 =	simm.s32 @!p2 $0x0  }
0x16: {  	s3 =	sld [smem:$0x3FDB];
	s0 =	simm.s32 @p2 $0x1  }
0x17: {  	s4 =	simm.s32 $0x1BF5;
	[smem:$0x3FB0] =	sst s0  }
0x18: {  	s0 =	sld [smem:$0x3F93];
	_ =	swait.ge [sflag:s4], $0x0  }
0x19: {  	s7 =	sld [smem:$0x3F94]  }
0x1a: {  	s8 =	sadd.s32 $0xFFFFE003, lr  }
0x1b: {  	s9 =	sadd.s32 $0xFFFFFEF7, lr;
	s5 =	simm.s32 $0xFFFFFFFF;
	p2 =	slt.u32 s8, $0xFFFFF086  }
0x1c: {  	p1 =	slt.u32 s9, $0xF7A;
	s5 =	simm.s32 @!p2 $0x0  }
0x1d: {  	s5 =	simm.s32 @p1 $0x1;
	p0 =	seq.s32 s7, s2  }
0x1e: {  	s7 =	smul.u32 @!p0 $0xF7A, s2;
	p2 =	seq.s32 @!p0 s5, $0x0  }
0x1f: {  	s9 =	smul.u32 $0xF7A, s1;
	s8 =	simm.s32 @!p0 $0x1BF5;
	p2 =	por !p2, p0  }
0x20: {  	[sflag:s8] =	ssyncset.s32 @!p0 $0xFFFFF086;
	s6 =	sadd.s32 @!p0 s3, s7;
	s7 =	simm.s32 @!p0 $0x108  }
0x21: {  	s3 =	sadd.s32 s3, s9;
	s6 =	sadd.s32 @!p0 $0x88, s6;
	s7 =	simm.s32 @p2 $0x1082  }
0x22: {  	[simem:s7], [sflag:s8] =	dma.local @!p0 [hbm:s6], $0xF7A  }
0x23: {  	s9 =	sor.u32 $0xD0000000, s2;
	s6 =	simm.s32 $0x108;
	_ =	swait.ge @!p0 [sflag:s8], $0x0  }
0x24: {  	s3 =	sadd.s32 $0x88, s3;
	s6 =	simm.s32 @!p1 $0x1082;
	[sflag:s4] =	ssyncset.s32 $0xFFFFF086  }
0x25: {  	[simem:s6], [sflag:s4] =	dma.local [hbm:s3], $0xF7A  }
0x26: {  	[smem:$0x3F94] =	sst s1;
	(tag) =	ssettag s2;
	_ =	strace s9  }
0x27: {  	s1 =	sld [smem:$0x3FA4]  }
0x28: {  	s2 =	sld [smem:$0x3FA5]  }
0x29: {  	s4 =	sld [smem:$0x3FA7]  }
0x2a: {  	p0 =	seq.s32 s5, $0x0;
	s5 =	sld [smem:$0x3FA8]  }
0x2b: {  	s6 =	sld [smem:$0x3FA9]  }
0x2c: {  	s7 =	sld [smem:$0x3FAA]  }
0x2d: {  	s3 =	simm.s32 $0x108;
	s8 =	sld [smem:$0x3FAB]  }
0x2e: {  	s3 =	simm.s32 @!p0 $0x1082;
	s9 =	sld [smem:$0x3FAC]  }
0x2f: {  	lr =	sadd.s32 s0, s3;
	s0 =	sld [smem:$0x3FA3]  }
0x30: {  	s3 =	sld [smem:$0x3FA6]  }
0x31: {  	[smem:$0x3FAF] =	sst s10  }
0x32: {  	s10 =	sld [smem:$0x3FAD];
	_ =	sdelay $0x3  }
0x33: {  	p0 =	seq.s32 s10, $0x1;
	s10 =	sld [smem:$0x3FAF];
	_ =	sdelay $0x3  }
0x34: {  	[smem:$0x3FAF] =	sst s10  }
0x35: {  	s10 =	sld [smem:$0x3FAE];
	_ =	sdelay $0x3  }
0x36: {  	p1 =	seq.s32 s10, $0x1;
	s10 =	sld [smem:$0x3FAF];
	_ =	sdelay $0x3  }
0x37: {  	[smem:$0x3FAF] =	sst s10  }
0x38: {  	s10 =	sld [smem:$0x3FB0]  }
0x39: {  	_ = 	snop;
	(pc) =	sbr.ind lr, $3  }
0x3a: {  	_ = 	snop  }
0x3b: {  	_ = 	snop  }
0x3c: {  	p2 =	seq.s32 s10, $0x1;
	s10 =	sld [smem:$0x3FAF]  }
0x3d: {  	_ =	shalt  }
0x3e: {  	_ =	shalt  }
0x3f: {  	_ =	shalt  }
0x40: {  	_ =	shalt  }
0x41: {  	_ =	shalt  }
0x42: {  	_ =	shalt  }
0x43: {  	_ =	shalt  }
0x44: {  	_ =	shalt  }
0x45: {  	_ =	shalt  }
0x46: {  	_ =	shalt  }
0x47: {  	_ =	shalt  }
0x48: {  	_ =	shalt  }
0x49: {  	_ =	shalt  }
0x4a: {  	_ =	shalt  }
0x4b: {  	_ =	shalt  }
0x4c: {  	_ =	shalt  }
0x4d: {  	_ =	shalt  }
0x4e: {  	_ =	shalt  }
0x4f: {  	_ =	shalt  }
0x50: {  	_ =	shalt  }
0x51: {  	_ =	shalt  }
0x52: {  	_ =	shalt  }
0x53: {  	_ =	shalt  }
0x54: {  	_ =	shalt  }
0x55: {  	_ =	shalt  }
0x56: {  	_ =	shalt  }
0x57: {  	_ =	shalt  }
0x58: {  	_ =	shalt  }
0x59: {  	_ =	shalt  }
0x5a: {  	_ =	shalt  }
0x5b: {  	_ =	shalt  }
0x5c: {  	_ =	shalt  }
0x5d: {  	_ =	shalt  }
0x5e: {  	_ =	shalt  }
0x5f: {  	_ =	shalt  }
0x60: {  	_ =	shalt  }
0x61: {  	_ =	shalt  }
0x62: {  	_ =	shalt  }
0x63: {  	_ =	shalt  }
0x64: {  	_ =	shalt  }
0x65: {  	_ =	shalt  }
0x66: {  	_ =	shalt  }
0x67: {  	_ =	shalt  }
0x68: {  	_ =	shalt  }
0x69: {  	_ =	shalt  }
0x6a: {  	_ =	shalt  }
0x6b: {  	_ =	shalt  }
0x6c: {  	_ =	shalt  }
0x6d: {  	_ =	shalt  }
0x6e: {  	_ =	shalt  }
0x6f: {  	_ =	shalt  }
0x70: {  	_ =	shalt  }
0x71: {  	_ =	shalt  }
0x72: {  	_ =	shalt  }
0x73: {  	_ =	shalt  }
0x74: {  	_ =	shalt  }
0x75: {  	_ =	shalt  }
0x76: {  	_ =	shalt  }
0x77: {  	_ =	shalt  }
0x78: {  	_ =	shalt  }
0x79: {  	_ =	shalt  }
0x7a: {  	_ =	shalt  }
0x7b: {  	_ =	shalt  }
0x7c: {  	_ =	shalt  }
0x7d: {  	_ =	shalt  }
0x7e: {  	_ =	shalt  }
0x7f: {  	_ =	shalt  }
0x80: {  	_ =	shalt  }
0x81: {  	_ =	shalt  }
0x82: {  	_ =	shalt  }
0x83: {  	_ =	shalt  }
0x84: {  	_ =	shalt  }
0x85: {  	_ =	shalt  }
0x86: {  	_ =	shalt  }
0x87: {  	_ =	shalt  }
.Lfunc_end0:
.L_simem_size_0:
called_computation.3_lowered:
.L_overlay_start_0:
0x88: {  	s2 =	sld [smem:$0x3FD9]  }
0x89: {  	s3 =	sld [smem:$0x3FFE];
	_ =	sdelay $0x1  }
0x8a: {  	s1 =	srdreg.scid  }
0x8b: {  	s0 =	sand.u32 $0x1, s1  }
0x8c: {  	s14 =	sshll.u32 s0, $0xA;
	s2 =	sadd.s32 s3, s2  }
0x8d: {  	s2 =	sadd.s32 s2, s14  }
0x8e: {  	[smem:$0x3FBB] =	sst s2  }
0x8f: {  	_ = 	snop  }
0x90: {  	s2 =	sld [smem:$0x3FD0];
	_ =	sdelay $0x2  }
0x91: {  	s15 =	simm.s32 $0xA;
	s4 =	simm.s32 $0x10  }
0x92: {  	[smem:s4], [sflag:s15] =	dma.local [hbm:s2], $0x1  }
0x93: {  	_ =	swait.eq [sflag:s15], $0x1  }
0x94: {  	[sflag:s15] =	ssyncset.done $0x0  }
0x95: {  	s16 =	sld [smem:$0x10];
	[sflag:s15] =	ssyncadd.s32 $0xFFFFFFFF  }
0x96: {  	s17 =	sld [smem:$0x11];
	(tm) =	ssettm $0x1  }
0x97: {  	s18 =	sld [smem:$0x3FFB];
	_ =	sdelay $0x3  }
0x98: {  	_ =	strace s18  }
0x99: {  	s4 =	sld [smem:$0x3FFC];
	_ =	sdelay $0x3  }
0x9a: {  	_ =	strace s4  }
0x9b: {  	s4 =	sld [smem:$0x3FFD];
	_ =	sdelay $0x3  }
0x9c: {  	_ =	strace s4  }
0x9d: {  	_ =	strace $0x8FFFFFFF  }
0x9e: {  	s19 =	sld [smem:$0x3FDB];
	_ =	sdelay $0x1  }
0x9f: {  	s5 =	simm.s32 $_scs_section_size  }
0xa0: {  	s6 =	simm.s32 $_size__tile_overlayer_lowered;
	s7 =	simm.s32 $_tile_overlayer_lowered  }
0xa1: {  	s22 =	simm.s32 $0x1BFF;
	s21 =	sshll.u32 s7, $0x1;
	s4 =	sadd.s32 s5, s19  }
0xa2: {  	s8 =	simm.s32 $0x0;
	s20 =	sshll.u32 s6, $0x1;
	s6 =	sadd.s32 s21, s4  }
0xa3: {  	[timem:s8], [sflag:s22] =	dma.local [hbm:s6], s20  }
0xa4: {  	_ =	swait.ge [sflag:s22], s20  }
0xa5: {  	s5 =	ssub.s32 $0x0, s20;
	[sflag:s22] =	ssyncset.done $0x0  }
0xa6: {  	[sflag:s22] =	ssyncadd.s32 s5;
	_ =	sdelay $0x1  }
0xa7: {  	s23 =	simm.s32 $0x1B8B  }
0xa8: {  	_ =	swait.ge [sflag:s23], $0x1  }
0xa9: {  	[sflag:s23] =	ssyncset.done $0x0  }
0xaa: {  	s25 =	simm.s32 $0x1B8E;
	s24 =	sld [smem:$0x3FFE];
	[sflag:s23] =	ssyncadd.s32 $0xFFFFFFFF  }
0xab: {  	s26 =	simm.s32 $execute0_lowered;
	[smem:$0x3FD2] =	sst s25  }
0xac: {  	s6 =	sshll.u32 s26, $0x1;
	_ =	strace $0x8000004F;
	[dreg:$0x1] =	wrdreg $0xFFFFFFFF  }
0xad: {  	s28 =	simm.s32 $_size_execute0_lowered;
	s4 =	sadd.s32 s4, s6;
	[dreg:$0x0] =	wrdreg $0x0  }
0xae: {  	s6 =	sshll.u32 s28, $0x1;
	[dreg:$0x2] =	wrdreg s4  }
0xaf: {  	[dreg:$0x3] =	wrdreg s6  }
0xb0: {  	[dreg:$0x4] =	wrdreg $0xC0  }
0xb1: {  	_ =	task [dreg:s8], $0x5FFFF  }
0xb2: {  	[dreg:$0x1] =	wrdreg $0xFFFFFFFF  }
0xb3: {  	[dreg:$0x0] =	wrdreg $0x60  }
0xb4: {  	[dreg:$0x2] =	wrdreg s16  }
0xb5: {  	[dreg:$0x3] =	wrdreg s24  }
0xb6: {  	[dreg:$0x4] =	wrdreg s17  }
0xb7: {  	[dreg:$0x5] =	wrdreg $0xC2000  }
0xb8: {  	[dreg:$0x6] =	wrdreg $0x9  }
0xb9: {  	_ =	task.clear_ibuf [dreg:s8], $0x7FFFF;
	_ =	strace $0x9000004F  }
0xba: {  	s29 =	simm.s32 $0x9;
	_ =	strace $0x80000051  }
0xbb: {  	_ =	swait.ge [sflag:s29], $0x1  }
0xbc: {  	[sflag:s29] =	ssyncadd.s32 $0xFFFFFFFF  }
0xbd: {  	_ =	strace $0x90000051  }
0xbe: {  	_ =	sfence  }
0xbf: {  	s30 =	sld [smem:$0x0];
	_ =	sdelay $0x2  }
0xc0: {  	s31 =	sshll.u32 s1, $0xD;
	s1 =	sshrl.u32 s1, $0x2  }
0xc1: {  	s3 =	sand.u32 $0x4000, s31;
	s1 =	sadd.s32 s1, s30  }
0xc2: {  	s0 =	sor.u32 s3, s0;
	s1 =	sshll.u32 s1, $0x11  }
0xc3: {  	s0 =	sor.u32 s1, s0  }
0xc4: {  	s0 =	sadd.s32 $0x8F2B, s0  }
0xc5: {  	[sflag:s0] =	ssyncadd.remote.s32 $0x1  }
0xc6: {  	_ =	sfence.sel $0xFFFF  }
0xc7: {  	[dreg:$0x0] =	wrdreg $0xFFFFFFFF;
	(pc) =	sbr.abs _section_cstart, $3  }
0xc8: {  	[dreg:$0x1] =	wrdreg $0xFFFFFFFF  }
0xc9: {  	_ =	task.clear_ibuf [dreg:s8], $0x2FFFF;
	_ =	strace $0x9FFFFFFF  }
0xca: {  	(tm) =	ssettm $0x7FFFFFFF  }
0xcb: {  	_ =	shalt  }
tec
execute0_lowered:
.L_overlay_start_1:
0x0: {  	(tag) =	ssettag $0x1  }
0x1: {  	s0 =	rddreg [dreg:$0x0]  }
0x2: {  	s1 =	rddreg [dreg:$0x1]  }
0x3: {  	s6 =	rddreg [dreg:$0x2]  }
0x4: {  	s2 =	rddreg [dreg:$0x3];
	s15 =	stileid.u32  }
0x5: {  	s3 =	simm.s32 $0x0;
	s4 =	srdreg.scid;
	s28 =	simm.s32 $0x1  }
0x6: {  	s29 =	simm.s32 $0x4;
	s30 =	simm.s32 $0x2;
	s8 =	smul.u32 $0x50000, s15  }
0x7: {  	s31 =	simm.s32 $0x5;
	[smem:$0x7FF] =	sst s3;
	s7 =	smul.u32 $0x3E80, s15  }
0x8: {  	s9 =	sand.u32 $0x1, s4;
	s4 =	sadd.s32 $0xE000, s1;
	s12 =	smul.u32 $0x7D000, s15  }
0x9: {  	p1 =	sgt.u32 s15, $0x9;
	_ =	strace $0x80000050;
	s5 =	smul.u32 $0x27100, s9  }
0xa: {  	s11 =	ssub.s32 $0x2, s9;
	p0 =	seq.s32 s9, $0x1;
	s10 =	sadd.s32 s8, s1  }
0xb: {  	s14 =	sshrl.u32 s11, $0x1;
	s12 =	sshrl.u32 s12, $0x2;
	s6 =	sadd.s32 s6, s7  }
0xc: {  	s0 =	sadd.s32 s0, s8;
	s13 =	sadd.s32 s7, s5;
	[dreg:$0x5] =	wrdreg s6  }
0xd: {  	s5 =	smul.u32 $0xA00, s15;
	s20 =	sadd.s32 $0x800, s0;
	[dreg:$0x6] =	wrdreg s0  }
0xe: {  	s11 =	ssub.s32 s11, s14;
	s21 =	sadd.s32 $0x1000, s0;
	[dreg:$0x8] =	wrdreg s20  }
0xf: {  	s12 =	sadd.s32 s12, s2;
	s22 =	sadd.s32 $0xA3F200, s10;
	[dreg:$0x9] =	wrdreg s21  }
0x10: {  	s24 =	sadd.s32 $0xA3FA00, s10;
	s25 =	sadd.s32 $0xA40200, s10;
	[dreg:$0xa] =	wrdreg s22  }
0x11: {  	s0 =	sadd.s32 $0x2800, s0;
	s26 =	sadd.s32 $0xA41A00, s10;
	[dreg:$0xc] =	wrdreg s24  }
0x12: {  	s10 =	simm.s32 $0x7;
	s14 =	simm.s32 $0xA;
	[dreg:$0xd] =	wrdreg s25  }
0x13: {  	s1 =	sadd.s32 s13, s1;
	s17 =	smax.u32 s11, $0x1;
	[dreg:$0xe] =	wrdreg s0  }
0x14: {  	[dreg:$0xf] =	wrdreg s26;
	s0 =	sshll.u32 @!p1 s15, $0x6;
	s21 =	sshrl.u32 @!p1 s12, $0x3  }
0x15: {  	s22 =	simm.s32 $0x200;
	s24 =	simm.s32 $0x4200;
	s25 =	simm.s32 $0x100  }
.Ltmp0:
0x16: {  	s26 =	simm.s32 $0x8200;
	s11 =	simm.s32 $0x8;
	(pc) =	sbr.rel .LBB2_1-.Ltmp0, $4  }
0x17: {  	s12 =	simm.s32 $0x9;
	s15 =	simm.s32 $0x0;
	s7 =	sadd.s32 s4, s5  }
0x18: {  	s16 =	sadd.s32 $0x18000, s1;
	s20 =	sor.u32 @!p1 $0x1C0A, s0;
	s19 =	sadd.s32 $0x10, s7  }
0x19: {  	s0 =	simm.s32 $0x3;
	s23 =	sadd.s32 $0x20, s7;
	[dreg:$0x7] =	wrdreg s19  }
0x1a: {  	s1 =	simm.s32 $0x6;
	[dreg:$0xb] =	wrdreg s23;
	s23 =	simm.s32 $0x80  }
.LBB2_8:
0x1b: {  	_ =	swait.ge [sflag:s12], $0x4000  }
0x1c: {  	[sflag:s12] =	ssyncset.done $0x0  }
0x1d: {  	[sflag:s12] =	ssyncadd.s32 $0xFFFFC000  }
0x1e: {  	_ =	swait.ge [sflag:s28], $0x80  }
0x1f: {  	[sflag:s28] =	ssyncset.done $0x0  }
0x20: {  	[sflag:s28] =	ssyncadd.s32 $0xFFFFFF80  }
0x21: {  	_ =	swait.ge [sflag:s29], $0x4000  }
0x22: {  	[sflag:s29] =	ssyncset.done $0x0  }
0x23: {  	[sflag:s29] =	ssyncadd.s32 $0xFFFFC000  }
0x24: {  	[spmem:s2] =	stream.indirect.scatter.add.f32 [tilespmem:s22], [sflag:$0xA], $0x80, s3, s23, $0xb8;
	[tilespmem:$0x1FA80] =	vst v63  }
0x25: {  	_ =	swait.ge [sflag:s14], $0x4000  }
0x26: {  	s15 =	sadd.s32 $0x1, s15;
	[sflag:s14] =	ssyncset.done $0x0  }
0x27: {  	p2 =	sne.s32 s15, s17;
	[sflag:s14] =	ssyncadd.s32 $0xFFFFC000  }
.Ltmp1:
0x28: {  	s6 =	simm.s32 @!p1 $0xA;
	[bflag:$0x0] =	sbarrier.arrive $0xFFFF;
	(pc) =	sbr.rel @!p2 .LBB2_9-.Ltmp1, $4  }
0x29: {  	[hbm:s16], [sflag:s20] =	dma.local @!p1 [spmem:s21], $0x3E80  }
0x2a: {  	_ =	swait.ge @!p1 [sflag:s6], $0x3E80  }
0x2b: {  	[sflag:s6] =	ssyncset.done @!p1 $0x0  }
0x2c: {  	[sflag:s6] =	ssyncadd.s32 @!p1 $0xFFFFC180  }
.LBB2_1:
0x2d: {  	s6 =	rddreg [dreg:$0x5];
	s8 =	simm.s32 @!p1 $0xA  }
0x2e: {  	[spmem:s21], [sflag:s20] =	dma.local @!p1 [hbm:s6], $0x3E80  }
.Ltmp2:
0x2f: {  	_ =	swait.ge @!p1 [sflag:s8], $0x3E80;
	(pc) =	sbr.rel @!p0 .LBB2_2-.Ltmp2, $4  }
0x30: {  	[sflag:s8] =	ssyncset.done @!p1 $0x0  }
0x31: {  	[sflag:s8] =	ssyncadd.s32 @!p1 $0xFFFFC180  }
0x32: {  	[bflag:$0x0] =	sbarrier.arrive $0xFFFF  }
0x33: {  	[tilespmem:s3], [sflag:$0x1] =	stream.linear.gather [hbm4b:s7+s3], $0x80, $0x38;
	[tilespmem:$0x1FA80] =	vst v63  }
0x34: {  	s19 =	simm.s32 $0x0;
	s6 =	rddreg [dreg:$0xa]  }
0x35: {  	[tilespmem:s22], [sflag:$0x4] =	stream.linear.gather [hbm4b:s6+s19], $0x4000, $0x38;
	[tilespmem:$0x1FA80] =	vst v63  }
0x36: {  	s8 =	rddreg [dreg:$0x7]  }
0x37: {  	[tilespmem:s23], [sflag:$0x2] =	stream.linear.gather [hbm4b:s8+s19], $0x80, $0x38;
	[tilespmem:$0x1FA80] =	vst v63  }
0x38: {  	s9 =	rddreg [dreg:$0xc]  }
0x39: {  	[tilespmem:s24], [sflag:$0x5] =	stream.linear.gather [hbm4b:s9+s19], $0x4000, $0x38;
	[tilespmem:$0x1FA80] =	vst v63  }
0x3a: {  	s13 =	rddreg [dreg:$0xb]  }
0x3b: {  	[tilespmem:s25], [sflag:$0x3] =	stream.linear.gather [hbm4b:s13+s19], $0x80, $0x38;
	[tilespmem:$0x1FA80] =	vst v63  }
0x3c: {  	s18 =	rddreg [dreg:$0xd]  }
0x3d: {  	[tilespmem:s26], [sflag:$0x6] =	stream.linear.gather [hbm4b:s18+s19], $0x4000, $0x38;
	[tilespmem:$0x1FA80] =	vst v63  }
0x3e: {  	s18 =	rddreg [dreg:$0xf]  }
.LBB2_6:
0x3f: {  	_ =	swait.ge [sflag:s28], $0x80  }
0x40: {  	[sflag:s28] =	ssyncset.done $0x0  }
0x41: {  	[sflag:s28] =	ssyncadd.s32 $0xFFFFFF80  }
0x42: {  	_ =	swait.ge [sflag:s29], $0x4000  }
0x43: {  	[sflag:s29] =	ssyncset.done $0x0  }
0x44: {  	[sflag:s29] =	ssyncadd.s32 $0xFFFFC000  }
0x45: {  	[spmem:s2] =	stream.indirect.scatter.add.f32 [tilespmem:s22], [sflag:$0x7], $0x80, s3, s23, $0xb8;
	[tilespmem:$0x1FA80] =	vst v63  }
0x46: {  	_ =	swait.ge [sflag:s30], $0x80  }
0x47: {  	[sflag:s30] =	ssyncset.done $0x0  }
0x48: {  	[sflag:s30] =	ssyncadd.s32 $0xFFFFFF80  }
0x49: {  	_ =	swait.ge [sflag:s31], $0x4000  }
0x4a: {  	[sflag:s31] =	ssyncset.done $0x0  }
0x4b: {  	[sflag:s31] =	ssyncadd.s32 $0xFFFFC000  }
0x4c: {  	[spmem:s2] =	stream.indirect.scatter.add.f32 [tilespmem:s24], [sflag:$0x8], $0x80, s23, s23, $0xb8;
	[tilespmem:$0x1FA80] =	vst v63  }
0x4d: {  	_ =	swait.ge [sflag:s0], $0x80  }
0x4e: {  	[sflag:s0] =	ssyncset.done $0x0  }
0x4f: {  	[sflag:s0] =	ssyncadd.s32 $0xFFFFFF80  }
0x50: {  	_ =	swait.ge [sflag:s1], $0x4000  }
0x51: {  	[sflag:s1] =	ssyncset.done $0x0  }
0x52: {  	s8 =	sadd.s32 $0x30, s19;
	[sflag:s1] =	ssyncadd.s32 $0xFFFFC000  }
0x53: {  	[spmem:s2] =	stream.indirect.scatter.add.f32 [tilespmem:s26], [sflag:$0x9], $0x80, s25, s23, $0xb8;
	[tilespmem:$0x1FA80] =	vst v63  }
0x54: {  	s6 =	sadd.s32 s5, s8;
	s9 =	sand.u32 $0x70, s8;
	_ =	swait.ge [sflag:s10], $0x4000  }
0x55: {  	s6 =	sand.u32 $0x1FF80, s6;
	s9 =	sadd.s32 s4, s9;
	[sflag:s10] =	ssyncset.done $0x0  }
0x56: {  	p2 =	seq.s32 s19, $0x9C0;
	s6 =	sadd.s32 s6, s9;
	[sflag:s10] =	ssyncadd.s32 $0xFFFFC000  }
0x57: {  	[tilespmem:s3], [sflag:$0x1] =	stream.linear.gather [hbm4b:s6+s3], $0x80, $0x38;
	[tilespmem:$0x1FA80] =	vst v63  }
.Ltmp3:
0x58: {  	s13 =	sadd.s32 $0xFFFFF000, s18;
	(pc) =	sbr.rel @p2 .LBB2_8-.Ltmp3, $4  }
0x59: {  	[tilespmem:s22], [sflag:$0x4] =	stream.linear.gather [hbm4b:s13+s3], $0x4000, $0x38;
	[tilespmem:$0x1FA80] =	vst v63  }
0x5a: {  	_ =	swait.ge [sflag:s11], $0x4000  }
0x5b: {  	[sflag:s11] =	ssyncset.done $0x0  }
0x5c: {  	[sflag:s11] =	ssyncadd.s32 $0xFFFFC000  }
0x5d: {  	s6 =	sadd.s32 s19, s5;
	s9 =	sadd.s32 $0x40, s19  }
0x5e: {  	s13 =	sadd.s32 $0x40, s6;
	s9 =	sand.u32 $0x70, s9  }
0x5f: {  	s13 =	sand.u32 $0x1FF80, s13;
	s9 =	sadd.s32 s4, s9  }
0x60: {  	s9 =	sadd.s32 s13, s9  }
0x61: {  	[tilespmem:s23], [sflag:$0x2] =	stream.linear.gather [hbm4b:s9+s3], $0x80, $0x38;
	[tilespmem:$0x1FA80] =	vst v63  }
0x62: {  	s19 =	sadd.s32 $0x50, s19;
	s13 =	sadd.s32 $0xFFFFF800, s18  }
0x63: {  	[tilespmem:s24], [sflag:$0x5] =	stream.linear.gather [hbm4b:s13+s3], $0x4000, $0x38;
	[tilespmem:$0x1FA80] =	vst v63  }
0x64: {  	s6 =	sadd.s32 $0x50, s6;
	s9 =	sand.u32 $0x70, s19;
	_ =	swait.ge [sflag:s12], $0x4000  }
0x65: {  	s6 =	sand.u32 $0x1FF80, s6;
	s9 =	sadd.s32 s4, s9;
	[sflag:s12] =	ssyncset.done $0x0  }
.Ltmp4:
0x66: {  	s6 =	sadd.s32 s6, s9;
	[sflag:s12] =	ssyncadd.s32 $0xFFFFC000;
	(pc) =	sbr.rel .LBB2_6-.Ltmp4, $4  }
0x67: {  	[tilespmem:s25], [sflag:$0x3] =	stream.linear.gather [hbm4b:s6+s3], $0x80, $0x38;
	[tilespmem:$0x1FA80] =	vst v63  }
0x68: {  	_ = 	snop  }
0x69: {  	[tilespmem:s26], [sflag:$0x6] =	stream.linear.gather [hbm4b:s18+s3], $0x4000, $0x38;
	[tilespmem:$0x1FA80] =	vst v63  }
0x6a: {  	s19 =	smov.u32 s8;
	s18 =	sadd.s32 $0x1800, s18  }
.LBB2_2:
0x6b: {  	s6 =	rddreg [dreg:$0x6]  }
0x6c: {  	s8 =	simm.s32 $0x0;
	s9 =	rddreg [dreg:$0x7]  }
0x6d: {  	[tilespmem:s22], [sflag:$0x4] =	stream.linear.gather [hbm4b:s6+s8], $0x4000, $0x38;
	[tilespmem:$0x1FA80] =	vst v63  }
0x6e: {  	s13 =	rddreg [dreg:$0x8]  }
0x6f: {  	[tilespmem:s23], [sflag:$0x2] =	stream.linear.gather [hbm4b:s9+s8], $0x80, $0x38;
	[tilespmem:$0x1FA80] =	vst v63  }
0x70: {  	s18 =	rddreg [dreg:$0xb]  }
0x71: {  	[tilespmem:s24], [sflag:$0x5] =	stream.linear.gather [hbm4b:s13+s8], $0x4000, $0x38;
	[tilespmem:$0x1FA80] =	vst v63  }
0x72: {  	s19 =	rddreg [dreg:$0x9]  }
0x73: {  	[tilespmem:s25], [sflag:$0x3] =	stream.linear.gather [hbm4b:s18+s8], $0x80, $0x38;
	[tilespmem:$0x1FA80] =	vst v63  }
0x74: {  	s18 =	rddreg [dreg:$0xe]  }
0x75: {  	[tilespmem:s26], [sflag:$0x6] =	stream.linear.gather [hbm4b:s19+s8], $0x4000, $0x38;
	[tilespmem:$0x1FA80] =	vst v63  }
.LBB2_3:
0x76: {  	_ =	swait.ge [sflag:s28], $0x80  }
0x77: {  	[sflag:s28] =	ssyncset.done $0x0  }
0x78: {  	[sflag:s28] =	ssyncadd.s32 $0xFFFFFF80  }
0x79: {  	_ =	swait.ge [sflag:s29], $0x4000  }
0x7a: {  	[sflag:s29] =	ssyncset.done $0x0  }
0x7b: {  	[sflag:s29] =	ssyncadd.s32 $0xFFFFC000  }
0x7c: {  	[spmem:s2] =	stream.indirect.scatter.add.f32 [tilespmem:s22], [sflag:$0x7], $0x80, s3, s23, $0xb8;
	[tilespmem:$0x1FA80] =	vst v63  }
0x7d: {  	_ =	swait.ge [sflag:s30], $0x80  }
0x7e: {  	[sflag:s30] =	ssyncset.done $0x0  }
0x7f: {  	[sflag:s30] =	ssyncadd.s32 $0xFFFFFF80  }
0x80: {  	_ =	swait.ge [sflag:s31], $0x4000  }
0x81: {  	[sflag:s31] =	ssyncset.done $0x0  }
0x82: {  	[sflag:s31] =	ssyncadd.s32 $0xFFFFC000  }
0x83: {  	[spmem:s2] =	stream.indirect.scatter.add.f32 [tilespmem:s24], [sflag:$0x8], $0x80, s23, s23, $0xb8;
	[tilespmem:$0x1FA80] =	vst v63  }
0x84: {  	_ =	swait.ge [sflag:s0], $0x80  }
0x85: {  	[sflag:s0] =	ssyncset.done $0x0  }
0x86: {  	[sflag:s0] =	ssyncadd.s32 $0xFFFFFF80  }
0x87: {  	_ =	swait.ge [sflag:s1], $0x4000  }
0x88: {  	[sflag:s1] =	ssyncset.done $0x0  }
0x89: {  	s19 =	sadd.s32 $0x30, s8;
	[sflag:s1] =	ssyncadd.s32 $0xFFFFC000  }
0x8a: {  	[spmem:s2] =	stream.indirect.scatter.add.f32 [tilespmem:s26], [sflag:$0x9], $0x80, s25, s23, $0xb8;
	[tilespmem:$0x1FA80] =	vst v63  }
0x8b: {  	s6 =	sadd.s32 s5, s19;
	s9 =	sand.u32 $0x70, s19;
	_ =	swait.ge [sflag:s10], $0x4000  }
0x8c: {  	s6 =	sand.u32 $0x1FF80, s6;
	s9 =	sadd.s32 s4, s9;
	[sflag:s10] =	ssyncset.done $0x0  }
0x8d: {  	p2 =	seq.s32 s8, $0x9C0;
	s6 =	sadd.s32 s6, s9;
	[sflag:s10] =	ssyncadd.s32 $0xFFFFC000  }
0x8e: {  	[tilespmem:s3], [sflag:$0x1] =	stream.linear.gather [hbm4b:s6+s3], $0x80, $0x38;
	[tilespmem:$0x1FA80] =	vst v63  }
.Ltmp5:
0x8f: {  	s13 =	sadd.s32 $0xFFFFF000, s18;
	(pc) =	sbr.rel @p2 .LBB2_8-.Ltmp5, $4  }
0x90: {  	[tilespmem:s22], [sflag:$0x4] =	stream.linear.gather [hbm4b:s13+s3], $0x4000, $0x38;
	[tilespmem:$0x1FA80] =	vst v63  }
0x91: {  	_ =	swait.ge [sflag:s11], $0x4000  }
0x92: {  	[sflag:s11] =	ssyncset.done $0x0  }
0x93: {  	[sflag:s11] =	ssyncadd.s32 $0xFFFFC000  }
0x94: {  	s6 =	sadd.s32 s8, s5;
	s9 =	sadd.s32 $0x40, s8  }
0x95: {  	s13 =	sadd.s32 $0x40, s6;
	s9 =	sand.u32 $0x70, s9  }
0x96: {  	s13 =	sand.u32 $0x1FF80, s13;
	s9 =	sadd.s32 s4, s9  }
0x97: {  	s9 =	sadd.s32 s13, s9  }
0x98: {  	[tilespmem:s23], [sflag:$0x2] =	stream.linear.gather [hbm4b:s9+s3], $0x80, $0x38;
	[tilespmem:$0x1FA80] =	vst v63  }
0x99: {  	s13 =	sadd.s32 $0xFFFFF800, s18  }
0x9a: {  	[tilespmem:s24], [sflag:$0x5] =	stream.linear.gather [hbm4b:s13+s3], $0x4000, $0x38;
	[tilespmem:$0x1FA80] =	vst v63  }
0x9b: {  	s13 =	sadd.s32 $0x50, s8  }
0x9c: {  	s6 =	sadd.s32 $0x50, s6;
	_ =	swait.ge [sflag:s12], $0x4000;
	s8 =	sand.u32 $0x70, s13  }
0x9d: {  	s6 =	sand.u32 $0x1FF80, s6;
	[sflag:s12] =	ssyncset.done $0x0;
	s8 =	sadd.s32 s4, s8  }
.Ltmp6:
0x9e: {  	[sflag:s12] =	ssyncadd.s32 $0xFFFFC000;
	s6 =	sadd.s32 s6, s8;
	(pc) =	sbr.rel .LBB2_3-.Ltmp6, $4  }
0x9f: {  	[tilespmem:s25], [sflag:$0x3] =	stream.linear.gather [hbm4b:s6+s3], $0x80, $0x38;
	[tilespmem:$0x1FA80] =	vst v63  }
0xa0: {  	_ = 	snop  }
0xa1: {  	[tilespmem:s26], [sflag:$0x6] =	stream.linear.gather [hbm4b:s18+s3], $0x4000, $0x38;
	[tilespmem:$0x1FA80] =	vst v63  }
0xa2: {  	s8 =	smov.u32 s19;
	s18 =	sadd.s32 $0x1800, s18  }
.LBB2_9:
0xa3: {  	_ =	sfence.sel $0x180000  }
0xa4: {  	[bflag:$0x0] =	sbarrier.arrive $0xFFFF  }
0xa5: {  	_ =	strace $0x90000050  }
0xa6: {  	s0 =	stileid.u32;
	[bflag:$0x2] =	sbarrier.arrive $0xFFFF  }
0xa7: {  	p0 =	sne.s32 s0, $0x0;
	s0 =	rddreg [dreg:$0x4]  }
0xa8: {  	s0 =	sadd.s32 @!p0 $0x100000, s0  }
0xa9: {  	[sflag:s0] =	ssyncadd.tile.s32 @!p0 $0x1;
	_ =	shalt  }
.Lfunc_end2:
_tile_overlayer_lowered:
.L_overlay_start_2:
0xaa: {  	(tag) =	ssettag $0x2  }
0xab: {  	s0 =	rddreg [dreg:$0x0];
	s2 =	stileid.u32  }
0xac: {  	s1 =	rddreg [dreg:$0x1];
	p0 =	sne.s32 s2, $0x0  }
0xad: {  	s3 =	rddreg [dreg:$0x2];
	[bflag:$0x3] =	sbarrier.arrive $0xFFFF;
	s2 =	simm.s32 @!p0 $0x1C0A  }
0xae: {  	[timem:s3], [sflag:s2] =	dma.local @!p0 [hbm:s0], s1  }
0xaf: {  	s0 =	simm.s32 @!p0 $0xA  }
0xb0: {  	_ =	swait.ge @!p0 [sflag:s0], s1  }
0xb1: {  	s1 =	ssub.s32 @!p0 $0x0, s1;
	[sflag:s0] =	ssyncset.done @!p0 $0x0  }
0xb2: {  	[sflag:s0] =	ssyncadd.s32 @!p0 s1  }
0xb3: {  	[bflag:$0x3] =	sbarrier.arrive $0xFFFF  }
0xb4: {  	_ =	shalt  }

</sc_bundles>
